<compile_context>
chip_gen: v7x
topology: tpu7x:2x2x1
jax: 0.10.2.dev20260603
libtpu: 0.0.44.dev20260713+nightly
codegen_flags: <defaults>
</compile_context>

<pallas_src>
import functools

import jax
import jax.numpy as jnp
from jax import lax
from jax.experimental import pallas as pl
from jax.experimental.pallas import tpu as pltpu
from jax.experimental.pallas import tpu_sc as plsc

BATCH = 16384
D = 64
NC = 2
NS = 16
NW = NC * NS
BPW = BATCH // NW
NBLK = BPW // 16
RING = 8
LOOK = 5

_mesh = plsc.VectorSubcoreMesh(core_axis_name="c", subcore_axis_name="s")


@functools.partial(
    pl.kernel,
    mesh=_mesh,
    out_type=jax.ShapeDtypeStruct((BATCH,), jnp.float32),
    scratch_types=(
        [
            pltpu.VMEM((BPW,), jnp.int32),
            pltpu.VMEM((BPW,), jnp.int32),
            pltpu.VMEM((RING, 8, D), jnp.float32),
            pltpu.VMEM((RING, D, 128), jnp.float32),
            pltpu.VMEM((BPW,), jnp.float32),
        ]
        + [pltpu.SemaphoreType.DMA] * (2 * RING)
    ),
    compiler_params=pltpu.CompilerParams(needs_layout_passes=False,
                                         disable_bounds_checks=True),
)
def _bpr_sc(user_hbm, item_hbm, uemb_hbm, itemT_hbm, out_hbm,
            uidx_v, iidx_v, uring_v, iring_v, out_v, *sems):
    usems, isems = sems[:RING], sems[RING:]
    wid = lax.axis_index("s") * NC + lax.axis_index("c")
    base = wid * BPW

    pltpu.sync_copy(user_hbm.at[pl.ds(base, BPW)], uidx_v)
    pltpu.sync_copy(item_hbm.at[pl.ds(base, BPW)], iidx_v)

    def fire(slot, uv, iv):
        uoff = pl.multiple_of((uv >> 3) * 8, 8)
        pltpu.async_copy(uemb_hbm.at[pl.ds(uoff, 8), :],
                         uring_v.at[slot], usems[slot])
        ioff = pl.multiple_of((iv >> 7) * 128, 128)
        pltpu.async_copy(itemT_hbm.at[:, pl.ds(ioff, 128)],
                         iring_v.at[slot], isems[slot])

    uvec0 = uidx_v[pl.ds(0, 16)]
    ivec0 = iidx_v[pl.ds(0, 16)]
    for j in range(LOOK):
        fire(j % RING, uvec0[j], ivec0[j])

    lane = lax.iota(jnp.int32, 16)
    d16 = [lane + 16 * cb for cb in range(D // 16)]

    def block(blk, carry):
        j0 = blk * 16
        uvec = uidx_v[pl.ds(j0, 16)]
        ivec = iidx_v[pl.ds(j0, 16)]
        nxt0 = jnp.minimum(j0 + 16, BPW - 16)
        uvec_n = uidx_v[pl.ds(nxt0, 16)]
        ivec_n = iidx_v[pl.ds(nxt0, 16)]
        acc = jnp.zeros((16,), jnp.float32)
        for r in range(16):
            j = j0 + r
            if r + LOOK < 16:
                uvf, ivf = uvec[r + LOOK], ivec[r + LOOK]
            else:
                uvf, ivf = uvec_n[r + LOOK - 16], ivec_n[r + LOOK - 16]
            slot_f = (r + LOOK) % RING

            @pl.when(j + LOOK < BPW)
            def _():
                fire(slot_f, uvf, ivf)

            slot = r % RING
            pltpu.make_async_copy(uemb_hbm.at[pl.ds(0, 8), :],
                                  uring_v.at[slot], usems[slot]).wait()
            pltpu.make_async_copy(itemT_hbm.at[:, pl.ds(0, 128)],
                                  iring_v.at[slot], isems[slot]).wait()
            urow = uvec[r] & 7
            l = jnp.broadcast_to(ivec[r] & 127, (16,))
            p = (uring_v[slot, urow, pl.ds(0, 16)]
                 * plsc.load_gather(iring_v.at[slot], [d16[0], l]))
            for cb in range(1, D // 16):
                p = p + (uring_v[slot, urow, pl.ds(cb * 16, 16)]
                         * plsc.load_gather(iring_v.at[slot], [d16[cb], l]))
            acc = jnp.where(lane == r, jnp.sum(p), acc)
        out_v[pl.ds(j0, 16)] = acc
        return carry

    lax.fori_loop(0, NBLK, block, 0)
    pltpu.sync_copy(out_v, out_hbm.at[pl.ds(base, BPW)])


def kernel(user, item, user_emb, item_emb):
    return _bpr_sc(user.astype(jnp.int32), item.astype(jnp.int32),
                   user_emb, item_emb.T)

# --- scband reference (transcript-rebuilt; emitter-appended) ---
"""Pipeline reference for scband-bprmodel-7129645711610 (READ-ONLY COPY).

The authoritative reference and input builder live on the scoring server;
editing this copy changes nothing except your own understanding.
"""

import jax, jax.numpy as jnp
import numpy as np

USER_NUM = 100000
ITEM_NUM = 1000000
FACTOR_DIM = 64
BATCH = 16384

def setup_inputs(seed: int = 0) -> dict:
    key = jax.random.key(seed)
    k1, k2, k3, k4 = jax.random.split(key, 4)
    user = jax.random.randint(k1, (BATCH,), 0, USER_NUM, dtype=jnp.int64) if jax.config.jax_enable_x64 else jax.random.randint(k1, (BATCH,), 0, USER_NUM, dtype=jnp.int32)
    item = jax.random.randint(k2, (BATCH,), 0, ITEM_NUM, dtype=jnp.int32)
    user_emb = jax.random.normal(k3, (USER_NUM, FACTOR_DIM), dtype=jnp.float32) * 0.01
    item_emb = jax.random.normal(k4, (ITEM_NUM, FACTOR_DIM), dtype=jnp.float32) * 0.01
    return {"user": user, "item": item, "user_emb": user_emb, "item_emb": item_emb}

def reference(user, item, user_emb, item_emb):
    # BPRmodel.predict: gather user/item embeddings, elementwise product, sum over factor dim
    u = jnp.take(user_emb, user, axis=0)
    v = jnp.take(item_emb, item, axis=0)
    prediction = (u * v).sum(axis=-1)
    return prediction

if __name__ == "__main__":
    import jax
    _d = setup_inputs()
    print(jax.jit(kernel)(*tuple(_d.values())))

</pallas_src>

<mosaic_0001>
#map = affine_map<(d0, d1) -> (0)>
#map1 = affine_map<(d0, d1) -> (0, 0)>
module attributes {stable_mosaic.version = 14 : i64} {
  func.func @_bpr_sc(%arg0: i32, %arg1: i32, %arg2: memref<16384xi32, #tpu.memory_space<hbm>>, %arg3: memref<16384xi32, #tpu.memory_space<hbm>>, %arg4: memref<100000x64xf32, #tpu.memory_space<hbm>>, %arg5: memref<64x1000000xf32, #tpu.memory_space<hbm>>, %arg6: memref<16384xf32, #tpu.memory_space<hbm>>, %arg7: memref<512xi32, #tpu.memory_space<vmem>>, %arg8: memref<512xi32, #tpu.memory_space<vmem>>, %arg9: memref<8x8x64xf32, #tpu.memory_space<vmem>>, %arg10: memref<8x64x128xf32, #tpu.memory_space<vmem>>, %arg11: memref<512xf32, #tpu.memory_space<vmem>>, %arg12: memref<!tpu.dma_semaphore, #tpu.memory_space<semaphore_mem>>, %arg13: memref<!tpu.dma_semaphore, #tpu.memory_space<semaphore_mem>>, %arg14: memref<!tpu.dma_semaphore, #tpu.memory_space<semaphore_mem>>, %arg15: memref<!tpu.dma_semaphore, #tpu.memory_space<semaphore_mem>>, %arg16: memref<!tpu.dma_semaphore, #tpu.memory_space<semaphore_mem>>, %arg17: memref<!tpu.dma_semaphore, #tpu.memory_space<semaphore_mem>>, %arg18: memref<!tpu.dma_semaphore, #tpu.memory_space<semaphore_mem>>, %arg19: memref<!tpu.dma_semaphore, #tpu.memory_space<semaphore_mem>>, %arg20: memref<!tpu.dma_semaphore, #tpu.memory_space<semaphore_mem>>, %arg21: memref<!tpu.dma_semaphore, #tpu.memory_space<semaphore_mem>>, %arg22: memref<!tpu.dma_semaphore, #tpu.memory_space<semaphore_mem>>, %arg23: memref<!tpu.dma_semaphore, #tpu.memory_space<semaphore_mem>>, %arg24: memref<!tpu.dma_semaphore, #tpu.memory_space<semaphore_mem>>, %arg25: memref<!tpu.dma_semaphore, #tpu.memory_space<semaphore_mem>>, %arg26: memref<!tpu.dma_semaphore, #tpu.memory_space<semaphore_mem>>, %arg27: memref<!tpu.dma_semaphore, #tpu.memory_space<semaphore_mem>>) attributes {dimension_semantics = [#tpu.dimension_semantics<core_parallel>, #tpu.dimension_semantics<subcore_parallel>], iteration_bounds = array<i64: 2, 16>, scalar_prefetch = 0 : i64, scratch_operands = 21 : i64, tpu.core_type = #tpu.core_type<sc_vector_subcore>, window_params = [{transform_indices = #map}, {transform_indices = #map}, {transform_indices = #map1}, {transform_indices = #map1}, {transform_indices = #map}]} {
    %mul3A = arith.constant 2 : i32
    %mul3A_0 = arith.muli %arg1, %mul3A : i32
    %add3A = arith.addi %mul3A_0, %arg0 : i32
    %mul3A_1 = arith.constant 512 : i32
    %mul3A_2 = arith.muli %add3A, %mul3A_1 : i32
    "tpu.region"() ({
      %run_scoped3A = tpu.sem_alloc : memref<!tpu.dma_semaphore, #tpu.memory_space<semaphore_mem>>
      %dma_start3A_218 = tpu.memref_slice %arg2[%mul3A_2] : memref<16384xi32, #tpu.memory_space<hbm>> -> memref<512xi32, #tpu.memory_space<hbm>>
      %dma_start3A_219 = tpu.memref_slice %arg2[%mul3A_2] : memref<16384xi32, #tpu.memory_space<hbm>> -> memref<512xi32, #tpu.memory_space<hbm>>
      tpu.enqueue_dma source(%dma_start3A_219 : memref<512xi32, #tpu.memory_space<hbm>>) target(%arg7 : memref<512xi32, #tpu.memory_space<vmem>>) target_semaphore(%run_scoped3A : memref<!tpu.dma_semaphore, #tpu.memory_space<semaphore_mem>>)
      %dma_wait3A = tpu.memref_slice %arg2[%mul3A_2] : memref<16384xi32, #tpu.memory_space<hbm>> -> memref<512xi32, #tpu.memory_space<hbm>>
      %dma_wait3A_220 = tpu.memref_slice %arg2[%mul3A_2] : memref<16384xi32, #tpu.memory_space<hbm>> -> memref<512xi32, #tpu.memory_space<hbm>>
      tpu.wait_dma2 semaphore(%run_scoped3A : memref<!tpu.dma_semaphore, #tpu.memory_space<semaphore_mem>>) src(%dma_wait3A_220 : memref<512xi32, #tpu.memory_space<hbm>>) dst(%arg7 : memref<512xi32, #tpu.memory_space<vmem>>)
      tpu.yield
    }) : () -> ()
    "tpu.region"() ({
      %run_scoped3A = tpu.sem_alloc : memref<!tpu.dma_semaphore, #tpu.memory_space<semaphore_mem>>
      %dma_start3A_218 = tpu.memref_slice %arg3[%mul3A_2] : memref<16384xi32, #tpu.memory_space<hbm>> -> memref<512xi32, #tpu.memory_space<hbm>>
      %dma_start3A_219 = tpu.memref_slice %arg3[%mul3A_2] : memref<16384xi32, #tpu.memory_space<hbm>> -> memref<512xi32, #tpu.memory_space<hbm>>
      tpu.enqueue_dma source(%dma_start3A_219 : memref<512xi32, #tpu.memory_space<hbm>>) target(%arg8 : memref<512xi32, #tpu.memory_space<vmem>>) target_semaphore(%run_scoped3A : memref<!tpu.dma_semaphore, #tpu.memory_space<semaphore_mem>>)
      %dma_wait3A = tpu.memref_slice %arg3[%mul3A_2] : memref<16384xi32, #tpu.memory_space<hbm>> -> memref<512xi32, #tpu.memory_space<hbm>>
      %dma_wait3A_220 = tpu.memref_slice %arg3[%mul3A_2] : memref<16384xi32, #tpu.memory_space<hbm>> -> memref<512xi32, #tpu.memory_space<hbm>>
      tpu.wait_dma2 semaphore(%run_scoped3A : memref<!tpu.dma_semaphore, #tpu.memory_space<semaphore_mem>>) src(%dma_wait3A_220 : memref<512xi32, #tpu.memory_space<hbm>>) dst(%arg8 : memref<512xi32, #tpu.memory_space<vmem>>)
      tpu.yield
    }) : () -> ()
    %get3A = arith.constant 0 : index
    %get3A_3 = tpu.vector_load %arg7[%get3A] {strides = array<i32>} : memref<512xi32, #tpu.memory_space<vmem>>, vector<16xi32>,
    %get3A_4 = arith.constant 0 : index
    %get3A_5 = tpu.vector_load %arg8[%get3A_4] {strides = array<i32>} : memref<512xi32, #tpu.memory_space<vmem>>, vector<16xi32>,
    %slice3A = vector.extract_strided_slice %get3A_3 {offsets = [0], sizes = [1], strides = [1]} : vector<16xi32> to vector<1xi32>
    %squeeze3A = vector.extract %slice3A[0] : i32 from vector<1xi32>
    %slice3A_6 = vector.extract_strided_slice %get3A_5 {offsets = [0], sizes = [1], strides = [1]} : vector<16xi32> to vector<1xi32>
    %squeeze3A_7 = vector.extract %slice3A_6[0] : i32 from vector<1xi32>
    %shift_right_arithmetic3A = arith.constant 3 : i32
    %shift_right_arithmetic3A_8 = arith.shrsi %squeeze3A, %shift_right_arithmetic3A : i32
    %mul3A_9 = arith.constant 8 : i32
    %mul3A_10 = arith.muli %shift_right_arithmetic3A_8, %mul3A_9 : i32
    %multiple_of3A = tpu.assume_multiple %mul3A_10, 8 : i32
    %dma_start3A = arith.constant 0 : i32
    %dma_start3A_11 = arith.constant 0 : i32
    %dma_start3A_12 = arith.constant 0 : i32
    %dma_start3A_13 = tpu.memref_slice %arg9[%dma_start3A, %dma_start3A_11, %dma_start3A_12] : memref<8x8x64xf32, #tpu.memory_space<vmem>> -> memref<1x8x64xf32, #tpu.memory_space<vmem>>
    %dma_start3A_14 = tpu.memref_squeeze %dma_start3A_13 : memref<1x8x64xf32, #tpu.memory_space<vmem>> -> memref<8x64xf32, #tpu.memory_space<vmem>>
    %dma_start3A_15 = arith.constant 0 : i32
    %dma_start3A_16 = tpu.memref_slice %arg4[%multiple_of3A, %dma_start3A_15] : memref<100000x64xf32, #tpu.memory_space<hbm>> -> memref<8x64xf32, #tpu.memory_space<hbm>>
    %dma_start3A_17 = arith.constant 0 : i32
    %dma_start3A_18 = arith.constant 0 : i32
    %dma_start3A_19 = tpu.memref_slice %arg9[%dma_start3A, %dma_start3A_17, %dma_start3A_18] : memref<8x8x64xf32, #tpu.memory_space<vmem>> -> memref<1x8x64xf32, #tpu.memory_space<vmem>>
    %dma_start3A_20 = tpu.memref_squeeze %dma_start3A_19 : memref<1x8x64xf32, #tpu.memory_space<vmem>> -> memref<8x64xf32, #tpu.memory_space<vmem>>
    %dma_start3A_21 = arith.constant 0 : i32
    %dma_start3A_22 = tpu.memref_slice %arg4[%multiple_of3A, %dma_start3A_21] : memref<100000x64xf32, #tpu.memory_space<hbm>> -> memref<8x64xf32, #tpu.memory_space<hbm>>
    tpu.enqueue_dma source(%dma_start3A_22 : memref<8x64xf32, #tpu.memory_space<hbm>>) target(%dma_start3A_20 : memref<8x64xf32, #tpu.memory_space<vmem>>) target_semaphore(%arg12 : memref<!tpu.dma_semaphore, #tpu.memory_space<semaphore_mem>>)
    %shift_right_arithmetic3A_23 = arith.constant 7 : i32
    %shift_right_arithmetic3A_24 = arith.shrsi %squeeze3A_7, %shift_right_arithmetic3A_23 : i32
    %mul3A_25 = arith.constant 128 : i32
    %mul3A_26 = arith.muli %shift_right_arithmetic3A_24, %mul3A_25 : i32
    %multiple_of3A_27 = tpu.assume_multiple %mul3A_26, 128 : i32
    %dma_start3A_28 = arith.constant 0 : i32
    %dma_start3A_29 = arith.constant 0 : i32
    %dma_start3A_30 = arith.constant 0 : i32
    %dma_start3A_31 = tpu.memref_slice %arg10[%dma_start3A_28, %dma_start3A_29, %dma_start3A_30] : memref<8x64x128xf32, #tpu.memory_space<vmem>> -> memref<1x64x128xf32, #tpu.memory_space<vmem>>
    %dma_start3A_32 = tpu.memref_squeeze %dma_start3A_31 : memref<1x64x128xf32, #tpu.memory_space<vmem>> -> memref<64x128xf32, #tpu.memory_space<vmem>>
    %dma_start3A_33 = arith.constant 0 : i32
    %dma_start3A_34 = tpu.memref_slice %arg5[%dma_start3A_33, %multiple_of3A_27] : memref<64x1000000xf32, #tpu.memory_space<hbm>> -> memref<64x128xf32, #tpu.memory_space<hbm>>
    %dma_start3A_35 = arith.constant 0 : i32
    %dma_start3A_36 = arith.constant 0 : i32
    %dma_start3A_37 = tpu.memref_slice %arg10[%dma_start3A_28, %dma_start3A_35, %dma_start3A_36] : memref<8x64x128xf32, #tpu.memory_space<vmem>> -> memref<1x64x128xf32, #tpu.memory_space<vmem>>
    %dma_start3A_38 = tpu.memref_squeeze %dma_start3A_37 : memref<1x64x128xf32, #tpu.memory_space<vmem>> -> memref<64x128xf32, #tpu.memory_space<vmem>>
    %dma_start3A_39 = arith.constant 0 : i32
    %dma_start3A_40 = tpu.memref_slice %arg5[%dma_start3A_39, %multiple_of3A_27] : memref<64x1000000xf32, #tpu.memory_space<hbm>> -> memref<64x128xf32, #tpu.memory_space<hbm>>
    tpu.enqueue_dma source(%dma_start3A_40 : memref<64x128xf32, #tpu.memory_space<hbm>>) target(%dma_start3A_38 : memref<64x128xf32, #tpu.memory_space<vmem>>) target_semaphore(%arg20 : memref<!tpu.dma_semaphore, #tpu.memory_space<semaphore_mem>>)
    %slice3A_41 = vector.extract_strided_slice %get3A_3 {offsets = [1], sizes = [1], strides = [1]} : vector<16xi32> to vector<1xi32>
    %squeeze3A_42 = vector.extract %slice3A_41[0] : i32 from vector<1xi32>
    %slice3A_43 = vector.extract_strided_slice %get3A_5 {offsets = [1], sizes = [1], strides = [1]} : vector<16xi32> to vector<1xi32>
    %squeeze3A_44 = vector.extract %slice3A_43[0] : i32 from vector<1xi32>
    %shift_right_arithmetic3A_45 = arith.constant 3 : i32
    %shift_right_arithmetic3A_46 = arith.shrsi %squeeze3A_42, %shift_right_arithmetic3A_45 : i32
    %mul3A_47 = arith.constant 8 : i32
    %mul3A_48 = arith.muli %shift_right_arithmetic3A_46, %mul3A_47 : i32
    %multiple_of3A_49 = tpu.assume_multiple %mul3A_48, 8 : i32
    %dma_start3A_50 = arith.constant 1 : i32
    %dma_start3A_51 = arith.constant 0 : i32
    %dma_start3A_52 = arith.constant 0 : i32
    %dma_start3A_53 = tpu.memref_slice %arg9[%dma_start3A_50, %dma_start3A_51, %dma_start3A_52] : memref<8x8x64xf32, #tpu.memory_space<vmem>> -> memref<1x8x64xf32, #tpu.memory_space<vmem>>
    %dma_start3A_54 = tpu.memref_squeeze %dma_start3A_53 : memref<1x8x64xf32, #tpu.memory_space<vmem>> -> memref<8x64xf32, #tpu.memory_space<vmem>>
    %dma_start3A_55 = arith.constant 0 : i32
    %dma_start3A_56 = tpu.memref_slice %arg4[%multiple_of3A_49, %dma_start3A_55] : memref<100000x64xf32, #tpu.memory_space<hbm>> -> memref<8x64xf32, #tpu.memory_space<hbm>>
    %dma_start3A_57 = arith.constant 0 : i32
    %dma_start3A_58 = arith.constant 0 : i32
    %dma_start3A_59 = tpu.memref_slice %arg9[%dma_start3A_50, %dma_start3A_57, %dma_start3A_58] : memref<8x8x64xf32, #tpu.memory_space<vmem>> -> memref<1x8x64xf32, #tpu.memory_space<vmem>>
    %dma_start3A_60 = tpu.memref_squeeze %dma_start3A_59 : memref<1x8x64xf32, #tpu.memory_space<vmem>> -> memref<8x64xf32, #tpu.memory_space<vmem>>
    %dma_start3A_61 = arith.constant 0 : i32
    %dma_start3A_62 = tpu.memref_slice %arg4[%multiple_of3A_49, %dma_start3A_61] : memref<100000x64xf32, #tpu.memory_space<hbm>> -> memref<8x64xf32, #tpu.memory_space<hbm>>
    tpu.enqueue_dma source(%dma_start3A_62 : memref<8x64xf32, #tpu.memory_space<hbm>>) target(%dma_start3A_60 : memref<8x64xf32, #tpu.memory_space<vmem>>) target_semaphore(%arg13 : memref<!tpu.dma_semaphore, #tpu.memory_space<semaphore_mem>>)
    %shift_right_arithmetic3A_63 = arith.constant 7 : i32
    %shift_right_arithmetic3A_64 = arith.shrsi %squeeze3A_44, %shift_right_arithmetic3A_63 : i32
    %mul3A_65 = arith.constant 128 : i32
    %mul3A_66 = arith.muli %shift_right_arithmetic3A_64, %mul3A_65 : i32
    %multiple_of3A_67 = tpu.assume_multiple %mul3A_66, 128 : i32
    %dma_start3A_68 = arith.constant 1 : i32
    %dma_start3A_69 = arith.constant 0 : i32
    %dma_start3A_70 = arith.constant 0 : i32
    %dma_start3A_71 = tpu.memref_slice %arg10[%dma_start3A_68, %dma_start3A_69, %dma_start3A_70] : memref<8x64x128xf32, #tpu.memory_space<vmem>> -> memref<1x64x128xf32, #tpu.memory_space<vmem>>
    %dma_start3A_72 = tpu.memref_squeeze %dma_start3A_71 : memref<1x64x128xf32, #tpu.memory_space<vmem>> -> memref<64x128xf32, #tpu.memory_space<vmem>>
    %dma_start3A_73 = arith.constant 0 : i32
    %dma_start3A_74 = tpu.memref_slice %arg5[%dma_start3A_73, %multiple_of3A_67] : memref<64x1000000xf32, #tpu.memory_space<hbm>> -> memref<64x128xf32, #tpu.memory_space<hbm>>
    %dma_start3A_75 = arith.constant 0 : i32
    %dma_start3A_76 = arith.constant 0 : i32
    %dma_start3A_77 = tpu.memref_slice %arg10[%dma_start3A_68, %dma_start3A_75, %dma_start3A_76] : memref<8x64x128xf32, #tpu.memory_space<vmem>> -> memref<1x64x128xf32, #tpu.memory_space<vmem>>
    %dma_start3A_78 = tpu.memref_squeeze %dma_start3A_77 : memref<1x64x128xf32, #tpu.memory_space<vmem>> -> memref<64x128xf32, #tpu.memory_space<vmem>>
    %dma_start3A_79 = arith.constant 0 : i32
    %dma_start3A_80 = tpu.memref_slice %arg5[%dma_start3A_79, %multiple_of3A_67] : memref<64x1000000xf32, #tpu.memory_space<hbm>> -> memref<64x128xf32, #tpu.memory_space<hbm>>
    tpu.enqueue_dma source(%dma_start3A_80 : memref<64x128xf32, #tpu.memory_space<hbm>>) target(%dma_start3A_78 : memref<64x128xf32, #tpu.memory_space<vmem>>) target_semaphore(%arg21 : memref<!tpu.dma_semaphore, #tpu.memory_space<semaphore_mem>>)
    %slice3A_81 = vector.extract_strided_slice %get3A_3 {offsets = [2], sizes = [1], strides = [1]} : vector<16xi32> to vector<1xi32>
    %squeeze3A_82 = vector.extract %slice3A_81[0] : i32 from vector<1xi32>
    %slice3A_83 = vector.extract_strided_slice %get3A_5 {offsets = [2], sizes = [1], strides = [1]} : vector<16xi32> to vector<1xi32>
    %squeeze3A_84 = vector.extract %slice3A_83[0] : i32 from vector<1xi32>
    %shift_right_arithmetic3A_85 = arith.constant 3 : i32
    %shift_right_arithmetic3A_86 = arith.shrsi %squeeze3A_82, %shift_right_arithmetic3A_85 : i32
    %mul3A_87 = arith.constant 8 : i32
    %mul3A_88 = arith.muli %shift_right_arithmetic3A_86, %mul3A_87 : i32
    %multiple_of3A_89 = tpu.assume_multiple %mul3A_88, 8 : i32
    %dma_start3A_90 = arith.constant 2 : i32
    %dma_start3A_91 = arith.constant 0 : i32
    %dma_start3A_92 = arith.constant 0 : i32
    %dma_start3A_93 = tpu.memref_slice %arg9[%dma_start3A_90, %dma_start3A_91, %dma_start3A_92] : memref<8x8x64xf32, #tpu.memory_space<vmem>> -> memref<1x8x64xf32, #tpu.memory_space<vmem>>
    %dma_start3A_94 = tpu.memref_squeeze %dma_start3A_93 : memref<1x8x64xf32, #tpu.memory_space<vmem>> -> memref<8x64xf32, #tpu.memory_space<vmem>>
    %dma_start3A_95 = arith.constant 0 : i32
    %dma_start3A_96 = tpu.memref_slice %arg4[%multiple_of3A_89, %dma_start3A_95] : memref<100000x64xf32, #tpu.memory_space<hbm>> -> memref<8x64xf32, #tpu.memory_space<hbm>>
    %dma_start3A_97 = arith.constant 0 : i32
    %dma_start3A_98 = arith.constant 0 : i32
    %dma_start3A_99 = tpu.memref_slice %arg9[%dma_start3A_90, %dma_start3A_97, %dma_start3A_98] : memref<8x8x64xf32, #tpu.memory_space<vmem>> -> memref<1x8x64xf32, #tpu.memory_space<vmem>>
    %dma_start3A_100 = tpu.memref_squeeze %dma_start3A_99 : memref<1x8x64xf32, #tpu.memory_space<vmem>> -> memref<8x64xf32, #tpu.memory_space<vmem>>
    %dma_start3A_101 = arith.constant 0 : i32
    %dma_start3A_102 = tpu.memref_slice %arg4[%multiple_of3A_89, %dma_start3A_101] : memref<100000x64xf32, #tpu.memory_space<hbm>> -> memref<8x64xf32, #tpu.memory_space<hbm>>
    tpu.enqueue_dma source(%dma_start3A_102 : memref<8x64xf32, #tpu.memory_space<hbm>>) target(%dma_start3A_100 : memref<8x64xf32, #tpu.memory_space<vmem>>) target_semaphore(%arg14 : memref<!tpu.dma_semaphore, #tpu.memory_space<semaphore_mem>>)
    %shift_right_arithmetic3A_103 = arith.constant 7 : i32
    %shift_right_arithmetic3A_104 = arith.shrsi %squeeze3A_84, %shift_right_arithmetic3A_103 : i32
    %mul3A_105 = arith.constant 128 : i32
    %mul3A_106 = arith.muli %shift_right_arithmetic3A_104, %mul3A_105 : i32
    %multiple_of3A_107 = tpu.assume_multiple %mul3A_106, 128 : i32
    %dma_start3A_108 = arith.constant 2 : i32
    %dma_start3A_109 = arith.constant 0 : i32
    %dma_start3A_110 = arith.constant 0 : i32
    %dma_start3A_111 = tpu.memref_slice %arg10[%dma_start3A_108, %dma_start3A_109, %dma_start3A_110] : memref<8x64x128xf32, #tpu.memory_space<vmem>> -> memref<1x64x128xf32, #tpu.memory_space<vmem>>
    %dma_start3A_112 = tpu.memref_squeeze %dma_start3A_111 : memref<1x64x128xf32, #tpu.memory_space<vmem>> -> memref<64x128xf32, #tpu.memory_space<vmem>>
    %dma_start3A_113 = arith.constant 0 : i32
    %dma_start3A_114 = tpu.memref_slice %arg5[%dma_start3A_113, %multiple_of3A_107] : memref<64x1000000xf32, #tpu.memory_space<hbm>> -> memref<64x128xf32, #tpu.memory_space<hbm>>
    %dma_start3A_115 = arith.constant 0 : i32
    %dma_start3A_116 = arith.constant 0 : i32
    %dma_start3A_117 = tpu.memref_slice %arg10[%dma_start3A_108, %dma_start3A_115, %dma_start3A_116] : memref<8x64x128xf32, #tpu.memory_space<vmem>> -> memref<1x64x128xf32, #tpu.memory_space<vmem>>
    %dma_start3A_118 = tpu.memref_squeeze %dma_start3A_117 : memref<1x64x128xf32, #tpu.memory_space<vmem>> -> memref<64x128xf32, #tpu.memory_space<vmem>>
    %dma_start3A_119 = arith.constant 0 : i32
    %dma_start3A_120 = tpu.memref_slice %arg5[%dma_start3A_119, %multiple_of3A_107] : memref<64x1000000xf32, #tpu.memory_space<hbm>> -> memref<64x128xf32, #tpu.memory_space<hbm>>
    tpu.enqueue_dma source(%dma_start3A_120 : memref<64x128xf32, #tpu.memory_space<hbm>>) target(%dma_start3A_118 : memref<64x128xf32, #tpu.memory_space<vmem>>) target_semaphore(%arg22 : memref<!tpu.dma_semaphore, #tpu.memory_space<semaphore_mem>>)
    %slice3A_121 = vector.extract_strided_slice %get3A_3 {offsets = [3], sizes = [1], strides = [1]} : vector<16xi32> to vector<1xi32>
    %squeeze3A_122 = vector.extract %slice3A_121[0] : i32 from vector<1xi32>
    %slice3A_123 = vector.extract_strided_slice %get3A_5 {offsets = [3], sizes = [1], strides = [1]} : vector<16xi32> to vector<1xi32>
    %squeeze3A_124 = vector.extract %slice3A_123[0] : i32 from vector<1xi32>
    %shift_right_arithmetic3A_125 = arith.constant 3 : i32
    %shift_right_arithmetic3A_126 = arith.shrsi %squeeze3A_122, %shift_right_arithmetic3A_125 : i32
    %mul3A_127 = arith.constant 8 : i32
    %mul3A_128 = arith.muli %shift_right_arithmetic3A_126, %mul3A_127 : i32
    %multiple_of3A_129 = tpu.assume_multiple %mul3A_128, 8 : i32
    %dma_start3A_130 = arith.constant 3 : i32
    %dma_start3A_131 = arith.constant 0 : i32
    %dma_start3A_132 = arith.constant 0 : i32
    %dma_start3A_133 = tpu.memref_slice %arg9[%dma_start3A_130, %dma_start3A_131, %dma_start3A_132] : memref<8x8x64xf32, #tpu.memory_space<vmem>> -> memref<1x8x64xf32, #tpu.memory_space<vmem>>
    %dma_start3A_134 = tpu.memref_squeeze %dma_start3A_133 : memref<1x8x64xf32, #tpu.memory_space<vmem>> -> memref<8x64xf32, #tpu.memory_space<vmem>>
    %dma_start3A_135 = arith.constant 0 : i32
    %dma_start3A_136 = tpu.memref_slice %arg4[%multiple_of3A_129, %dma_start3A_135] : memref<100000x64xf32, #tpu.memory_space<hbm>> -> memref<8x64xf32, #tpu.memory_space<hbm>>
    %dma_start3A_137 = arith.constant 0 : i32
    %dma_start3A_138 = arith.constant 0 : i32
    %dma_start3A_139 = tpu.memref_slice %arg9[%dma_start3A_130, %dma_start3A_137, %dma_start3A_138] : memref<8x8x64xf32, #tpu.memory_space<vmem>> -> memref<1x8x64xf32, #tpu.memory_space<vmem>>
    %dma_start3A_140 = tpu.memref_squeeze %dma_start3A_139 : memref<1x8x64xf32, #tpu.memory_space<vmem>> -> memref<8x64xf32, #tpu.memory_space<vmem>>
    %dma_start3A_141 = arith.constant 0 : i32
    %dma_start3A_142 = tpu.memref_slice %arg4[%multiple_of3A_129, %dma_start3A_141] : memref<100000x64xf32, #tpu.memory_space<hbm>> -> memref<8x64xf32, #tpu.memory_space<hbm>>
    tpu.enqueue_dma source(%dma_start3A_142 : memref<8x64xf32, #tpu.memory_space<hbm>>) target(%dma_start3A_140 : memref<8x64xf32, #tpu.memory_space<vmem>>) target_semaphore(%arg15 : memref<!tpu.dma_semaphore, #tpu.memory_space<semaphore_mem>>)
    %shift_right_arithmetic3A_143 = arith.constant 7 : i32
    %shift_right_arithmetic3A_144 = arith.shrsi %squeeze3A_124, %shift_right_arithmetic3A_143 : i32
    %mul3A_145 = arith.constant 128 : i32
    %mul3A_146 = arith.muli %shift_right_arithmetic3A_144, %mul3A_145 : i32
    %multiple_of3A_147 = tpu.assume_multiple %mul3A_146, 128 : i32
    %dma_start3A_148 = arith.constant 3 : i32
    %dma_start3A_149 = arith.constant 0 : i32
    %dma_start3A_150 = arith.constant 0 : i32
    %dma_start3A_151 = tpu.memref_slice %arg10[%dma_start3A_148, %dma_start3A_149, %dma_start3A_150] : memref<8x64x128xf32, #tpu.memory_space<vmem>> -> memref<1x64x128xf32, #tpu.memory_space<vmem>>
    %dma_start3A_152 = tpu.memref_squeeze %dma_start3A_151 : memref<1x64x128xf32, #tpu.memory_space<vmem>> -> memref<64x128xf32, #tpu.memory_space<vmem>>
    %dma_start3A_153 = arith.constant 0 : i32
    %dma_start3A_154 = tpu.memref_slice %arg5[%dma_start3A_153, %multiple_of3A_147] : memref<64x1000000xf32, #tpu.memory_space<hbm>> -> memref<64x128xf32, #tpu.memory_space<hbm>>
    %dma_start3A_155 = arith.constant 0 : i32
    %dma_start3A_156 = arith.constant 0 : i32
    %dma_start3A_157 = tpu.memref_slice %arg10[%dma_start3A_148, %dma_start3A_155, %dma_start3A_156] : memref<8x64x128xf32, #tpu.memory_space<vmem>> -> memref<1x64x128xf32, #tpu.memory_space<vmem>>
    %dma_start3A_158 = tpu.memref_squeeze %dma_start3A_157 : memref<1x64x128xf32, #tpu.memory_space<vmem>> -> memref<64x128xf32, #tpu.memory_space<vmem>>
    %dma_start3A_159 = arith.constant 0 : i32
    %dma_start3A_160 = tpu.memref_slice %arg5[%dma_start3A_159, %multiple_of3A_147] : memref<64x1000000xf32, #tpu.memory_space<hbm>> -> memref<64x128xf32, #tpu.memory_space<hbm>>
    tpu.enqueue_dma source(%dma_start3A_160 : memref<64x128xf32, #tpu.memory_space<hbm>>) target(%dma_start3A_158 : memref<64x128xf32, #tpu.memory_space<vmem>>) target_semaphore(%arg23 : memref<!tpu.dma_semaphore, #tpu.memory_space<semaphore_mem>>)
    %slice3A_161 = vector.extract_strided_slice %get3A_3 {offsets = [4], sizes = [1], strides = [1]} : vector<16xi32> to vector<1xi32>
    %squeeze3A_162 = vector.extract %slice3A_161[0] : i32 from vector<1xi32>
    %slice3A_163 = vector.extract_strided_slice %get3A_5 {offsets = [4], sizes = [1], strides = [1]} : vector<16xi32> to vector<1xi32>
    %squeeze3A_164 = vector.extract %slice3A_163[0] : i32 from vector<1xi32>
    %shift_right_arithmetic3A_165 = arith.constant 3 : i32
    %shift_right_arithmetic3A_166 = arith.shrsi %squeeze3A_162, %shift_right_arithmetic3A_165 : i32
    %mul3A_167 = arith.constant 8 : i32
    %mul3A_168 = arith.muli %shift_right_arithmetic3A_166, %mul3A_167 : i32
    %multiple_of3A_169 = tpu.assume_multiple %mul3A_168, 8 : i32
    %dma_start3A_170 = arith.constant 4 : i32
    %dma_start3A_171 = arith.constant 0 : i32
    %dma_start3A_172 = arith.constant 0 : i32
    %dma_start3A_173 = tpu.memref_slice %arg9[%dma_start3A_170, %dma_start3A_171, %dma_start3A_172] : memref<8x8x64xf32, #tpu.memory_space<vmem>> -> memref<1x8x64xf32, #tpu.memory_space<vmem>>
    %dma_start3A_174 = tpu.memref_squeeze %dma_start3A_173 : memref<1x8x64xf32, #tpu.memory_space<vmem>> -> memref<8x64xf32, #tpu.memory_space<vmem>>
    %dma_start3A_175 = arith.constant 0 : i32
    %dma_start3A_176 = tpu.memref_slice %arg4[%multiple_of3A_169, %dma_start3A_175] : memref<100000x64xf32, #tpu.memory_space<hbm>> -> memref<8x64xf32, #tpu.memory_space<hbm>>
    %dma_start3A_177 = arith.constant 0 : i32
    %dma_start3A_178 = arith.constant 0 : i32
    %dma_start3A_179 = tpu.memref_slice %arg9[%dma_start3A_170, %dma_start3A_177, %dma_start3A_178] : memref<8x8x64xf32, #tpu.memory_space<vmem>> -> memref<1x8x64xf32, #tpu.memory_space<vmem>>
    %dma_start3A_180 = tpu.memref_squeeze %dma_start3A_179 : memref<1x8x64xf32, #tpu.memory_space<vmem>> -> memref<8x64xf32, #tpu.memory_space<vmem>>
    %dma_start3A_181 = arith.constant 0 : i32
    %dma_start3A_182 = tpu.memref_slice %arg4[%multiple_of3A_169, %dma_start3A_181] : memref<100000x64xf32, #tpu.memory_space<hbm>> -> memref<8x64xf32, #tpu.memory_space<hbm>>
    tpu.enqueue_dma source(%dma_start3A_182 : memref<8x64xf32, #tpu.memory_space<hbm>>) target(%dma_start3A_180 : memref<8x64xf32, #tpu.memory_space<vmem>>) target_semaphore(%arg16 : memref<!tpu.dma_semaphore, #tpu.memory_space<semaphore_mem>>)
    %shift_right_arithmetic3A_183 = arith.constant 7 : i32
    %shift_right_arithmetic3A_184 = arith.shrsi %squeeze3A_164, %shift_right_arithmetic3A_183 : i32
    %mul3A_185 = arith.constant 128 : i32
    %mul3A_186 = arith.muli %shift_right_arithmetic3A_184, %mul3A_185 : i32
    %multiple_of3A_187 = tpu.assume_multiple %mul3A_186, 128 : i32
    %dma_start3A_188 = arith.constant 4 : i32
    %dma_start3A_189 = arith.constant 0 : i32
    %dma_start3A_190 = arith.constant 0 : i32
    %dma_start3A_191 = tpu.memref_slice %arg10[%dma_start3A_188, %dma_start3A_189, %dma_start3A_190] : memref<8x64x128xf32, #tpu.memory_space<vmem>> -> memref<1x64x128xf32, #tpu.memory_space<vmem>>
    %dma_start3A_192 = tpu.memref_squeeze %dma_start3A_191 : memref<1x64x128xf32, #tpu.memory_space<vmem>> -> memref<64x128xf32, #tpu.memory_space<vmem>>
    %dma_start3A_193 = arith.constant 0 : i32
    %dma_start3A_194 = tpu.memref_slice %arg5[%dma_start3A_193, %multiple_of3A_187] : memref<64x1000000xf32, #tpu.memory_space<hbm>> -> memref<64x128xf32, #tpu.memory_space<hbm>>
    %dma_start3A_195 = arith.constant 0 : i32
    %dma_start3A_196 = arith.constant 0 : i32
    %dma_start3A_197 = tpu.memref_slice %arg10[%dma_start3A_188, %dma_start3A_195, %dma_start3A_196] : memref<8x64x128xf32, #tpu.memory_space<vmem>> -> memref<1x64x128xf32, #tpu.memory_space<vmem>>
    %dma_start3A_198 = tpu.memref_squeeze %dma_start3A_197 : memref<1x64x128xf32, #tpu.memory_space<vmem>> -> memref<64x128xf32, #tpu.memory_space<vmem>>
    %dma_start3A_199 = arith.constant 0 : i32
    %dma_start3A_200 = tpu.memref_slice %arg5[%dma_start3A_199, %multiple_of3A_187] : memref<64x1000000xf32, #tpu.memory_space<hbm>> -> memref<64x128xf32, #tpu.memory_space<hbm>>
    tpu.enqueue_dma source(%dma_start3A_200 : memref<64x128xf32, #tpu.memory_space<hbm>>) target(%dma_start3A_198 : memref<64x128xf32, #tpu.memory_space<vmem>>) target_semaphore(%arg24 : memref<!tpu.dma_semaphore, #tpu.memory_space<semaphore_mem>>)
    %iota3A = tpu.iota {dimensions = array<i32: 0>} : vector<16xi32>
    %add3A_201 = arith.constant 0 : i32
    %add3A_202 = vector.broadcast %add3A_201 : i32 to vector<16xi32>
    %add3A_203 = arith.addi %iota3A, %add3A_202 : vector<16xi32>
    %add3A_204 = arith.constant 16 : i32
    %add3A_205 = vector.broadcast %add3A_204 : i32 to vector<16xi32>
    %add3A_206 = arith.addi %iota3A, %add3A_205 : vector<16xi32>
    %add3A_207 = arith.constant 32 : i32
    %add3A_208 = vector.broadcast %add3A_207 : i32 to vector<16xi32>
    %add3A_209 = arith.addi %iota3A, %add3A_208 : vector<16xi32>
    %add3A_210 = arith.constant 48 : i32
    %add3A_211 = vector.broadcast %add3A_210 : i32 to vector<16xi32>
    %add3A_212 = arith.addi %iota3A, %add3A_211 : vector<16xi32>
    %scan3A = arith.constant 0 : i32
    %scan3A_213 = arith.constant 0 : i32
    %scan3A_214 = arith.constant 32 : i32
    %scan3A_215 = arith.addi %scan3A_213, %scan3A_214 : i32
    %scan3A_216 = arith.constant 1 : i32
    scf.for %scan3A_218 = %scan3A_213 to %scan3A_215 step %scan3A_216  : i32 {
      %mul3A_219 = arith.constant 16 : i32
      %mul3A_220 = arith.muli %scan3A_218, %mul3A_219 : i32
      %get3A_221 = arith.index_cast %mul3A_220 : i32 to index
      %get3A_222 = tpu.vector_load %arg7[%get3A_221] {strides = array<i32>} : memref<512xi32, #tpu.memory_space<vmem>>, vector<16xi32>,
      %get3A_223 = arith.index_cast %mul3A_220 : i32 to index
      %get3A_224 = tpu.vector_load %arg8[%get3A_223] {strides = array<i32>} : memref<512xi32, #tpu.memory_space<vmem>>, vector<16xi32>,
      %add3A_225 = arith.constant 16 : i32
      %add3A_226 = arith.addi %mul3A_220, %add3A_225 : i32
      %min3A = arith.constant 496 : i32
      %min3A_227 = arith.minsi %add3A_226, %min3A : i32
      %get3A_228 = arith.index_cast %min3A_227 : i32 to index
      %get3A_229 = tpu.vector_load %arg7[%get3A_228] {strides = array<i32>} : memref<512xi32, #tpu.memory_space<vmem>>, vector<16xi32>,
      %get3A_230 = arith.index_cast %min3A_227 : i32 to index
      %get3A_231 = tpu.vector_load %arg8[%get3A_230] {strides = array<i32>} : memref<512xi32, #tpu.memory_space<vmem>>, vector<16xi32>,
      %broadcast_in_dim3A = arith.constant 0.000000e+00 : f32
      %broadcast_in_dim3A_232 = vector.broadcast %broadcast_in_dim3A : f32 to vector<16xf32>
      %add3A_233 = arith.constant 0 : i32
      %add3A_234 = arith.addi %mul3A_220, %add3A_233 : i32
      %slice3A_235 = vector.extract_strided_slice %get3A_222 {offsets = [5], sizes = [1], strides = [1]} : vector<16xi32> to vector<1xi32>
      %squeeze3A_236 = vector.extract %slice3A_235[0] : i32 from vector<1xi32>
      %slice3A_237 = vector.extract_strided_slice %get3A_224 {offsets = [5], sizes = [1], strides = [1]} : vector<16xi32> to vector<1xi32>
      %squeeze3A_238 = vector.extract %slice3A_237[0] : i32 from vector<1xi32>
      %add3A_239 = arith.constant 5 : i32
      %add3A_240 = arith.addi %add3A_234, %add3A_239 : i32
      %lt3A = arith.constant 512 : i32
      %lt3A_241 = arith.cmpi slt, %add3A_240, %lt3A : i32
      %convert_element_type3A = arith.extui %lt3A_241 : i1 to i32
      %cond3A = arith.constant 0 : i32
      %cond3A_242 = arith.cmpi ne, %convert_element_type3A, %cond3A : i32
      scf.if %cond3A_242 {
        %shift_right_arithmetic3A_2017 = arith.constant 3 : i32
        %shift_right_arithmetic3A_2018 = arith.shrsi %squeeze3A_236, %shift_right_arithmetic3A_2017 : i32
        %mul3A_2019 = arith.constant 8 : i32
        %mul3A_2020 = arith.muli %shift_right_arithmetic3A_2018, %mul3A_2019 : i32
        %multiple_of3A_2021 = tpu.assume_multiple %mul3A_2020, 8 : i32
        %dma_start3A_2022 = arith.constant 5 : i32
        %dma_start3A_2023 = arith.constant 0 : i32
        %dma_start3A_2024 = arith.constant 0 : i32
        %dma_start3A_2025 = tpu.memref_slice %arg9[%dma_start3A_2022, %dma_start3A_2023, %dma_start3A_2024] : memref<8x8x64xf32, #tpu.memory_space<vmem>> -> memref<1x8x64xf32, #tpu.memory_space<vmem>>
        %dma_start3A_2026 = tpu.memref_squeeze %dma_start3A_2025 : memref<1x8x64xf32, #tpu.memory_space<vmem>> -> memref<8x64xf32, #tpu.memory_space<vmem>>
        %dma_start3A_2027 = arith.constant 0 : i32
        %dma_start3A_2028 = tpu.memref_slice %arg4[%multiple_of3A_2021, %dma_start3A_2027] : memref<100000x64xf32, #tpu.memory_space<hbm>> -> memref<8x64xf32, #tpu.memory_space<hbm>>
        %dma_start3A_2029 = arith.constant 0 : i32
        %dma_start3A_2030 = arith.constant 0 : i32
        %dma_start3A_2031 = tpu.memref_slice %arg9[%dma_start3A_2022, %dma_start3A_2029, %dma_start3A_2030] : memref<8x8x64xf32, #tpu.memory_space<vmem>> -> memref<1x8x64xf32, #tpu.memory_space<vmem>>
        %dma_start3A_2032 = tpu.memref_squeeze %dma_start3A_2031 : memref<1x8x64xf32, #tpu.memory_space<vmem>> -> memref<8x64xf32, #tpu.memory_space<vmem>>
        %dma_start3A_2033 = arith.constant 0 : i32
        %dma_start3A_2034 = tpu.memref_slice %arg4[%multiple_of3A_2021, %dma_start3A_2033] : memref<100000x64xf32, #tpu.memory_space<hbm>> -> memref<8x64xf32, #tpu.memory_space<hbm>>
        tpu.enqueue_dma source(%dma_start3A_2034 : memref<8x64xf32, #tpu.memory_space<hbm>>) target(%dma_start3A_2032 : memref<8x64xf32, #tpu.memory_space<vmem>>) target_semaphore(%arg17 : memref<!tpu.dma_semaphore, #tpu.memory_space<semaphore_mem>>)
        %shift_right_arithmetic3A_2035 = arith.constant 7 : i32
        %shift_right_arithmetic3A_2036 = arith.shrsi %squeeze3A_238, %shift_right_arithmetic3A_2035 : i32
        %mul3A_2037 = arith.constant 128 : i32
        %mul3A_2038 = arith.muli %shift_right_arithmetic3A_2036, %mul3A_2037 : i32
        %multiple_of3A_2039 = tpu.assume_multiple %mul3A_2038, 128 : i32
        %dma_start3A_2040 = arith.constant 5 : i32
        %dma_start3A_2041 = arith.constant 0 : i32
        %dma_start3A_2042 = arith.constant 0 : i32
        %dma_start3A_2043 = tpu.memref_slice %arg10[%dma_start3A_2040, %dma_start3A_2041, %dma_start3A_2042] : memref<8x64x128xf32, #tpu.memory_space<vmem>> -> memref<1x64x128xf32, #tpu.memory_space<vmem>>
        %dma_start3A_2044 = tpu.memref_squeeze %dma_start3A_2043 : memref<1x64x128xf32, #tpu.memory_space<vmem>> -> memref<64x128xf32, #tpu.memory_space<vmem>>
        %dma_start3A_2045 = arith.constant 0 : i32
        %dma_start3A_2046 = tpu.memref_slice %arg5[%dma_start3A_2045, %multiple_of3A_2039] : memref<64x1000000xf32, #tpu.memory_space<hbm>> -> memref<64x128xf32, #tpu.memory_space<hbm>>
        %dma_start3A_2047 = arith.constant 0 : i32
        %dma_start3A_2048 = arith.constant 0 : i32
        %dma_start3A_2049 = tpu.memref_slice %arg10[%dma_start3A_2040, %dma_start3A_2047, %dma_start3A_2048] : memref<8x64x128xf32, #tpu.memory_space<vmem>> -> memref<1x64x128xf32, #tpu.memory_space<vmem>>
        %dma_start3A_2050 = tpu.memref_squeeze %dma_start3A_2049 : memref<1x64x128xf32, #tpu.memory_space<vmem>> -> memref<64x128xf32, #tpu.memory_space<vmem>>
        %dma_start3A_2051 = arith.constant 0 : i32
        %dma_start3A_2052 = tpu.memref_slice %arg5[%dma_start3A_2051, %multiple_of3A_2039] : memref<64x1000000xf32, #tpu.memory_space<hbm>> -> memref<64x128xf32, #tpu.memory_space<hbm>>
        tpu.enqueue_dma source(%dma_start3A_2052 : memref<64x128xf32, #tpu.memory_space<hbm>>) target(%dma_start3A_2050 : memref<64x128xf32, #tpu.memory_space<vmem>>) target_semaphore(%arg25 : memref<!tpu.dma_semaphore, #tpu.memory_space<semaphore_mem>>)
      } else {
      }
      %dma_wait3A = arith.constant 0 : i32
      %dma_wait3A_243 = arith.constant 0 : i32
      %dma_wait3A_244 = arith.constant 0 : i32
      %dma_wait3A_245 = tpu.memref_slice %arg9[%dma_wait3A, %dma_wait3A_243, %dma_wait3A_244] : memref<8x8x64xf32, #tpu.memory_space<vmem>> -> memref<1x8x64xf32, #tpu.memory_space<vmem>>
      %dma_wait3A_246 = tpu.memref_squeeze %dma_wait3A_245 : memref<1x8x64xf32, #tpu.memory_space<vmem>> -> memref<8x64xf32, #tpu.memory_space<vmem>>
      %dma_wait3A_247 = arith.constant 0 : i32
      %dma_wait3A_248 = arith.constant 0 : i32
      %dma_wait3A_249 = tpu.memref_slice %arg4[%dma_wait3A_247, %dma_wait3A_248] : memref<100000x64xf32, #tpu.memory_space<hbm>> -> memref<8x64xf32, #tpu.memory_space<hbm>>
      %dma_wait3A_250 = arith.constant 0 : i32
      %dma_wait3A_251 = arith.constant 0 : i32
      %dma_wait3A_252 = tpu.memref_slice %arg9[%dma_wait3A, %dma_wait3A_250, %dma_wait3A_251] : memref<8x8x64xf32, #tpu.memory_space<vmem>> -> memref<1x8x64xf32, #tpu.memory_space<vmem>>
      %dma_wait3A_253 = tpu.memref_squeeze %dma_wait3A_252 : memref<1x8x64xf32, #tpu.memory_space<vmem>> -> memref<8x64xf32, #tpu.memory_space<vmem>>
      %dma_wait3A_254 = arith.constant 0 : i32
      %dma_wait3A_255 = arith.constant 0 : i32
      %dma_wait3A_256 = tpu.memref_slice %arg4[%dma_wait3A_254, %dma_wait3A_255] : memref<100000x64xf32, #tpu.memory_space<hbm>> -> memref<8x64xf32, #tpu.memory_space<hbm>>
      tpu.wait_dma2 semaphore(%arg12 : memref<!tpu.dma_semaphore, #tpu.memory_space<semaphore_mem>>) src(%dma_wait3A_256 : memref<8x64xf32, #tpu.memory_space<hbm>>) dst(%dma_wait3A_253 : memref<8x64xf32, #tpu.memory_space<vmem>>)
      %dma_wait3A_257 = arith.constant 0 : i32
      %dma_wait3A_258 = arith.constant 0 : i32
      %dma_wait3A_259 = arith.constant 0 : i32
      %dma_wait3A_260 = tpu.memref_slice %arg10[%dma_wait3A_257, %dma_wait3A_258, %dma_wait3A_259] : memref<8x64x128xf32, #tpu.memory_space<vmem>> -> memref<1x64x128xf32, #tpu.memory_space<vmem>>
      %dma_wait3A_261 = tpu.memref_squeeze %dma_wait3A_260 : memref<1x64x128xf32, #tpu.memory_space<vmem>> -> memref<64x128xf32, #tpu.memory_space<vmem>>
      %dma_wait3A_262 = arith.constant 0 : i32
      %dma_wait3A_263 = arith.constant 0 : i32
      %dma_wait3A_264 = tpu.memref_slice %arg5[%dma_wait3A_262, %dma_wait3A_263] : memref<64x1000000xf32, #tpu.memory_space<hbm>> -> memref<64x128xf32, #tpu.memory_space<hbm>>
      %dma_wait3A_265 = arith.constant 0 : i32
      %dma_wait3A_266 = arith.constant 0 : i32
      %dma_wait3A_267 = tpu.memref_slice %arg10[%dma_wait3A_257, %dma_wait3A_265, %dma_wait3A_266] : memref<8x64x128xf32, #tpu.memory_space<vmem>> -> memref<1x64x128xf32, #tpu.memory_space<vmem>>
      %dma_wait3A_268 = tpu.memref_squeeze %dma_wait3A_267 : memref<1x64x128xf32, #tpu.memory_space<vmem>> -> memref<64x128xf32, #tpu.memory_space<vmem>>
      %dma_wait3A_269 = arith.constant 0 : i32
      %dma_wait3A_270 = arith.constant 0 : i32
      %dma_wait3A_271 = tpu.memref_slice %arg5[%dma_wait3A_269, %dma_wait3A_270] : memref<64x1000000xf32, #tpu.memory_space<hbm>> -> memref<64x128xf32, #tpu.memory_space<hbm>>
      tpu.wait_dma2 semaphore(%arg20 : memref<!tpu.dma_semaphore, #tpu.memory_space<semaphore_mem>>) src(%dma_wait3A_271 : memref<64x128xf32, #tpu.memory_space<hbm>>) dst(%dma_wait3A_268 : memref<64x128xf32, #tpu.memory_space<vmem>>)
      %slice3A_272 = vector.extract_strided_slice %get3A_222 {offsets = [0], sizes = [1], strides = [1]} : vector<16xi32> to vector<1xi32>
      %squeeze3A_273 = vector.extract %slice3A_272[0] : i32 from vector<1xi32>
      %and3A = arith.constant 7 : i32
      %and3A_274 = arith.andi %squeeze3A_273, %and3A : i32
      %slice3A_275 = vector.extract_strided_slice %get3A_224 {offsets = [0], sizes = [1], strides = [1]} : vector<16xi32> to vector<1xi32>
      %squeeze3A_276 = vector.extract %slice3A_275[0] : i32 from vector<1xi32>
      %and3A_277 = arith.constant 127 : i32
      %and3A_278 = arith.andi %squeeze3A_276, %and3A_277 : i32
      %broadcast_in_dim3A_279 = vector.broadcast %and3A_278 : i32 to vector<16xi32>
      %get3A_280 = arith.constant 0 : i32
      %get3A_281 = arith.index_cast %get3A_280 : i32 to index
      %get3A_282 = arith.index_cast %and3A_274 : i32 to index
      %get3A_283 = arith.constant 0 : index
      %get3A_284 = tpu.vector_load %arg9[%get3A_281, %get3A_282, %get3A_283] {strides = array<i32>} : memref<8x8x64xf32, #tpu.memory_space<vmem>>, vector<16xf32>,
      %gather3A = arith.constant 0 : i32
      %gather3A_285 = arith.constant 0 : i32
      %gather3A_286 = arith.constant 0 : i32
      %gather3A_287 = tpu.memref_slice %arg10[%gather3A, %gather3A_285, %gather3A_286] : memref<8x64x128xf32, #tpu.memory_space<vmem>> -> memref<1x64x128xf32, #tpu.memory_space<vmem>>
      %gather3A_288 = tpu.memref_squeeze %gather3A_287 : memref<1x64x128xf32, #tpu.memory_space<vmem>> -> memref<64x128xf32, #tpu.memory_space<vmem>>
      %gather3A_289 = tpu.vector_load_idx %gather3A_288[%add3A_203, %broadcast_in_dim3A_279] : memref<64x128xf32, #tpu.memory_space<vmem>>[vector<16xi32>, vector<16xi32>], vector<16xf32>,
      %mul3A_290 = arith.mulf %get3A_284, %gather3A_289 : vector<16xf32>
      %get3A_291 = arith.constant 0 : i32
      %get3A_292 = arith.index_cast %get3A_291 : i32 to index
      %get3A_293 = arith.index_cast %and3A_274 : i32 to index
      %get3A_294 = arith.constant 16 : index
      %get3A_295 = tpu.vector_load %arg9[%get3A_292, %get3A_293, %get3A_294] {strides = array<i32>} : memref<8x8x64xf32, #tpu.memory_space<vmem>>, vector<16xf32>,
      %gather3A_296 = arith.constant 0 : i32
      %gather3A_297 = arith.constant 0 : i32
      %gather3A_298 = arith.constant 0 : i32
      %gather3A_299 = tpu.memref_slice %arg10[%gather3A_296, %gather3A_297, %gather3A_298] : memref<8x64x128xf32, #tpu.memory_space<vmem>> -> memref<1x64x128xf32, #tpu.memory_space<vmem>>
      %gather3A_300 = tpu.memref_squeeze %gather3A_299 : memref<1x64x128xf32, #tpu.memory_space<vmem>> -> memref<64x128xf32, #tpu.memory_space<vmem>>
      %gather3A_301 = tpu.vector_load_idx %gather3A_300[%add3A_206, %broadcast_in_dim3A_279] : memref<64x128xf32, #tpu.memory_space<vmem>>[vector<16xi32>, vector<16xi32>], vector<16xf32>,
      %mul3A_302 = arith.mulf %get3A_295, %gather3A_301 : vector<16xf32>
      %add3A_303 = arith.addf %mul3A_290, %mul3A_302 : vector<16xf32>
      %get3A_304 = arith.constant 0 : i32
      %get3A_305 = arith.index_cast %get3A_304 : i32 to index
      %get3A_306 = arith.index_cast %and3A_274 : i32 to index
      %get3A_307 = arith.constant 32 : index
      %get3A_308 = tpu.vector_load %arg9[%get3A_305, %get3A_306, %get3A_307] {strides = array<i32>} : memref<8x8x64xf32, #tpu.memory_space<vmem>>, vector<16xf32>,
      %gather3A_309 = arith.constant 0 : i32
      %gather3A_310 = arith.constant 0 : i32
      %gather3A_311 = arith.constant 0 : i32
      %gather3A_312 = tpu.memref_slice %arg10[%gather3A_309, %gather3A_310, %gather3A_311] : memref<8x64x128xf32, #tpu.memory_space<vmem>> -> memref<1x64x128xf32, #tpu.memory_space<vmem>>
      %gather3A_313 = tpu.memref_squeeze %gather3A_312 : memref<1x64x128xf32, #tpu.memory_space<vmem>> -> memref<64x128xf32, #tpu.memory_space<vmem>>
      %gather3A_314 = tpu.vector_load_idx %gather3A_313[%add3A_209, %broadcast_in_dim3A_279] : memref<64x128xf32, #tpu.memory_space<vmem>>[vector<16xi32>, vector<16xi32>], vector<16xf32>,
      %mul3A_315 = arith.mulf %get3A_308, %gather3A_314 : vector<16xf32>
      %add3A_316 = arith.addf %add3A_303, %mul3A_315 : vector<16xf32>
      %get3A_317 = arith.constant 0 : i32
      %get3A_318 = arith.index_cast %get3A_317 : i32 to index
      %get3A_319 = arith.index_cast %and3A_274 : i32 to index
      %get3A_320 = arith.constant 48 : index
      %get3A_321 = tpu.vector_load %arg9[%get3A_318, %get3A_319, %get3A_320] {strides = array<i32>} : memref<8x8x64xf32, #tpu.memory_space<vmem>>, vector<16xf32>,
      %gather3A_322 = arith.constant 0 : i32
      %gather3A_323 = arith.constant 0 : i32
      %gather3A_324 = arith.constant 0 : i32
      %gather3A_325 = tpu.memref_slice %arg10[%gather3A_322, %gather3A_323, %gather3A_324] : memref<8x64x128xf32, #tpu.memory_space<vmem>> -> memref<1x64x128xf32, #tpu.memory_space<vmem>>
      %gather3A_326 = tpu.memref_squeeze %gather3A_325 : memref<1x64x128xf32, #tpu.memory_space<vmem>> -> memref<64x128xf32, #tpu.memory_space<vmem>>
      %gather3A_327 = tpu.vector_load_idx %gather3A_326[%add3A_212, %broadcast_in_dim3A_279] : memref<64x128xf32, #tpu.memory_space<vmem>>[vector<16xi32>, vector<16xi32>], vector<16xf32>,
      %mul3A_328 = arith.mulf %get3A_321, %gather3A_327 : vector<16xf32>
      %add3A_329 = arith.addf %add3A_316, %mul3A_328 : vector<16xf32>
      %eq3A = arith.constant 0 : i32
      %eq3A_330 = vector.broadcast %eq3A : i32 to vector<16xi32>
      %eq3A_331 = arith.cmpi eq, %iota3A, %eq3A_330 : vector<16xi32>
      %reduce_sum3A = arith.constant true
      %reduce_sum3A_332 = vector.broadcast %reduce_sum3A : i1 to vector<16xi1>
      %reduce_sum3A_333 = tpu.scan <sum>, %add3A_329 masked %reduce_sum3A_332 : vector<16xf32>, vector<16xi1> -> vector<16xf32>
      %reduce_sum3A_334 = vector.extract %reduce_sum3A_333[15] : f32 from vector<16xf32>
      %broadcast_in_dim3A_335 = vector.broadcast %reduce_sum3A_334 : f32 to vector<16xf32>
      %select_n3A = arith.select %eq3A_331, %broadcast_in_dim3A_335, %broadcast_in_dim3A_232 : vector<16xi1>, vector<16xf32>
      %add3A_336 = arith.constant 1 : i32
      %add3A_337 = arith.addi %mul3A_220, %add3A_336 : i32
      %slice3A_338 = vector.extract_strided_slice %get3A_222 {offsets = [6], sizes = [1], strides = [1]} : vector<16xi32> to vector<1xi32>
      %squeeze3A_339 = vector.extract %slice3A_338[0] : i32 from vector<1xi32>
      %slice3A_340 = vector.extract_strided_slice %get3A_224 {offsets = [6], sizes = [1], strides = [1]} : vector<16xi32> to vector<1xi32>
      %squeeze3A_341 = vector.extract %slice3A_340[0] : i32 from vector<1xi32>
      %add3A_342 = arith.constant 5 : i32
      %add3A_343 = arith.addi %add3A_337, %add3A_342 : i32
      %lt3A_344 = arith.constant 512 : i32
      %lt3A_345 = arith.cmpi slt, %add3A_343, %lt3A_344 : i32
      %convert_element_type3A_346 = arith.extui %lt3A_345 : i1 to i32
      %cond3A_347 = arith.constant 0 : i32
      %cond3A_348 = arith.cmpi ne, %convert_element_type3A_346, %cond3A_347 : i32
      scf.if %cond3A_348 {
        %shift_right_arithmetic3A_2017 = arith.constant 3 : i32
        %shift_right_arithmetic3A_2018 = arith.shrsi %squeeze3A_339, %shift_right_arithmetic3A_2017 : i32
        %mul3A_2019 = arith.constant 8 : i32
        %mul3A_2020 = arith.muli %shift_right_arithmetic3A_2018, %mul3A_2019 : i32
        %multiple_of3A_2021 = tpu.assume_multiple %mul3A_2020, 8 : i32
        %dma_start3A_2022 = arith.constant 6 : i32
        %dma_start3A_2023 = arith.constant 0 : i32
        %dma_start3A_2024 = arith.constant 0 : i32
        %dma_start3A_2025 = tpu.memref_slice %arg9[%dma_start3A_2022, %dma_start3A_2023, %dma_start3A_2024] : memref<8x8x64xf32, #tpu.memory_space<vmem>> -> memref<1x8x64xf32, #tpu.memory_space<vmem>>
        %dma_start3A_2026 = tpu.memref_squeeze %dma_start3A_2025 : memref<1x8x64xf32, #tpu.memory_space<vmem>> -> memref<8x64xf32, #tpu.memory_space<vmem>>
        %dma_start3A_2027 = arith.constant 0 : i32
        %dma_start3A_2028 = tpu.memref_slice %arg4[%multiple_of3A_2021, %dma_start3A_2027] : memref<100000x64xf32, #tpu.memory_space<hbm>> -> memref<8x64xf32, #tpu.memory_space<hbm>>
        %dma_start3A_2029 = arith.constant 0 : i32
        %dma_start3A_2030 = arith.constant 0 : i32
        %dma_start3A_2031 = tpu.memref_slice %arg9[%dma_start3A_2022, %dma_start3A_2029, %dma_start3A_2030] : memref<8x8x64xf32, #tpu.memory_space<vmem>> -> memref<1x8x64xf32, #tpu.memory_space<vmem>>
        %dma_start3A_2032 = tpu.memref_squeeze %dma_start3A_2031 : memref<1x8x64xf32, #tpu.memory_space<vmem>> -> memref<8x64xf32, #tpu.memory_space<vmem>>
        %dma_start3A_2033 = arith.constant 0 : i32
        %dma_start3A_2034 = tpu.memref_slice %arg4[%multiple_of3A_2021, %dma_start3A_2033] : memref<100000x64xf32, #tpu.memory_space<hbm>> -> memref<8x64xf32, #tpu.memory_space<hbm>>
        tpu.enqueue_dma source(%dma_start3A_2034 : memref<8x64xf32, #tpu.memory_space<hbm>>) target(%dma_start3A_2032 : memref<8x64xf32, #tpu.memory_space<vmem>>) target_semaphore(%arg18 : memref<!tpu.dma_semaphore, #tpu.memory_space<semaphore_mem>>)
        %shift_right_arithmetic3A_2035 = arith.constant 7 : i32
        %shift_right_arithmetic3A_2036 = arith.shrsi %squeeze3A_341, %shift_right_arithmetic3A_2035 : i32
        %mul3A_2037 = arith.constant 128 : i32
        %mul3A_2038 = arith.muli %shift_right_arithmetic3A_2036, %mul3A_2037 : i32
        %multiple_of3A_2039 = tpu.assume_multiple %mul3A_2038, 128 : i32
        %dma_start3A_2040 = arith.constant 6 : i32
        %dma_start3A_2041 = arith.constant 0 : i32
        %dma_start3A_2042 = arith.constant 0 : i32
        %dma_start3A_2043 = tpu.memref_slice %arg10[%dma_start3A_2040, %dma_start3A_2041, %dma_start3A_2042] : memref<8x64x128xf32, #tpu.memory_space<vmem>> -> memref<1x64x128xf32, #tpu.memory_space<vmem>>
        %dma_start3A_2044 = tpu.memref_squeeze %dma_start3A_2043 : memref<1x64x128xf32, #tpu.memory_space<vmem>> -> memref<64x128xf32, #tpu.memory_space<vmem>>
        %dma_start3A_2045 = arith.constant 0 : i32
        %dma_start3A_2046 = tpu.memref_slice %arg5[%dma_start3A_2045, %multiple_of3A_2039] : memref<64x1000000xf32, #tpu.memory_space<hbm>> -> memref<64x128xf32, #tpu.memory_space<hbm>>
        %dma_start3A_2047 = arith.constant 0 : i32
        %dma_start3A_2048 = arith.constant 0 : i32
        %dma_start3A_2049 = tpu.memref_slice %arg10[%dma_start3A_2040, %dma_start3A_2047, %dma_start3A_2048] : memref<8x64x128xf32, #tpu.memory_space<vmem>> -> memref<1x64x128xf32, #tpu.memory_space<vmem>>
        %dma_start3A_2050 = tpu.memref_squeeze %dma_start3A_2049 : memref<1x64x128xf32, #tpu.memory_space<vmem>> -> memref<64x128xf32, #tpu.memory_space<vmem>>
        %dma_start3A_2051 = arith.constant 0 : i32
        %dma_start3A_2052 = tpu.memref_slice %arg5[%dma_start3A_2051, %multiple_of3A_2039] : memref<64x1000000xf32, #tpu.memory_space<hbm>> -> memref<64x128xf32, #tpu.memory_space<hbm>>
        tpu.enqueue_dma source(%dma_start3A_2052 : memref<64x128xf32, #tpu.memory_space<hbm>>) target(%dma_start3A_2050 : memref<64x128xf32, #tpu.memory_space<vmem>>) target_semaphore(%arg26 : memref<!tpu.dma_semaphore, #tpu.memory_space<semaphore_mem>>)
      } else {
      }
      %dma_wait3A_349 = arith.constant 1 : i32
      %dma_wait3A_350 = arith.constant 0 : i32
      %dma_wait3A_351 = arith.constant 0 : i32
      %dma_wait3A_352 = tpu.memref_slice %arg9[%dma_wait3A_349, %dma_wait3A_350, %dma_wait3A_351] : memref<8x8x64xf32, #tpu.memory_space<vmem>> -> memref<1x8x64xf32, #tpu.memory_space<vmem>>
      %dma_wait3A_353 = tpu.memref_squeeze %dma_wait3A_352 : memref<1x8x64xf32, #tpu.memory_space<vmem>> -> memref<8x64xf32, #tpu.memory_space<vmem>>
      %dma_wait3A_354 = arith.constant 0 : i32
      %dma_wait3A_355 = arith.constant 0 : i32
      %dma_wait3A_356 = tpu.memref_slice %arg4[%dma_wait3A_354, %dma_wait3A_355] : memref<100000x64xf32, #tpu.memory_space<hbm>> -> memref<8x64xf32, #tpu.memory_space<hbm>>
      %dma_wait3A_357 = arith.constant 0 : i32
      %dma_wait3A_358 = arith.constant 0 : i32
      %dma_wait3A_359 = tpu.memref_slice %arg9[%dma_wait3A_349, %dma_wait3A_357, %dma_wait3A_358] : memref<8x8x64xf32, #tpu.memory_space<vmem>> -> memref<1x8x64xf32, #tpu.memory_space<vmem>>
      %dma_wait3A_360 = tpu.memref_squeeze %dma_wait3A_359 : memref<1x8x64xf32, #tpu.memory_space<vmem>> -> memref<8x64xf32, #tpu.memory_space<vmem>>
      %dma_wait3A_361 = arith.constant 0 : i32
      %dma_wait3A_362 = arith.constant 0 : i32
      %dma_wait3A_363 = tpu.memref_slice %arg4[%dma_wait3A_361, %dma_wait3A_362] : memref<100000x64xf32, #tpu.memory_space<hbm>> -> memref<8x64xf32, #tpu.memory_space<hbm>>
      tpu.wait_dma2 semaphore(%arg13 : memref<!tpu.dma_semaphore, #tpu.memory_space<semaphore_mem>>) src(%dma_wait3A_363 : memref<8x64xf32, #tpu.memory_space<hbm>>) dst(%dma_wait3A_360 : memref<8x64xf32, #tpu.memory_space<vmem>>)
      %dma_wait3A_364 = arith.constant 1 : i32
      %dma_wait3A_365 = arith.constant 0 : i32
      %dma_wait3A_366 = arith.constant 0 : i32
      %dma_wait3A_367 = tpu.memref_slice %arg10[%dma_wait3A_364, %dma_wait3A_365, %dma_wait3A_366] : memref<8x64x128xf32, #tpu.memory_space<vmem>> -> memref<1x64x128xf32, #tpu.memory_space<vmem>>
      %dma_wait3A_368 = tpu.memref_squeeze %dma_wait3A_367 : memref<1x64x128xf32, #tpu.memory_space<vmem>> -> memref<64x128xf32, #tpu.memory_space<vmem>>
      %dma_wait3A_369 = arith.constant 0 : i32
      %dma_wait3A_370 = arith.constant 0 : i32
      %dma_wait3A_371 = tpu.memref_slice %arg5[%dma_wait3A_369, %dma_wait3A_370] : memref<64x1000000xf32, #tpu.memory_space<hbm>> -> memref<64x128xf32, #tpu.memory_space<hbm>>
      %dma_wait3A_372 = arith.constant 0 : i32
      %dma_wait3A_373 = arith.constant 0 : i32
      %dma_wait3A_374 = tpu.memref_slice %arg10[%dma_wait3A_364, %dma_wait3A_372, %dma_wait3A_373] : memref<8x64x128xf32, #tpu.memory_space<vmem>> -> memref<1x64x128xf32, #tpu.memory_space<vmem>>
      %dma_wait3A_375 = tpu.memref_squeeze %dma_wait3A_374 : memref<1x64x128xf32, #tpu.memory_space<vmem>> -> memref<64x128xf32, #tpu.memory_space<vmem>>
      %dma_wait3A_376 = arith.constant 0 : i32
      %dma_wait3A_377 = arith.constant 0 : i32
      %dma_wait3A_378 = tpu.memref_slice %arg5[%dma_wait3A_376, %dma_wait3A_377] : memref<64x1000000xf32, #tpu.memory_space<hbm>> -> memref<64x128xf32, #tpu.memory_space<hbm>>
      tpu.wait_dma2 semaphore(%arg21 : memref<!tpu.dma_semaphore, #tpu.memory_space<semaphore_mem>>) src(%dma_wait3A_378 : memref<64x128xf32, #tpu.memory_space<hbm>>) dst(%dma_wait3A_375 : memref<64x128xf32, #tpu.memory_space<vmem>>)
      %slice3A_379 = vector.extract_strided_slice %get3A_222 {offsets = [1], sizes = [1], strides = [1]} : vector<16xi32> to vector<1xi32>
      %squeeze3A_380 = vector.extract %slice3A_379[0] : i32 from vector<1xi32>
      %and3A_381 = arith.constant 7 : i32
      %and3A_382 = arith.andi %squeeze3A_380, %and3A_381 : i32
      %slice3A_383 = vector.extract_strided_slice %get3A_224 {offsets = [1], sizes = [1], strides = [1]} : vector<16xi32> to vector<1xi32>
      %squeeze3A_384 = vector.extract %slice3A_383[0] : i32 from vector<1xi32>
      %and3A_385 = arith.constant 127 : i32
      %and3A_386 = arith.andi %squeeze3A_384, %and3A_385 : i32
      %broadcast_in_dim3A_387 = vector.broadcast %and3A_386 : i32 to vector<16xi32>
      %get3A_388 = arith.constant 1 : i32
      %get3A_389 = arith.index_cast %get3A_388 : i32 to index
      %get3A_390 = arith.index_cast %and3A_382 : i32 to index
      %get3A_391 = arith.constant 0 : index
      %get3A_392 = tpu.vector_load %arg9[%get3A_389, %get3A_390, %get3A_391] {strides = array<i32>} : memref<8x8x64xf32, #tpu.memory_space<vmem>>, vector<16xf32>,
      %gather3A_393 = arith.constant 1 : i32
      %gather3A_394 = arith.constant 0 : i32
      %gather3A_395 = arith.constant 0 : i32
      %gather3A_396 = tpu.memref_slice %arg10[%gather3A_393, %gather3A_394, %gather3A_395] : memref<8x64x128xf32, #tpu.memory_space<vmem>> -> memref<1x64x128xf32, #tpu.memory_space<vmem>>
      %gather3A_397 = tpu.memref_squeeze %gather3A_396 : memref<1x64x128xf32, #tpu.memory_space<vmem>> -> memref<64x128xf32, #tpu.memory_space<vmem>>
      %gather3A_398 = tpu.vector_load_idx %gather3A_397[%add3A_203, %broadcast_in_dim3A_387] : memref<64x128xf32, #tpu.memory_space<vmem>>[vector<16xi32>, vector<16xi32>], vector<16xf32>,
      %mul3A_399 = arith.mulf %get3A_392, %gather3A_398 : vector<16xf32>
      %get3A_400 = arith.constant 1 : i32
      %get3A_401 = arith.index_cast %get3A_400 : i32 to index
      %get3A_402 = arith.index_cast %and3A_382 : i32 to index
      %get3A_403 = arith.constant 16 : index
      %get3A_404 = tpu.vector_load %arg9[%get3A_401, %get3A_402, %get3A_403] {strides = array<i32>} : memref<8x8x64xf32, #tpu.memory_space<vmem>>, vector<16xf32>,
      %gather3A_405 = arith.constant 1 : i32
      %gather3A_406 = arith.constant 0 : i32
      %gather3A_407 = arith.constant 0 : i32
      %gather3A_408 = tpu.memref_slice %arg10[%gather3A_405, %gather3A_406, %gather3A_407] : memref<8x64x128xf32, #tpu.memory_space<vmem>> -> memref<1x64x128xf32, #tpu.memory_space<vmem>>
      %gather3A_409 = tpu.memref_squeeze %gather3A_408 : memref<1x64x128xf32, #tpu.memory_space<vmem>> -> memref<64x128xf32, #tpu.memory_space<vmem>>
      %gather3A_410 = tpu.vector_load_idx %gather3A_409[%add3A_206, %broadcast_in_dim3A_387] : memref<64x128xf32, #tpu.memory_space<vmem>>[vector<16xi32>, vector<16xi32>], vector<16xf32>,
      %mul3A_411 = arith.mulf %get3A_404, %gather3A_410 : vector<16xf32>
      %add3A_412 = arith.addf %mul3A_399, %mul3A_411 : vector<16xf32>
      %get3A_413 = arith.constant 1 : i32
      %get3A_414 = arith.index_cast %get3A_413 : i32 to index
      %get3A_415 = arith.index_cast %and3A_382 : i32 to index
      %get3A_416 = arith.constant 32 : index
      %get3A_417 = tpu.vector_load %arg9[%get3A_414, %get3A_415, %get3A_416] {strides = array<i32>} : memref<8x8x64xf32, #tpu.memory_space<vmem>>, vector<16xf32>,
      %gather3A_418 = arith.constant 1 : i32
      %gather3A_419 = arith.constant 0 : i32
      %gather3A_420 = arith.constant 0 : i32
      %gather3A_421 = tpu.memref_slice %arg10[%gather3A_418, %gather3A_419, %gather3A_420] : memref<8x64x128xf32, #tpu.memory_space<vmem>> -> memref<1x64x128xf32, #tpu.memory_space<vmem>>
      %gather3A_422 = tpu.memref_squeeze %gather3A_421 : memref<1x64x128xf32, #tpu.memory_space<vmem>> -> memref<64x128xf32, #tpu.memory_space<vmem>>
      %gather3A_423 = tpu.vector_load_idx %gather3A_422[%add3A_209, %broadcast_in_dim3A_387] : memref<64x128xf32, #tpu.memory_space<vmem>>[vector<16xi32>, vector<16xi32>], vector<16xf32>,
      %mul3A_424 = arith.mulf %get3A_417, %gather3A_423 : vector<16xf32>
      %add3A_425 = arith.addf %add3A_412, %mul3A_424 : vector<16xf32>
      %get3A_426 = arith.constant 1 : i32
      %get3A_427 = arith.index_cast %get3A_426 : i32 to index
      %get3A_428 = arith.index_cast %and3A_382 : i32 to index
      %get3A_429 = arith.constant 48 : index
      %get3A_430 = tpu.vector_load %arg9[%get3A_427, %get3A_428, %get3A_429] {strides = array<i32>} : memref<8x8x64xf32, #tpu.memory_space<vmem>>, vector<16xf32>,
      %gather3A_431 = arith.constant 1 : i32
      %gather3A_432 = arith.constant 0 : i32
      %gather3A_433 = arith.constant 0 : i32
      %gather3A_434 = tpu.memref_slice %arg10[%gather3A_431, %gather3A_432, %gather3A_433] : memref<8x64x128xf32, #tpu.memory_space<vmem>> -> memref<1x64x128xf32, #tpu.memory_space<vmem>>
      %gather3A_435 = tpu.memref_squeeze %gather3A_434 : memref<1x64x128xf32, #tpu.memory_space<vmem>> -> memref<64x128xf32, #tpu.memory_space<vmem>>
      %gather3A_436 = tpu.vector_load_idx %gather3A_435[%add3A_212, %broadcast_in_dim3A_387] : memref<64x128xf32, #tpu.memory_space<vmem>>[vector<16xi32>, vector<16xi32>], vector<16xf32>,
      %mul3A_437 = arith.mulf %get3A_430, %gather3A_436 : vector<16xf32>
      %add3A_438 = arith.addf %add3A_425, %mul3A_437 : vector<16xf32>
      %eq3A_439 = arith.constant 1 : i32
      %eq3A_440 = vector.broadcast %eq3A_439 : i32 to vector<16xi32>
      %eq3A_441 = arith.cmpi eq, %iota3A, %eq3A_440 : vector<16xi32>
      %reduce_sum3A_442 = arith.constant true
      %reduce_sum3A_443 = vector.broadcast %reduce_sum3A_442 : i1 to vector<16xi1>
      %reduce_sum3A_444 = tpu.scan <sum>, %add3A_438 masked %reduce_sum3A_443 : vector<16xf32>, vector<16xi1> -> vector<16xf32>
      %reduce_sum3A_445 = vector.extract %reduce_sum3A_444[15] : f32 from vector<16xf32>
      %broadcast_in_dim3A_446 = vector.broadcast %reduce_sum3A_445 : f32 to vector<16xf32>
      %select_n3A_447 = arith.select %eq3A_441, %broadcast_in_dim3A_446, %select_n3A : vector<16xi1>, vector<16xf32>
      %add3A_448 = arith.constant 2 : i32
      %add3A_449 = arith.addi %mul3A_220, %add3A_448 : i32
      %slice3A_450 = vector.extract_strided_slice %get3A_222 {offsets = [7], sizes = [1], strides = [1]} : vector<16xi32> to vector<1xi32>
      %squeeze3A_451 = vector.extract %slice3A_450[0] : i32 from vector<1xi32>
      %slice3A_452 = vector.extract_strided_slice %get3A_224 {offsets = [7], sizes = [1], strides = [1]} : vector<16xi32> to vector<1xi32>
      %squeeze3A_453 = vector.extract %slice3A_452[0] : i32 from vector<1xi32>
      %add3A_454 = arith.constant 5 : i32
      %add3A_455 = arith.addi %add3A_449, %add3A_454 : i32
      %lt3A_456 = arith.constant 512 : i32
      %lt3A_457 = arith.cmpi slt, %add3A_455, %lt3A_456 : i32
      %convert_element_type3A_458 = arith.extui %lt3A_457 : i1 to i32
      %cond3A_459 = arith.constant 0 : i32
      %cond3A_460 = arith.cmpi ne, %convert_element_type3A_458, %cond3A_459 : i32
      scf.if %cond3A_460 {
        %shift_right_arithmetic3A_2017 = arith.constant 3 : i32
        %shift_right_arithmetic3A_2018 = arith.shrsi %squeeze3A_451, %shift_right_arithmetic3A_2017 : i32
        %mul3A_2019 = arith.constant 8 : i32
        %mul3A_2020 = arith.muli %shift_right_arithmetic3A_2018, %mul3A_2019 : i32
        %multiple_of3A_2021 = tpu.assume_multiple %mul3A_2020, 8 : i32
        %dma_start3A_2022 = arith.constant 7 : i32
        %dma_start3A_2023 = arith.constant 0 : i32
        %dma_start3A_2024 = arith.constant 0 : i32
        %dma_start3A_2025 = tpu.memref_slice %arg9[%dma_start3A_2022, %dma_start3A_2023, %dma_start3A_2024] : memref<8x8x64xf32, #tpu.memory_space<vmem>> -> memref<1x8x64xf32, #tpu.memory_space<vmem>>
        %dma_start3A_2026 = tpu.memref_squeeze %dma_start3A_2025 : memref<1x8x64xf32, #tpu.memory_space<vmem>> -> memref<8x64xf32, #tpu.memory_space<vmem>>
        %dma_start3A_2027 = arith.constant 0 : i32
        %dma_start3A_2028 = tpu.memref_slice %arg4[%multiple_of3A_2021, %dma_start3A_2027] : memref<100000x64xf32, #tpu.memory_space<hbm>> -> memref<8x64xf32, #tpu.memory_space<hbm>>
        %dma_start3A_2029 = arith.constant 0 : i32
        %dma_start3A_2030 = arith.constant 0 : i32
        %dma_start3A_2031 = tpu.memref_slice %arg9[%dma_start3A_2022, %dma_start3A_2029, %dma_start3A_2030] : memref<8x8x64xf32, #tpu.memory_space<vmem>> -> memref<1x8x64xf32, #tpu.memory_space<vmem>>
        %dma_start3A_2032 = tpu.memref_squeeze %dma_start3A_2031 : memref<1x8x64xf32, #tpu.memory_space<vmem>> -> memref<8x64xf32, #tpu.memory_space<vmem>>
        %dma_start3A_2033 = arith.constant 0 : i32
        %dma_start3A_2034 = tpu.memref_slice %arg4[%multiple_of3A_2021, %dma_start3A_2033] : memref<100000x64xf32, #tpu.memory_space<hbm>> -> memref<8x64xf32, #tpu.memory_space<hbm>>
        tpu.enqueue_dma source(%dma_start3A_2034 : memref<8x64xf32, #tpu.memory_space<hbm>>) target(%dma_start3A_2032 : memref<8x64xf32, #tpu.memory_space<vmem>>) target_semaphore(%arg19 : memref<!tpu.dma_semaphore, #tpu.memory_space<semaphore_mem>>)
        %shift_right_arithmetic3A_2035 = arith.constant 7 : i32
        %shift_right_arithmetic3A_2036 = arith.shrsi %squeeze3A_453, %shift_right_arithmetic3A_2035 : i32
        %mul3A_2037 = arith.constant 128 : i32
        %mul3A_2038 = arith.muli %shift_right_arithmetic3A_2036, %mul3A_2037 : i32
        %multiple_of3A_2039 = tpu.assume_multiple %mul3A_2038, 128 : i32
        %dma_start3A_2040 = arith.constant 7 : i32
        %dma_start3A_2041 = arith.constant 0 : i32
        %dma_start3A_2042 = arith.constant 0 : i32
        %dma_start3A_2043 = tpu.memref_slice %arg10[%dma_start3A_2040, %dma_start3A_2041, %dma_start3A_2042] : memref<8x64x128xf32, #tpu.memory_space<vmem>> -> memref<1x64x128xf32, #tpu.memory_space<vmem>>
        %dma_start3A_2044 = tpu.memref_squeeze %dma_start3A_2043 : memref<1x64x128xf32, #tpu.memory_space<vmem>> -> memref<64x128xf32, #tpu.memory_space<vmem>>
        %dma_start3A_2045 = arith.constant 0 : i32
        %dma_start3A_2046 = tpu.memref_slice %arg5[%dma_start3A_2045, %multiple_of3A_2039] : memref<64x1000000xf32, #tpu.memory_space<hbm>> -> memref<64x128xf32, #tpu.memory_space<hbm>>
        %dma_start3A_2047 = arith.constant 0 : i32
        %dma_start3A_2048 = arith.constant 0 : i32
        %dma_start3A_2049 = tpu.memref_slice %arg10[%dma_start3A_2040, %dma_start3A_2047, %dma_start3A_2048] : memref<8x64x128xf32, #tpu.memory_space<vmem>> -> memref<1x64x128xf32, #tpu.memory_space<vmem>>
        %dma_start3A_2050 = tpu.memref_squeeze %dma_start3A_2049 : memref<1x64x128xf32, #tpu.memory_space<vmem>> -> memref<64x128xf32, #tpu.memory_space<vmem>>
        %dma_start3A_2051 = arith.constant 0 : i32
        %dma_start3A_2052 = tpu.memref_slice %arg5[%dma_start3A_2051, %multiple_of3A_2039] : memref<64x1000000xf32, #tpu.memory_space<hbm>> -> memref<64x128xf32, #tpu.memory_space<hbm>>
        tpu.enqueue_dma source(%dma_start3A_2052 : memref<64x128xf32, #tpu.memory_space<hbm>>) target(%dma_start3A_2050 : memref<64x128xf32, #tpu.memory_space<vmem>>) target_semaphore(%arg27 : memref<!tpu.dma_semaphore, #tpu.memory_space<semaphore_mem>>)
      } else {
      }
      %dma_wait3A_461 = arith.constant 2 : i32
      %dma_wait3A_462 = arith.constant 0 : i32
      %dma_wait3A_463 = arith.constant 0 : i32
      %dma_wait3A_464 = tpu.memref_slice %arg9[%dma_wait3A_461, %dma_wait3A_462, %dma_wait3A_463] : memref<8x8x64xf32, #tpu.memory_space<vmem>> -> memref<1x8x64xf32, #tpu.memory_space<vmem>>
      %dma_wait3A_465 = tpu.memref_squeeze %dma_wait3A_464 : memref<1x8x64xf32, #tpu.memory_space<vmem>> -> memref<8x64xf32, #tpu.memory_space<vmem>>
      %dma_wait3A_466 = arith.constant 0 : i32
      %dma_wait3A_467 = arith.constant 0 : i32
      %dma_wait3A_468 = tpu.memref_slice %arg4[%dma_wait3A_466, %dma_wait3A_467] : memref<100000x64xf32, #tpu.memory_space<hbm>> -> memref<8x64xf32, #tpu.memory_space<hbm>>
      %dma_wait3A_469 = arith.constant 0 : i32
      %dma_wait3A_470 = arith.constant 0 : i32
      %dma_wait3A_471 = tpu.memref_slice %arg9[%dma_wait3A_461, %dma_wait3A_469, %dma_wait3A_470] : memref<8x8x64xf32, #tpu.memory_space<vmem>> -> memref<1x8x64xf32, #tpu.memory_space<vmem>>
      %dma_wait3A_472 = tpu.memref_squeeze %dma_wait3A_471 : memref<1x8x64xf32, #tpu.memory_space<vmem>> -> memref<8x64xf32, #tpu.memory_space<vmem>>
      %dma_wait3A_473 = arith.constant 0 : i32
      %dma_wait3A_474 = arith.constant 0 : i32
      %dma_wait3A_475 = tpu.memref_slice %arg4[%dma_wait3A_473, %dma_wait3A_474] : memref<100000x64xf32, #tpu.memory_space<hbm>> -> memref<8x64xf32, #tpu.memory_space<hbm>>
      tpu.wait_dma2 semaphore(%arg14 : memref<!tpu.dma_semaphore, #tpu.memory_space<semaphore_mem>>) src(%dma_wait3A_475 : memref<8x64xf32, #tpu.memory_space<hbm>>) dst(%dma_wait3A_472 : memref<8x64xf32, #tpu.memory_space<vmem>>)
      %dma_wait3A_476 = arith.constant 2 : i32
      %dma_wait3A_477 = arith.constant 0 : i32
      %dma_wait3A_478 = arith.constant 0 : i32
      %dma_wait3A_479 = tpu.memref_slice %arg10[%dma_wait3A_476, %dma_wait3A_477, %dma_wait3A_478] : memref<8x64x128xf32, #tpu.memory_space<vmem>> -> memref<1x64x128xf32, #tpu.memory_space<vmem>>
      %dma_wait3A_480 = tpu.memref_squeeze %dma_wait3A_479 : memref<1x64x128xf32, #tpu.memory_space<vmem>> -> memref<64x128xf32, #tpu.memory_space<vmem>>
      %dma_wait3A_481 = arith.constant 0 : i32
      %dma_wait3A_482 = arith.constant 0 : i32
      %dma_wait3A_483 = tpu.memref_slice %arg5[%dma_wait3A_481, %dma_wait3A_482] : memref<64x1000000xf32, #tpu.memory_space<hbm>> -> memref<64x128xf32, #tpu.memory_space<hbm>>
      %dma_wait3A_484 = arith.constant 0 : i32
      %dma_wait3A_485 = arith.constant 0 : i32
      %dma_wait3A_486 = tpu.memref_slice %arg10[%dma_wait3A_476, %dma_wait3A_484, %dma_wait3A_485] : memref<8x64x128xf32, #tpu.memory_space<vmem>> -> memref<1x64x128xf32, #tpu.memory_space<vmem>>
      %dma_wait3A_487 = tpu.memref_squeeze %dma_wait3A_486 : memref<1x64x128xf32, #tpu.memory_space<vmem>> -> memref<64x128xf32, #tpu.memory_space<vmem>>
      %dma_wait3A_488 = arith.constant 0 : i32
      %dma_wait3A_489 = arith.constant 0 : i32
      %dma_wait3A_490 = tpu.memref_slice %arg5[%dma_wait3A_488, %dma_wait3A_489] : memref<64x1000000xf32, #tpu.memory_space<hbm>> -> memref<64x128xf32, #tpu.memory_space<hbm>>
      tpu.wait_dma2 semaphore(%arg22 : memref<!tpu.dma_semaphore, #tpu.memory_space<semaphore_mem>>) src(%dma_wait3A_490 : memref<64x128xf32, #tpu.memory_space<hbm>>) dst(%dma_wait3A_487 : memref<64x128xf32, #tpu.memory_space<vmem>>)
      %slice3A_491 = vector.extract_strided_slice %get3A_222 {offsets = [2], sizes = [1], strides = [1]} : vector<16xi32> to vector<1xi32>
      %squeeze3A_492 = vector.extract %slice3A_491[0] : i32 from vector<1xi32>
      %and3A_493 = arith.constant 7 : i32
      %and3A_494 = arith.andi %squeeze3A_492, %and3A_493 : i32
      %slice3A_495 = vector.extract_strided_slice %get3A_224 {offsets = [2], sizes = [1], strides = [1]} : vector<16xi32> to vector<1xi32>
      %squeeze3A_496 = vector.extract %slice3A_495[0] : i32 from vector<1xi32>
      %and3A_497 = arith.constant 127 : i32
      %and3A_498 = arith.andi %squeeze3A_496, %and3A_497 : i32
      %broadcast_in_dim3A_499 = vector.broadcast %and3A_498 : i32 to vector<16xi32>
      %get3A_500 = arith.constant 2 : i32
      %get3A_501 = arith.index_cast %get3A_500 : i32 to index
      %get3A_502 = arith.index_cast %and3A_494 : i32 to index
      %get3A_503 = arith.constant 0 : index
      %get3A_504 = tpu.vector_load %arg9[%get3A_501, %get3A_502, %get3A_503] {strides = array<i32>} : memref<8x8x64xf32, #tpu.memory_space<vmem>>, vector<16xf32>,
      %gather3A_505 = arith.constant 2 : i32
      %gather3A_506 = arith.constant 0 : i32
      %gather3A_507 = arith.constant 0 : i32
      %gather3A_508 = tpu.memref_slice %arg10[%gather3A_505, %gather3A_506, %gather3A_507] : memref<8x64x128xf32, #tpu.memory_space<vmem>> -> memref<1x64x128xf32, #tpu.memory_space<vmem>>
      %gather3A_509 = tpu.memref_squeeze %gather3A_508 : memref<1x64x128xf32, #tpu.memory_space<vmem>> -> memref<64x128xf32, #tpu.memory_space<vmem>>
      %gather3A_510 = tpu.vector_load_idx %gather3A_509[%add3A_203, %broadcast_in_dim3A_499] : memref<64x128xf32, #tpu.memory_space<vmem>>[vector<16xi32>, vector<16xi32>], vector<16xf32>,
      %mul3A_511 = arith.mulf %get3A_504, %gather3A_510 : vector<16xf32>
      %get3A_512 = arith.constant 2 : i32
      %get3A_513 = arith.index_cast %get3A_512 : i32 to index
      %get3A_514 = arith.index_cast %and3A_494 : i32 to index
      %get3A_515 = arith.constant 16 : index
      %get3A_516 = tpu.vector_load %arg9[%get3A_513, %get3A_514, %get3A_515] {strides = array<i32>} : memref<8x8x64xf32, #tpu.memory_space<vmem>>, vector<16xf32>,
      %gather3A_517 = arith.constant 2 : i32
      %gather3A_518 = arith.constant 0 : i32
      %gather3A_519 = arith.constant 0 : i32
      %gather3A_520 = tpu.memref_slice %arg10[%gather3A_517, %gather3A_518, %gather3A_519] : memref<8x64x128xf32, #tpu.memory_space<vmem>> -> memref<1x64x128xf32, #tpu.memory_space<vmem>>
      %gather3A_521 = tpu.memref_squeeze %gather3A_520 : memref<1x64x128xf32, #tpu.memory_space<vmem>> -> memref<64x128xf32, #tpu.memory_space<vmem>>
      %gather3A_522 = tpu.vector_load_idx %gather3A_521[%add3A_206, %broadcast_in_dim3A_499] : memref<64x128xf32, #tpu.memory_space<vmem>>[vector<16xi32>, vector<16xi32>], vector<16xf32>,
      %mul3A_523 = arith.mulf %get3A_516, %gather3A_522 : vector<16xf32>
      %add3A_524 = arith.addf %mul3A_511, %mul3A_523 : vector<16xf32>
      %get3A_525 = arith.constant 2 : i32
      %get3A_526 = arith.index_cast %get3A_525 : i32 to index
      %get3A_527 = arith.index_cast %and3A_494 : i32 to index
      %get3A_528 = arith.constant 32 : index
      %get3A_529 = tpu.vector_load %arg9[%get3A_526, %get3A_527, %get3A_528] {strides = array<i32>} : memref<8x8x64xf32, #tpu.memory_space<vmem>>, vector<16xf32>,
      %gather3A_530 = arith.constant 2 : i32
      %gather3A_531 = arith.constant 0 : i32
      %gather3A_532 = arith.constant 0 : i32
      %gather3A_533 = tpu.memref_slice %arg10[%gather3A_530, %gather3A_531, %gather3A_532] : memref<8x64x128xf32, #tpu.memory_space<vmem>> -> memref<1x64x128xf32, #tpu.memory_space<vmem>>
      %gather3A_534 = tpu.memref_squeeze %gather3A_533 : memref<1x64x128xf32, #tpu.memory_space<vmem>> -> memref<64x128xf32, #tpu.memory_space<vmem>>
      %gather3A_535 = tpu.vector_load_idx %gather3A_534[%add3A_209, %broadcast_in_dim3A_499] : memref<64x128xf32, #tpu.memory_space<vmem>>[vector<16xi32>, vector<16xi32>], vector<16xf32>,
      %mul3A_536 = arith.mulf %get3A_529, %gather3A_535 : vector<16xf32>
      %add3A_537 = arith.addf %add3A_524, %mul3A_536 : vector<16xf32>
      %get3A_538 = arith.constant 2 : i32
      %get3A_539 = arith.index_cast %get3A_538 : i32 to index
      %get3A_540 = arith.index_cast %and3A_494 : i32 to index
      %get3A_541 = arith.constant 48 : index
      %get3A_542 = tpu.vector_load %arg9[%get3A_539, %get3A_540, %get3A_541] {strides = array<i32>} : memref<8x8x64xf32, #tpu.memory_space<vmem>>, vector<16xf32>,
      %gather3A_543 = arith.constant 2 : i32
      %gather3A_544 = arith.constant 0 : i32
      %gather3A_545 = arith.constant 0 : i32
      %gather3A_546 = tpu.memref_slice %arg10[%gather3A_543, %gather3A_544, %gather3A_545] : memref<8x64x128xf32, #tpu.memory_space<vmem>> -> memref<1x64x128xf32, #tpu.memory_space<vmem>>
      %gather3A_547 = tpu.memref_squeeze %gather3A_546 : memref<1x64x128xf32, #tpu.memory_space<vmem>> -> memref<64x128xf32, #tpu.memory_space<vmem>>
      %gather3A_548 = tpu.vector_load_idx %gather3A_547[%add3A_212, %broadcast_in_dim3A_499] : memref<64x128xf32, #tpu.memory_space<vmem>>[vector<16xi32>, vector<16xi32>], vector<16xf32>,
      %mul3A_549 = arith.mulf %get3A_542, %gather3A_548 : vector<16xf32>
      %add3A_550 = arith.addf %add3A_537, %mul3A_549 : vector<16xf32>
      %eq3A_551 = arith.constant 2 : i32
      %eq3A_552 = vector.broadcast %eq3A_551 : i32 to vector<16xi32>
      %eq3A_553 = arith.cmpi eq, %iota3A, %eq3A_552 : vector<16xi32>
      %reduce_sum3A_554 = arith.constant true
      %reduce_sum3A_555 = vector.broadcast %reduce_sum3A_554 : i1 to vector<16xi1>
      %reduce_sum3A_556 = tpu.scan <sum>, %add3A_550 masked %reduce_sum3A_555 : vector<16xf32>, vector<16xi1> -> vector<16xf32>
      %reduce_sum3A_557 = vector.extract %reduce_sum3A_556[15] : f32 from vector<16xf32>
      %broadcast_in_dim3A_558 = vector.broadcast %reduce_sum3A_557 : f32 to vector<16xf32>
      %select_n3A_559 = arith.select %eq3A_553, %broadcast_in_dim3A_558, %select_n3A_447 : vector<16xi1>, vector<16xf32>
      %add3A_560 = arith.constant 3 : i32
      %add3A_561 = arith.addi %mul3A_220, %add3A_560 : i32
      %slice3A_562 = vector.extract_strided_slice %get3A_222 {offsets = [8], sizes = [1], strides = [1]} : vector<16xi32> to vector<1xi32>
      %squeeze3A_563 = vector.extract %slice3A_562[0] : i32 from vector<1xi32>
      %slice3A_564 = vector.extract_strided_slice %get3A_224 {offsets = [8], sizes = [1], strides = [1]} : vector<16xi32> to vector<1xi32>
      %squeeze3A_565 = vector.extract %slice3A_564[0] : i32 from vector<1xi32>
      %add3A_566 = arith.constant 5 : i32
      %add3A_567 = arith.addi %add3A_561, %add3A_566 : i32
      %lt3A_568 = arith.constant 512 : i32
      %lt3A_569 = arith.cmpi slt, %add3A_567, %lt3A_568 : i32
      %convert_element_type3A_570 = arith.extui %lt3A_569 : i1 to i32
      %cond3A_571 = arith.constant 0 : i32
      %cond3A_572 = arith.cmpi ne, %convert_element_type3A_570, %cond3A_571 : i32
      scf.if %cond3A_572 {
        %shift_right_arithmetic3A_2017 = arith.constant 3 : i32
        %shift_right_arithmetic3A_2018 = arith.shrsi %squeeze3A_563, %shift_right_arithmetic3A_2017 : i32
        %mul3A_2019 = arith.constant 8 : i32
        %mul3A_2020 = arith.muli %shift_right_arithmetic3A_2018, %mul3A_2019 : i32
        %multiple_of3A_2021 = tpu.assume_multiple %mul3A_2020, 8 : i32
        %dma_start3A_2022 = arith.constant 0 : i32
        %dma_start3A_2023 = arith.constant 0 : i32
        %dma_start3A_2024 = arith.constant 0 : i32
        %dma_start3A_2025 = tpu.memref_slice %arg9[%dma_start3A_2022, %dma_start3A_2023, %dma_start3A_2024] : memref<8x8x64xf32, #tpu.memory_space<vmem>> -> memref<1x8x64xf32, #tpu.memory_space<vmem>>
        %dma_start3A_2026 = tpu.memref_squeeze %dma_start3A_2025 : memref<1x8x64xf32, #tpu.memory_space<vmem>> -> memref<8x64xf32, #tpu.memory_space<vmem>>
        %dma_start3A_2027 = arith.constant 0 : i32
        %dma_start3A_2028 = tpu.memref_slice %arg4[%multiple_of3A_2021, %dma_start3A_2027] : memref<100000x64xf32, #tpu.memory_space<hbm>> -> memref<8x64xf32, #tpu.memory_space<hbm>>
        %dma_start3A_2029 = arith.constant 0 : i32
        %dma_start3A_2030 = arith.constant 0 : i32
        %dma_start3A_2031 = tpu.memref_slice %arg9[%dma_start3A_2022, %dma_start3A_2029, %dma_start3A_2030] : memref<8x8x64xf32, #tpu.memory_space<vmem>> -> memref<1x8x64xf32, #tpu.memory_space<vmem>>
        %dma_start3A_2032 = tpu.memref_squeeze %dma_start3A_2031 : memref<1x8x64xf32, #tpu.memory_space<vmem>> -> memref<8x64xf32, #tpu.memory_space<vmem>>
        %dma_start3A_2033 = arith.constant 0 : i32
        %dma_start3A_2034 = tpu.memref_slice %arg4[%multiple_of3A_2021, %dma_start3A_2033] : memref<100000x64xf32, #tpu.memory_space<hbm>> -> memref<8x64xf32, #tpu.memory_space<hbm>>
        tpu.enqueue_dma source(%dma_start3A_2034 : memref<8x64xf32, #tpu.memory_space<hbm>>) target(%dma_start3A_2032 : memref<8x64xf32, #tpu.memory_space<vmem>>) target_semaphore(%arg12 : memref<!tpu.dma_semaphore, #tpu.memory_space<semaphore_mem>>)
        %shift_right_arithmetic3A_2035 = arith.constant 7 : i32
        %shift_right_arithmetic3A_2036 = arith.shrsi %squeeze3A_565, %shift_right_arithmetic3A_2035 : i32
        %mul3A_2037 = arith.constant 128 : i32
        %mul3A_2038 = arith.muli %shift_right_arithmetic3A_2036, %mul3A_2037 : i32
        %multiple_of3A_2039 = tpu.assume_multiple %mul3A_2038, 128 : i32
        %dma_start3A_2040 = arith.constant 0 : i32
        %dma_start3A_2041 = arith.constant 0 : i32
        %dma_start3A_2042 = arith.constant 0 : i32
        %dma_start3A_2043 = tpu.memref_slice %arg10[%dma_start3A_2040, %dma_start3A_2041, %dma_start3A_2042] : memref<8x64x128xf32, #tpu.memory_space<vmem>> -> memref<1x64x128xf32, #tpu.memory_space<vmem>>
        %dma_start3A_2044 = tpu.memref_squeeze %dma_start3A_2043 : memref<1x64x128xf32, #tpu.memory_space<vmem>> -> memref<64x128xf32, #tpu.memory_space<vmem>>
        %dma_start3A_2045 = arith.constant 0 : i32
        %dma_start3A_2046 = tpu.memref_slice %arg5[%dma_start3A_2045, %multiple_of3A_2039] : memref<64x1000000xf32, #tpu.memory_space<hbm>> -> memref<64x128xf32, #tpu.memory_space<hbm>>
        %dma_start3A_2047 = arith.constant 0 : i32
        %dma_start3A_2048 = arith.constant 0 : i32
        %dma_start3A_2049 = tpu.memref_slice %arg10[%dma_start3A_2040, %dma_start3A_2047, %dma_start3A_2048] : memref<8x64x128xf32, #tpu.memory_space<vmem>> -> memref<1x64x128xf32, #tpu.memory_space<vmem>>
        %dma_start3A_2050 = tpu.memref_squeeze %dma_start3A_2049 : memref<1x64x128xf32, #tpu.memory_space<vmem>> -> memref<64x128xf32, #tpu.memory_space<vmem>>
        %dma_start3A_2051 = arith.constant 0 : i32
        %dma_start3A_2052 = tpu.memref_slice %arg5[%dma_start3A_2051, %multiple_of3A_2039] : memref<64x1000000xf32, #tpu.memory_space<hbm>> -> memref<64x128xf32, #tpu.memory_space<hbm>>
        tpu.enqueue_dma source(%dma_start3A_2052 : memref<64x128xf32, #tpu.memory_space<hbm>>) target(%dma_start3A_2050 : memref<64x128xf32, #tpu.memory_space<vmem>>) target_semaphore(%arg20 : memref<!tpu.dma_semaphore, #tpu.memory_space<semaphore_mem>>)
      } else {
      }
      %dma_wait3A_573 = arith.constant 3 : i32
      %dma_wait3A_574 = arith.constant 0 : i32
      %dma_wait3A_575 = arith.constant 0 : i32
      %dma_wait3A_576 = tpu.memref_slice %arg9[%dma_wait3A_573, %dma_wait3A_574, %dma_wait3A_575] : memref<8x8x64xf32, #tpu.memory_space<vmem>> -> memref<1x8x64xf32, #tpu.memory_space<vmem>>
      %dma_wait3A_577 = tpu.memref_squeeze %dma_wait3A_576 : memref<1x8x64xf32, #tpu.memory_space<vmem>> -> memref<8x64xf32, #tpu.memory_space<vmem>>
      %dma_wait3A_578 = arith.constant 0 : i32
      %dma_wait3A_579 = arith.constant 0 : i32
      %dma_wait3A_580 = tpu.memref_slice %arg4[%dma_wait3A_578, %dma_wait3A_579] : memref<100000x64xf32, #tpu.memory_space<hbm>> -> memref<8x64xf32, #tpu.memory_space<hbm>>
      %dma_wait3A_581 = arith.constant 0 : i32
      %dma_wait3A_582 = arith.constant 0 : i32
      %dma_wait3A_583 = tpu.memref_slice %arg9[%dma_wait3A_573, %dma_wait3A_581, %dma_wait3A_582] : memref<8x8x64xf32, #tpu.memory_space<vmem>> -> memref<1x8x64xf32, #tpu.memory_space<vmem>>
      %dma_wait3A_584 = tpu.memref_squeeze %dma_wait3A_583 : memref<1x8x64xf32, #tpu.memory_space<vmem>> -> memref<8x64xf32, #tpu.memory_space<vmem>>
      %dma_wait3A_585 = arith.constant 0 : i32
      %dma_wait3A_586 = arith.constant 0 : i32
      %dma_wait3A_587 = tpu.memref_slice %arg4[%dma_wait3A_585, %dma_wait3A_586] : memref<100000x64xf32, #tpu.memory_space<hbm>> -> memref<8x64xf32, #tpu.memory_space<hbm>>
      tpu.wait_dma2 semaphore(%arg15 : memref<!tpu.dma_semaphore, #tpu.memory_space<semaphore_mem>>) src(%dma_wait3A_587 : memref<8x64xf32, #tpu.memory_space<hbm>>) dst(%dma_wait3A_584 : memref<8x64xf32, #tpu.memory_space<vmem>>)
      %dma_wait3A_588 = arith.constant 3 : i32
      %dma_wait3A_589 = arith.constant 0 : i32
      %dma_wait3A_590 = arith.constant 0 : i32
      %dma_wait3A_591 = tpu.memref_slice %arg10[%dma_wait3A_588, %dma_wait3A_589, %dma_wait3A_590] : memref<8x64x128xf32, #tpu.memory_space<vmem>> -> memref<1x64x128xf32, #tpu.memory_space<vmem>>
      %dma_wait3A_592 = tpu.memref_squeeze %dma_wait3A_591 : memref<1x64x128xf32, #tpu.memory_space<vmem>> -> memref<64x128xf32, #tpu.memory_space<vmem>>
      %dma_wait3A_593 = arith.constant 0 : i32
      %dma_wait3A_594 = arith.constant 0 : i32
      %dma_wait3A_595 = tpu.memref_slice %arg5[%dma_wait3A_593, %dma_wait3A_594] : memref<64x1000000xf32, #tpu.memory_space<hbm>> -> memref<64x128xf32, #tpu.memory_space<hbm>>
      %dma_wait3A_596 = arith.constant 0 : i32
      %dma_wait3A_597 = arith.constant 0 : i32
      %dma_wait3A_598 = tpu.memref_slice %arg10[%dma_wait3A_588, %dma_wait3A_596, %dma_wait3A_597] : memref<8x64x128xf32, #tpu.memory_space<vmem>> -> memref<1x64x128xf32, #tpu.memory_space<vmem>>
      %dma_wait3A_599 = tpu.memref_squeeze %dma_wait3A_598 : memref<1x64x128xf32, #tpu.memory_space<vmem>> -> memref<64x128xf32, #tpu.memory_space<vmem>>
      %dma_wait3A_600 = arith.constant 0 : i32
      %dma_wait3A_601 = arith.constant 0 : i32
      %dma_wait3A_602 = tpu.memref_slice %arg5[%dma_wait3A_600, %dma_wait3A_601] : memref<64x1000000xf32, #tpu.memory_space<hbm>> -> memref<64x128xf32, #tpu.memory_space<hbm>>
      tpu.wait_dma2 semaphore(%arg23 : memref<!tpu.dma_semaphore, #tpu.memory_space<semaphore_mem>>) src(%dma_wait3A_602 : memref<64x128xf32, #tpu.memory_space<hbm>>) dst(%dma_wait3A_599 : memref<64x128xf32, #tpu.memory_space<vmem>>)
      %slice3A_603 = vector.extract_strided_slice %get3A_222 {offsets = [3], sizes = [1], strides = [1]} : vector<16xi32> to vector<1xi32>
      %squeeze3A_604 = vector.extract %slice3A_603[0] : i32 from vector<1xi32>
      %and3A_605 = arith.constant 7 : i32
      %and3A_606 = arith.andi %squeeze3A_604, %and3A_605 : i32
      %slice3A_607 = vector.extract_strided_slice %get3A_224 {offsets = [3], sizes = [1], strides = [1]} : vector<16xi32> to vector<1xi32>
      %squeeze3A_608 = vector.extract %slice3A_607[0] : i32 from vector<1xi32>
      %and3A_609 = arith.constant 127 : i32
      %and3A_610 = arith.andi %squeeze3A_608, %and3A_609 : i32
      %broadcast_in_dim3A_611 = vector.broadcast %and3A_610 : i32 to vector<16xi32>
      %get3A_612 = arith.constant 3 : i32
      %get3A_613 = arith.index_cast %get3A_612 : i32 to index
      %get3A_614 = arith.index_cast %and3A_606 : i32 to index
      %get3A_615 = arith.constant 0 : index
      %get3A_616 = tpu.vector_load %arg9[%get3A_613, %get3A_614, %get3A_615] {strides = array<i32>} : memref<8x8x64xf32, #tpu.memory_space<vmem>>, vector<16xf32>,
      %gather3A_617 = arith.constant 3 : i32
      %gather3A_618 = arith.constant 0 : i32
      %gather3A_619 = arith.constant 0 : i32
      %gather3A_620 = tpu.memref_slice %arg10[%gather3A_617, %gather3A_618, %gather3A_619] : memref<8x64x128xf32, #tpu.memory_space<vmem>> -> memref<1x64x128xf32, #tpu.memory_space<vmem>>
      %gather3A_621 = tpu.memref_squeeze %gather3A_620 : memref<1x64x128xf32, #tpu.memory_space<vmem>> -> memref<64x128xf32, #tpu.memory_space<vmem>>
      %gather3A_622 = tpu.vector_load_idx %gather3A_621[%add3A_203, %broadcast_in_dim3A_611] : memref<64x128xf32, #tpu.memory_space<vmem>>[vector<16xi32>, vector<16xi32>], vector<16xf32>,
      %mul3A_623 = arith.mulf %get3A_616, %gather3A_622 : vector<16xf32>
      %get3A_624 = arith.constant 3 : i32
      %get3A_625 = arith.index_cast %get3A_624 : i32 to index
      %get3A_626 = arith.index_cast %and3A_606 : i32 to index
      %get3A_627 = arith.constant 16 : index
      %get3A_628 = tpu.vector_load %arg9[%get3A_625, %get3A_626, %get3A_627] {strides = array<i32>} : memref<8x8x64xf32, #tpu.memory_space<vmem>>, vector<16xf32>,
      %gather3A_629 = arith.constant 3 : i32
      %gather3A_630 = arith.constant 0 : i32
      %gather3A_631 = arith.constant 0 : i32
      %gather3A_632 = tpu.memref_slice %arg10[%gather3A_629, %gather3A_630, %gather3A_631] : memref<8x64x128xf32, #tpu.memory_space<vmem>> -> memref<1x64x128xf32, #tpu.memory_space<vmem>>
      %gather3A_633 = tpu.memref_squeeze %gather3A_632 : memref<1x64x128xf32, #tpu.memory_space<vmem>> -> memref<64x128xf32, #tpu.memory_space<vmem>>
      %gather3A_634 = tpu.vector_load_idx %gather3A_633[%add3A_206, %broadcast_in_dim3A_611] : memref<64x128xf32, #tpu.memory_space<vmem>>[vector<16xi32>, vector<16xi32>], vector<16xf32>,
      %mul3A_635 = arith.mulf %get3A_628, %gather3A_634 : vector<16xf32>
      %add3A_636 = arith.addf %mul3A_623, %mul3A_635 : vector<16xf32>
      %get3A_637 = arith.constant 3 : i32
      %get3A_638 = arith.index_cast %get3A_637 : i32 to index
      %get3A_639 = arith.index_cast %and3A_606 : i32 to index
      %get3A_640 = arith.constant 32 : index
      %get3A_641 = tpu.vector_load %arg9[%get3A_638, %get3A_639, %get3A_640] {strides = array<i32>} : memref<8x8x64xf32, #tpu.memory_space<vmem>>, vector<16xf32>,
      %gather3A_642 = arith.constant 3 : i32
      %gather3A_643 = arith.constant 0 : i32
      %gather3A_644 = arith.constant 0 : i32
      %gather3A_645 = tpu.memref_slice %arg10[%gather3A_642, %gather3A_643, %gather3A_644] : memref<8x64x128xf32, #tpu.memory_space<vmem>> -> memref<1x64x128xf32, #tpu.memory_space<vmem>>
      %gather3A_646 = tpu.memref_squeeze %gather3A_645 : memref<1x64x128xf32, #tpu.memory_space<vmem>> -> memref<64x128xf32, #tpu.memory_space<vmem>>
      %gather3A_647 = tpu.vector_load_idx %gather3A_646[%add3A_209, %broadcast_in_dim3A_611] : memref<64x128xf32, #tpu.memory_space<vmem>>[vector<16xi32>, vector<16xi32>], vector<16xf32>,
      %mul3A_648 = arith.mulf %get3A_641, %gather3A_647 : vector<16xf32>
      %add3A_649 = arith.addf %add3A_636, %mul3A_648 : vector<16xf32>
      %get3A_650 = arith.constant 3 : i32
      %get3A_651 = arith.index_cast %get3A_650 : i32 to index
      %get3A_652 = arith.index_cast %and3A_606 : i32 to index
      %get3A_653 = arith.constant 48 : index
      %get3A_654 = tpu.vector_load %arg9[%get3A_651, %get3A_652, %get3A_653] {strides = array<i32>} : memref<8x8x64xf32, #tpu.memory_space<vmem>>, vector<16xf32>,
      %gather3A_655 = arith.constant 3 : i32
      %gather3A_656 = arith.constant 0 : i32
      %gather3A_657 = arith.constant 0 : i32
      %gather3A_658 = tpu.memref_slice %arg10[%gather3A_655, %gather3A_656, %gather3A_657] : memref<8x64x128xf32, #tpu.memory_space<vmem>> -> memref<1x64x128xf32, #tpu.memory_space<vmem>>
      %gather3A_659 = tpu.memref_squeeze %gather3A_658 : memref<1x64x128xf32, #tpu.memory_space<vmem>> -> memref<64x128xf32, #tpu.memory_space<vmem>>
      %gather3A_660 = tpu.vector_load_idx %gather3A_659[%add3A_212, %broadcast_in_dim3A_611] : memref<64x128xf32, #tpu.memory_space<vmem>>[vector<16xi32>, vector<16xi32>], vector<16xf32>,
      %mul3A_661 = arith.mulf %get3A_654, %gather3A_660 : vector<16xf32>
      %add3A_662 = arith.addf %add3A_649, %mul3A_661 : vector<16xf32>
      %eq3A_663 = arith.constant 3 : i32
      %eq3A_664 = vector.broadcast %eq3A_663 : i32 to vector<16xi32>
      %eq3A_665 = arith.cmpi eq, %iota3A, %eq3A_664 : vector<16xi32>
      %reduce_sum3A_666 = arith.constant true
      %reduce_sum3A_667 = vector.broadcast %reduce_sum3A_666 : i1 to vector<16xi1>
      %reduce_sum3A_668 = tpu.scan <sum>, %add3A_662 masked %reduce_sum3A_667 : vector<16xf32>, vector<16xi1> -> vector<16xf32>
      %reduce_sum3A_669 = vector.extract %reduce_sum3A_668[15] : f32 from vector<16xf32>
      %broadcast_in_dim3A_670 = vector.broadcast %reduce_sum3A_669 : f32 to vector<16xf32>
      %select_n3A_671 = arith.select %eq3A_665, %broadcast_in_dim3A_670, %select_n3A_559 : vector<16xi1>, vector<16xf32>
      %add3A_672 = arith.constant 4 : i32
      %add3A_673 = arith.addi %mul3A_220, %add3A_672 : i32
      %slice3A_674 = vector.extract_strided_slice %get3A_222 {offsets = [9], sizes = [1], strides = [1]} : vector<16xi32> to vector<1xi32>
      %squeeze3A_675 = vector.extract %slice3A_674[0] : i32 from vector<1xi32>
      %slice3A_676 = vector.extract_strided_slice %get3A_224 {offsets = [9], sizes = [1], strides = [1]} : vector<16xi32> to vector<1xi32>
      %squeeze3A_677 = vector.extract %slice3A_676[0] : i32 from vector<1xi32>
      %add3A_678 = arith.constant 5 : i32
      %add3A_679 = arith.addi %add3A_673, %add3A_678 : i32
      %lt3A_680 = arith.constant 512 : i32
      %lt3A_681 = arith.cmpi slt, %add3A_679, %lt3A_680 : i32
      %convert_element_type3A_682 = arith.extui %lt3A_681 : i1 to i32
      %cond3A_683 = arith.constant 0 : i32
      %cond3A_684 = arith.cmpi ne, %convert_element_type3A_682, %cond3A_683 : i32
      scf.if %cond3A_684 {
        %shift_right_arithmetic3A_2017 = arith.constant 3 : i32
        %shift_right_arithmetic3A_2018 = arith.shrsi %squeeze3A_675, %shift_right_arithmetic3A_2017 : i32
        %mul3A_2019 = arith.constant 8 : i32
        %mul3A_2020 = arith.muli %shift_right_arithmetic3A_2018, %mul3A_2019 : i32
        %multiple_of3A_2021 = tpu.assume_multiple %mul3A_2020, 8 : i32
        %dma_start3A_2022 = arith.constant 1 : i32
        %dma_start3A_2023 = arith.constant 0 : i32
        %dma_start3A_2024 = arith.constant 0 : i32
        %dma_start3A_2025 = tpu.memref_slice %arg9[%dma_start3A_2022, %dma_start3A_2023, %dma_start3A_2024] : memref<8x8x64xf32, #tpu.memory_space<vmem>> -> memref<1x8x64xf32, #tpu.memory_space<vmem>>
        %dma_start3A_2026 = tpu.memref_squeeze %dma_start3A_2025 : memref<1x8x64xf32, #tpu.memory_space<vmem>> -> memref<8x64xf32, #tpu.memory_space<vmem>>
        %dma_start3A_2027 = arith.constant 0 : i32
        %dma_start3A_2028 = tpu.memref_slice %arg4[%multiple_of3A_2021, %dma_start3A_2027] : memref<100000x64xf32, #tpu.memory_space<hbm>> -> memref<8x64xf32, #tpu.memory_space<hbm>>
        %dma_start3A_2029 = arith.constant 0 : i32
        %dma_start3A_2030 = arith.constant 0 : i32
        %dma_start3A_2031 = tpu.memref_slice %arg9[%dma_start3A_2022, %dma_start3A_2029, %dma_start3A_2030] : memref<8x8x64xf32, #tpu.memory_space<vmem>> -> memref<1x8x64xf32, #tpu.memory_space<vmem>>
        %dma_start3A_2032 = tpu.memref_squeeze %dma_start3A_2031 : memref<1x8x64xf32, #tpu.memory_space<vmem>> -> memref<8x64xf32, #tpu.memory_space<vmem>>
        %dma_start3A_2033 = arith.constant 0 : i32
        %dma_start3A_2034 = tpu.memref_slice %arg4[%multiple_of3A_2021, %dma_start3A_2033] : memref<100000x64xf32, #tpu.memory_space<hbm>> -> memref<8x64xf32, #tpu.memory_space<hbm>>
        tpu.enqueue_dma source(%dma_start3A_2034 : memref<8x64xf32, #tpu.memory_space<hbm>>) target(%dma_start3A_2032 : memref<8x64xf32, #tpu.memory_space<vmem>>) target_semaphore(%arg13 : memref<!tpu.dma_semaphore, #tpu.memory_space<semaphore_mem>>)
        %shift_right_arithmetic3A_2035 = arith.constant 7 : i32
        %shift_right_arithmetic3A_2036 = arith.shrsi %squeeze3A_677, %shift_right_arithmetic3A_2035 : i32
        %mul3A_2037 = arith.constant 128 : i32
        %mul3A_2038 = arith.muli %shift_right_arithmetic3A_2036, %mul3A_2037 : i32
        %multiple_of3A_2039 = tpu.assume_multiple %mul3A_2038, 128 : i32
        %dma_start3A_2040 = arith.constant 1 : i32
        %dma_start3A_2041 = arith.constant 0 : i32
        %dma_start3A_2042 = arith.constant 0 : i32
        %dma_start3A_2043 = tpu.memref_slice %arg10[%dma_start3A_2040, %dma_start3A_2041, %dma_start3A_2042] : memref<8x64x128xf32, #tpu.memory_space<vmem>> -> memref<1x64x128xf32, #tpu.memory_space<vmem>>
        %dma_start3A_2044 = tpu.memref_squeeze %dma_start3A_2043 : memref<1x64x128xf32, #tpu.memory_space<vmem>> -> memref<64x128xf32, #tpu.memory_space<vmem>>
        %dma_start3A_2045 = arith.constant 0 : i32
        %dma_start3A_2046 = tpu.memref_slice %arg5[%dma_start3A_2045, %multiple_of3A_2039] : memref<64x1000000xf32, #tpu.memory_space<hbm>> -> memref<64x128xf32, #tpu.memory_space<hbm>>
        %dma_start3A_2047 = arith.constant 0 : i32
        %dma_start3A_2048 = arith.constant 0 : i32
        %dma_start3A_2049 = tpu.memref_slice %arg10[%dma_start3A_2040, %dma_start3A_2047, %dma_start3A_2048] : memref<8x64x128xf32, #tpu.memory_space<vmem>> -> memref<1x64x128xf32, #tpu.memory_space<vmem>>
        %dma_start3A_2050 = tpu.memref_squeeze %dma_start3A_2049 : memref<1x64x128xf32, #tpu.memory_space<vmem>> -> memref<64x128xf32, #tpu.memory_space<vmem>>
        %dma_start3A_2051 = arith.constant 0 : i32
        %dma_start3A_2052 = tpu.memref_slice %arg5[%dma_start3A_2051, %multiple_of3A_2039] : memref<64x1000000xf32, #tpu.memory_space<hbm>> -> memref<64x128xf32, #tpu.memory_space<hbm>>
        tpu.enqueue_dma source(%dma_start3A_2052 : memref<64x128xf32, #tpu.memory_space<hbm>>) target(%dma_start3A_2050 : memref<64x128xf32, #tpu.memory_space<vmem>>) target_semaphore(%arg21 : memref<!tpu.dma_semaphore, #tpu.memory_space<semaphore_mem>>)
      } else {
      }
      %dma_wait3A_685 = arith.constant 4 : i32
      %dma_wait3A_686 = arith.constant 0 : i32
      %dma_wait3A_687 = arith.constant 0 : i32
      %dma_wait3A_688 = tpu.memref_slice %arg9[%dma_wait3A_685, %dma_wait3A_686, %dma_wait3A_687] : memref<8x8x64xf32, #tpu.memory_space<vmem>> -> memref<1x8x64xf32, #tpu.memory_space<vmem>>
      %dma_wait3A_689 = tpu.memref_squeeze %dma_wait3A_688 : memref<1x8x64xf32, #tpu.memory_space<vmem>> -> memref<8x64xf32, #tpu.memory_space<vmem>>
      %dma_wait3A_690 = arith.constant 0 : i32
      %dma_wait3A_691 = arith.constant 0 : i32
      %dma_wait3A_692 = tpu.memref_slice %arg4[%dma_wait3A_690, %dma_wait3A_691] : memref<100000x64xf32, #tpu.memory_space<hbm>> -> memref<8x64xf32, #tpu.memory_space<hbm>>
      %dma_wait3A_693 = arith.constant 0 : i32
      %dma_wait3A_694 = arith.constant 0 : i32
      %dma_wait3A_695 = tpu.memref_slice %arg9[%dma_wait3A_685, %dma_wait3A_693, %dma_wait3A_694] : memref<8x8x64xf32, #tpu.memory_space<vmem>> -> memref<1x8x64xf32, #tpu.memory_space<vmem>>
      %dma_wait3A_696 = tpu.memref_squeeze %dma_wait3A_695 : memref<1x8x64xf32, #tpu.memory_space<vmem>> -> memref<8x64xf32, #tpu.memory_space<vmem>>
      %dma_wait3A_697 = arith.constant 0 : i32
      %dma_wait3A_698 = arith.constant 0 : i32
      %dma_wait3A_699 = tpu.memref_slice %arg4[%dma_wait3A_697, %dma_wait3A_698] : memref<100000x64xf32, #tpu.memory_space<hbm>> -> memref<8x64xf32, #tpu.memory_space<hbm>>
      tpu.wait_dma2 semaphore(%arg16 : memref<!tpu.dma_semaphore, #tpu.memory_space<semaphore_mem>>) src(%dma_wait3A_699 : memref<8x64xf32, #tpu.memory_space<hbm>>) dst(%dma_wait3A_696 : memref<8x64xf32, #tpu.memory_space<vmem>>)
      %dma_wait3A_700 = arith.constant 4 : i32
      %dma_wait3A_701 = arith.constant 0 : i32
      %dma_wait3A_702 = arith.constant 0 : i32
      %dma_wait3A_703 = tpu.memref_slice %arg10[%dma_wait3A_700, %dma_wait3A_701, %dma_wait3A_702] : memref<8x64x128xf32, #tpu.memory_space<vmem>> -> memref<1x64x128xf32, #tpu.memory_space<vmem>>
      %dma_wait3A_704 = tpu.memref_squeeze %dma_wait3A_703 : memref<1x64x128xf32, #tpu.memory_space<vmem>> -> memref<64x128xf32, #tpu.memory_space<vmem>>
      %dma_wait3A_705 = arith.constant 0 : i32
      %dma_wait3A_706 = arith.constant 0 : i32
      %dma_wait3A_707 = tpu.memref_slice %arg5[%dma_wait3A_705, %dma_wait3A_706] : memref<64x1000000xf32, #tpu.memory_space<hbm>> -> memref<64x128xf32, #tpu.memory_space<hbm>>
      %dma_wait3A_708 = arith.constant 0 : i32
      %dma_wait3A_709 = arith.constant 0 : i32
      %dma_wait3A_710 = tpu.memref_slice %arg10[%dma_wait3A_700, %dma_wait3A_708, %dma_wait3A_709] : memref<8x64x128xf32, #tpu.memory_space<vmem>> -> memref<1x64x128xf32, #tpu.memory_space<vmem>>
      %dma_wait3A_711 = tpu.memref_squeeze %dma_wait3A_710 : memref<1x64x128xf32, #tpu.memory_space<vmem>> -> memref<64x128xf32, #tpu.memory_space<vmem>>
      %dma_wait3A_712 = arith.constant 0 : i32
      %dma_wait3A_713 = arith.constant 0 : i32
      %dma_wait3A_714 = tpu.memref_slice %arg5[%dma_wait3A_712, %dma_wait3A_713] : memref<64x1000000xf32, #tpu.memory_space<hbm>> -> memref<64x128xf32, #tpu.memory_space<hbm>>
      tpu.wait_dma2 semaphore(%arg24 : memref<!tpu.dma_semaphore, #tpu.memory_space<semaphore_mem>>) src(%dma_wait3A_714 : memref<64x128xf32, #tpu.memory_space<hbm>>) dst(%dma_wait3A_711 : memref<64x128xf32, #tpu.memory_space<vmem>>)
      %slice3A_715 = vector.extract_strided_slice %get3A_222 {offsets = [4], sizes = [1], strides = [1]} : vector<16xi32> to vector<1xi32>
      %squeeze3A_716 = vector.extract %slice3A_715[0] : i32 from vector<1xi32>
      %and3A_717 = arith.constant 7 : i32
      %and3A_718 = arith.andi %squeeze3A_716, %and3A_717 : i32
      %slice3A_719 = vector.extract_strided_slice %get3A_224 {offsets = [4], sizes = [1], strides = [1]} : vector<16xi32> to vector<1xi32>
      %squeeze3A_720 = vector.extract %slice3A_719[0] : i32 from vector<1xi32>
      %and3A_721 = arith.constant 127 : i32
      %and3A_722 = arith.andi %squeeze3A_720, %and3A_721 : i32
      %broadcast_in_dim3A_723 = vector.broadcast %and3A_722 : i32 to vector<16xi32>
      %get3A_724 = arith.constant 4 : i32
      %get3A_725 = arith.index_cast %get3A_724 : i32 to index
      %get3A_726 = arith.index_cast %and3A_718 : i32 to index
      %get3A_727 = arith.constant 0 : index
      %get3A_728 = tpu.vector_load %arg9[%get3A_725, %get3A_726, %get3A_727] {strides = array<i32>} : memref<8x8x64xf32, #tpu.memory_space<vmem>>, vector<16xf32>,
      %gather3A_729 = arith.constant 4 : i32
      %gather3A_730 = arith.constant 0 : i32
      %gather3A_731 = arith.constant 0 : i32
      %gather3A_732 = tpu.memref_slice %arg10[%gather3A_729, %gather3A_730, %gather3A_731] : memref<8x64x128xf32, #tpu.memory_space<vmem>> -> memref<1x64x128xf32, #tpu.memory_space<vmem>>
      %gather3A_733 = tpu.memref_squeeze %gather3A_732 : memref<1x64x128xf32, #tpu.memory_space<vmem>> -> memref<64x128xf32, #tpu.memory_space<vmem>>
      %gather3A_734 = tpu.vector_load_idx %gather3A_733[%add3A_203, %broadcast_in_dim3A_723] : memref<64x128xf32, #tpu.memory_space<vmem>>[vector<16xi32>, vector<16xi32>], vector<16xf32>,
      %mul3A_735 = arith.mulf %get3A_728, %gather3A_734 : vector<16xf32>
      %get3A_736 = arith.constant 4 : i32
      %get3A_737 = arith.index_cast %get3A_736 : i32 to index
      %get3A_738 = arith.index_cast %and3A_718 : i32 to index
      %get3A_739 = arith.constant 16 : index
      %get3A_740 = tpu.vector_load %arg9[%get3A_737, %get3A_738, %get3A_739] {strides = array<i32>} : memref<8x8x64xf32, #tpu.memory_space<vmem>>, vector<16xf32>,
      %gather3A_741 = arith.constant 4 : i32
      %gather3A_742 = arith.constant 0 : i32
      %gather3A_743 = arith.constant 0 : i32
      %gather3A_744 = tpu.memref_slice %arg10[%gather3A_741, %gather3A_742, %gather3A_743] : memref<8x64x128xf32, #tpu.memory_space<vmem>> -> memref<1x64x128xf32, #tpu.memory_space<vmem>>
      %gather3A_745 = tpu.memref_squeeze %gather3A_744 : memref<1x64x128xf32, #tpu.memory_space<vmem>> -> memref<64x128xf32, #tpu.memory_space<vmem>>
      %gather3A_746 = tpu.vector_load_idx %gather3A_745[%add3A_206, %broadcast_in_dim3A_723] : memref<64x128xf32, #tpu.memory_space<vmem>>[vector<16xi32>, vector<16xi32>], vector<16xf32>,
      %mul3A_747 = arith.mulf %get3A_740, %gather3A_746 : vector<16xf32>
      %add3A_748 = arith.addf %mul3A_735, %mul3A_747 : vector<16xf32>
      %get3A_749 = arith.constant 4 : i32
      %get3A_750 = arith.index_cast %get3A_749 : i32 to index
      %get3A_751 = arith.index_cast %and3A_718 : i32 to index
      %get3A_752 = arith.constant 32 : index
      %get3A_753 = tpu.vector_load %arg9[%get3A_750, %get3A_751, %get3A_752] {strides = array<i32>} : memref<8x8x64xf32, #tpu.memory_space<vmem>>, vector<16xf32>,
      %gather3A_754 = arith.constant 4 : i32
      %gather3A_755 = arith.constant 0 : i32
      %gather3A_756 = arith.constant 0 : i32
      %gather3A_757 = tpu.memref_slice %arg10[%gather3A_754, %gather3A_755, %gather3A_756] : memref<8x64x128xf32, #tpu.memory_space<vmem>> -> memref<1x64x128xf32, #tpu.memory_space<vmem>>
      %gather3A_758 = tpu.memref_squeeze %gather3A_757 : memref<1x64x128xf32, #tpu.memory_space<vmem>> -> memref<64x128xf32, #tpu.memory_space<vmem>>
      %gather3A_759 = tpu.vector_load_idx %gather3A_758[%add3A_209, %broadcast_in_dim3A_723] : memref<64x128xf32, #tpu.memory_space<vmem>>[vector<16xi32>, vector<16xi32>], vector<16xf32>,
      %mul3A_760 = arith.mulf %get3A_753, %gather3A_759 : vector<16xf32>
      %add3A_761 = arith.addf %add3A_748, %mul3A_760 : vector<16xf32>
      %get3A_762 = arith.constant 4 : i32
      %get3A_763 = arith.index_cast %get3A_762 : i32 to index
      %get3A_764 = arith.index_cast %and3A_718 : i32 to index
      %get3A_765 = arith.constant 48 : index
      %get3A_766 = tpu.vector_load %arg9[%get3A_763, %get3A_764, %get3A_765] {strides = array<i32>} : memref<8x8x64xf32, #tpu.memory_space<vmem>>, vector<16xf32>,
      %gather3A_767 = arith.constant 4 : i32
      %gather3A_768 = arith.constant 0 : i32
      %gather3A_769 = arith.constant 0 : i32
      %gather3A_770 = tpu.memref_slice %arg10[%gather3A_767, %gather3A_768, %gather3A_769] : memref<8x64x128xf32, #tpu.memory_space<vmem>> -> memref<1x64x128xf32, #tpu.memory_space<vmem>>
      %gather3A_771 = tpu.memref_squeeze %gather3A_770 : memref<1x64x128xf32, #tpu.memory_space<vmem>> -> memref<64x128xf32, #tpu.memory_space<vmem>>
      %gather3A_772 = tpu.vector_load_idx %gather3A_771[%add3A_212, %broadcast_in_dim3A_723] : memref<64x128xf32, #tpu.memory_space<vmem>>[vector<16xi32>, vector<16xi32>], vector<16xf32>,
      %mul3A_773 = arith.mulf %get3A_766, %gather3A_772 : vector<16xf32>
      %add3A_774 = arith.addf %add3A_761, %mul3A_773 : vector<16xf32>
      %eq3A_775 = arith.constant 4 : i32
      %eq3A_776 = vector.broadcast %eq3A_775 : i32 to vector<16xi32>
      %eq3A_777 = arith.cmpi eq, %iota3A, %eq3A_776 : vector<16xi32>
      %reduce_sum3A_778 = arith.constant true
      %reduce_sum3A_779 = vector.broadcast %reduce_sum3A_778 : i1 to vector<16xi1>
      %reduce_sum3A_780 = tpu.scan <sum>, %add3A_774 masked %reduce_sum3A_779 : vector<16xf32>, vector<16xi1> -> vector<16xf32>
      %reduce_sum3A_781 = vector.extract %reduce_sum3A_780[15] : f32 from vector<16xf32>
      %broadcast_in_dim3A_782 = vector.broadcast %reduce_sum3A_781 : f32 to vector<16xf32>
      %select_n3A_783 = arith.select %eq3A_777, %broadcast_in_dim3A_782, %select_n3A_671 : vector<16xi1>, vector<16xf32>
      %add3A_784 = arith.constant 5 : i32
      %add3A_785 = arith.addi %mul3A_220, %add3A_784 : i32
      %slice3A_786 = vector.extract_strided_slice %get3A_222 {offsets = [10], sizes = [1], strides = [1]} : vector<16xi32> to vector<1xi32>
      %squeeze3A_787 = vector.extract %slice3A_786[0] : i32 from vector<1xi32>
      %slice3A_788 = vector.extract_strided_slice %get3A_224 {offsets = [10], sizes = [1], strides = [1]} : vector<16xi32> to vector<1xi32>
      %squeeze3A_789 = vector.extract %slice3A_788[0] : i32 from vector<1xi32>
      %add3A_790 = arith.constant 5 : i32
      %add3A_791 = arith.addi %add3A_785, %add3A_790 : i32
      %lt3A_792 = arith.constant 512 : i32
      %lt3A_793 = arith.cmpi slt, %add3A_791, %lt3A_792 : i32
      %convert_element_type3A_794 = arith.extui %lt3A_793 : i1 to i32
      %cond3A_795 = arith.constant 0 : i32
      %cond3A_796 = arith.cmpi ne, %convert_element_type3A_794, %cond3A_795 : i32
      scf.if %cond3A_796 {
        %shift_right_arithmetic3A_2017 = arith.constant 3 : i32
        %shift_right_arithmetic3A_2018 = arith.shrsi %squeeze3A_787, %shift_right_arithmetic3A_2017 : i32
        %mul3A_2019 = arith.constant 8 : i32
        %mul3A_2020 = arith.muli %shift_right_arithmetic3A_2018, %mul3A_2019 : i32
        %multiple_of3A_2021 = tpu.assume_multiple %mul3A_2020, 8 : i32
        %dma_start3A_2022 = arith.constant 2 : i32
        %dma_start3A_2023 = arith.constant 0 : i32
        %dma_start3A_2024 = arith.constant 0 : i32
        %dma_start3A_2025 = tpu.memref_slice %arg9[%dma_start3A_2022, %dma_start3A_2023, %dma_start3A_2024] : memref<8x8x64xf32, #tpu.memory_space<vmem>> -> memref<1x8x64xf32, #tpu.memory_space<vmem>>
        %dma_start3A_2026 = tpu.memref_squeeze %dma_start3A_2025 : memref<1x8x64xf32, #tpu.memory_space<vmem>> -> memref<8x64xf32, #tpu.memory_space<vmem>>
        %dma_start3A_2027 = arith.constant 0 : i32
        %dma_start3A_2028 = tpu.memref_slice %arg4[%multiple_of3A_2021, %dma_start3A_2027] : memref<100000x64xf32, #tpu.memory_space<hbm>> -> memref<8x64xf32, #tpu.memory_space<hbm>>
        %dma_start3A_2029 = arith.constant 0 : i32
        %dma_start3A_2030 = arith.constant 0 : i32
        %dma_start3A_2031 = tpu.memref_slice %arg9[%dma_start3A_2022, %dma_start3A_2029, %dma_start3A_2030] : memref<8x8x64xf32, #tpu.memory_space<vmem>> -> memref<1x8x64xf32, #tpu.memory_space<vmem>>
        %dma_start3A_2032 = tpu.memref_squeeze %dma_start3A_2031 : memref<1x8x64xf32, #tpu.memory_space<vmem>> -> memref<8x64xf32, #tpu.memory_space<vmem>>
        %dma_start3A_2033 = arith.constant 0 : i32
        %dma_start3A_2034 = tpu.memref_slice %arg4[%multiple_of3A_2021, %dma_start3A_2033] : memref<100000x64xf32, #tpu.memory_space<hbm>> -> memref<8x64xf32, #tpu.memory_space<hbm>>
        tpu.enqueue_dma source(%dma_start3A_2034 : memref<8x64xf32, #tpu.memory_space<hbm>>) target(%dma_start3A_2032 : memref<8x64xf32, #tpu.memory_space<vmem>>) target_semaphore(%arg14 : memref<!tpu.dma_semaphore, #tpu.memory_space<semaphore_mem>>)
        %shift_right_arithmetic3A_2035 = arith.constant 7 : i32
        %shift_right_arithmetic3A_2036 = arith.shrsi %squeeze3A_789, %shift_right_arithmetic3A_2035 : i32
        %mul3A_2037 = arith.constant 128 : i32
        %mul3A_2038 = arith.muli %shift_right_arithmetic3A_2036, %mul3A_2037 : i32
        %multiple_of3A_2039 = tpu.assume_multiple %mul3A_2038, 128 : i32
        %dma_start3A_2040 = arith.constant 2 : i32
        %dma_start3A_2041 = arith.constant 0 : i32
        %dma_start3A_2042 = arith.constant 0 : i32
        %dma_start3A_2043 = tpu.memref_slice %arg10[%dma_start3A_2040, %dma_start3A_2041, %dma_start3A_2042] : memref<8x64x128xf32, #tpu.memory_space<vmem>> -> memref<1x64x128xf32, #tpu.memory_space<vmem>>
        %dma_start3A_2044 = tpu.memref_squeeze %dma_start3A_2043 : memref<1x64x128xf32, #tpu.memory_space<vmem>> -> memref<64x128xf32, #tpu.memory_space<vmem>>
        %dma_start3A_2045 = arith.constant 0 : i32
        %dma_start3A_2046 = tpu.memref_slice %arg5[%dma_start3A_2045, %multiple_of3A_2039] : memref<64x1000000xf32, #tpu.memory_space<hbm>> -> memref<64x128xf32, #tpu.memory_space<hbm>>
        %dma_start3A_2047 = arith.constant 0 : i32
        %dma_start3A_2048 = arith.constant 0 : i32
        %dma_start3A_2049 = tpu.memref_slice %arg10[%dma_start3A_2040, %dma_start3A_2047, %dma_start3A_2048] : memref<8x64x128xf32, #tpu.memory_space<vmem>> -> memref<1x64x128xf32, #tpu.memory_space<vmem>>
        %dma_start3A_2050 = tpu.memref_squeeze %dma_start3A_2049 : memref<1x64x128xf32, #tpu.memory_space<vmem>> -> memref<64x128xf32, #tpu.memory_space<vmem>>
        %dma_start3A_2051 = arith.constant 0 : i32
        %dma_start3A_2052 = tpu.memref_slice %arg5[%dma_start3A_2051, %multiple_of3A_2039] : memref<64x1000000xf32, #tpu.memory_space<hbm>> -> memref<64x128xf32, #tpu.memory_space<hbm>>
        tpu.enqueue_dma source(%dma_start3A_2052 : memref<64x128xf32, #tpu.memory_space<hbm>>) target(%dma_start3A_2050 : memref<64x128xf32, #tpu.memory_space<vmem>>) target_semaphore(%arg22 : memref<!tpu.dma_semaphore, #tpu.memory_space<semaphore_mem>>)
      } else {
      }
      %dma_wait3A_797 = arith.constant 5 : i32
      %dma_wait3A_798 = arith.constant 0 : i32
      %dma_wait3A_799 = arith.constant 0 : i32
      %dma_wait3A_800 = tpu.memref_slice %arg9[%dma_wait3A_797, %dma_wait3A_798, %dma_wait3A_799] : memref<8x8x64xf32, #tpu.memory_space<vmem>> -> memref<1x8x64xf32, #tpu.memory_space<vmem>>
      %dma_wait3A_801 = tpu.memref_squeeze %dma_wait3A_800 : memref<1x8x64xf32, #tpu.memory_space<vmem>> -> memref<8x64xf32, #tpu.memory_space<vmem>>
      %dma_wait3A_802 = arith.constant 0 : i32
      %dma_wait3A_803 = arith.constant 0 : i32
      %dma_wait3A_804 = tpu.memref_slice %arg4[%dma_wait3A_802, %dma_wait3A_803] : memref<100000x64xf32, #tpu.memory_space<hbm>> -> memref<8x64xf32, #tpu.memory_space<hbm>>
      %dma_wait3A_805 = arith.constant 0 : i32
      %dma_wait3A_806 = arith.constant 0 : i32
      %dma_wait3A_807 = tpu.memref_slice %arg9[%dma_wait3A_797, %dma_wait3A_805, %dma_wait3A_806] : memref<8x8x64xf32, #tpu.memory_space<vmem>> -> memref<1x8x64xf32, #tpu.memory_space<vmem>>
      %dma_wait3A_808 = tpu.memref_squeeze %dma_wait3A_807 : memref<1x8x64xf32, #tpu.memory_space<vmem>> -> memref<8x64xf32, #tpu.memory_space<vmem>>
      %dma_wait3A_809 = arith.constant 0 : i32
      %dma_wait3A_810 = arith.constant 0 : i32
      %dma_wait3A_811 = tpu.memref_slice %arg4[%dma_wait3A_809, %dma_wait3A_810] : memref<100000x64xf32, #tpu.memory_space<hbm>> -> memref<8x64xf32, #tpu.memory_space<hbm>>
      tpu.wait_dma2 semaphore(%arg17 : memref<!tpu.dma_semaphore, #tpu.memory_space<semaphore_mem>>) src(%dma_wait3A_811 : memref<8x64xf32, #tpu.memory_space<hbm>>) dst(%dma_wait3A_808 : memref<8x64xf32, #tpu.memory_space<vmem>>)
      %dma_wait3A_812 = arith.constant 5 : i32
      %dma_wait3A_813 = arith.constant 0 : i32
      %dma_wait3A_814 = arith.constant 0 : i32
      %dma_wait3A_815 = tpu.memref_slice %arg10[%dma_wait3A_812, %dma_wait3A_813, %dma_wait3A_814] : memref<8x64x128xf32, #tpu.memory_space<vmem>> -> memref<1x64x128xf32, #tpu.memory_space<vmem>>
      %dma_wait3A_816 = tpu.memref_squeeze %dma_wait3A_815 : memref<1x64x128xf32, #tpu.memory_space<vmem>> -> memref<64x128xf32, #tpu.memory_space<vmem>>
      %dma_wait3A_817 = arith.constant 0 : i32
      %dma_wait3A_818 = arith.constant 0 : i32
      %dma_wait3A_819 = tpu.memref_slice %arg5[%dma_wait3A_817, %dma_wait3A_818] : memref<64x1000000xf32, #tpu.memory_space<hbm>> -> memref<64x128xf32, #tpu.memory_space<hbm>>
      %dma_wait3A_820 = arith.constant 0 : i32
      %dma_wait3A_821 = arith.constant 0 : i32
      %dma_wait3A_822 = tpu.memref_slice %arg10[%dma_wait3A_812, %dma_wait3A_820, %dma_wait3A_821] : memref<8x64x128xf32, #tpu.memory_space<vmem>> -> memref<1x64x128xf32, #tpu.memory_space<vmem>>
      %dma_wait3A_823 = tpu.memref_squeeze %dma_wait3A_822 : memref<1x64x128xf32, #tpu.memory_space<vmem>> -> memref<64x128xf32, #tpu.memory_space<vmem>>
      %dma_wait3A_824 = arith.constant 0 : i32
      %dma_wait3A_825 = arith.constant 0 : i32
      %dma_wait3A_826 = tpu.memref_slice %arg5[%dma_wait3A_824, %dma_wait3A_825] : memref<64x1000000xf32, #tpu.memory_space<hbm>> -> memref<64x128xf32, #tpu.memory_space<hbm>>
      tpu.wait_dma2 semaphore(%arg25 : memref<!tpu.dma_semaphore, #tpu.memory_space<semaphore_mem>>) src(%dma_wait3A_826 : memref<64x128xf32, #tpu.memory_space<hbm>>) dst(%dma_wait3A_823 : memref<64x128xf32, #tpu.memory_space<vmem>>)
      %slice3A_827 = vector.extract_strided_slice %get3A_222 {offsets = [5], sizes = [1], strides = [1]} : vector<16xi32> to vector<1xi32>
      %squeeze3A_828 = vector.extract %slice3A_827[0] : i32 from vector<1xi32>
      %and3A_829 = arith.constant 7 : i32
      %and3A_830 = arith.andi %squeeze3A_828, %and3A_829 : i32
      %slice3A_831 = vector.extract_strided_slice %get3A_224 {offsets = [5], sizes = [1], strides = [1]} : vector<16xi32> to vector<1xi32>
      %squeeze3A_832 = vector.extract %slice3A_831[0] : i32 from vector<1xi32>
      %and3A_833 = arith.constant 127 : i32
      %and3A_834 = arith.andi %squeeze3A_832, %and3A_833 : i32
      %broadcast_in_dim3A_835 = vector.broadcast %and3A_834 : i32 to vector<16xi32>
      %get3A_836 = arith.constant 5 : i32
      %get3A_837 = arith.index_cast %get3A_836 : i32 to index
      %get3A_838 = arith.index_cast %and3A_830 : i32 to index
      %get3A_839 = arith.constant 0 : index
      %get3A_840 = tpu.vector_load %arg9[%get3A_837, %get3A_838, %get3A_839] {strides = array<i32>} : memref<8x8x64xf32, #tpu.memory_space<vmem>>, vector<16xf32>,
      %gather3A_841 = arith.constant 5 : i32
      %gather3A_842 = arith.constant 0 : i32
      %gather3A_843 = arith.constant 0 : i32
      %gather3A_844 = tpu.memref_slice %arg10[%gather3A_841, %gather3A_842, %gather3A_843] : memref<8x64x128xf32, #tpu.memory_space<vmem>> -> memref<1x64x128xf32, #tpu.memory_space<vmem>>
      %gather3A_845 = tpu.memref_squeeze %gather3A_844 : memref<1x64x128xf32, #tpu.memory_space<vmem>> -> memref<64x128xf32, #tpu.memory_space<vmem>>
      %gather3A_846 = tpu.vector_load_idx %gather3A_845[%add3A_203, %broadcast_in_dim3A_835] : memref<64x128xf32, #tpu.memory_space<vmem>>[vector<16xi32>, vector<16xi32>], vector<16xf32>,
      %mul3A_847 = arith.mulf %get3A_840, %gather3A_846 : vector<16xf32>
      %get3A_848 = arith.constant 5 : i32
      %get3A_849 = arith.index_cast %get3A_848 : i32 to index
      %get3A_850 = arith.index_cast %and3A_830 : i32 to index
      %get3A_851 = arith.constant 16 : index
      %get3A_852 = tpu.vector_load %arg9[%get3A_849, %get3A_850, %get3A_851] {strides = array<i32>} : memref<8x8x64xf32, #tpu.memory_space<vmem>>, vector<16xf32>,
      %gather3A_853 = arith.constant 5 : i32
      %gather3A_854 = arith.constant 0 : i32
      %gather3A_855 = arith.constant 0 : i32
      %gather3A_856 = tpu.memref_slice %arg10[%gather3A_853, %gather3A_854, %gather3A_855] : memref<8x64x128xf32, #tpu.memory_space<vmem>> -> memref<1x64x128xf32, #tpu.memory_space<vmem>>
      %gather3A_857 = tpu.memref_squeeze %gather3A_856 : memref<1x64x128xf32, #tpu.memory_space<vmem>> -> memref<64x128xf32, #tpu.memory_space<vmem>>
      %gather3A_858 = tpu.vector_load_idx %gather3A_857[%add3A_206, %broadcast_in_dim3A_835] : memref<64x128xf32, #tpu.memory_space<vmem>>[vector<16xi32>, vector<16xi32>], vector<16xf32>,
      %mul3A_859 = arith.mulf %get3A_852, %gather3A_858 : vector<16xf32>
      %add3A_860 = arith.addf %mul3A_847, %mul3A_859 : vector<16xf32>
      %get3A_861 = arith.constant 5 : i32
      %get3A_862 = arith.index_cast %get3A_861 : i32 to index
      %get3A_863 = arith.index_cast %and3A_830 : i32 to index
      %get3A_864 = arith.constant 32 : index
      %get3A_865 = tpu.vector_load %arg9[%get3A_862, %get3A_863, %get3A_864] {strides = array<i32>} : memref<8x8x64xf32, #tpu.memory_space<vmem>>, vector<16xf32>,
      %gather3A_866 = arith.constant 5 : i32
      %gather3A_867 = arith.constant 0 : i32
      %gather3A_868 = arith.constant 0 : i32
      %gather3A_869 = tpu.memref_slice %arg10[%gather3A_866, %gather3A_867, %gather3A_868] : memref<8x64x128xf32, #tpu.memory_space<vmem>> -> memref<1x64x128xf32, #tpu.memory_space<vmem>>
      %gather3A_870 = tpu.memref_squeeze %gather3A_869 : memref<1x64x128xf32, #tpu.memory_space<vmem>> -> memref<64x128xf32, #tpu.memory_space<vmem>>
      %gather3A_871 = tpu.vector_load_idx %gather3A_870[%add3A_209, %broadcast_in_dim3A_835] : memref<64x128xf32, #tpu.memory_space<vmem>>[vector<16xi32>, vector<16xi32>], vector<16xf32>,
      %mul3A_872 = arith.mulf %get3A_865, %gather3A_871 : vector<16xf32>
      %add3A_873 = arith.addf %add3A_860, %mul3A_872 : vector<16xf32>
      %get3A_874 = arith.constant 5 : i32
      %get3A_875 = arith.index_cast %get3A_874 : i32 to index
      %get3A_876 = arith.index_cast %and3A_830 : i32 to index
      %get3A_877 = arith.constant 48 : index
      %get3A_878 = tpu.vector_load %arg9[%get3A_875, %get3A_876, %get3A_877] {strides = array<i32>} : memref<8x8x64xf32, #tpu.memory_space<vmem>>, vector<16xf32>,
      %gather3A_879 = arith.constant 5 : i32
      %gather3A_880 = arith.constant 0 : i32
      %gather3A_881 = arith.constant 0 : i32
      %gather3A_882 = tpu.memref_slice %arg10[%gather3A_879, %gather3A_880, %gather3A_881] : memref<8x64x128xf32, #tpu.memory_space<vmem>> -> memref<1x64x128xf32, #tpu.memory_space<vmem>>
      %gather3A_883 = tpu.memref_squeeze %gather3A_882 : memref<1x64x128xf32, #tpu.memory_space<vmem>> -> memref<64x128xf32, #tpu.memory_space<vmem>>
      %gather3A_884 = tpu.vector_load_idx %gather3A_883[%add3A_212, %broadcast_in_dim3A_835] : memref<64x128xf32, #tpu.memory_space<vmem>>[vector<16xi32>, vector<16xi32>], vector<16xf32>,
      %mul3A_885 = arith.mulf %get3A_878, %gather3A_884 : vector<16xf32>
      %add3A_886 = arith.addf %add3A_873, %mul3A_885 : vector<16xf32>
      %eq3A_887 = arith.constant 5 : i32
      %eq3A_888 = vector.broadcast %eq3A_887 : i32 to vector<16xi32>
      %eq3A_889 = arith.cmpi eq, %iota3A, %eq3A_888 : vector<16xi32>
      %reduce_sum3A_890 = arith.constant true
      %reduce_sum3A_891 = vector.broadcast %reduce_sum3A_890 : i1 to vector<16xi1>
      %reduce_sum3A_892 = tpu.scan <sum>, %add3A_886 masked %reduce_sum3A_891 : vector<16xf32>, vector<16xi1> -> vector<16xf32>
      %reduce_sum3A_893 = vector.extract %reduce_sum3A_892[15] : f32 from vector<16xf32>
      %broadcast_in_dim3A_894 = vector.broadcast %reduce_sum3A_893 : f32 to vector<16xf32>
      %select_n3A_895 = arith.select %eq3A_889, %broadcast_in_dim3A_894, %select_n3A_783 : vector<16xi1>, vector<16xf32>
      %add3A_896 = arith.constant 6 : i32
      %add3A_897 = arith.addi %mul3A_220, %add3A_896 : i32
      %slice3A_898 = vector.extract_strided_slice %get3A_222 {offsets = [11], sizes = [1], strides = [1]} : vector<16xi32> to vector<1xi32>
      %squeeze3A_899 = vector.extract %slice3A_898[0] : i32 from vector<1xi32>
      %slice3A_900 = vector.extract_strided_slice %get3A_224 {offsets = [11], sizes = [1], strides = [1]} : vector<16xi32> to vector<1xi32>
      %squeeze3A_901 = vector.extract %slice3A_900[0] : i32 from vector<1xi32>
      %add3A_902 = arith.constant 5 : i32
      %add3A_903 = arith.addi %add3A_897, %add3A_902 : i32
      %lt3A_904 = arith.constant 512 : i32
      %lt3A_905 = arith.cmpi slt, %add3A_903, %lt3A_904 : i32
      %convert_element_type3A_906 = arith.extui %lt3A_905 : i1 to i32
      %cond3A_907 = arith.constant 0 : i32
      %cond3A_908 = arith.cmpi ne, %convert_element_type3A_906, %cond3A_907 : i32
      scf.if %cond3A_908 {
        %shift_right_arithmetic3A_2017 = arith.constant 3 : i32
        %shift_right_arithmetic3A_2018 = arith.shrsi %squeeze3A_899, %shift_right_arithmetic3A_2017 : i32
        %mul3A_2019 = arith.constant 8 : i32
        %mul3A_2020 = arith.muli %shift_right_arithmetic3A_2018, %mul3A_2019 : i32
        %multiple_of3A_2021 = tpu.assume_multiple %mul3A_2020, 8 : i32
        %dma_start3A_2022 = arith.constant 3 : i32
        %dma_start3A_2023 = arith.constant 0 : i32
        %dma_start3A_2024 = arith.constant 0 : i32
        %dma_start3A_2025 = tpu.memref_slice %arg9[%dma_start3A_2022, %dma_start3A_2023, %dma_start3A_2024] : memref<8x8x64xf32, #tpu.memory_space<vmem>> -> memref<1x8x64xf32, #tpu.memory_space<vmem>>
        %dma_start3A_2026 = tpu.memref_squeeze %dma_start3A_2025 : memref<1x8x64xf32, #tpu.memory_space<vmem>> -> memref<8x64xf32, #tpu.memory_space<vmem>>
        %dma_start3A_2027 = arith.constant 0 : i32
        %dma_start3A_2028 = tpu.memref_slice %arg4[%multiple_of3A_2021, %dma_start3A_2027] : memref<100000x64xf32, #tpu.memory_space<hbm>> -> memref<8x64xf32, #tpu.memory_space<hbm>>
        %dma_start3A_2029 = arith.constant 0 : i32
        %dma_start3A_2030 = arith.constant 0 : i32
        %dma_start3A_2031 = tpu.memref_slice %arg9[%dma_start3A_2022, %dma_start3A_2029, %dma_start3A_2030] : memref<8x8x64xf32, #tpu.memory_space<vmem>> -> memref<1x8x64xf32, #tpu.memory_space<vmem>>
        %dma_start3A_2032 = tpu.memref_squeeze %dma_start3A_2031 : memref<1x8x64xf32, #tpu.memory_space<vmem>> -> memref<8x64xf32, #tpu.memory_space<vmem>>
        %dma_start3A_2033 = arith.constant 0 : i32
        %dma_start3A_2034 = tpu.memref_slice %arg4[%multiple_of3A_2021, %dma_start3A_2033] : memref<100000x64xf32, #tpu.memory_space<hbm>> -> memref<8x64xf32, #tpu.memory_space<hbm>>
        tpu.enqueue_dma source(%dma_start3A_2034 : memref<8x64xf32, #tpu.memory_space<hbm>>) target(%dma_start3A_2032 : memref<8x64xf32, #tpu.memory_space<vmem>>) target_semaphore(%arg15 : memref<!tpu.dma_semaphore, #tpu.memory_space<semaphore_mem>>)
        %shift_right_arithmetic3A_2035 = arith.constant 7 : i32
        %shift_right_arithmetic3A_2036 = arith.shrsi %squeeze3A_901, %shift_right_arithmetic3A_2035 : i32
        %mul3A_2037 = arith.constant 128 : i32
        %mul3A_2038 = arith.muli %shift_right_arithmetic3A_2036, %mul3A_2037 : i32
        %multiple_of3A_2039 = tpu.assume_multiple %mul3A_2038, 128 : i32
        %dma_start3A_2040 = arith.constant 3 : i32
        %dma_start3A_2041 = arith.constant 0 : i32
        %dma_start3A_2042 = arith.constant 0 : i32
        %dma_start3A_2043 = tpu.memref_slice %arg10[%dma_start3A_2040, %dma_start3A_2041, %dma_start3A_2042] : memref<8x64x128xf32, #tpu.memory_space<vmem>> -> memref<1x64x128xf32, #tpu.memory_space<vmem>>
        %dma_start3A_2044 = tpu.memref_squeeze %dma_start3A_2043 : memref<1x64x128xf32, #tpu.memory_space<vmem>> -> memref<64x128xf32, #tpu.memory_space<vmem>>
        %dma_start3A_2045 = arith.constant 0 : i32
        %dma_start3A_2046 = tpu.memref_slice %arg5[%dma_start3A_2045, %multiple_of3A_2039] : memref<64x1000000xf32, #tpu.memory_space<hbm>> -> memref<64x128xf32, #tpu.memory_space<hbm>>
        %dma_start3A_2047 = arith.constant 0 : i32
        %dma_start3A_2048 = arith.constant 0 : i32
        %dma_start3A_2049 = tpu.memref_slice %arg10[%dma_start3A_2040, %dma_start3A_2047, %dma_start3A_2048] : memref<8x64x128xf32, #tpu.memory_space<vmem>> -> memref<1x64x128xf32, #tpu.memory_space<vmem>>
        %dma_start3A_2050 = tpu.memref_squeeze %dma_start3A_2049 : memref<1x64x128xf32, #tpu.memory_space<vmem>> -> memref<64x128xf32, #tpu.memory_space<vmem>>
        %dma_start3A_2051 = arith.constant 0 : i32
        %dma_start3A_2052 = tpu.memref_slice %arg5[%dma_start3A_2051, %multiple_of3A_2039] : memref<64x1000000xf32, #tpu.memory_space<hbm>> -> memref<64x128xf32, #tpu.memory_space<hbm>>
        tpu.enqueue_dma source(%dma_start3A_2052 : memref<64x128xf32, #tpu.memory_space<hbm>>) target(%dma_start3A_2050 : memref<64x128xf32, #tpu.memory_space<vmem>>) target_semaphore(%arg23 : memref<!tpu.dma_semaphore, #tpu.memory_space<semaphore_mem>>)
      } else {
      }
      %dma_wait3A_909 = arith.constant 6 : i32
      %dma_wait3A_910 = arith.constant 0 : i32
      %dma_wait3A_911 = arith.constant 0 : i32
      %dma_wait3A_912 = tpu.memref_slice %arg9[%dma_wait3A_909, %dma_wait3A_910, %dma_wait3A_911] : memref<8x8x64xf32, #tpu.memory_space<vmem>> -> memref<1x8x64xf32, #tpu.memory_space<vmem>>
      %dma_wait3A_913 = tpu.memref_squeeze %dma_wait3A_912 : memref<1x8x64xf32, #tpu.memory_space<vmem>> -> memref<8x64xf32, #tpu.memory_space<vmem>>
      %dma_wait3A_914 = arith.constant 0 : i32
      %dma_wait3A_915 = arith.constant 0 : i32
      %dma_wait3A_916 = tpu.memref_slice %arg4[%dma_wait3A_914, %dma_wait3A_915] : memref<100000x64xf32, #tpu.memory_space<hbm>> -> memref<8x64xf32, #tpu.memory_space<hbm>>
      %dma_wait3A_917 = arith.constant 0 : i32
      %dma_wait3A_918 = arith.constant 0 : i32
      %dma_wait3A_919 = tpu.memref_slice %arg9[%dma_wait3A_909, %dma_wait3A_917, %dma_wait3A_918] : memref<8x8x64xf32, #tpu.memory_space<vmem>> -> memref<1x8x64xf32, #tpu.memory_space<vmem>>
      %dma_wait3A_920 = tpu.memref_squeeze %dma_wait3A_919 : memref<1x8x64xf32, #tpu.memory_space<vmem>> -> memref<8x64xf32, #tpu.memory_space<vmem>>
      %dma_wait3A_921 = arith.constant 0 : i32
      %dma_wait3A_922 = arith.constant 0 : i32
      %dma_wait3A_923 = tpu.memref_slice %arg4[%dma_wait3A_921, %dma_wait3A_922] : memref<100000x64xf32, #tpu.memory_space<hbm>> -> memref<8x64xf32, #tpu.memory_space<hbm>>
      tpu.wait_dma2 semaphore(%arg18 : memref<!tpu.dma_semaphore, #tpu.memory_space<semaphore_mem>>) src(%dma_wait3A_923 : memref<8x64xf32, #tpu.memory_space<hbm>>) dst(%dma_wait3A_920 : memref<8x64xf32, #tpu.memory_space<vmem>>)
      %dma_wait3A_924 = arith.constant 6 : i32
      %dma_wait3A_925 = arith.constant 0 : i32
      %dma_wait3A_926 = arith.constant 0 : i32
      %dma_wait3A_927 = tpu.memref_slice %arg10[%dma_wait3A_924, %dma_wait3A_925, %dma_wait3A_926] : memref<8x64x128xf32, #tpu.memory_space<vmem>> -> memref<1x64x128xf32, #tpu.memory_space<vmem>>
      %dma_wait3A_928 = tpu.memref_squeeze %dma_wait3A_927 : memref<1x64x128xf32, #tpu.memory_space<vmem>> -> memref<64x128xf32, #tpu.memory_space<vmem>>
      %dma_wait3A_929 = arith.constant 0 : i32
      %dma_wait3A_930 = arith.constant 0 : i32
      %dma_wait3A_931 = tpu.memref_slice %arg5[%dma_wait3A_929, %dma_wait3A_930] : memref<64x1000000xf32, #tpu.memory_space<hbm>> -> memref<64x128xf32, #tpu.memory_space<hbm>>
      %dma_wait3A_932 = arith.constant 0 : i32
      %dma_wait3A_933 = arith.constant 0 : i32
      %dma_wait3A_934 = tpu.memref_slice %arg10[%dma_wait3A_924, %dma_wait3A_932, %dma_wait3A_933] : memref<8x64x128xf32, #tpu.memory_space<vmem>> -> memref<1x64x128xf32, #tpu.memory_space<vmem>>
      %dma_wait3A_935 = tpu.memref_squeeze %dma_wait3A_934 : memref<1x64x128xf32, #tpu.memory_space<vmem>> -> memref<64x128xf32, #tpu.memory_space<vmem>>
      %dma_wait3A_936 = arith.constant 0 : i32
      %dma_wait3A_937 = arith.constant 0 : i32
      %dma_wait3A_938 = tpu.memref_slice %arg5[%dma_wait3A_936, %dma_wait3A_937] : memref<64x1000000xf32, #tpu.memory_space<hbm>> -> memref<64x128xf32, #tpu.memory_space<hbm>>
      tpu.wait_dma2 semaphore(%arg26 : memref<!tpu.dma_semaphore, #tpu.memory_space<semaphore_mem>>) src(%dma_wait3A_938 : memref<64x128xf32, #tpu.memory_space<hbm>>) dst(%dma_wait3A_935 : memref<64x128xf32, #tpu.memory_space<vmem>>)
      %slice3A_939 = vector.extract_strided_slice %get3A_222 {offsets = [6], sizes = [1], strides = [1]} : vector<16xi32> to vector<1xi32>
      %squeeze3A_940 = vector.extract %slice3A_939[0] : i32 from vector<1xi32>
      %and3A_941 = arith.constant 7 : i32
      %and3A_942 = arith.andi %squeeze3A_940, %and3A_941 : i32
      %slice3A_943 = vector.extract_strided_slice %get3A_224 {offsets = [6], sizes = [1], strides = [1]} : vector<16xi32> to vector<1xi32>
      %squeeze3A_944 = vector.extract %slice3A_943[0] : i32 from vector<1xi32>
      %and3A_945 = arith.constant 127 : i32
      %and3A_946 = arith.andi %squeeze3A_944, %and3A_945 : i32
      %broadcast_in_dim3A_947 = vector.broadcast %and3A_946 : i32 to vector<16xi32>
      %get3A_948 = arith.constant 6 : i32
      %get3A_949 = arith.index_cast %get3A_948 : i32 to index
      %get3A_950 = arith.index_cast %and3A_942 : i32 to index
      %get3A_951 = arith.constant 0 : index
      %get3A_952 = tpu.vector_load %arg9[%get3A_949, %get3A_950, %get3A_951] {strides = array<i32>} : memref<8x8x64xf32, #tpu.memory_space<vmem>>, vector<16xf32>,
      %gather3A_953 = arith.constant 6 : i32
      %gather3A_954 = arith.constant 0 : i32
      %gather3A_955 = arith.constant 0 : i32
      %gather3A_956 = tpu.memref_slice %arg10[%gather3A_953, %gather3A_954, %gather3A_955] : memref<8x64x128xf32, #tpu.memory_space<vmem>> -> memref<1x64x128xf32, #tpu.memory_space<vmem>>
      %gather3A_957 = tpu.memref_squeeze %gather3A_956 : memref<1x64x128xf32, #tpu.memory_space<vmem>> -> memref<64x128xf32, #tpu.memory_space<vmem>>
      %gather3A_958 = tpu.vector_load_idx %gather3A_957[%add3A_203, %broadcast_in_dim3A_947] : memref<64x128xf32, #tpu.memory_space<vmem>>[vector<16xi32>, vector<16xi32>], vector<16xf32>,
      %mul3A_959 = arith.mulf %get3A_952, %gather3A_958 : vector<16xf32>
      %get3A_960 = arith.constant 6 : i32
      %get3A_961 = arith.index_cast %get3A_960 : i32 to index
      %get3A_962 = arith.index_cast %and3A_942 : i32 to index
      %get3A_963 = arith.constant 16 : index
      %get3A_964 = tpu.vector_load %arg9[%get3A_961, %get3A_962, %get3A_963] {strides = array<i32>} : memref<8x8x64xf32, #tpu.memory_space<vmem>>, vector<16xf32>,
      %gather3A_965 = arith.constant 6 : i32
      %gather3A_966 = arith.constant 0 : i32
      %gather3A_967 = arith.constant 0 : i32
      %gather3A_968 = tpu.memref_slice %arg10[%gather3A_965, %gather3A_966, %gather3A_967] : memref<8x64x128xf32, #tpu.memory_space<vmem>> -> memref<1x64x128xf32, #tpu.memory_space<vmem>>
      %gather3A_969 = tpu.memref_squeeze %gather3A_968 : memref<1x64x128xf32, #tpu.memory_space<vmem>> -> memref<64x128xf32, #tpu.memory_space<vmem>>
      %gather3A_970 = tpu.vector_load_idx %gather3A_969[%add3A_206, %broadcast_in_dim3A_947] : memref<64x128xf32, #tpu.memory_space<vmem>>[vector<16xi32>, vector<16xi32>], vector<16xf32>,
      %mul3A_971 = arith.mulf %get3A_964, %gather3A_970 : vector<16xf32>
      %add3A_972 = arith.addf %mul3A_959, %mul3A_971 : vector<16xf32>
      %get3A_973 = arith.constant 6 : i32
      %get3A_974 = arith.index_cast %get3A_973 : i32 to index
      %get3A_975 = arith.index_cast %and3A_942 : i32 to index
      %get3A_976 = arith.constant 32 : index
      %get3A_977 = tpu.vector_load %arg9[%get3A_974, %get3A_975, %get3A_976] {strides = array<i32>} : memref<8x8x64xf32, #tpu.memory_space<vmem>>, vector<16xf32>,
      %gather3A_978 = arith.constant 6 : i32
      %gather3A_979 = arith.constant 0 : i32
      %gather3A_980 = arith.constant 0 : i32
      %gather3A_981 = tpu.memref_slice %arg10[%gather3A_978, %gather3A_979, %gather3A_980] : memref<8x64x128xf32, #tpu.memory_space<vmem>> -> memref<1x64x128xf32, #tpu.memory_space<vmem>>
      %gather3A_982 = tpu.memref_squeeze %gather3A_981 : memref<1x64x128xf32, #tpu.memory_space<vmem>> -> memref<64x128xf32, #tpu.memory_space<vmem>>
      %gather3A_983 = tpu.vector_load_idx %gather3A_982[%add3A_209, %broadcast_in_dim3A_947] : memref<64x128xf32, #tpu.memory_space<vmem>>[vector<16xi32>, vector<16xi32>], vector<16xf32>,
      %mul3A_984 = arith.mulf %get3A_977, %gather3A_983 : vector<16xf32>
      %add3A_985 = arith.addf %add3A_972, %mul3A_984 : vector<16xf32>
      %get3A_986 = arith.constant 6 : i32
      %get3A_987 = arith.index_cast %get3A_986 : i32 to index
      %get3A_988 = arith.index_cast %and3A_942 : i32 to index
      %get3A_989 = arith.constant 48 : index
      %get3A_990 = tpu.vector_load %arg9[%get3A_987, %get3A_988, %get3A_989] {strides = array<i32>} : memref<8x8x64xf32, #tpu.memory_space<vmem>>, vector<16xf32>,
      %gather3A_991 = arith.constant 6 : i32
      %gather3A_992 = arith.constant 0 : i32
      %gather3A_993 = arith.constant 0 : i32
      %gather3A_994 = tpu.memref_slice %arg10[%gather3A_991, %gather3A_992, %gather3A_993] : memref<8x64x128xf32, #tpu.memory_space<vmem>> -> memref<1x64x128xf32, #tpu.memory_space<vmem>>
      %gather3A_995 = tpu.memref_squeeze %gather3A_994 : memref<1x64x128xf32, #tpu.memory_space<vmem>> -> memref<64x128xf32, #tpu.memory_space<vmem>>
      %gather3A_996 = tpu.vector_load_idx %gather3A_995[%add3A_212, %broadcast_in_dim3A_947] : memref<64x128xf32, #tpu.memory_space<vmem>>[vector<16xi32>, vector<16xi32>], vector<16xf32>,
      %mul3A_997 = arith.mulf %get3A_990, %gather3A_996 : vector<16xf32>
      %add3A_998 = arith.addf %add3A_985, %mul3A_997 : vector<16xf32>
      %eq3A_999 = arith.constant 6 : i32
      %eq3A_1000 = vector.broadcast %eq3A_999 : i32 to vector<16xi32>
      %eq3A_1001 = arith.cmpi eq, %iota3A, %eq3A_1000 : vector<16xi32>
      %reduce_sum3A_1002 = arith.constant true
      %reduce_sum3A_1003 = vector.broadcast %reduce_sum3A_1002 : i1 to vector<16xi1>
      %reduce_sum3A_1004 = tpu.scan <sum>, %add3A_998 masked %reduce_sum3A_1003 : vector<16xf32>, vector<16xi1> -> vector<16xf32>
      %reduce_sum3A_1005 = vector.extract %reduce_sum3A_1004[15] : f32 from vector<16xf32>
      %broadcast_in_dim3A_1006 = vector.broadcast %reduce_sum3A_1005 : f32 to vector<16xf32>
      %select_n3A_1007 = arith.select %eq3A_1001, %broadcast_in_dim3A_1006, %select_n3A_895 : vector<16xi1>, vector<16xf32>
      %add3A_1008 = arith.constant 7 : i32
      %add3A_1009 = arith.addi %mul3A_220, %add3A_1008 : i32
      %slice3A_1010 = vector.extract_strided_slice %get3A_222 {offsets = [12], sizes = [1], strides = [1]} : vector<16xi32> to vector<1xi32>
      %squeeze3A_1011 = vector.extract %slice3A_1010[0] : i32 from vector<1xi32>
      %slice3A_1012 = vector.extract_strided_slice %get3A_224 {offsets = [12], sizes = [1], strides = [1]} : vector<16xi32> to vector<1xi32>
      %squeeze3A_1013 = vector.extract %slice3A_1012[0] : i32 from vector<1xi32>
      %add3A_1014 = arith.constant 5 : i32
      %add3A_1015 = arith.addi %add3A_1009, %add3A_1014 : i32
      %lt3A_1016 = arith.constant 512 : i32
      %lt3A_1017 = arith.cmpi slt, %add3A_1015, %lt3A_1016 : i32
      %convert_element_type3A_1018 = arith.extui %lt3A_1017 : i1 to i32
      %cond3A_1019 = arith.constant 0 : i32
      %cond3A_1020 = arith.cmpi ne, %convert_element_type3A_1018, %cond3A_1019 : i32
      scf.if %cond3A_1020 {
        %shift_right_arithmetic3A_2017 = arith.constant 3 : i32
        %shift_right_arithmetic3A_2018 = arith.shrsi %squeeze3A_1011, %shift_right_arithmetic3A_2017 : i32
        %mul3A_2019 = arith.constant 8 : i32
        %mul3A_2020 = arith.muli %shift_right_arithmetic3A_2018, %mul3A_2019 : i32
        %multiple_of3A_2021 = tpu.assume_multiple %mul3A_2020, 8 : i32
        %dma_start3A_2022 = arith.constant 4 : i32
        %dma_start3A_2023 = arith.constant 0 : i32
        %dma_start3A_2024 = arith.constant 0 : i32
        %dma_start3A_2025 = tpu.memref_slice %arg9[%dma_start3A_2022, %dma_start3A_2023, %dma_start3A_2024] : memref<8x8x64xf32, #tpu.memory_space<vmem>> -> memref<1x8x64xf32, #tpu.memory_space<vmem>>
        %dma_start3A_2026 = tpu.memref_squeeze %dma_start3A_2025 : memref<1x8x64xf32, #tpu.memory_space<vmem>> -> memref<8x64xf32, #tpu.memory_space<vmem>>
        %dma_start3A_2027 = arith.constant 0 : i32
        %dma_start3A_2028 = tpu.memref_slice %arg4[%multiple_of3A_2021, %dma_start3A_2027] : memref<100000x64xf32, #tpu.memory_space<hbm>> -> memref<8x64xf32, #tpu.memory_space<hbm>>
        %dma_start3A_2029 = arith.constant 0 : i32
        %dma_start3A_2030 = arith.constant 0 : i32
        %dma_start3A_2031 = tpu.memref_slice %arg9[%dma_start3A_2022, %dma_start3A_2029, %dma_start3A_2030] : memref<8x8x64xf32, #tpu.memory_space<vmem>> -> memref<1x8x64xf32, #tpu.memory_space<vmem>>
        %dma_start3A_2032 = tpu.memref_squeeze %dma_start3A_2031 : memref<1x8x64xf32, #tpu.memory_space<vmem>> -> memref<8x64xf32, #tpu.memory_space<vmem>>
        %dma_start3A_2033 = arith.constant 0 : i32
        %dma_start3A_2034 = tpu.memref_slice %arg4[%multiple_of3A_2021, %dma_start3A_2033] : memref<100000x64xf32, #tpu.memory_space<hbm>> -> memref<8x64xf32, #tpu.memory_space<hbm>>
        tpu.enqueue_dma source(%dma_start3A_2034 : memref<8x64xf32, #tpu.memory_space<hbm>>) target(%dma_start3A_2032 : memref<8x64xf32, #tpu.memory_space<vmem>>) target_semaphore(%arg16 : memref<!tpu.dma_semaphore, #tpu.memory_space<semaphore_mem>>)
        %shift_right_arithmetic3A_2035 = arith.constant 7 : i32
        %shift_right_arithmetic3A_2036 = arith.shrsi %squeeze3A_1013, %shift_right_arithmetic3A_2035 : i32
        %mul3A_2037 = arith.constant 128 : i32
        %mul3A_2038 = arith.muli %shift_right_arithmetic3A_2036, %mul3A_2037 : i32
        %multiple_of3A_2039 = tpu.assume_multiple %mul3A_2038, 128 : i32
        %dma_start3A_2040 = arith.constant 4 : i32
        %dma_start3A_2041 = arith.constant 0 : i32
        %dma_start3A_2042 = arith.constant 0 : i32
        %dma_start3A_2043 = tpu.memref_slice %arg10[%dma_start3A_2040, %dma_start3A_2041, %dma_start3A_2042] : memref<8x64x128xf32, #tpu.memory_space<vmem>> -> memref<1x64x128xf32, #tpu.memory_space<vmem>>
        %dma_start3A_2044 = tpu.memref_squeeze %dma_start3A_2043 : memref<1x64x128xf32, #tpu.memory_space<vmem>> -> memref<64x128xf32, #tpu.memory_space<vmem>>
        %dma_start3A_2045 = arith.constant 0 : i32
        %dma_start3A_2046 = tpu.memref_slice %arg5[%dma_start3A_2045, %multiple_of3A_2039] : memref<64x1000000xf32, #tpu.memory_space<hbm>> -> memref<64x128xf32, #tpu.memory_space<hbm>>
        %dma_start3A_2047 = arith.constant 0 : i32
        %dma_start3A_2048 = arith.constant 0 : i32
        %dma_start3A_2049 = tpu.memref_slice %arg10[%dma_start3A_2040, %dma_start3A_2047, %dma_start3A_2048] : memref<8x64x128xf32, #tpu.memory_space<vmem>> -> memref<1x64x128xf32, #tpu.memory_space<vmem>>
        %dma_start3A_2050 = tpu.memref_squeeze %dma_start3A_2049 : memref<1x64x128xf32, #tpu.memory_space<vmem>> -> memref<64x128xf32, #tpu.memory_space<vmem>>
        %dma_start3A_2051 = arith.constant 0 : i32
        %dma_start3A_2052 = tpu.memref_slice %arg5[%dma_start3A_2051, %multiple_of3A_2039] : memref<64x1000000xf32, #tpu.memory_space<hbm>> -> memref<64x128xf32, #tpu.memory_space<hbm>>
        tpu.enqueue_dma source(%dma_start3A_2052 : memref<64x128xf32, #tpu.memory_space<hbm>>) target(%dma_start3A_2050 : memref<64x128xf32, #tpu.memory_space<vmem>>) target_semaphore(%arg24 : memref<!tpu.dma_semaphore, #tpu.memory_space<semaphore_mem>>)
      } else {
      }
      %dma_wait3A_1021 = arith.constant 7 : i32
      %dma_wait3A_1022 = arith.constant 0 : i32
      %dma_wait3A_1023 = arith.constant 0 : i32
      %dma_wait3A_1024 = tpu.memref_slice %arg9[%dma_wait3A_1021, %dma_wait3A_1022, %dma_wait3A_1023] : memref<8x8x64xf32, #tpu.memory_space<vmem>> -> memref<1x8x64xf32, #tpu.memory_space<vmem>>
      %dma_wait3A_1025 = tpu.memref_squeeze %dma_wait3A_1024 : memref<1x8x64xf32, #tpu.memory_space<vmem>> -> memref<8x64xf32, #tpu.memory_space<vmem>>
      %dma_wait3A_1026 = arith.constant 0 : i32
      %dma_wait3A_1027 = arith.constant 0 : i32
      %dma_wait3A_1028 = tpu.memref_slice %arg4[%dma_wait3A_1026, %dma_wait3A_1027] : memref<100000x64xf32, #tpu.memory_space<hbm>> -> memref<8x64xf32, #tpu.memory_space<hbm>>
      %dma_wait3A_1029 = arith.constant 0 : i32
      %dma_wait3A_1030 = arith.constant 0 : i32
      %dma_wait3A_1031 = tpu.memref_slice %arg9[%dma_wait3A_1021, %dma_wait3A_1029, %dma_wait3A_1030] : memref<8x8x64xf32, #tpu.memory_space<vmem>> -> memref<1x8x64xf32, #tpu.memory_space<vmem>>
      %dma_wait3A_1032 = tpu.memref_squeeze %dma_wait3A_1031 : memref<1x8x64xf32, #tpu.memory_space<vmem>> -> memref<8x64xf32, #tpu.memory_space<vmem>>
      %dma_wait3A_1033 = arith.constant 0 : i32
      %dma_wait3A_1034 = arith.constant 0 : i32
      %dma_wait3A_1035 = tpu.memref_slice %arg4[%dma_wait3A_1033, %dma_wait3A_1034] : memref<100000x64xf32, #tpu.memory_space<hbm>> -> memref<8x64xf32, #tpu.memory_space<hbm>>
      tpu.wait_dma2 semaphore(%arg19 : memref<!tpu.dma_semaphore, #tpu.memory_space<semaphore_mem>>) src(%dma_wait3A_1035 : memref<8x64xf32, #tpu.memory_space<hbm>>) dst(%dma_wait3A_1032 : memref<8x64xf32, #tpu.memory_space<vmem>>)
      %dma_wait3A_1036 = arith.constant 7 : i32
      %dma_wait3A_1037 = arith.constant 0 : i32
      %dma_wait3A_1038 = arith.constant 0 : i32
      %dma_wait3A_1039 = tpu.memref_slice %arg10[%dma_wait3A_1036, %dma_wait3A_1037, %dma_wait3A_1038] : memref<8x64x128xf32, #tpu.memory_space<vmem>> -> memref<1x64x128xf32, #tpu.memory_space<vmem>>
      %dma_wait3A_1040 = tpu.memref_squeeze %dma_wait3A_1039 : memref<1x64x128xf32, #tpu.memory_space<vmem>> -> memref<64x128xf32, #tpu.memory_space<vmem>>
      %dma_wait3A_1041 = arith.constant 0 : i32
      %dma_wait3A_1042 = arith.constant 0 : i32
      %dma_wait3A_1043 = tpu.memref_slice %arg5[%dma_wait3A_1041, %dma_wait3A_1042] : memref<64x1000000xf32, #tpu.memory_space<hbm>> -> memref<64x128xf32, #tpu.memory_space<hbm>>
      %dma_wait3A_1044 = arith.constant 0 : i32
      %dma_wait3A_1045 = arith.constant 0 : i32
      %dma_wait3A_1046 = tpu.memref_slice %arg10[%dma_wait3A_1036, %dma_wait3A_1044, %dma_wait3A_1045] : memref<8x64x128xf32, #tpu.memory_space<vmem>> -> memref<1x64x128xf32, #tpu.memory_space<vmem>>
      %dma_wait3A_1047 = tpu.memref_squeeze %dma_wait3A_1046 : memref<1x64x128xf32, #tpu.memory_space<vmem>> -> memref<64x128xf32, #tpu.memory_space<vmem>>
      %dma_wait3A_1048 = arith.constant 0 : i32
      %dma_wait3A_1049 = arith.constant 0 : i32
      %dma_wait3A_1050 = tpu.memref_slice %arg5[%dma_wait3A_1048, %dma_wait3A_1049] : memref<64x1000000xf32, #tpu.memory_space<hbm>> -> memref<64x128xf32, #tpu.memory_space<hbm>>
      tpu.wait_dma2 semaphore(%arg27 : memref<!tpu.dma_semaphore, #tpu.memory_space<semaphore_mem>>) src(%dma_wait3A_1050 : memref<64x128xf32, #tpu.memory_space<hbm>>) dst(%dma_wait3A_1047 : memref<64x128xf32, #tpu.memory_space<vmem>>)
      %slice3A_1051 = vector.extract_strided_slice %get3A_222 {offsets = [7], sizes = [1], strides = [1]} : vector<16xi32> to vector<1xi32>
      %squeeze3A_1052 = vector.extract %slice3A_1051[0] : i32 from vector<1xi32>
      %and3A_1053 = arith.constant 7 : i32
      %and3A_1054 = arith.andi %squeeze3A_1052, %and3A_1053 : i32
      %slice3A_1055 = vector.extract_strided_slice %get3A_224 {offsets = [7], sizes = [1], strides = [1]} : vector<16xi32> to vector<1xi32>
      %squeeze3A_1056 = vector.extract %slice3A_1055[0] : i32 from vector<1xi32>
      %and3A_1057 = arith.constant 127 : i32
      %and3A_1058 = arith.andi %squeeze3A_1056, %and3A_1057 : i32
      %broadcast_in_dim3A_1059 = vector.broadcast %and3A_1058 : i32 to vector<16xi32>
      %get3A_1060 = arith.constant 7 : i32
      %get3A_1061 = arith.index_cast %get3A_1060 : i32 to index
      %get3A_1062 = arith.index_cast %and3A_1054 : i32 to index
      %get3A_1063 = arith.constant 0 : index
      %get3A_1064 = tpu.vector_load %arg9[%get3A_1061, %get3A_1062, %get3A_1063] {strides = array<i32>} : memref<8x8x64xf32, #tpu.memory_space<vmem>>, vector<16xf32>,
      %gather3A_1065 = arith.constant 7 : i32
      %gather3A_1066 = arith.constant 0 : i32
      %gather3A_1067 = arith.constant 0 : i32
      %gather3A_1068 = tpu.memref_slice %arg10[%gather3A_1065, %gather3A_1066, %gather3A_1067] : memref<8x64x128xf32, #tpu.memory_space<vmem>> -> memref<1x64x128xf32, #tpu.memory_space<vmem>>
      %gather3A_1069 = tpu.memref_squeeze %gather3A_1068 : memref<1x64x128xf32, #tpu.memory_space<vmem>> -> memref<64x128xf32, #tpu.memory_space<vmem>>
      %gather3A_1070 = tpu.vector_load_idx %gather3A_1069[%add3A_203, %broadcast_in_dim3A_1059] : memref<64x128xf32, #tpu.memory_space<vmem>>[vector<16xi32>, vector<16xi32>], vector<16xf32>,
      %mul3A_1071 = arith.mulf %get3A_1064, %gather3A_1070 : vector<16xf32>
      %get3A_1072 = arith.constant 7 : i32
      %get3A_1073 = arith.index_cast %get3A_1072 : i32 to index
      %get3A_1074 = arith.index_cast %and3A_1054 : i32 to index
      %get3A_1075 = arith.constant 16 : index
      %get3A_1076 = tpu.vector_load %arg9[%get3A_1073, %get3A_1074, %get3A_1075] {strides = array<i32>} : memref<8x8x64xf32, #tpu.memory_space<vmem>>, vector<16xf32>,
      %gather3A_1077 = arith.constant 7 : i32
      %gather3A_1078 = arith.constant 0 : i32
      %gather3A_1079 = arith.constant 0 : i32
      %gather3A_1080 = tpu.memref_slice %arg10[%gather3A_1077, %gather3A_1078, %gather3A_1079] : memref<8x64x128xf32, #tpu.memory_space<vmem>> -> memref<1x64x128xf32, #tpu.memory_space<vmem>>
      %gather3A_1081 = tpu.memref_squeeze %gather3A_1080 : memref<1x64x128xf32, #tpu.memory_space<vmem>> -> memref<64x128xf32, #tpu.memory_space<vmem>>
      %gather3A_1082 = tpu.vector_load_idx %gather3A_1081[%add3A_206, %broadcast_in_dim3A_1059] : memref<64x128xf32, #tpu.memory_space<vmem>>[vector<16xi32>, vector<16xi32>], vector<16xf32>,
      %mul3A_1083 = arith.mulf %get3A_1076, %gather3A_1082 : vector<16xf32>
      %add3A_1084 = arith.addf %mul3A_1071, %mul3A_1083 : vector<16xf32>
      %get3A_1085 = arith.constant 7 : i32
      %get3A_1086 = arith.index_cast %get3A_1085 : i32 to index
      %get3A_1087 = arith.index_cast %and3A_1054 : i32 to index
      %get3A_1088 = arith.constant 32 : index
      %get3A_1089 = tpu.vector_load %arg9[%get3A_1086, %get3A_1087, %get3A_1088] {strides = array<i32>} : memref<8x8x64xf32, #tpu.memory_space<vmem>>, vector<16xf32>,
      %gather3A_1090 = arith.constant 7 : i32
      %gather3A_1091 = arith.constant 0 : i32
      %gather3A_1092 = arith.constant 0 : i32
      %gather3A_1093 = tpu.memref_slice %arg10[%gather3A_1090, %gather3A_1091, %gather3A_1092] : memref<8x64x128xf32, #tpu.memory_space<vmem>> -> memref<1x64x128xf32, #tpu.memory_space<vmem>>
      %gather3A_1094 = tpu.memref_squeeze %gather3A_1093 : memref<1x64x128xf32, #tpu.memory_space<vmem>> -> memref<64x128xf32, #tpu.memory_space<vmem>>
      %gather3A_1095 = tpu.vector_load_idx %gather3A_1094[%add3A_209, %broadcast_in_dim3A_1059] : memref<64x128xf32, #tpu.memory_space<vmem>>[vector<16xi32>, vector<16xi32>], vector<16xf32>,
      %mul3A_1096 = arith.mulf %get3A_1089, %gather3A_1095 : vector<16xf32>
      %add3A_1097 = arith.addf %add3A_1084, %mul3A_1096 : vector<16xf32>
      %get3A_1098 = arith.constant 7 : i32
      %get3A_1099 = arith.index_cast %get3A_1098 : i32 to index
      %get3A_1100 = arith.index_cast %and3A_1054 : i32 to index
      %get3A_1101 = arith.constant 48 : index
      %get3A_1102 = tpu.vector_load %arg9[%get3A_1099, %get3A_1100, %get3A_1101] {strides = array<i32>} : memref<8x8x64xf32, #tpu.memory_space<vmem>>, vector<16xf32>,
      %gather3A_1103 = arith.constant 7 : i32
      %gather3A_1104 = arith.constant 0 : i32
      %gather3A_1105 = arith.constant 0 : i32
      %gather3A_1106 = tpu.memref_slice %arg10[%gather3A_1103, %gather3A_1104, %gather3A_1105] : memref<8x64x128xf32, #tpu.memory_space<vmem>> -> memref<1x64x128xf32, #tpu.memory_space<vmem>>
      %gather3A_1107 = tpu.memref_squeeze %gather3A_1106 : memref<1x64x128xf32, #tpu.memory_space<vmem>> -> memref<64x128xf32, #tpu.memory_space<vmem>>
      %gather3A_1108 = tpu.vector_load_idx %gather3A_1107[%add3A_212, %broadcast_in_dim3A_1059] : memref<64x128xf32, #tpu.memory_space<vmem>>[vector<16xi32>, vector<16xi32>], vector<16xf32>,
      %mul3A_1109 = arith.mulf %get3A_1102, %gather3A_1108 : vector<16xf32>
      %add3A_1110 = arith.addf %add3A_1097, %mul3A_1109 : vector<16xf32>
      %eq3A_1111 = arith.constant 7 : i32
      %eq3A_1112 = vector.broadcast %eq3A_1111 : i32 to vector<16xi32>
      %eq3A_1113 = arith.cmpi eq, %iota3A, %eq3A_1112 : vector<16xi32>
      %reduce_sum3A_1114 = arith.constant true
      %reduce_sum3A_1115 = vector.broadcast %reduce_sum3A_1114 : i1 to vector<16xi1>
      %reduce_sum3A_1116 = tpu.scan <sum>, %add3A_1110 masked %reduce_sum3A_1115 : vector<16xf32>, vector<16xi1> -> vector<16xf32>
      %reduce_sum3A_1117 = vector.extract %reduce_sum3A_1116[15] : f32 from vector<16xf32>
      %broadcast_in_dim3A_1118 = vector.broadcast %reduce_sum3A_1117 : f32 to vector<16xf32>
      %select_n3A_1119 = arith.select %eq3A_1113, %broadcast_in_dim3A_1118, %select_n3A_1007 : vector<16xi1>, vector<16xf32>
      %add3A_1120 = arith.constant 8 : i32
      %add3A_1121 = arith.addi %mul3A_220, %add3A_1120 : i32
      %slice3A_1122 = vector.extract_strided_slice %get3A_222 {offsets = [13], sizes = [1], strides = [1]} : vector<16xi32> to vector<1xi32>
      %squeeze3A_1123 = vector.extract %slice3A_1122[0] : i32 from vector<1xi32>
      %slice3A_1124 = vector.extract_strided_slice %get3A_224 {offsets = [13], sizes = [1], strides = [1]} : vector<16xi32> to vector<1xi32>
      %squeeze3A_1125 = vector.extract %slice3A_1124[0] : i32 from vector<1xi32>
      %add3A_1126 = arith.constant 5 : i32
      %add3A_1127 = arith.addi %add3A_1121, %add3A_1126 : i32
      %lt3A_1128 = arith.constant 512 : i32
      %lt3A_1129 = arith.cmpi slt, %add3A_1127, %lt3A_1128 : i32
      %convert_element_type3A_1130 = arith.extui %lt3A_1129 : i1 to i32
      %cond3A_1131 = arith.constant 0 : i32
      %cond3A_1132 = arith.cmpi ne, %convert_element_type3A_1130, %cond3A_1131 : i32
      scf.if %cond3A_1132 {
        %shift_right_arithmetic3A_2017 = arith.constant 3 : i32
        %shift_right_arithmetic3A_2018 = arith.shrsi %squeeze3A_1123, %shift_right_arithmetic3A_2017 : i32
        %mul3A_2019 = arith.constant 8 : i32
        %mul3A_2020 = arith.muli %shift_right_arithmetic3A_2018, %mul3A_2019 : i32
        %multiple_of3A_2021 = tpu.assume_multiple %mul3A_2020, 8 : i32
        %dma_start3A_2022 = arith.constant 5 : i32
        %dma_start3A_2023 = arith.constant 0 : i32
        %dma_start3A_2024 = arith.constant 0 : i32
        %dma_start3A_2025 = tpu.memref_slice %arg9[%dma_start3A_2022, %dma_start3A_2023, %dma_start3A_2024] : memref<8x8x64xf32, #tpu.memory_space<vmem>> -> memref<1x8x64xf32, #tpu.memory_space<vmem>>
        %dma_start3A_2026 = tpu.memref_squeeze %dma_start3A_2025 : memref<1x8x64xf32, #tpu.memory_space<vmem>> -> memref<8x64xf32, #tpu.memory_space<vmem>>
        %dma_start3A_2027 = arith.constant 0 : i32
        %dma_start3A_2028 = tpu.memref_slice %arg4[%multiple_of3A_2021, %dma_start3A_2027] : memref<100000x64xf32, #tpu.memory_space<hbm>> -> memref<8x64xf32, #tpu.memory_space<hbm>>
        %dma_start3A_2029 = arith.constant 0 : i32
        %dma_start3A_2030 = arith.constant 0 : i32
        %dma_start3A_2031 = tpu.memref_slice %arg9[%dma_start3A_2022, %dma_start3A_2029, %dma_start3A_2030] : memref<8x8x64xf32, #tpu.memory_space<vmem>> -> memref<1x8x64xf32, #tpu.memory_space<vmem>>
        %dma_start3A_2032 = tpu.memref_squeeze %dma_start3A_2031 : memref<1x8x64xf32, #tpu.memory_space<vmem>> -> memref<8x64xf32, #tpu.memory_space<vmem>>
        %dma_start3A_2033 = arith.constant 0 : i32
        %dma_start3A_2034 = tpu.memref_slice %arg4[%multiple_of3A_2021, %dma_start3A_2033] : memref<100000x64xf32, #tpu.memory_space<hbm>> -> memref<8x64xf32, #tpu.memory_space<hbm>>
        tpu.enqueue_dma source(%dma_start3A_2034 : memref<8x64xf32, #tpu.memory_space<hbm>>) target(%dma_start3A_2032 : memref<8x64xf32, #tpu.memory_space<vmem>>) target_semaphore(%arg17 : memref<!tpu.dma_semaphore, #tpu.memory_space<semaphore_mem>>)
        %shift_right_arithmetic3A_2035 = arith.constant 7 : i32
        %shift_right_arithmetic3A_2036 = arith.shrsi %squeeze3A_1125, %shift_right_arithmetic3A_2035 : i32
        %mul3A_2037 = arith.constant 128 : i32
        %mul3A_2038 = arith.muli %shift_right_arithmetic3A_2036, %mul3A_2037 : i32
        %multiple_of3A_2039 = tpu.assume_multiple %mul3A_2038, 128 : i32
        %dma_start3A_2040 = arith.constant 5 : i32
        %dma_start3A_2041 = arith.constant 0 : i32
        %dma_start3A_2042 = arith.constant 0 : i32
        %dma_start3A_2043 = tpu.memref_slice %arg10[%dma_start3A_2040, %dma_start3A_2041, %dma_start3A_2042] : memref<8x64x128xf32, #tpu.memory_space<vmem>> -> memref<1x64x128xf32, #tpu.memory_space<vmem>>
        %dma_start3A_2044 = tpu.memref_squeeze %dma_start3A_2043 : memref<1x64x128xf32, #tpu.memory_space<vmem>> -> memref<64x128xf32, #tpu.memory_space<vmem>>
        %dma_start3A_2045 = arith.constant 0 : i32
        %dma_start3A_2046 = tpu.memref_slice %arg5[%dma_start3A_2045, %multiple_of3A_2039] : memref<64x1000000xf32, #tpu.memory_space<hbm>> -> memref<64x128xf32, #tpu.memory_space<hbm>>
        %dma_start3A_2047 = arith.constant 0 : i32
        %dma_start3A_2048 = arith.constant 0 : i32
        %dma_start3A_2049 = tpu.memref_slice %arg10[%dma_start3A_2040, %dma_start3A_2047, %dma_start3A_2048] : memref<8x64x128xf32, #tpu.memory_space<vmem>> -> memref<1x64x128xf32, #tpu.memory_space<vmem>>
        %dma_start3A_2050 = tpu.memref_squeeze %dma_start3A_2049 : memref<1x64x128xf32, #tpu.memory_space<vmem>> -> memref<64x128xf32, #tpu.memory_space<vmem>>
        %dma_start3A_2051 = arith.constant 0 : i32
        %dma_start3A_2052 = tpu.memref_slice %arg5[%dma_start3A_2051, %multiple_of3A_2039] : memref<64x1000000xf32, #tpu.memory_space<hbm>> -> memref<64x128xf32, #tpu.memory_space<hbm>>
        tpu.enqueue_dma source(%dma_start3A_2052 : memref<64x128xf32, #tpu.memory_space<hbm>>) target(%dma_start3A_2050 : memref<64x128xf32, #tpu.memory_space<vmem>>) target_semaphore(%arg25 : memref<!tpu.dma_semaphore, #tpu.memory_space<semaphore_mem>>)
      } else {
      }
      %dma_wait3A_1133 = arith.constant 0 : i32
      %dma_wait3A_1134 = arith.constant 0 : i32
      %dma_wait3A_1135 = arith.constant 0 : i32
      %dma_wait3A_1136 = tpu.memref_slice %arg9[%dma_wait3A_1133, %dma_wait3A_1134, %dma_wait3A_1135] : memref<8x8x64xf32, #tpu.memory_space<vmem>> -> memref<1x8x64xf32, #tpu.memory_space<vmem>>
      %dma_wait3A_1137 = tpu.memref_squeeze %dma_wait3A_1136 : memref<1x8x64xf32, #tpu.memory_space<vmem>> -> memref<8x64xf32, #tpu.memory_space<vmem>>
      %dma_wait3A_1138 = arith.constant 0 : i32
      %dma_wait3A_1139 = arith.constant 0 : i32
      %dma_wait3A_1140 = tpu.memref_slice %arg4[%dma_wait3A_1138, %dma_wait3A_1139] : memref<100000x64xf32, #tpu.memory_space<hbm>> -> memref<8x64xf32, #tpu.memory_space<hbm>>
      %dma_wait3A_1141 = arith.constant 0 : i32
      %dma_wait3A_1142 = arith.constant 0 : i32
      %dma_wait3A_1143 = tpu.memref_slice %arg9[%dma_wait3A_1133, %dma_wait3A_1141, %dma_wait3A_1142] : memref<8x8x64xf32, #tpu.memory_space<vmem>> -> memref<1x8x64xf32, #tpu.memory_space<vmem>>
      %dma_wait3A_1144 = tpu.memref_squeeze %dma_wait3A_1143 : memref<1x8x64xf32, #tpu.memory_space<vmem>> -> memref<8x64xf32, #tpu.memory_space<vmem>>
      %dma_wait3A_1145 = arith.constant 0 : i32
      %dma_wait3A_1146 = arith.constant 0 : i32
      %dma_wait3A_1147 = tpu.memref_slice %arg4[%dma_wait3A_1145, %dma_wait3A_1146] : memref<100000x64xf32, #tpu.memory_space<hbm>> -> memref<8x64xf32, #tpu.memory_space<hbm>>
      tpu.wait_dma2 semaphore(%arg12 : memref<!tpu.dma_semaphore, #tpu.memory_space<semaphore_mem>>) src(%dma_wait3A_1147 : memref<8x64xf32, #tpu.memory_space<hbm>>) dst(%dma_wait3A_1144 : memref<8x64xf32, #tpu.memory_space<vmem>>)
      %dma_wait3A_1148 = arith.constant 0 : i32
      %dma_wait3A_1149 = arith.constant 0 : i32
      %dma_wait3A_1150 = arith.constant 0 : i32
      %dma_wait3A_1151 = tpu.memref_slice %arg10[%dma_wait3A_1148, %dma_wait3A_1149, %dma_wait3A_1150] : memref<8x64x128xf32, #tpu.memory_space<vmem>> -> memref<1x64x128xf32, #tpu.memory_space<vmem>>
      %dma_wait3A_1152 = tpu.memref_squeeze %dma_wait3A_1151 : memref<1x64x128xf32, #tpu.memory_space<vmem>> -> memref<64x128xf32, #tpu.memory_space<vmem>>
      %dma_wait3A_1153 = arith.constant 0 : i32
      %dma_wait3A_1154 = arith.constant 0 : i32
      %dma_wait3A_1155 = tpu.memref_slice %arg5[%dma_wait3A_1153, %dma_wait3A_1154] : memref<64x1000000xf32, #tpu.memory_space<hbm>> -> memref<64x128xf32, #tpu.memory_space<hbm>>
      %dma_wait3A_1156 = arith.constant 0 : i32
      %dma_wait3A_1157 = arith.constant 0 : i32
      %dma_wait3A_1158 = tpu.memref_slice %arg10[%dma_wait3A_1148, %dma_wait3A_1156, %dma_wait3A_1157] : memref<8x64x128xf32, #tpu.memory_space<vmem>> -> memref<1x64x128xf32, #tpu.memory_space<vmem>>
      %dma_wait3A_1159 = tpu.memref_squeeze %dma_wait3A_1158 : memref<1x64x128xf32, #tpu.memory_space<vmem>> -> memref<64x128xf32, #tpu.memory_space<vmem>>
      %dma_wait3A_1160 = arith.constant 0 : i32
      %dma_wait3A_1161 = arith.constant 0 : i32
      %dma_wait3A_1162 = tpu.memref_slice %arg5[%dma_wait3A_1160, %dma_wait3A_1161] : memref<64x1000000xf32, #tpu.memory_space<hbm>> -> memref<64x128xf32, #tpu.memory_space<hbm>>
      tpu.wait_dma2 semaphore(%arg20 : memref<!tpu.dma_semaphore, #tpu.memory_space<semaphore_mem>>) src(%dma_wait3A_1162 : memref<64x128xf32, #tpu.memory_space<hbm>>) dst(%dma_wait3A_1159 : memref<64x128xf32, #tpu.memory_space<vmem>>)
      %slice3A_1163 = vector.extract_strided_slice %get3A_222 {offsets = [8], sizes = [1], strides = [1]} : vector<16xi32> to vector<1xi32>
      %squeeze3A_1164 = vector.extract %slice3A_1163[0] : i32 from vector<1xi32>
      %and3A_1165 = arith.constant 7 : i32
      %and3A_1166 = arith.andi %squeeze3A_1164, %and3A_1165 : i32
      %slice3A_1167 = vector.extract_strided_slice %get3A_224 {offsets = [8], sizes = [1], strides = [1]} : vector<16xi32> to vector<1xi32>
      %squeeze3A_1168 = vector.extract %slice3A_1167[0] : i32 from vector<1xi32>
      %and3A_1169 = arith.constant 127 : i32
      %and3A_1170 = arith.andi %squeeze3A_1168, %and3A_1169 : i32
      %broadcast_in_dim3A_1171 = vector.broadcast %and3A_1170 : i32 to vector<16xi32>
      %get3A_1172 = arith.constant 0 : i32
      %get3A_1173 = arith.index_cast %get3A_1172 : i32 to index
      %get3A_1174 = arith.index_cast %and3A_1166 : i32 to index
      %get3A_1175 = arith.constant 0 : index
      %get3A_1176 = tpu.vector_load %arg9[%get3A_1173, %get3A_1174, %get3A_1175] {strides = array<i32>} : memref<8x8x64xf32, #tpu.memory_space<vmem>>, vector<16xf32>,
      %gather3A_1177 = arith.constant 0 : i32
      %gather3A_1178 = arith.constant 0 : i32
      %gather3A_1179 = arith.constant 0 : i32
      %gather3A_1180 = tpu.memref_slice %arg10[%gather3A_1177, %gather3A_1178, %gather3A_1179] : memref<8x64x128xf32, #tpu.memory_space<vmem>> -> memref<1x64x128xf32, #tpu.memory_space<vmem>>
      %gather3A_1181 = tpu.memref_squeeze %gather3A_1180 : memref<1x64x128xf32, #tpu.memory_space<vmem>> -> memref<64x128xf32, #tpu.memory_space<vmem>>
      %gather3A_1182 = tpu.vector_load_idx %gather3A_1181[%add3A_203, %broadcast_in_dim3A_1171] : memref<64x128xf32, #tpu.memory_space<vmem>>[vector<16xi32>, vector<16xi32>], vector<16xf32>,
      %mul3A_1183 = arith.mulf %get3A_1176, %gather3A_1182 : vector<16xf32>
      %get3A_1184 = arith.constant 0 : i32
      %get3A_1185 = arith.index_cast %get3A_1184 : i32 to index
      %get3A_1186 = arith.index_cast %and3A_1166 : i32 to index
      %get3A_1187 = arith.constant 16 : index
      %get3A_1188 = tpu.vector_load %arg9[%get3A_1185, %get3A_1186, %get3A_1187] {strides = array<i32>} : memref<8x8x64xf32, #tpu.memory_space<vmem>>, vector<16xf32>,
      %gather3A_1189 = arith.constant 0 : i32
      %gather3A_1190 = arith.constant 0 : i32
      %gather3A_1191 = arith.constant 0 : i32
      %gather3A_1192 = tpu.memref_slice %arg10[%gather3A_1189, %gather3A_1190, %gather3A_1191] : memref<8x64x128xf32, #tpu.memory_space<vmem>> -> memref<1x64x128xf32, #tpu.memory_space<vmem>>
      %gather3A_1193 = tpu.memref_squeeze %gather3A_1192 : memref<1x64x128xf32, #tpu.memory_space<vmem>> -> memref<64x128xf32, #tpu.memory_space<vmem>>
      %gather3A_1194 = tpu.vector_load_idx %gather3A_1193[%add3A_206, %broadcast_in_dim3A_1171] : memref<64x128xf32, #tpu.memory_space<vmem>>[vector<16xi32>, vector<16xi32>], vector<16xf32>,
      %mul3A_1195 = arith.mulf %get3A_1188, %gather3A_1194 : vector<16xf32>
      %add3A_1196 = arith.addf %mul3A_1183, %mul3A_1195 : vector<16xf32>
      %get3A_1197 = arith.constant 0 : i32
      %get3A_1198 = arith.index_cast %get3A_1197 : i32 to index
      %get3A_1199 = arith.index_cast %and3A_1166 : i32 to index
      %get3A_1200 = arith.constant 32 : index
      %get3A_1201 = tpu.vector_load %arg9[%get3A_1198, %get3A_1199, %get3A_1200] {strides = array<i32>} : memref<8x8x64xf32, #tpu.memory_space<vmem>>, vector<16xf32>,
      %gather3A_1202 = arith.constant 0 : i32
      %gather3A_1203 = arith.constant 0 : i32
      %gather3A_1204 = arith.constant 0 : i32
      %gather3A_1205 = tpu.memref_slice %arg10[%gather3A_1202, %gather3A_1203, %gather3A_1204] : memref<8x64x128xf32, #tpu.memory_space<vmem>> -> memref<1x64x128xf32, #tpu.memory_space<vmem>>
      %gather3A_1206 = tpu.memref_squeeze %gather3A_1205 : memref<1x64x128xf32, #tpu.memory_space<vmem>> -> memref<64x128xf32, #tpu.memory_space<vmem>>
      %gather3A_1207 = tpu.vector_load_idx %gather3A_1206[%add3A_209, %broadcast_in_dim3A_1171] : memref<64x128xf32, #tpu.memory_space<vmem>>[vector<16xi32>, vector<16xi32>], vector<16xf32>,
      %mul3A_1208 = arith.mulf %get3A_1201, %gather3A_1207 : vector<16xf32>
      %add3A_1209 = arith.addf %add3A_1196, %mul3A_1208 : vector<16xf32>
      %get3A_1210 = arith.constant 0 : i32
      %get3A_1211 = arith.index_cast %get3A_1210 : i32 to index
      %get3A_1212 = arith.index_cast %and3A_1166 : i32 to index
      %get3A_1213 = arith.constant 48 : index
      %get3A_1214 = tpu.vector_load %arg9[%get3A_1211, %get3A_1212, %get3A_1213] {strides = array<i32>} : memref<8x8x64xf32, #tpu.memory_space<vmem>>, vector<16xf32>,
      %gather3A_1215 = arith.constant 0 : i32
      %gather3A_1216 = arith.constant 0 : i32
      %gather3A_1217 = arith.constant 0 : i32
      %gather3A_1218 = tpu.memref_slice %arg10[%gather3A_1215, %gather3A_1216, %gather3A_1217] : memref<8x64x128xf32, #tpu.memory_space<vmem>> -> memref<1x64x128xf32, #tpu.memory_space<vmem>>
      %gather3A_1219 = tpu.memref_squeeze %gather3A_1218 : memref<1x64x128xf32, #tpu.memory_space<vmem>> -> memref<64x128xf32, #tpu.memory_space<vmem>>
      %gather3A_1220 = tpu.vector_load_idx %gather3A_1219[%add3A_212, %broadcast_in_dim3A_1171] : memref<64x128xf32, #tpu.memory_space<vmem>>[vector<16xi32>, vector<16xi32>], vector<16xf32>,
      %mul3A_1221 = arith.mulf %get3A_1214, %gather3A_1220 : vector<16xf32>
      %add3A_1222 = arith.addf %add3A_1209, %mul3A_1221 : vector<16xf32>
      %eq3A_1223 = arith.constant 8 : i32
      %eq3A_1224 = vector.broadcast %eq3A_1223 : i32 to vector<16xi32>
      %eq3A_1225 = arith.cmpi eq, %iota3A, %eq3A_1224 : vector<16xi32>
      %reduce_sum3A_1226 = arith.constant true
      %reduce_sum3A_1227 = vector.broadcast %reduce_sum3A_1226 : i1 to vector<16xi1>
      %reduce_sum3A_1228 = tpu.scan <sum>, %add3A_1222 masked %reduce_sum3A_1227 : vector<16xf32>, vector<16xi1> -> vector<16xf32>
      %reduce_sum3A_1229 = vector.extract %reduce_sum3A_1228[15] : f32 from vector<16xf32>
      %broadcast_in_dim3A_1230 = vector.broadcast %reduce_sum3A_1229 : f32 to vector<16xf32>
      %select_n3A_1231 = arith.select %eq3A_1225, %broadcast_in_dim3A_1230, %select_n3A_1119 : vector<16xi1>, vector<16xf32>
      %add3A_1232 = arith.constant 9 : i32
      %add3A_1233 = arith.addi %mul3A_220, %add3A_1232 : i32
      %slice3A_1234 = vector.extract_strided_slice %get3A_222 {offsets = [14], sizes = [1], strides = [1]} : vector<16xi32> to vector<1xi32>
      %squeeze3A_1235 = vector.extract %slice3A_1234[0] : i32 from vector<1xi32>
      %slice3A_1236 = vector.extract_strided_slice %get3A_224 {offsets = [14], sizes = [1], strides = [1]} : vector<16xi32> to vector<1xi32>
      %squeeze3A_1237 = vector.extract %slice3A_1236[0] : i32 from vector<1xi32>
      %add3A_1238 = arith.constant 5 : i32
      %add3A_1239 = arith.addi %add3A_1233, %add3A_1238 : i32
      %lt3A_1240 = arith.constant 512 : i32
      %lt3A_1241 = arith.cmpi slt, %add3A_1239, %lt3A_1240 : i32
      %convert_element_type3A_1242 = arith.extui %lt3A_1241 : i1 to i32
      %cond3A_1243 = arith.constant 0 : i32
      %cond3A_1244 = arith.cmpi ne, %convert_element_type3A_1242, %cond3A_1243 : i32
      scf.if %cond3A_1244 {
        %shift_right_arithmetic3A_2017 = arith.constant 3 : i32
        %shift_right_arithmetic3A_2018 = arith.shrsi %squeeze3A_1235, %shift_right_arithmetic3A_2017 : i32
        %mul3A_2019 = arith.constant 8 : i32
        %mul3A_2020 = arith.muli %shift_right_arithmetic3A_2018, %mul3A_2019 : i32
        %multiple_of3A_2021 = tpu.assume_multiple %mul3A_2020, 8 : i32
        %dma_start3A_2022 = arith.constant 6 : i32
        %dma_start3A_2023 = arith.constant 0 : i32
        %dma_start3A_2024 = arith.constant 0 : i32
        %dma_start3A_2025 = tpu.memref_slice %arg9[%dma_start3A_2022, %dma_start3A_2023, %dma_start3A_2024] : memref<8x8x64xf32, #tpu.memory_space<vmem>> -> memref<1x8x64xf32, #tpu.memory_space<vmem>>
        %dma_start3A_2026 = tpu.memref_squeeze %dma_start3A_2025 : memref<1x8x64xf32, #tpu.memory_space<vmem>> -> memref<8x64xf32, #tpu.memory_space<vmem>>
        %dma_start3A_2027 = arith.constant 0 : i32
        %dma_start3A_2028 = tpu.memref_slice %arg4[%multiple_of3A_2021, %dma_start3A_2027] : memref<100000x64xf32, #tpu.memory_space<hbm>> -> memref<8x64xf32, #tpu.memory_space<hbm>>
        %dma_start3A_2029 = arith.constant 0 : i32
        %dma_start3A_2030 = arith.constant 0 : i32
        %dma_start3A_2031 = tpu.memref_slice %arg9[%dma_start3A_2022, %dma_start3A_2029, %dma_start3A_2030] : memref<8x8x64xf32, #tpu.memory_space<vmem>> -> memref<1x8x64xf32, #tpu.memory_space<vmem>>
        %dma_start3A_2032 = tpu.memref_squeeze %dma_start3A_2031 : memref<1x8x64xf32, #tpu.memory_space<vmem>> -> memref<8x64xf32, #tpu.memory_space<vmem>>
        %dma_start3A_2033 = arith.constant 0 : i32
        %dma_start3A_2034 = tpu.memref_slice %arg4[%multiple_of3A_2021, %dma_start3A_2033] : memref<100000x64xf32, #tpu.memory_space<hbm>> -> memref<8x64xf32, #tpu.memory_space<hbm>>
        tpu.enqueue_dma source(%dma_start3A_2034 : memref<8x64xf32, #tpu.memory_space<hbm>>) target(%dma_start3A_2032 : memref<8x64xf32, #tpu.memory_space<vmem>>) target_semaphore(%arg18 : memref<!tpu.dma_semaphore, #tpu.memory_space<semaphore_mem>>)
        %shift_right_arithmetic3A_2035 = arith.constant 7 : i32
        %shift_right_arithmetic3A_2036 = arith.shrsi %squeeze3A_1237, %shift_right_arithmetic3A_2035 : i32
        %mul3A_2037 = arith.constant 128 : i32
        %mul3A_2038 = arith.muli %shift_right_arithmetic3A_2036, %mul3A_2037 : i32
        %multiple_of3A_2039 = tpu.assume_multiple %mul3A_2038, 128 : i32
        %dma_start3A_2040 = arith.constant 6 : i32
        %dma_start3A_2041 = arith.constant 0 : i32
        %dma_start3A_2042 = arith.constant 0 : i32
        %dma_start3A_2043 = tpu.memref_slice %arg10[%dma_start3A_2040, %dma_start3A_2041, %dma_start3A_2042] : memref<8x64x128xf32, #tpu.memory_space<vmem>> -> memref<1x64x128xf32, #tpu.memory_space<vmem>>
        %dma_start3A_2044 = tpu.memref_squeeze %dma_start3A_2043 : memref<1x64x128xf32, #tpu.memory_space<vmem>> -> memref<64x128xf32, #tpu.memory_space<vmem>>
        %dma_start3A_2045 = arith.constant 0 : i32
        %dma_start3A_2046 = tpu.memref_slice %arg5[%dma_start3A_2045, %multiple_of3A_2039] : memref<64x1000000xf32, #tpu.memory_space<hbm>> -> memref<64x128xf32, #tpu.memory_space<hbm>>
        %dma_start3A_2047 = arith.constant 0 : i32
        %dma_start3A_2048 = arith.constant 0 : i32
        %dma_start3A_2049 = tpu.memref_slice %arg10[%dma_start3A_2040, %dma_start3A_2047, %dma_start3A_2048] : memref<8x64x128xf32, #tpu.memory_space<vmem>> -> memref<1x64x128xf32, #tpu.memory_space<vmem>>
        %dma_start3A_2050 = tpu.memref_squeeze %dma_start3A_2049 : memref<1x64x128xf32, #tpu.memory_space<vmem>> -> memref<64x128xf32, #tpu.memory_space<vmem>>
        %dma_start3A_2051 = arith.constant 0 : i32
        %dma_start3A_2052 = tpu.memref_slice %arg5[%dma_start3A_2051, %multiple_of3A_2039] : memref<64x1000000xf32, #tpu.memory_space<hbm>> -> memref<64x128xf32, #tpu.memory_space<hbm>>
        tpu.enqueue_dma source(%dma_start3A_2052 : memref<64x128xf32, #tpu.memory_space<hbm>>) target(%dma_start3A_2050 : memref<64x128xf32, #tpu.memory_space<vmem>>) target_semaphore(%arg26 : memref<!tpu.dma_semaphore, #tpu.memory_space<semaphore_mem>>)
      } else {
      }
      %dma_wait3A_1245 = arith.constant 1 : i32
      %dma_wait3A_1246 = arith.constant 0 : i32
      %dma_wait3A_1247 = arith.constant 0 : i32
      %dma_wait3A_1248 = tpu.memref_slice %arg9[%dma_wait3A_1245, %dma_wait3A_1246, %dma_wait3A_1247] : memref<8x8x64xf32, #tpu.memory_space<vmem>> -> memref<1x8x64xf32, #tpu.memory_space<vmem>>
      %dma_wait3A_1249 = tpu.memref_squeeze %dma_wait3A_1248 : memref<1x8x64xf32, #tpu.memory_space<vmem>> -> memref<8x64xf32, #tpu.memory_space<vmem>>
      %dma_wait3A_1250 = arith.constant 0 : i32
      %dma_wait3A_1251 = arith.constant 0 : i32
      %dma_wait3A_1252 = tpu.memref_slice %arg4[%dma_wait3A_1250, %dma_wait3A_1251] : memref<100000x64xf32, #tpu.memory_space<hbm>> -> memref<8x64xf32, #tpu.memory_space<hbm>>
      %dma_wait3A_1253 = arith.constant 0 : i32
      %dma_wait3A_1254 = arith.constant 0 : i32
      %dma_wait3A_1255 = tpu.memref_slice %arg9[%dma_wait3A_1245, %dma_wait3A_1253, %dma_wait3A_1254] : memref<8x8x64xf32, #tpu.memory_space<vmem>> -> memref<1x8x64xf32, #tpu.memory_space<vmem>>
      %dma_wait3A_1256 = tpu.memref_squeeze %dma_wait3A_1255 : memref<1x8x64xf32, #tpu.memory_space<vmem>> -> memref<8x64xf32, #tpu.memory_space<vmem>>
      %dma_wait3A_1257 = arith.constant 0 : i32
      %dma_wait3A_1258 = arith.constant 0 : i32
      %dma_wait3A_1259 = tpu.memref_slice %arg4[%dma_wait3A_1257, %dma_wait3A_1258] : memref<100000x64xf32, #tpu.memory_space<hbm>> -> memref<8x64xf32, #tpu.memory_space<hbm>>
      tpu.wait_dma2 semaphore(%arg13 : memref<!tpu.dma_semaphore, #tpu.memory_space<semaphore_mem>>) src(%dma_wait3A_1259 : memref<8x64xf32, #tpu.memory_space<hbm>>) dst(%dma_wait3A_1256 : memref<8x64xf32, #tpu.memory_space<vmem>>)
      %dma_wait3A_1260 = arith.constant 1 : i32
      %dma_wait3A_1261 = arith.constant 0 : i32
      %dma_wait3A_1262 = arith.constant 0 : i32
      %dma_wait3A_1263 = tpu.memref_slice %arg10[%dma_wait3A_1260, %dma_wait3A_1261, %dma_wait3A_1262] : memref<8x64x128xf32, #tpu.memory_space<vmem>> -> memref<1x64x128xf32, #tpu.memory_space<vmem>>
      %dma_wait3A_1264 = tpu.memref_squeeze %dma_wait3A_1263 : memref<1x64x128xf32, #tpu.memory_space<vmem>> -> memref<64x128xf32, #tpu.memory_space<vmem>>
      %dma_wait3A_1265 = arith.constant 0 : i32
      %dma_wait3A_1266 = arith.constant 0 : i32
      %dma_wait3A_1267 = tpu.memref_slice %arg5[%dma_wait3A_1265, %dma_wait3A_1266] : memref<64x1000000xf32, #tpu.memory_space<hbm>> -> memref<64x128xf32, #tpu.memory_space<hbm>>
      %dma_wait3A_1268 = arith.constant 0 : i32
      %dma_wait3A_1269 = arith.constant 0 : i32
      %dma_wait3A_1270 = tpu.memref_slice %arg10[%dma_wait3A_1260, %dma_wait3A_1268, %dma_wait3A_1269] : memref<8x64x128xf32, #tpu.memory_space<vmem>> -> memref<1x64x128xf32, #tpu.memory_space<vmem>>
      %dma_wait3A_1271 = tpu.memref_squeeze %dma_wait3A_1270 : memref<1x64x128xf32, #tpu.memory_space<vmem>> -> memref<64x128xf32, #tpu.memory_space<vmem>>
      %dma_wait3A_1272 = arith.constant 0 : i32
      %dma_wait3A_1273 = arith.constant 0 : i32
      %dma_wait3A_1274 = tpu.memref_slice %arg5[%dma_wait3A_1272, %dma_wait3A_1273] : memref<64x1000000xf32, #tpu.memory_space<hbm>> -> memref<64x128xf32, #tpu.memory_space<hbm>>
      tpu.wait_dma2 semaphore(%arg21 : memref<!tpu.dma_semaphore, #tpu.memory_space<semaphore_mem>>) src(%dma_wait3A_1274 : memref<64x128xf32, #tpu.memory_space<hbm>>) dst(%dma_wait3A_1271 : memref<64x128xf32, #tpu.memory_space<vmem>>)
      %slice3A_1275 = vector.extract_strided_slice %get3A_222 {offsets = [9], sizes = [1], strides = [1]} : vector<16xi32> to vector<1xi32>
      %squeeze3A_1276 = vector.extract %slice3A_1275[0] : i32 from vector<1xi32>
      %and3A_1277 = arith.constant 7 : i32
      %and3A_1278 = arith.andi %squeeze3A_1276, %and3A_1277 : i32
      %slice3A_1279 = vector.extract_strided_slice %get3A_224 {offsets = [9], sizes = [1], strides = [1]} : vector<16xi32> to vector<1xi32>
      %squeeze3A_1280 = vector.extract %slice3A_1279[0] : i32 from vector<1xi32>
      %and3A_1281 = arith.constant 127 : i32
      %and3A_1282 = arith.andi %squeeze3A_1280, %and3A_1281 : i32
      %broadcast_in_dim3A_1283 = vector.broadcast %and3A_1282 : i32 to vector<16xi32>
      %get3A_1284 = arith.constant 1 : i32
      %get3A_1285 = arith.index_cast %get3A_1284 : i32 to index
      %get3A_1286 = arith.index_cast %and3A_1278 : i32 to index
      %get3A_1287 = arith.constant 0 : index
      %get3A_1288 = tpu.vector_load %arg9[%get3A_1285, %get3A_1286, %get3A_1287] {strides = array<i32>} : memref<8x8x64xf32, #tpu.memory_space<vmem>>, vector<16xf32>,
      %gather3A_1289 = arith.constant 1 : i32
      %gather3A_1290 = arith.constant 0 : i32
      %gather3A_1291 = arith.constant 0 : i32
      %gather3A_1292 = tpu.memref_slice %arg10[%gather3A_1289, %gather3A_1290, %gather3A_1291] : memref<8x64x128xf32, #tpu.memory_space<vmem>> -> memref<1x64x128xf32, #tpu.memory_space<vmem>>
      %gather3A_1293 = tpu.memref_squeeze %gather3A_1292 : memref<1x64x128xf32, #tpu.memory_space<vmem>> -> memref<64x128xf32, #tpu.memory_space<vmem>>
      %gather3A_1294 = tpu.vector_load_idx %gather3A_1293[%add3A_203, %broadcast_in_dim3A_1283] : memref<64x128xf32, #tpu.memory_space<vmem>>[vector<16xi32>, vector<16xi32>], vector<16xf32>,
      %mul3A_1295 = arith.mulf %get3A_1288, %gather3A_1294 : vector<16xf32>
      %get3A_1296 = arith.constant 1 : i32
      %get3A_1297 = arith.index_cast %get3A_1296 : i32 to index
      %get3A_1298 = arith.index_cast %and3A_1278 : i32 to index
      %get3A_1299 = arith.constant 16 : index
      %get3A_1300 = tpu.vector_load %arg9[%get3A_1297, %get3A_1298, %get3A_1299] {strides = array<i32>} : memref<8x8x64xf32, #tpu.memory_space<vmem>>, vector<16xf32>,
      %gather3A_1301 = arith.constant 1 : i32
      %gather3A_1302 = arith.constant 0 : i32
      %gather3A_1303 = arith.constant 0 : i32
      %gather3A_1304 = tpu.memref_slice %arg10[%gather3A_1301, %gather3A_1302, %gather3A_1303] : memref<8x64x128xf32, #tpu.memory_space<vmem>> -> memref<1x64x128xf32, #tpu.memory_space<vmem>>
      %gather3A_1305 = tpu.memref_squeeze %gather3A_1304 : memref<1x64x128xf32, #tpu.memory_space<vmem>> -> memref<64x128xf32, #tpu.memory_space<vmem>>
      %gather3A_1306 = tpu.vector_load_idx %gather3A_1305[%add3A_206, %broadcast_in_dim3A_1283] : memref<64x128xf32, #tpu.memory_space<vmem>>[vector<16xi32>, vector<16xi32>], vector<16xf32>,
      %mul3A_1307 = arith.mulf %get3A_1300, %gather3A_1306 : vector<16xf32>
      %add3A_1308 = arith.addf %mul3A_1295, %mul3A_1307 : vector<16xf32>
      %get3A_1309 = arith.constant 1 : i32
      %get3A_1310 = arith.index_cast %get3A_1309 : i32 to index
      %get3A_1311 = arith.index_cast %and3A_1278 : i32 to index
      %get3A_1312 = arith.constant 32 : index
      %get3A_1313 = tpu.vector_load %arg9[%get3A_1310, %get3A_1311, %get3A_1312] {strides = array<i32>} : memref<8x8x64xf32, #tpu.memory_space<vmem>>, vector<16xf32>,
      %gather3A_1314 = arith.constant 1 : i32
      %gather3A_1315 = arith.constant 0 : i32
      %gather3A_1316 = arith.constant 0 : i32
      %gather3A_1317 = tpu.memref_slice %arg10[%gather3A_1314, %gather3A_1315, %gather3A_1316] : memref<8x64x128xf32, #tpu.memory_space<vmem>> -> memref<1x64x128xf32, #tpu.memory_space<vmem>>
      %gather3A_1318 = tpu.memref_squeeze %gather3A_1317 : memref<1x64x128xf32, #tpu.memory_space<vmem>> -> memref<64x128xf32, #tpu.memory_space<vmem>>
      %gather3A_1319 = tpu.vector_load_idx %gather3A_1318[%add3A_209, %broadcast_in_dim3A_1283] : memref<64x128xf32, #tpu.memory_space<vmem>>[vector<16xi32>, vector<16xi32>], vector<16xf32>,
      %mul3A_1320 = arith.mulf %get3A_1313, %gather3A_1319 : vector<16xf32>
      %add3A_1321 = arith.addf %add3A_1308, %mul3A_1320 : vector<16xf32>
      %get3A_1322 = arith.constant 1 : i32
      %get3A_1323 = arith.index_cast %get3A_1322 : i32 to index
      %get3A_1324 = arith.index_cast %and3A_1278 : i32 to index
      %get3A_1325 = arith.constant 48 : index
      %get3A_1326 = tpu.vector_load %arg9[%get3A_1323, %get3A_1324, %get3A_1325] {strides = array<i32>} : memref<8x8x64xf32, #tpu.memory_space<vmem>>, vector<16xf32>,
      %gather3A_1327 = arith.constant 1 : i32
      %gather3A_1328 = arith.constant 0 : i32
      %gather3A_1329 = arith.constant 0 : i32
      %gather3A_1330 = tpu.memref_slice %arg10[%gather3A_1327, %gather3A_1328, %gather3A_1329] : memref<8x64x128xf32, #tpu.memory_space<vmem>> -> memref<1x64x128xf32, #tpu.memory_space<vmem>>
      %gather3A_1331 = tpu.memref_squeeze %gather3A_1330 : memref<1x64x128xf32, #tpu.memory_space<vmem>> -> memref<64x128xf32, #tpu.memory_space<vmem>>
      %gather3A_1332 = tpu.vector_load_idx %gather3A_1331[%add3A_212, %broadcast_in_dim3A_1283] : memref<64x128xf32, #tpu.memory_space<vmem>>[vector<16xi32>, vector<16xi32>], vector<16xf32>,
      %mul3A_1333 = arith.mulf %get3A_1326, %gather3A_1332 : vector<16xf32>
      %add3A_1334 = arith.addf %add3A_1321, %mul3A_1333 : vector<16xf32>
      %eq3A_1335 = arith.constant 9 : i32
      %eq3A_1336 = vector.broadcast %eq3A_1335 : i32 to vector<16xi32>
      %eq3A_1337 = arith.cmpi eq, %iota3A, %eq3A_1336 : vector<16xi32>
      %reduce_sum3A_1338 = arith.constant true
      %reduce_sum3A_1339 = vector.broadcast %reduce_sum3A_1338 : i1 to vector<16xi1>
      %reduce_sum3A_1340 = tpu.scan <sum>, %add3A_1334 masked %reduce_sum3A_1339 : vector<16xf32>, vector<16xi1> -> vector<16xf32>
      %reduce_sum3A_1341 = vector.extract %reduce_sum3A_1340[15] : f32 from vector<16xf32>
      %broadcast_in_dim3A_1342 = vector.broadcast %reduce_sum3A_1341 : f32 to vector<16xf32>
      %select_n3A_1343 = arith.select %eq3A_1337, %broadcast_in_dim3A_1342, %select_n3A_1231 : vector<16xi1>, vector<16xf32>
      %add3A_1344 = arith.constant 10 : i32
      %add3A_1345 = arith.addi %mul3A_220, %add3A_1344 : i32
      %slice3A_1346 = vector.extract_strided_slice %get3A_222 {offsets = [15], sizes = [1], strides = [1]} : vector<16xi32> to vector<1xi32>
      %squeeze3A_1347 = vector.extract %slice3A_1346[0] : i32 from vector<1xi32>
      %slice3A_1348 = vector.extract_strided_slice %get3A_224 {offsets = [15], sizes = [1], strides = [1]} : vector<16xi32> to vector<1xi32>
      %squeeze3A_1349 = vector.extract %slice3A_1348[0] : i32 from vector<1xi32>
      %add3A_1350 = arith.constant 5 : i32
      %add3A_1351 = arith.addi %add3A_1345, %add3A_1350 : i32
      %lt3A_1352 = arith.constant 512 : i32
      %lt3A_1353 = arith.cmpi slt, %add3A_1351, %lt3A_1352 : i32
      %convert_element_type3A_1354 = arith.extui %lt3A_1353 : i1 to i32
      %cond3A_1355 = arith.constant 0 : i32
      %cond3A_1356 = arith.cmpi ne, %convert_element_type3A_1354, %cond3A_1355 : i32
      scf.if %cond3A_1356 {
        %shift_right_arithmetic3A_2017 = arith.constant 3 : i32
        %shift_right_arithmetic3A_2018 = arith.shrsi %squeeze3A_1347, %shift_right_arithmetic3A_2017 : i32
        %mul3A_2019 = arith.constant 8 : i32
        %mul3A_2020 = arith.muli %shift_right_arithmetic3A_2018, %mul3A_2019 : i32
        %multiple_of3A_2021 = tpu.assume_multiple %mul3A_2020, 8 : i32
        %dma_start3A_2022 = arith.constant 7 : i32
        %dma_start3A_2023 = arith.constant 0 : i32
        %dma_start3A_2024 = arith.constant 0 : i32
        %dma_start3A_2025 = tpu.memref_slice %arg9[%dma_start3A_2022, %dma_start3A_2023, %dma_start3A_2024] : memref<8x8x64xf32, #tpu.memory_space<vmem>> -> memref<1x8x64xf32, #tpu.memory_space<vmem>>
        %dma_start3A_2026 = tpu.memref_squeeze %dma_start3A_2025 : memref<1x8x64xf32, #tpu.memory_space<vmem>> -> memref<8x64xf32, #tpu.memory_space<vmem>>
        %dma_start3A_2027 = arith.constant 0 : i32
        %dma_start3A_2028 = tpu.memref_slice %arg4[%multiple_of3A_2021, %dma_start3A_2027] : memref<100000x64xf32, #tpu.memory_space<hbm>> -> memref<8x64xf32, #tpu.memory_space<hbm>>
        %dma_start3A_2029 = arith.constant 0 : i32
        %dma_start3A_2030 = arith.constant 0 : i32
        %dma_start3A_2031 = tpu.memref_slice %arg9[%dma_start3A_2022, %dma_start3A_2029, %dma_start3A_2030] : memref<8x8x64xf32, #tpu.memory_space<vmem>> -> memref<1x8x64xf32, #tpu.memory_space<vmem>>
        %dma_start3A_2032 = tpu.memref_squeeze %dma_start3A_2031 : memref<1x8x64xf32, #tpu.memory_space<vmem>> -> memref<8x64xf32, #tpu.memory_space<vmem>>
        %dma_start3A_2033 = arith.constant 0 : i32
        %dma_start3A_2034 = tpu.memref_slice %arg4[%multiple_of3A_2021, %dma_start3A_2033] : memref<100000x64xf32, #tpu.memory_space<hbm>> -> memref<8x64xf32, #tpu.memory_space<hbm>>
        tpu.enqueue_dma source(%dma_start3A_2034 : memref<8x64xf32, #tpu.memory_space<hbm>>) target(%dma_start3A_2032 : memref<8x64xf32, #tpu.memory_space<vmem>>) target_semaphore(%arg19 : memref<!tpu.dma_semaphore, #tpu.memory_space<semaphore_mem>>)
        %shift_right_arithmetic3A_2035 = arith.constant 7 : i32
        %shift_right_arithmetic3A_2036 = arith.shrsi %squeeze3A_1349, %shift_right_arithmetic3A_2035 : i32
        %mul3A_2037 = arith.constant 128 : i32
        %mul3A_2038 = arith.muli %shift_right_arithmetic3A_2036, %mul3A_2037 : i32
        %multiple_of3A_2039 = tpu.assume_multiple %mul3A_2038, 128 : i32
        %dma_start3A_2040 = arith.constant 7 : i32
        %dma_start3A_2041 = arith.constant 0 : i32
        %dma_start3A_2042 = arith.constant 0 : i32
        %dma_start3A_2043 = tpu.memref_slice %arg10[%dma_start3A_2040, %dma_start3A_2041, %dma_start3A_2042] : memref<8x64x128xf32, #tpu.memory_space<vmem>> -> memref<1x64x128xf32, #tpu.memory_space<vmem>>
        %dma_start3A_2044 = tpu.memref_squeeze %dma_start3A_2043 : memref<1x64x128xf32, #tpu.memory_space<vmem>> -> memref<64x128xf32, #tpu.memory_space<vmem>>
        %dma_start3A_2045 = arith.constant 0 : i32
        %dma_start3A_2046 = tpu.memref_slice %arg5[%dma_start3A_2045, %multiple_of3A_2039] : memref<64x1000000xf32, #tpu.memory_space<hbm>> -> memref<64x128xf32, #tpu.memory_space<hbm>>
        %dma_start3A_2047 = arith.constant 0 : i32
        %dma_start3A_2048 = arith.constant 0 : i32
        %dma_start3A_2049 = tpu.memref_slice %arg10[%dma_start3A_2040, %dma_start3A_2047, %dma_start3A_2048] : memref<8x64x128xf32, #tpu.memory_space<vmem>> -> memref<1x64x128xf32, #tpu.memory_space<vmem>>
        %dma_start3A_2050 = tpu.memref_squeeze %dma_start3A_2049 : memref<1x64x128xf32, #tpu.memory_space<vmem>> -> memref<64x128xf32, #tpu.memory_space<vmem>>
        %dma_start3A_2051 = arith.constant 0 : i32
        %dma_start3A_2052 = tpu.memref_slice %arg5[%dma_start3A_2051, %multiple_of3A_2039] : memref<64x1000000xf32, #tpu.memory_space<hbm>> -> memref<64x128xf32, #tpu.memory_space<hbm>>
        tpu.enqueue_dma source(%dma_start3A_2052 : memref<64x128xf32, #tpu.memory_space<hbm>>) target(%dma_start3A_2050 : memref<64x128xf32, #tpu.memory_space<vmem>>) target_semaphore(%arg27 : memref<!tpu.dma_semaphore, #tpu.memory_space<semaphore_mem>>)
      } else {
      }
      %dma_wait3A_1357 = arith.constant 2 : i32
      %dma_wait3A_1358 = arith.constant 0 : i32
      %dma_wait3A_1359 = arith.constant 0 : i32
      %dma_wait3A_1360 = tpu.memref_slice %arg9[%dma_wait3A_1357, %dma_wait3A_1358, %dma_wait3A_1359] : memref<8x8x64xf32, #tpu.memory_space<vmem>> -> memref<1x8x64xf32, #tpu.memory_space<vmem>>
      %dma_wait3A_1361 = tpu.memref_squeeze %dma_wait3A_1360 : memref<1x8x64xf32, #tpu.memory_space<vmem>> -> memref<8x64xf32, #tpu.memory_space<vmem>>
      %dma_wait3A_1362 = arith.constant 0 : i32
      %dma_wait3A_1363 = arith.constant 0 : i32
      %dma_wait3A_1364 = tpu.memref_slice %arg4[%dma_wait3A_1362, %dma_wait3A_1363] : memref<100000x64xf32, #tpu.memory_space<hbm>> -> memref<8x64xf32, #tpu.memory_space<hbm>>
      %dma_wait3A_1365 = arith.constant 0 : i32
      %dma_wait3A_1366 = arith.constant 0 : i32
      %dma_wait3A_1367 = tpu.memref_slice %arg9[%dma_wait3A_1357, %dma_wait3A_1365, %dma_wait3A_1366] : memref<8x8x64xf32, #tpu.memory_space<vmem>> -> memref<1x8x64xf32, #tpu.memory_space<vmem>>
      %dma_wait3A_1368 = tpu.memref_squeeze %dma_wait3A_1367 : memref<1x8x64xf32, #tpu.memory_space<vmem>> -> memref<8x64xf32, #tpu.memory_space<vmem>>
      %dma_wait3A_1369 = arith.constant 0 : i32
      %dma_wait3A_1370 = arith.constant 0 : i32
      %dma_wait3A_1371 = tpu.memref_slice %arg4[%dma_wait3A_1369, %dma_wait3A_1370] : memref<100000x64xf32, #tpu.memory_space<hbm>> -> memref<8x64xf32, #tpu.memory_space<hbm>>
      tpu.wait_dma2 semaphore(%arg14 : memref<!tpu.dma_semaphore, #tpu.memory_space<semaphore_mem>>) src(%dma_wait3A_1371 : memref<8x64xf32, #tpu.memory_space<hbm>>) dst(%dma_wait3A_1368 : memref<8x64xf32, #tpu.memory_space<vmem>>)
      %dma_wait3A_1372 = arith.constant 2 : i32
      %dma_wait3A_1373 = arith.constant 0 : i32
      %dma_wait3A_1374 = arith.constant 0 : i32
      %dma_wait3A_1375 = tpu.memref_slice %arg10[%dma_wait3A_1372, %dma_wait3A_1373, %dma_wait3A_1374] : memref<8x64x128xf32, #tpu.memory_space<vmem>> -> memref<1x64x128xf32, #tpu.memory_space<vmem>>
      %dma_wait3A_1376 = tpu.memref_squeeze %dma_wait3A_1375 : memref<1x64x128xf32, #tpu.memory_space<vmem>> -> memref<64x128xf32, #tpu.memory_space<vmem>>
      %dma_wait3A_1377 = arith.constant 0 : i32
      %dma_wait3A_1378 = arith.constant 0 : i32
      %dma_wait3A_1379 = tpu.memref_slice %arg5[%dma_wait3A_1377, %dma_wait3A_1378] : memref<64x1000000xf32, #tpu.memory_space<hbm>> -> memref<64x128xf32, #tpu.memory_space<hbm>>
      %dma_wait3A_1380 = arith.constant 0 : i32
      %dma_wait3A_1381 = arith.constant 0 : i32
      %dma_wait3A_1382 = tpu.memref_slice %arg10[%dma_wait3A_1372, %dma_wait3A_1380, %dma_wait3A_1381] : memref<8x64x128xf32, #tpu.memory_space<vmem>> -> memref<1x64x128xf32, #tpu.memory_space<vmem>>
      %dma_wait3A_1383 = tpu.memref_squeeze %dma_wait3A_1382 : memref<1x64x128xf32, #tpu.memory_space<vmem>> -> memref<64x128xf32, #tpu.memory_space<vmem>>
      %dma_wait3A_1384 = arith.constant 0 : i32
      %dma_wait3A_1385 = arith.constant 0 : i32
      %dma_wait3A_1386 = tpu.memref_slice %arg5[%dma_wait3A_1384, %dma_wait3A_1385] : memref<64x1000000xf32, #tpu.memory_space<hbm>> -> memref<64x128xf32, #tpu.memory_space<hbm>>
      tpu.wait_dma2 semaphore(%arg22 : memref<!tpu.dma_semaphore, #tpu.memory_space<semaphore_mem>>) src(%dma_wait3A_1386 : memref<64x128xf32, #tpu.memory_space<hbm>>) dst(%dma_wait3A_1383 : memref<64x128xf32, #tpu.memory_space<vmem>>)
      %slice3A_1387 = vector.extract_strided_slice %get3A_222 {offsets = [10], sizes = [1], strides = [1]} : vector<16xi32> to vector<1xi32>
      %squeeze3A_1388 = vector.extract %slice3A_1387[0] : i32 from vector<1xi32>
      %and3A_1389 = arith.constant 7 : i32
      %and3A_1390 = arith.andi %squeeze3A_1388, %and3A_1389 : i32
      %slice3A_1391 = vector.extract_strided_slice %get3A_224 {offsets = [10], sizes = [1], strides = [1]} : vector<16xi32> to vector<1xi32>
      %squeeze3A_1392 = vector.extract %slice3A_1391[0] : i32 from vector<1xi32>
      %and3A_1393 = arith.constant 127 : i32
      %and3A_1394 = arith.andi %squeeze3A_1392, %and3A_1393 : i32
      %broadcast_in_dim3A_1395 = vector.broadcast %and3A_1394 : i32 to vector<16xi32>
      %get3A_1396 = arith.constant 2 : i32
      %get3A_1397 = arith.index_cast %get3A_1396 : i32 to index
      %get3A_1398 = arith.index_cast %and3A_1390 : i32 to index
      %get3A_1399 = arith.constant 0 : index
      %get3A_1400 = tpu.vector_load %arg9[%get3A_1397, %get3A_1398, %get3A_1399] {strides = array<i32>} : memref<8x8x64xf32, #tpu.memory_space<vmem>>, vector<16xf32>,
      %gather3A_1401 = arith.constant 2 : i32
      %gather3A_1402 = arith.constant 0 : i32
      %gather3A_1403 = arith.constant 0 : i32
      %gather3A_1404 = tpu.memref_slice %arg10[%gather3A_1401, %gather3A_1402, %gather3A_1403] : memref<8x64x128xf32, #tpu.memory_space<vmem>> -> memref<1x64x128xf32, #tpu.memory_space<vmem>>
      %gather3A_1405 = tpu.memref_squeeze %gather3A_1404 : memref<1x64x128xf32, #tpu.memory_space<vmem>> -> memref<64x128xf32, #tpu.memory_space<vmem>>
      %gather3A_1406 = tpu.vector_load_idx %gather3A_1405[%add3A_203, %broadcast_in_dim3A_1395] : memref<64x128xf32, #tpu.memory_space<vmem>>[vector<16xi32>, vector<16xi32>], vector<16xf32>,
      %mul3A_1407 = arith.mulf %get3A_1400, %gather3A_1406 : vector<16xf32>
      %get3A_1408 = arith.constant 2 : i32
      %get3A_1409 = arith.index_cast %get3A_1408 : i32 to index
      %get3A_1410 = arith.index_cast %and3A_1390 : i32 to index
      %get3A_1411 = arith.constant 16 : index
      %get3A_1412 = tpu.vector_load %arg9[%get3A_1409, %get3A_1410, %get3A_1411] {strides = array<i32>} : memref<8x8x64xf32, #tpu.memory_space<vmem>>, vector<16xf32>,
      %gather3A_1413 = arith.constant 2 : i32
      %gather3A_1414 = arith.constant 0 : i32
      %gather3A_1415 = arith.constant 0 : i32
      %gather3A_1416 = tpu.memref_slice %arg10[%gather3A_1413, %gather3A_1414, %gather3A_1415] : memref<8x64x128xf32, #tpu.memory_space<vmem>> -> memref<1x64x128xf32, #tpu.memory_space<vmem>>
      %gather3A_1417 = tpu.memref_squeeze %gather3A_1416 : memref<1x64x128xf32, #tpu.memory_space<vmem>> -> memref<64x128xf32, #tpu.memory_space<vmem>>
      %gather3A_1418 = tpu.vector_load_idx %gather3A_1417[%add3A_206, %broadcast_in_dim3A_1395] : memref<64x128xf32, #tpu.memory_space<vmem>>[vector<16xi32>, vector<16xi32>], vector<16xf32>,
      %mul3A_1419 = arith.mulf %get3A_1412, %gather3A_1418 : vector<16xf32>
      %add3A_1420 = arith.addf %mul3A_1407, %mul3A_1419 : vector<16xf32>
      %get3A_1421 = arith.constant 2 : i32
      %get3A_1422 = arith.index_cast %get3A_1421 : i32 to index
      %get3A_1423 = arith.index_cast %and3A_1390 : i32 to index
      %get3A_1424 = arith.constant 32 : index
      %get3A_1425 = tpu.vector_load %arg9[%get3A_1422, %get3A_1423, %get3A_1424] {strides = array<i32>} : memref<8x8x64xf32, #tpu.memory_space<vmem>>, vector<16xf32>,
      %gather3A_1426 = arith.constant 2 : i32
      %gather3A_1427 = arith.constant 0 : i32
      %gather3A_1428 = arith.constant 0 : i32
      %gather3A_1429 = tpu.memref_slice %arg10[%gather3A_1426, %gather3A_1427, %gather3A_1428] : memref<8x64x128xf32, #tpu.memory_space<vmem>> -> memref<1x64x128xf32, #tpu.memory_space<vmem>>
      %gather3A_1430 = tpu.memref_squeeze %gather3A_1429 : memref<1x64x128xf32, #tpu.memory_space<vmem>> -> memref<64x128xf32, #tpu.memory_space<vmem>>
      %gather3A_1431 = tpu.vector_load_idx %gather3A_1430[%add3A_209, %broadcast_in_dim3A_1395] : memref<64x128xf32, #tpu.memory_space<vmem>>[vector<16xi32>, vector<16xi32>], vector<16xf32>,
      %mul3A_1432 = arith.mulf %get3A_1425, %gather3A_1431 : vector<16xf32>
      %add3A_1433 = arith.addf %add3A_1420, %mul3A_1432 : vector<16xf32>
      %get3A_1434 = arith.constant 2 : i32
      %get3A_1435 = arith.index_cast %get3A_1434 : i32 to index
      %get3A_1436 = arith.index_cast %and3A_1390 : i32 to index
      %get3A_1437 = arith.constant 48 : index
      %get3A_1438 = tpu.vector_load %arg9[%get3A_1435, %get3A_1436, %get3A_1437] {strides = array<i32>} : memref<8x8x64xf32, #tpu.memory_space<vmem>>, vector<16xf32>,
      %gather3A_1439 = arith.constant 2 : i32
      %gather3A_1440 = arith.constant 0 : i32
      %gather3A_1441 = arith.constant 0 : i32
      %gather3A_1442 = tpu.memref_slice %arg10[%gather3A_1439, %gather3A_1440, %gather3A_1441] : memref<8x64x128xf32, #tpu.memory_space<vmem>> -> memref<1x64x128xf32, #tpu.memory_space<vmem>>
      %gather3A_1443 = tpu.memref_squeeze %gather3A_1442 : memref<1x64x128xf32, #tpu.memory_space<vmem>> -> memref<64x128xf32, #tpu.memory_space<vmem>>
      %gather3A_1444 = tpu.vector_load_idx %gather3A_1443[%add3A_212, %broadcast_in_dim3A_1395] : memref<64x128xf32, #tpu.memory_space<vmem>>[vector<16xi32>, vector<16xi32>], vector<16xf32>,
      %mul3A_1445 = arith.mulf %get3A_1438, %gather3A_1444 : vector<16xf32>
      %add3A_1446 = arith.addf %add3A_1433, %mul3A_1445 : vector<16xf32>
      %eq3A_1447 = arith.constant 10 : i32
      %eq3A_1448 = vector.broadcast %eq3A_1447 : i32 to vector<16xi32>
      %eq3A_1449 = arith.cmpi eq, %iota3A, %eq3A_1448 : vector<16xi32>
      %reduce_sum3A_1450 = arith.constant true
      %reduce_sum3A_1451 = vector.broadcast %reduce_sum3A_1450 : i1 to vector<16xi1>
      %reduce_sum3A_1452 = tpu.scan <sum>, %add3A_1446 masked %reduce_sum3A_1451 : vector<16xf32>, vector<16xi1> -> vector<16xf32>
      %reduce_sum3A_1453 = vector.extract %reduce_sum3A_1452[15] : f32 from vector<16xf32>
      %broadcast_in_dim3A_1454 = vector.broadcast %reduce_sum3A_1453 : f32 to vector<16xf32>
      %select_n3A_1455 = arith.select %eq3A_1449, %broadcast_in_dim3A_1454, %select_n3A_1343 : vector<16xi1>, vector<16xf32>
      %add3A_1456 = arith.constant 11 : i32
      %add3A_1457 = arith.addi %mul3A_220, %add3A_1456 : i32
      %slice3A_1458 = vector.extract_strided_slice %get3A_229 {offsets = [0], sizes = [1], strides = [1]} : vector<16xi32> to vector<1xi32>
      %squeeze3A_1459 = vector.extract %slice3A_1458[0] : i32 from vector<1xi32>
      %slice3A_1460 = vector.extract_strided_slice %get3A_231 {offsets = [0], sizes = [1], strides = [1]} : vector<16xi32> to vector<1xi32>
      %squeeze3A_1461 = vector.extract %slice3A_1460[0] : i32 from vector<1xi32>
      %add3A_1462 = arith.constant 5 : i32
      %add3A_1463 = arith.addi %add3A_1457, %add3A_1462 : i32
      %lt3A_1464 = arith.constant 512 : i32
      %lt3A_1465 = arith.cmpi slt, %add3A_1463, %lt3A_1464 : i32
      %convert_element_type3A_1466 = arith.extui %lt3A_1465 : i1 to i32
      %cond3A_1467 = arith.constant 0 : i32
      %cond3A_1468 = arith.cmpi ne, %convert_element_type3A_1466, %cond3A_1467 : i32
      scf.if %cond3A_1468 {
        %shift_right_arithmetic3A_2017 = arith.constant 3 : i32
        %shift_right_arithmetic3A_2018 = arith.shrsi %squeeze3A_1459, %shift_right_arithmetic3A_2017 : i32
        %mul3A_2019 = arith.constant 8 : i32
        %mul3A_2020 = arith.muli %shift_right_arithmetic3A_2018, %mul3A_2019 : i32
        %multiple_of3A_2021 = tpu.assume_multiple %mul3A_2020, 8 : i32
        %dma_start3A_2022 = arith.constant 0 : i32
        %dma_start3A_2023 = arith.constant 0 : i32
        %dma_start3A_2024 = arith.constant 0 : i32
        %dma_start3A_2025 = tpu.memref_slice %arg9[%dma_start3A_2022, %dma_start3A_2023, %dma_start3A_2024] : memref<8x8x64xf32, #tpu.memory_space<vmem>> -> memref<1x8x64xf32, #tpu.memory_space<vmem>>
        %dma_start3A_2026 = tpu.memref_squeeze %dma_start3A_2025 : memref<1x8x64xf32, #tpu.memory_space<vmem>> -> memref<8x64xf32, #tpu.memory_space<vmem>>
        %dma_start3A_2027 = arith.constant 0 : i32
        %dma_start3A_2028 = tpu.memref_slice %arg4[%multiple_of3A_2021, %dma_start3A_2027] : memref<100000x64xf32, #tpu.memory_space<hbm>> -> memref<8x64xf32, #tpu.memory_space<hbm>>
        %dma_start3A_2029 = arith.constant 0 : i32
        %dma_start3A_2030 = arith.constant 0 : i32
        %dma_start3A_2031 = tpu.memref_slice %arg9[%dma_start3A_2022, %dma_start3A_2029, %dma_start3A_2030] : memref<8x8x64xf32, #tpu.memory_space<vmem>> -> memref<1x8x64xf32, #tpu.memory_space<vmem>>
        %dma_start3A_2032 = tpu.memref_squeeze %dma_start3A_2031 : memref<1x8x64xf32, #tpu.memory_space<vmem>> -> memref<8x64xf32, #tpu.memory_space<vmem>>
        %dma_start3A_2033 = arith.constant 0 : i32
        %dma_start3A_2034 = tpu.memref_slice %arg4[%multiple_of3A_2021, %dma_start3A_2033] : memref<100000x64xf32, #tpu.memory_space<hbm>> -> memref<8x64xf32, #tpu.memory_space<hbm>>
        tpu.enqueue_dma source(%dma_start3A_2034 : memref<8x64xf32, #tpu.memory_space<hbm>>) target(%dma_start3A_2032 : memref<8x64xf32, #tpu.memory_space<vmem>>) target_semaphore(%arg12 : memref<!tpu.dma_semaphore, #tpu.memory_space<semaphore_mem>>)
        %shift_right_arithmetic3A_2035 = arith.constant 7 : i32
        %shift_right_arithmetic3A_2036 = arith.shrsi %squeeze3A_1461, %shift_right_arithmetic3A_2035 : i32
        %mul3A_2037 = arith.constant 128 : i32
        %mul3A_2038 = arith.muli %shift_right_arithmetic3A_2036, %mul3A_2037 : i32
        %multiple_of3A_2039 = tpu.assume_multiple %mul3A_2038, 128 : i32
        %dma_start3A_2040 = arith.constant 0 : i32
        %dma_start3A_2041 = arith.constant 0 : i32
        %dma_start3A_2042 = arith.constant 0 : i32
        %dma_start3A_2043 = tpu.memref_slice %arg10[%dma_start3A_2040, %dma_start3A_2041, %dma_start3A_2042] : memref<8x64x128xf32, #tpu.memory_space<vmem>> -> memref<1x64x128xf32, #tpu.memory_space<vmem>>
        %dma_start3A_2044 = tpu.memref_squeeze %dma_start3A_2043 : memref<1x64x128xf32, #tpu.memory_space<vmem>> -> memref<64x128xf32, #tpu.memory_space<vmem>>
        %dma_start3A_2045 = arith.constant 0 : i32
        %dma_start3A_2046 = tpu.memref_slice %arg5[%dma_start3A_2045, %multiple_of3A_2039] : memref<64x1000000xf32, #tpu.memory_space<hbm>> -> memref<64x128xf32, #tpu.memory_space<hbm>>
        %dma_start3A_2047 = arith.constant 0 : i32
        %dma_start3A_2048 = arith.constant 0 : i32
        %dma_start3A_2049 = tpu.memref_slice %arg10[%dma_start3A_2040, %dma_start3A_2047, %dma_start3A_2048] : memref<8x64x128xf32, #tpu.memory_space<vmem>> -> memref<1x64x128xf32, #tpu.memory_space<vmem>>
        %dma_start3A_2050 = tpu.memref_squeeze %dma_start3A_2049 : memref<1x64x128xf32, #tpu.memory_space<vmem>> -> memref<64x128xf32, #tpu.memory_space<vmem>>
        %dma_start3A_2051 = arith.constant 0 : i32
        %dma_start3A_2052 = tpu.memref_slice %arg5[%dma_start3A_2051, %multiple_of3A_2039] : memref<64x1000000xf32, #tpu.memory_space<hbm>> -> memref<64x128xf32, #tpu.memory_space<hbm>>
        tpu.enqueue_dma source(%dma_start3A_2052 : memref<64x128xf32, #tpu.memory_space<hbm>>) target(%dma_start3A_2050 : memref<64x128xf32, #tpu.memory_space<vmem>>) target_semaphore(%arg20 : memref<!tpu.dma_semaphore, #tpu.memory_space<semaphore_mem>>)
      } else {
      }
      %dma_wait3A_1469 = arith.constant 3 : i32
      %dma_wait3A_1470 = arith.constant 0 : i32
      %dma_wait3A_1471 = arith.constant 0 : i32
      %dma_wait3A_1472 = tpu.memref_slice %arg9[%dma_wait3A_1469, %dma_wait3A_1470, %dma_wait3A_1471] : memref<8x8x64xf32, #tpu.memory_space<vmem>> -> memref<1x8x64xf32, #tpu.memory_space<vmem>>
      %dma_wait3A_1473 = tpu.memref_squeeze %dma_wait3A_1472 : memref<1x8x64xf32, #tpu.memory_space<vmem>> -> memref<8x64xf32, #tpu.memory_space<vmem>>
      %dma_wait3A_1474 = arith.constant 0 : i32
      %dma_wait3A_1475 = arith.constant 0 : i32
      %dma_wait3A_1476 = tpu.memref_slice %arg4[%dma_wait3A_1474, %dma_wait3A_1475] : memref<100000x64xf32, #tpu.memory_space<hbm>> -> memref<8x64xf32, #tpu.memory_space<hbm>>
      %dma_wait3A_1477 = arith.constant 0 : i32
      %dma_wait3A_1478 = arith.constant 0 : i32
      %dma_wait3A_1479 = tpu.memref_slice %arg9[%dma_wait3A_1469, %dma_wait3A_1477, %dma_wait3A_1478] : memref<8x8x64xf32, #tpu.memory_space<vmem>> -> memref<1x8x64xf32, #tpu.memory_space<vmem>>
      %dma_wait3A_1480 = tpu.memref_squeeze %dma_wait3A_1479 : memref<1x8x64xf32, #tpu.memory_space<vmem>> -> memref<8x64xf32, #tpu.memory_space<vmem>>
      %dma_wait3A_1481 = arith.constant 0 : i32
      %dma_wait3A_1482 = arith.constant 0 : i32
      %dma_wait3A_1483 = tpu.memref_slice %arg4[%dma_wait3A_1481, %dma_wait3A_1482] : memref<100000x64xf32, #tpu.memory_space<hbm>> -> memref<8x64xf32, #tpu.memory_space<hbm>>
      tpu.wait_dma2 semaphore(%arg15 : memref<!tpu.dma_semaphore, #tpu.memory_space<semaphore_mem>>) src(%dma_wait3A_1483 : memref<8x64xf32, #tpu.memory_space<hbm>>) dst(%dma_wait3A_1480 : memref<8x64xf32, #tpu.memory_space<vmem>>)
      %dma_wait3A_1484 = arith.constant 3 : i32
      %dma_wait3A_1485 = arith.constant 0 : i32
      %dma_wait3A_1486 = arith.constant 0 : i32
      %dma_wait3A_1487 = tpu.memref_slice %arg10[%dma_wait3A_1484, %dma_wait3A_1485, %dma_wait3A_1486] : memref<8x64x128xf32, #tpu.memory_space<vmem>> -> memref<1x64x128xf32, #tpu.memory_space<vmem>>
      %dma_wait3A_1488 = tpu.memref_squeeze %dma_wait3A_1487 : memref<1x64x128xf32, #tpu.memory_space<vmem>> -> memref<64x128xf32, #tpu.memory_space<vmem>>
      %dma_wait3A_1489 = arith.constant 0 : i32
      %dma_wait3A_1490 = arith.constant 0 : i32
      %dma_wait3A_1491 = tpu.memref_slice %arg5[%dma_wait3A_1489, %dma_wait3A_1490] : memref<64x1000000xf32, #tpu.memory_space<hbm>> -> memref<64x128xf32, #tpu.memory_space<hbm>>
      %dma_wait3A_1492 = arith.constant 0 : i32
      %dma_wait3A_1493 = arith.constant 0 : i32
      %dma_wait3A_1494 = tpu.memref_slice %arg10[%dma_wait3A_1484, %dma_wait3A_1492, %dma_wait3A_1493] : memref<8x64x128xf32, #tpu.memory_space<vmem>> -> memref<1x64x128xf32, #tpu.memory_space<vmem>>
      %dma_wait3A_1495 = tpu.memref_squeeze %dma_wait3A_1494 : memref<1x64x128xf32, #tpu.memory_space<vmem>> -> memref<64x128xf32, #tpu.memory_space<vmem>>
      %dma_wait3A_1496 = arith.constant 0 : i32
      %dma_wait3A_1497 = arith.constant 0 : i32
      %dma_wait3A_1498 = tpu.memref_slice %arg5[%dma_wait3A_1496, %dma_wait3A_1497] : memref<64x1000000xf32, #tpu.memory_space<hbm>> -> memref<64x128xf32, #tpu.memory_space<hbm>>
      tpu.wait_dma2 semaphore(%arg23 : memref<!tpu.dma_semaphore, #tpu.memory_space<semaphore_mem>>) src(%dma_wait3A_1498 : memref<64x128xf32, #tpu.memory_space<hbm>>) dst(%dma_wait3A_1495 : memref<64x128xf32, #tpu.memory_space<vmem>>)
      %slice3A_1499 = vector.extract_strided_slice %get3A_222 {offsets = [11], sizes = [1], strides = [1]} : vector<16xi32> to vector<1xi32>
      %squeeze3A_1500 = vector.extract %slice3A_1499[0] : i32 from vector<1xi32>
      %and3A_1501 = arith.constant 7 : i32
      %and3A_1502 = arith.andi %squeeze3A_1500, %and3A_1501 : i32
      %slice3A_1503 = vector.extract_strided_slice %get3A_224 {offsets = [11], sizes = [1], strides = [1]} : vector<16xi32> to vector<1xi32>
      %squeeze3A_1504 = vector.extract %slice3A_1503[0] : i32 from vector<1xi32>
      %and3A_1505 = arith.constant 127 : i32
      %and3A_1506 = arith.andi %squeeze3A_1504, %and3A_1505 : i32
      %broadcast_in_dim3A_1507 = vector.broadcast %and3A_1506 : i32 to vector<16xi32>
      %get3A_1508 = arith.constant 3 : i32
      %get3A_1509 = arith.index_cast %get3A_1508 : i32 to index
      %get3A_1510 = arith.index_cast %and3A_1502 : i32 to index
      %get3A_1511 = arith.constant 0 : index
      %get3A_1512 = tpu.vector_load %arg9[%get3A_1509, %get3A_1510, %get3A_1511] {strides = array<i32>} : memref<8x8x64xf32, #tpu.memory_space<vmem>>, vector<16xf32>,
      %gather3A_1513 = arith.constant 3 : i32
      %gather3A_1514 = arith.constant 0 : i32
      %gather3A_1515 = arith.constant 0 : i32
      %gather3A_1516 = tpu.memref_slice %arg10[%gather3A_1513, %gather3A_1514, %gather3A_1515] : memref<8x64x128xf32, #tpu.memory_space<vmem>> -> memref<1x64x128xf32, #tpu.memory_space<vmem>>
      %gather3A_1517 = tpu.memref_squeeze %gather3A_1516 : memref<1x64x128xf32, #tpu.memory_space<vmem>> -> memref<64x128xf32, #tpu.memory_space<vmem>>
      %gather3A_1518 = tpu.vector_load_idx %gather3A_1517[%add3A_203, %broadcast_in_dim3A_1507] : memref<64x128xf32, #tpu.memory_space<vmem>>[vector<16xi32>, vector<16xi32>], vector<16xf32>,
      %mul3A_1519 = arith.mulf %get3A_1512, %gather3A_1518 : vector<16xf32>
      %get3A_1520 = arith.constant 3 : i32
      %get3A_1521 = arith.index_cast %get3A_1520 : i32 to index
      %get3A_1522 = arith.index_cast %and3A_1502 : i32 to index
      %get3A_1523 = arith.constant 16 : index
      %get3A_1524 = tpu.vector_load %arg9[%get3A_1521, %get3A_1522, %get3A_1523] {strides = array<i32>} : memref<8x8x64xf32, #tpu.memory_space<vmem>>, vector<16xf32>,
      %gather3A_1525 = arith.constant 3 : i32
      %gather3A_1526 = arith.constant 0 : i32
      %gather3A_1527 = arith.constant 0 : i32
      %gather3A_1528 = tpu.memref_slice %arg10[%gather3A_1525, %gather3A_1526, %gather3A_1527] : memref<8x64x128xf32, #tpu.memory_space<vmem>> -> memref<1x64x128xf32, #tpu.memory_space<vmem>>
      %gather3A_1529 = tpu.memref_squeeze %gather3A_1528 : memref<1x64x128xf32, #tpu.memory_space<vmem>> -> memref<64x128xf32, #tpu.memory_space<vmem>>
      %gather3A_1530 = tpu.vector_load_idx %gather3A_1529[%add3A_206, %broadcast_in_dim3A_1507] : memref<64x128xf32, #tpu.memory_space<vmem>>[vector<16xi32>, vector<16xi32>], vector<16xf32>,
      %mul3A_1531 = arith.mulf %get3A_1524, %gather3A_1530 : vector<16xf32>
      %add3A_1532 = arith.addf %mul3A_1519, %mul3A_1531 : vector<16xf32>
      %get3A_1533 = arith.constant 3 : i32
      %get3A_1534 = arith.index_cast %get3A_1533 : i32 to index
      %get3A_1535 = arith.index_cast %and3A_1502 : i32 to index
      %get3A_1536 = arith.constant 32 : index
      %get3A_1537 = tpu.vector_load %arg9[%get3A_1534, %get3A_1535, %get3A_1536] {strides = array<i32>} : memref<8x8x64xf32, #tpu.memory_space<vmem>>, vector<16xf32>,
      %gather3A_1538 = arith.constant 3 : i32
      %gather3A_1539 = arith.constant 0 : i32
      %gather3A_1540 = arith.constant 0 : i32
      %gather3A_1541 = tpu.memref_slice %arg10[%gather3A_1538, %gather3A_1539, %gather3A_1540] : memref<8x64x128xf32, #tpu.memory_space<vmem>> -> memref<1x64x128xf32, #tpu.memory_space<vmem>>
      %gather3A_1542 = tpu.memref_squeeze %gather3A_1541 : memref<1x64x128xf32, #tpu.memory_space<vmem>> -> memref<64x128xf32, #tpu.memory_space<vmem>>
      %gather3A_1543 = tpu.vector_load_idx %gather3A_1542[%add3A_209, %broadcast_in_dim3A_1507] : memref<64x128xf32, #tpu.memory_space<vmem>>[vector<16xi32>, vector<16xi32>], vector<16xf32>,
      %mul3A_1544 = arith.mulf %get3A_1537, %gather3A_1543 : vector<16xf32>
      %add3A_1545 = arith.addf %add3A_1532, %mul3A_1544 : vector<16xf32>
      %get3A_1546 = arith.constant 3 : i32
      %get3A_1547 = arith.index_cast %get3A_1546 : i32 to index
      %get3A_1548 = arith.index_cast %and3A_1502 : i32 to index
      %get3A_1549 = arith.constant 48 : index
      %get3A_1550 = tpu.vector_load %arg9[%get3A_1547, %get3A_1548, %get3A_1549] {strides = array<i32>} : memref<8x8x64xf32, #tpu.memory_space<vmem>>, vector<16xf32>,
      %gather3A_1551 = arith.constant 3 : i32
      %gather3A_1552 = arith.constant 0 : i32
      %gather3A_1553 = arith.constant 0 : i32
      %gather3A_1554 = tpu.memref_slice %arg10[%gather3A_1551, %gather3A_1552, %gather3A_1553] : memref<8x64x128xf32, #tpu.memory_space<vmem>> -> memref<1x64x128xf32, #tpu.memory_space<vmem>>
      %gather3A_1555 = tpu.memref_squeeze %gather3A_1554 : memref<1x64x128xf32, #tpu.memory_space<vmem>> -> memref<64x128xf32, #tpu.memory_space<vmem>>
      %gather3A_1556 = tpu.vector_load_idx %gather3A_1555[%add3A_212, %broadcast_in_dim3A_1507] : memref<64x128xf32, #tpu.memory_space<vmem>>[vector<16xi32>, vector<16xi32>], vector<16xf32>,
      %mul3A_1557 = arith.mulf %get3A_1550, %gather3A_1556 : vector<16xf32>
      %add3A_1558 = arith.addf %add3A_1545, %mul3A_1557 : vector<16xf32>
      %eq3A_1559 = arith.constant 11 : i32
      %eq3A_1560 = vector.broadcast %eq3A_1559 : i32 to vector<16xi32>
      %eq3A_1561 = arith.cmpi eq, %iota3A, %eq3A_1560 : vector<16xi32>
      %reduce_sum3A_1562 = arith.constant true
      %reduce_sum3A_1563 = vector.broadcast %reduce_sum3A_1562 : i1 to vector<16xi1>
      %reduce_sum3A_1564 = tpu.scan <sum>, %add3A_1558 masked %reduce_sum3A_1563 : vector<16xf32>, vector<16xi1> -> vector<16xf32>
      %reduce_sum3A_1565 = vector.extract %reduce_sum3A_1564[15] : f32 from vector<16xf32>
      %broadcast_in_dim3A_1566 = vector.broadcast %reduce_sum3A_1565 : f32 to vector<16xf32>
      %select_n3A_1567 = arith.select %eq3A_1561, %broadcast_in_dim3A_1566, %select_n3A_1455 : vector<16xi1>, vector<16xf32>
      %add3A_1568 = arith.constant 12 : i32
      %add3A_1569 = arith.addi %mul3A_220, %add3A_1568 : i32
      %slice3A_1570 = vector.extract_strided_slice %get3A_229 {offsets = [1], sizes = [1], strides = [1]} : vector<16xi32> to vector<1xi32>
      %squeeze3A_1571 = vector.extract %slice3A_1570[0] : i32 from vector<1xi32>
      %slice3A_1572 = vector.extract_strided_slice %get3A_231 {offsets = [1], sizes = [1], strides = [1]} : vector<16xi32> to vector<1xi32>
      %squeeze3A_1573 = vector.extract %slice3A_1572[0] : i32 from vector<1xi32>
      %add3A_1574 = arith.constant 5 : i32
      %add3A_1575 = arith.addi %add3A_1569, %add3A_1574 : i32
      %lt3A_1576 = arith.constant 512 : i32
      %lt3A_1577 = arith.cmpi slt, %add3A_1575, %lt3A_1576 : i32
      %convert_element_type3A_1578 = arith.extui %lt3A_1577 : i1 to i32
      %cond3A_1579 = arith.constant 0 : i32
      %cond3A_1580 = arith.cmpi ne, %convert_element_type3A_1578, %cond3A_1579 : i32
      scf.if %cond3A_1580 {
        %shift_right_arithmetic3A_2017 = arith.constant 3 : i32
        %shift_right_arithmetic3A_2018 = arith.shrsi %squeeze3A_1571, %shift_right_arithmetic3A_2017 : i32
        %mul3A_2019 = arith.constant 8 : i32
        %mul3A_2020 = arith.muli %shift_right_arithmetic3A_2018, %mul3A_2019 : i32
        %multiple_of3A_2021 = tpu.assume_multiple %mul3A_2020, 8 : i32
        %dma_start3A_2022 = arith.constant 1 : i32
        %dma_start3A_2023 = arith.constant 0 : i32
        %dma_start3A_2024 = arith.constant 0 : i32
        %dma_start3A_2025 = tpu.memref_slice %arg9[%dma_start3A_2022, %dma_start3A_2023, %dma_start3A_2024] : memref<8x8x64xf32, #tpu.memory_space<vmem>> -> memref<1x8x64xf32, #tpu.memory_space<vmem>>
        %dma_start3A_2026 = tpu.memref_squeeze %dma_start3A_2025 : memref<1x8x64xf32, #tpu.memory_space<vmem>> -> memref<8x64xf32, #tpu.memory_space<vmem>>
        %dma_start3A_2027 = arith.constant 0 : i32
        %dma_start3A_2028 = tpu.memref_slice %arg4[%multiple_of3A_2021, %dma_start3A_2027] : memref<100000x64xf32, #tpu.memory_space<hbm>> -> memref<8x64xf32, #tpu.memory_space<hbm>>
        %dma_start3A_2029 = arith.constant 0 : i32
        %dma_start3A_2030 = arith.constant 0 : i32
        %dma_start3A_2031 = tpu.memref_slice %arg9[%dma_start3A_2022, %dma_start3A_2029, %dma_start3A_2030] : memref<8x8x64xf32, #tpu.memory_space<vmem>> -> memref<1x8x64xf32, #tpu.memory_space<vmem>>
        %dma_start3A_2032 = tpu.memref_squeeze %dma_start3A_2031 : memref<1x8x64xf32, #tpu.memory_space<vmem>> -> memref<8x64xf32, #tpu.memory_space<vmem>>
        %dma_start3A_2033 = arith.constant 0 : i32
        %dma_start3A_2034 = tpu.memref_slice %arg4[%multiple_of3A_2021, %dma_start3A_2033] : memref<100000x64xf32, #tpu.memory_space<hbm>> -> memref<8x64xf32, #tpu.memory_space<hbm>>
        tpu.enqueue_dma source(%dma_start3A_2034 : memref<8x64xf32, #tpu.memory_space<hbm>>) target(%dma_start3A_2032 : memref<8x64xf32, #tpu.memory_space<vmem>>) target_semaphore(%arg13 : memref<!tpu.dma_semaphore, #tpu.memory_space<semaphore_mem>>)
        %shift_right_arithmetic3A_2035 = arith.constant 7 : i32
        %shift_right_arithmetic3A_2036 = arith.shrsi %squeeze3A_1573, %shift_right_arithmetic3A_2035 : i32
        %mul3A_2037 = arith.constant 128 : i32
        %mul3A_2038 = arith.muli %shift_right_arithmetic3A_2036, %mul3A_2037 : i32
        %multiple_of3A_2039 = tpu.assume_multiple %mul3A_2038, 128 : i32
        %dma_start3A_2040 = arith.constant 1 : i32
        %dma_start3A_2041 = arith.constant 0 : i32
        %dma_start3A_2042 = arith.constant 0 : i32
        %dma_start3A_2043 = tpu.memref_slice %arg10[%dma_start3A_2040, %dma_start3A_2041, %dma_start3A_2042] : memref<8x64x128xf32, #tpu.memory_space<vmem>> -> memref<1x64x128xf32, #tpu.memory_space<vmem>>
        %dma_start3A_2044 = tpu.memref_squeeze %dma_start3A_2043 : memref<1x64x128xf32, #tpu.memory_space<vmem>> -> memref<64x128xf32, #tpu.memory_space<vmem>>
        %dma_start3A_2045 = arith.constant 0 : i32
        %dma_start3A_2046 = tpu.memref_slice %arg5[%dma_start3A_2045, %multiple_of3A_2039] : memref<64x1000000xf32, #tpu.memory_space<hbm>> -> memref<64x128xf32, #tpu.memory_space<hbm>>
        %dma_start3A_2047 = arith.constant 0 : i32
        %dma_start3A_2048 = arith.constant 0 : i32
        %dma_start3A_2049 = tpu.memref_slice %arg10[%dma_start3A_2040, %dma_start3A_2047, %dma_start3A_2048] : memref<8x64x128xf32, #tpu.memory_space<vmem>> -> memref<1x64x128xf32, #tpu.memory_space<vmem>>
        %dma_start3A_2050 = tpu.memref_squeeze %dma_start3A_2049 : memref<1x64x128xf32, #tpu.memory_space<vmem>> -> memref<64x128xf32, #tpu.memory_space<vmem>>
        %dma_start3A_2051 = arith.constant 0 : i32
        %dma_start3A_2052 = tpu.memref_slice %arg5[%dma_start3A_2051, %multiple_of3A_2039] : memref<64x1000000xf32, #tpu.memory_space<hbm>> -> memref<64x128xf32, #tpu.memory_space<hbm>>
        tpu.enqueue_dma source(%dma_start3A_2052 : memref<64x128xf32, #tpu.memory_space<hbm>>) target(%dma_start3A_2050 : memref<64x128xf32, #tpu.memory_space<vmem>>) target_semaphore(%arg21 : memref<!tpu.dma_semaphore, #tpu.memory_space<semaphore_mem>>)
      } else {
      }
      %dma_wait3A_1581 = arith.constant 4 : i32
      %dma_wait3A_1582 = arith.constant 0 : i32
      %dma_wait3A_1583 = arith.constant 0 : i32
      %dma_wait3A_1584 = tpu.memref_slice %arg9[%dma_wait3A_1581, %dma_wait3A_1582, %dma_wait3A_1583] : memref<8x8x64xf32, #tpu.memory_space<vmem>> -> memref<1x8x64xf32, #tpu.memory_space<vmem>>
      %dma_wait3A_1585 = tpu.memref_squeeze %dma_wait3A_1584 : memref<1x8x64xf32, #tpu.memory_space<vmem>> -> memref<8x64xf32, #tpu.memory_space<vmem>>
      %dma_wait3A_1586 = arith.constant 0 : i32
      %dma_wait3A_1587 = arith.constant 0 : i32
      %dma_wait3A_1588 = tpu.memref_slice %arg4[%dma_wait3A_1586, %dma_wait3A_1587] : memref<100000x64xf32, #tpu.memory_space<hbm>> -> memref<8x64xf32, #tpu.memory_space<hbm>>
      %dma_wait3A_1589 = arith.constant 0 : i32
      %dma_wait3A_1590 = arith.constant 0 : i32
      %dma_wait3A_1591 = tpu.memref_slice %arg9[%dma_wait3A_1581, %dma_wait3A_1589, %dma_wait3A_1590] : memref<8x8x64xf32, #tpu.memory_space<vmem>> -> memref<1x8x64xf32, #tpu.memory_space<vmem>>
      %dma_wait3A_1592 = tpu.memref_squeeze %dma_wait3A_1591 : memref<1x8x64xf32, #tpu.memory_space<vmem>> -> memref<8x64xf32, #tpu.memory_space<vmem>>
      %dma_wait3A_1593 = arith.constant 0 : i32
      %dma_wait3A_1594 = arith.constant 0 : i32
      %dma_wait3A_1595 = tpu.memref_slice %arg4[%dma_wait3A_1593, %dma_wait3A_1594] : memref<100000x64xf32, #tpu.memory_space<hbm>> -> memref<8x64xf32, #tpu.memory_space<hbm>>
      tpu.wait_dma2 semaphore(%arg16 : memref<!tpu.dma_semaphore, #tpu.memory_space<semaphore_mem>>) src(%dma_wait3A_1595 : memref<8x64xf32, #tpu.memory_space<hbm>>) dst(%dma_wait3A_1592 : memref<8x64xf32, #tpu.memory_space<vmem>>)
      %dma_wait3A_1596 = arith.constant 4 : i32
      %dma_wait3A_1597 = arith.constant 0 : i32
      %dma_wait3A_1598 = arith.constant 0 : i32
      %dma_wait3A_1599 = tpu.memref_slice %arg10[%dma_wait3A_1596, %dma_wait3A_1597, %dma_wait3A_1598] : memref<8x64x128xf32, #tpu.memory_space<vmem>> -> memref<1x64x128xf32, #tpu.memory_space<vmem>>
      %dma_wait3A_1600 = tpu.memref_squeeze %dma_wait3A_1599 : memref<1x64x128xf32, #tpu.memory_space<vmem>> -> memref<64x128xf32, #tpu.memory_space<vmem>>
      %dma_wait3A_1601 = arith.constant 0 : i32
      %dma_wait3A_1602 = arith.constant 0 : i32
      %dma_wait3A_1603 = tpu.memref_slice %arg5[%dma_wait3A_1601, %dma_wait3A_1602] : memref<64x1000000xf32, #tpu.memory_space<hbm>> -> memref<64x128xf32, #tpu.memory_space<hbm>>
      %dma_wait3A_1604 = arith.constant 0 : i32
      %dma_wait3A_1605 = arith.constant 0 : i32
      %dma_wait3A_1606 = tpu.memref_slice %arg10[%dma_wait3A_1596, %dma_wait3A_1604, %dma_wait3A_1605] : memref<8x64x128xf32, #tpu.memory_space<vmem>> -> memref<1x64x128xf32, #tpu.memory_space<vmem>>
      %dma_wait3A_1607 = tpu.memref_squeeze %dma_wait3A_1606 : memref<1x64x128xf32, #tpu.memory_space<vmem>> -> memref<64x128xf32, #tpu.memory_space<vmem>>
      %dma_wait3A_1608 = arith.constant 0 : i32
      %dma_wait3A_1609 = arith.constant 0 : i32
      %dma_wait3A_1610 = tpu.memref_slice %arg5[%dma_wait3A_1608, %dma_wait3A_1609] : memref<64x1000000xf32, #tpu.memory_space<hbm>> -> memref<64x128xf32, #tpu.memory_space<hbm>>
      tpu.wait_dma2 semaphore(%arg24 : memref<!tpu.dma_semaphore, #tpu.memory_space<semaphore_mem>>) src(%dma_wait3A_1610 : memref<64x128xf32, #tpu.memory_space<hbm>>) dst(%dma_wait3A_1607 : memref<64x128xf32, #tpu.memory_space<vmem>>)
      %slice3A_1611 = vector.extract_strided_slice %get3A_222 {offsets = [12], sizes = [1], strides = [1]} : vector<16xi32> to vector<1xi32>
      %squeeze3A_1612 = vector.extract %slice3A_1611[0] : i32 from vector<1xi32>
      %and3A_1613 = arith.constant 7 : i32
      %and3A_1614 = arith.andi %squeeze3A_1612, %and3A_1613 : i32
      %slice3A_1615 = vector.extract_strided_slice %get3A_224 {offsets = [12], sizes = [1], strides = [1]} : vector<16xi32> to vector<1xi32>
      %squeeze3A_1616 = vector.extract %slice3A_1615[0] : i32 from vector<1xi32>
      %and3A_1617 = arith.constant 127 : i32
      %and3A_1618 = arith.andi %squeeze3A_1616, %and3A_1617 : i32
      %broadcast_in_dim3A_1619 = vector.broadcast %and3A_1618 : i32 to vector<16xi32>
      %get3A_1620 = arith.constant 4 : i32
      %get3A_1621 = arith.index_cast %get3A_1620 : i32 to index
      %get3A_1622 = arith.index_cast %and3A_1614 : i32 to index
      %get3A_1623 = arith.constant 0 : index
      %get3A_1624 = tpu.vector_load %arg9[%get3A_1621, %get3A_1622, %get3A_1623] {strides = array<i32>} : memref<8x8x64xf32, #tpu.memory_space<vmem>>, vector<16xf32>,
      %gather3A_1625 = arith.constant 4 : i32
      %gather3A_1626 = arith.constant 0 : i32
      %gather3A_1627 = arith.constant 0 : i32
      %gather3A_1628 = tpu.memref_slice %arg10[%gather3A_1625, %gather3A_1626, %gather3A_1627] : memref<8x64x128xf32, #tpu.memory_space<vmem>> -> memref<1x64x128xf32, #tpu.memory_space<vmem>>
      %gather3A_1629 = tpu.memref_squeeze %gather3A_1628 : memref<1x64x128xf32, #tpu.memory_space<vmem>> -> memref<64x128xf32, #tpu.memory_space<vmem>>
      %gather3A_1630 = tpu.vector_load_idx %gather3A_1629[%add3A_203, %broadcast_in_dim3A_1619] : memref<64x128xf32, #tpu.memory_space<vmem>>[vector<16xi32>, vector<16xi32>], vector<16xf32>,
      %mul3A_1631 = arith.mulf %get3A_1624, %gather3A_1630 : vector<16xf32>
      %get3A_1632 = arith.constant 4 : i32
      %get3A_1633 = arith.index_cast %get3A_1632 : i32 to index
      %get3A_1634 = arith.index_cast %and3A_1614 : i32 to index
      %get3A_1635 = arith.constant 16 : index
      %get3A_1636 = tpu.vector_load %arg9[%get3A_1633, %get3A_1634, %get3A_1635] {strides = array<i32>} : memref<8x8x64xf32, #tpu.memory_space<vmem>>, vector<16xf32>,
      %gather3A_1637 = arith.constant 4 : i32
      %gather3A_1638 = arith.constant 0 : i32
      %gather3A_1639 = arith.constant 0 : i32
      %gather3A_1640 = tpu.memref_slice %arg10[%gather3A_1637, %gather3A_1638, %gather3A_1639] : memref<8x64x128xf32, #tpu.memory_space<vmem>> -> memref<1x64x128xf32, #tpu.memory_space<vmem>>
      %gather3A_1641 = tpu.memref_squeeze %gather3A_1640 : memref<1x64x128xf32, #tpu.memory_space<vmem>> -> memref<64x128xf32, #tpu.memory_space<vmem>>
      %gather3A_1642 = tpu.vector_load_idx %gather3A_1641[%add3A_206, %broadcast_in_dim3A_1619] : memref<64x128xf32, #tpu.memory_space<vmem>>[vector<16xi32>, vector<16xi32>], vector<16xf32>,
      %mul3A_1643 = arith.mulf %get3A_1636, %gather3A_1642 : vector<16xf32>
      %add3A_1644 = arith.addf %mul3A_1631, %mul3A_1643 : vector<16xf32>
      %get3A_1645 = arith.constant 4 : i32
      %get3A_1646 = arith.index_cast %get3A_1645 : i32 to index
      %get3A_1647 = arith.index_cast %and3A_1614 : i32 to index
      %get3A_1648 = arith.constant 32 : index
      %get3A_1649 = tpu.vector_load %arg9[%get3A_1646, %get3A_1647, %get3A_1648] {strides = array<i32>} : memref<8x8x64xf32, #tpu.memory_space<vmem>>, vector<16xf32>,
      %gather3A_1650 = arith.constant 4 : i32
      %gather3A_1651 = arith.constant 0 : i32
      %gather3A_1652 = arith.constant 0 : i32
      %gather3A_1653 = tpu.memref_slice %arg10[%gather3A_1650, %gather3A_1651, %gather3A_1652] : memref<8x64x128xf32, #tpu.memory_space<vmem>> -> memref<1x64x128xf32, #tpu.memory_space<vmem>>
      %gather3A_1654 = tpu.memref_squeeze %gather3A_1653 : memref<1x64x128xf32, #tpu.memory_space<vmem>> -> memref<64x128xf32, #tpu.memory_space<vmem>>
      %gather3A_1655 = tpu.vector_load_idx %gather3A_1654[%add3A_209, %broadcast_in_dim3A_1619] : memref<64x128xf32, #tpu.memory_space<vmem>>[vector<16xi32>, vector<16xi32>], vector<16xf32>,
      %mul3A_1656 = arith.mulf %get3A_1649, %gather3A_1655 : vector<16xf32>
      %add3A_1657 = arith.addf %add3A_1644, %mul3A_1656 : vector<16xf32>
      %get3A_1658 = arith.constant 4 : i32
      %get3A_1659 = arith.index_cast %get3A_1658 : i32 to index
      %get3A_1660 = arith.index_cast %and3A_1614 : i32 to index
      %get3A_1661 = arith.constant 48 : index
      %get3A_1662 = tpu.vector_load %arg9[%get3A_1659, %get3A_1660, %get3A_1661] {strides = array<i32>} : memref<8x8x64xf32, #tpu.memory_space<vmem>>, vector<16xf32>,
      %gather3A_1663 = arith.constant 4 : i32
      %gather3A_1664 = arith.constant 0 : i32
      %gather3A_1665 = arith.constant 0 : i32
      %gather3A_1666 = tpu.memref_slice %arg10[%gather3A_1663, %gather3A_1664, %gather3A_1665] : memref<8x64x128xf32, #tpu.memory_space<vmem>> -> memref<1x64x128xf32, #tpu.memory_space<vmem>>
      %gather3A_1667 = tpu.memref_squeeze %gather3A_1666 : memref<1x64x128xf32, #tpu.memory_space<vmem>> -> memref<64x128xf32, #tpu.memory_space<vmem>>
      %gather3A_1668 = tpu.vector_load_idx %gather3A_1667[%add3A_212, %broadcast_in_dim3A_1619] : memref<64x128xf32, #tpu.memory_space<vmem>>[vector<16xi32>, vector<16xi32>], vector<16xf32>,
      %mul3A_1669 = arith.mulf %get3A_1662, %gather3A_1668 : vector<16xf32>
      %add3A_1670 = arith.addf %add3A_1657, %mul3A_1669 : vector<16xf32>
      %eq3A_1671 = arith.constant 12 : i32
      %eq3A_1672 = vector.broadcast %eq3A_1671 : i32 to vector<16xi32>
      %eq3A_1673 = arith.cmpi eq, %iota3A, %eq3A_1672 : vector<16xi32>
      %reduce_sum3A_1674 = arith.constant true
      %reduce_sum3A_1675 = vector.broadcast %reduce_sum3A_1674 : i1 to vector<16xi1>
      %reduce_sum3A_1676 = tpu.scan <sum>, %add3A_1670 masked %reduce_sum3A_1675 : vector<16xf32>, vector<16xi1> -> vector<16xf32>
      %reduce_sum3A_1677 = vector.extract %reduce_sum3A_1676[15] : f32 from vector<16xf32>
      %broadcast_in_dim3A_1678 = vector.broadcast %reduce_sum3A_1677 : f32 to vector<16xf32>
      %select_n3A_1679 = arith.select %eq3A_1673, %broadcast_in_dim3A_1678, %select_n3A_1567 : vector<16xi1>, vector<16xf32>
      %add3A_1680 = arith.constant 13 : i32
      %add3A_1681 = arith.addi %mul3A_220, %add3A_1680 : i32
      %slice3A_1682 = vector.extract_strided_slice %get3A_229 {offsets = [2], sizes = [1], strides = [1]} : vector<16xi32> to vector<1xi32>
      %squeeze3A_1683 = vector.extract %slice3A_1682[0] : i32 from vector<1xi32>
      %slice3A_1684 = vector.extract_strided_slice %get3A_231 {offsets = [2], sizes = [1], strides = [1]} : vector<16xi32> to vector<1xi32>
      %squeeze3A_1685 = vector.extract %slice3A_1684[0] : i32 from vector<1xi32>
      %add3A_1686 = arith.constant 5 : i32
      %add3A_1687 = arith.addi %add3A_1681, %add3A_1686 : i32
      %lt3A_1688 = arith.constant 512 : i32
      %lt3A_1689 = arith.cmpi slt, %add3A_1687, %lt3A_1688 : i32
      %convert_element_type3A_1690 = arith.extui %lt3A_1689 : i1 to i32
      %cond3A_1691 = arith.constant 0 : i32
      %cond3A_1692 = arith.cmpi ne, %convert_element_type3A_1690, %cond3A_1691 : i32
      scf.if %cond3A_1692 {
        %shift_right_arithmetic3A_2017 = arith.constant 3 : i32
        %shift_right_arithmetic3A_2018 = arith.shrsi %squeeze3A_1683, %shift_right_arithmetic3A_2017 : i32
        %mul3A_2019 = arith.constant 8 : i32
        %mul3A_2020 = arith.muli %shift_right_arithmetic3A_2018, %mul3A_2019 : i32
        %multiple_of3A_2021 = tpu.assume_multiple %mul3A_2020, 8 : i32
        %dma_start3A_2022 = arith.constant 2 : i32
        %dma_start3A_2023 = arith.constant 0 : i32
        %dma_start3A_2024 = arith.constant 0 : i32
        %dma_start3A_2025 = tpu.memref_slice %arg9[%dma_start3A_2022, %dma_start3A_2023, %dma_start3A_2024] : memref<8x8x64xf32, #tpu.memory_space<vmem>> -> memref<1x8x64xf32, #tpu.memory_space<vmem>>
        %dma_start3A_2026 = tpu.memref_squeeze %dma_start3A_2025 : memref<1x8x64xf32, #tpu.memory_space<vmem>> -> memref<8x64xf32, #tpu.memory_space<vmem>>
        %dma_start3A_2027 = arith.constant 0 : i32
        %dma_start3A_2028 = tpu.memref_slice %arg4[%multiple_of3A_2021, %dma_start3A_2027] : memref<100000x64xf32, #tpu.memory_space<hbm>> -> memref<8x64xf32, #tpu.memory_space<hbm>>
        %dma_start3A_2029 = arith.constant 0 : i32
        %dma_start3A_2030 = arith.constant 0 : i32
        %dma_start3A_2031 = tpu.memref_slice %arg9[%dma_start3A_2022, %dma_start3A_2029, %dma_start3A_2030] : memref<8x8x64xf32, #tpu.memory_space<vmem>> -> memref<1x8x64xf32, #tpu.memory_space<vmem>>
        %dma_start3A_2032 = tpu.memref_squeeze %dma_start3A_2031 : memref<1x8x64xf32, #tpu.memory_space<vmem>> -> memref<8x64xf32, #tpu.memory_space<vmem>>
        %dma_start3A_2033 = arith.constant 0 : i32
        %dma_start3A_2034 = tpu.memref_slice %arg4[%multiple_of3A_2021, %dma_start3A_2033] : memref<100000x64xf32, #tpu.memory_space<hbm>> -> memref<8x64xf32, #tpu.memory_space<hbm>>
        tpu.enqueue_dma source(%dma_start3A_2034 : memref<8x64xf32, #tpu.memory_space<hbm>>) target(%dma_start3A_2032 : memref<8x64xf32, #tpu.memory_space<vmem>>) target_semaphore(%arg14 : memref<!tpu.dma_semaphore, #tpu.memory_space<semaphore_mem>>)
        %shift_right_arithmetic3A_2035 = arith.constant 7 : i32
        %shift_right_arithmetic3A_2036 = arith.shrsi %squeeze3A_1685, %shift_right_arithmetic3A_2035 : i32
        %mul3A_2037 = arith.constant 128 : i32
        %mul3A_2038 = arith.muli %shift_right_arithmetic3A_2036, %mul3A_2037 : i32
        %multiple_of3A_2039 = tpu.assume_multiple %mul3A_2038, 128 : i32
        %dma_start3A_2040 = arith.constant 2 : i32
        %dma_start3A_2041 = arith.constant 0 : i32
        %dma_start3A_2042 = arith.constant 0 : i32
        %dma_start3A_2043 = tpu.memref_slice %arg10[%dma_start3A_2040, %dma_start3A_2041, %dma_start3A_2042] : memref<8x64x128xf32, #tpu.memory_space<vmem>> -> memref<1x64x128xf32, #tpu.memory_space<vmem>>
        %dma_start3A_2044 = tpu.memref_squeeze %dma_start3A_2043 : memref<1x64x128xf32, #tpu.memory_space<vmem>> -> memref<64x128xf32, #tpu.memory_space<vmem>>
        %dma_start3A_2045 = arith.constant 0 : i32
        %dma_start3A_2046 = tpu.memref_slice %arg5[%dma_start3A_2045, %multiple_of3A_2039] : memref<64x1000000xf32, #tpu.memory_space<hbm>> -> memref<64x128xf32, #tpu.memory_space<hbm>>
        %dma_start3A_2047 = arith.constant 0 : i32
        %dma_start3A_2048 = arith.constant 0 : i32
        %dma_start3A_2049 = tpu.memref_slice %arg10[%dma_start3A_2040, %dma_start3A_2047, %dma_start3A_2048] : memref<8x64x128xf32, #tpu.memory_space<vmem>> -> memref<1x64x128xf32, #tpu.memory_space<vmem>>
        %dma_start3A_2050 = tpu.memref_squeeze %dma_start3A_2049 : memref<1x64x128xf32, #tpu.memory_space<vmem>> -> memref<64x128xf32, #tpu.memory_space<vmem>>
        %dma_start3A_2051 = arith.constant 0 : i32
        %dma_start3A_2052 = tpu.memref_slice %arg5[%dma_start3A_2051, %multiple_of3A_2039] : memref<64x1000000xf32, #tpu.memory_space<hbm>> -> memref<64x128xf32, #tpu.memory_space<hbm>>
        tpu.enqueue_dma source(%dma_start3A_2052 : memref<64x128xf32, #tpu.memory_space<hbm>>) target(%dma_start3A_2050 : memref<64x128xf32, #tpu.memory_space<vmem>>) target_semaphore(%arg22 : memref<!tpu.dma_semaphore, #tpu.memory_space<semaphore_mem>>)
      } else {
      }
      %dma_wait3A_1693 = arith.constant 5 : i32
      %dma_wait3A_1694 = arith.constant 0 : i32
      %dma_wait3A_1695 = arith.constant 0 : i32
      %dma_wait3A_1696 = tpu.memref_slice %arg9[%dma_wait3A_1693, %dma_wait3A_1694, %dma_wait3A_1695] : memref<8x8x64xf32, #tpu.memory_space<vmem>> -> memref<1x8x64xf32, #tpu.memory_space<vmem>>
      %dma_wait3A_1697 = tpu.memref_squeeze %dma_wait3A_1696 : memref<1x8x64xf32, #tpu.memory_space<vmem>> -> memref<8x64xf32, #tpu.memory_space<vmem>>
      %dma_wait3A_1698 = arith.constant 0 : i32
      %dma_wait3A_1699 = arith.constant 0 : i32
      %dma_wait3A_1700 = tpu.memref_slice %arg4[%dma_wait3A_1698, %dma_wait3A_1699] : memref<100000x64xf32, #tpu.memory_space<hbm>> -> memref<8x64xf32, #tpu.memory_space<hbm>>
      %dma_wait3A_1701 = arith.constant 0 : i32
      %dma_wait3A_1702 = arith.constant 0 : i32
      %dma_wait3A_1703 = tpu.memref_slice %arg9[%dma_wait3A_1693, %dma_wait3A_1701, %dma_wait3A_1702] : memref<8x8x64xf32, #tpu.memory_space<vmem>> -> memref<1x8x64xf32, #tpu.memory_space<vmem>>
      %dma_wait3A_1704 = tpu.memref_squeeze %dma_wait3A_1703 : memref<1x8x64xf32, #tpu.memory_space<vmem>> -> memref<8x64xf32, #tpu.memory_space<vmem>>
      %dma_wait3A_1705 = arith.constant 0 : i32
      %dma_wait3A_1706 = arith.constant 0 : i32
      %dma_wait3A_1707 = tpu.memref_slice %arg4[%dma_wait3A_1705, %dma_wait3A_1706] : memref<100000x64xf32, #tpu.memory_space<hbm>> -> memref<8x64xf32, #tpu.memory_space<hbm>>
      tpu.wait_dma2 semaphore(%arg17 : memref<!tpu.dma_semaphore, #tpu.memory_space<semaphore_mem>>) src(%dma_wait3A_1707 : memref<8x64xf32, #tpu.memory_space<hbm>>) dst(%dma_wait3A_1704 : memref<8x64xf32, #tpu.memory_space<vmem>>)
      %dma_wait3A_1708 = arith.constant 5 : i32
      %dma_wait3A_1709 = arith.constant 0 : i32
      %dma_wait3A_1710 = arith.constant 0 : i32
      %dma_wait3A_1711 = tpu.memref_slice %arg10[%dma_wait3A_1708, %dma_wait3A_1709, %dma_wait3A_1710] : memref<8x64x128xf32, #tpu.memory_space<vmem>> -> memref<1x64x128xf32, #tpu.memory_space<vmem>>
      %dma_wait3A_1712 = tpu.memref_squeeze %dma_wait3A_1711 : memref<1x64x128xf32, #tpu.memory_space<vmem>> -> memref<64x128xf32, #tpu.memory_space<vmem>>
      %dma_wait3A_1713 = arith.constant 0 : i32
      %dma_wait3A_1714 = arith.constant 0 : i32
      %dma_wait3A_1715 = tpu.memref_slice %arg5[%dma_wait3A_1713, %dma_wait3A_1714] : memref<64x1000000xf32, #tpu.memory_space<hbm>> -> memref<64x128xf32, #tpu.memory_space<hbm>>
      %dma_wait3A_1716 = arith.constant 0 : i32
      %dma_wait3A_1717 = arith.constant 0 : i32
      %dma_wait3A_1718 = tpu.memref_slice %arg10[%dma_wait3A_1708, %dma_wait3A_1716, %dma_wait3A_1717] : memref<8x64x128xf32, #tpu.memory_space<vmem>> -> memref<1x64x128xf32, #tpu.memory_space<vmem>>
      %dma_wait3A_1719 = tpu.memref_squeeze %dma_wait3A_1718 : memref<1x64x128xf32, #tpu.memory_space<vmem>> -> memref<64x128xf32, #tpu.memory_space<vmem>>
      %dma_wait3A_1720 = arith.constant 0 : i32
      %dma_wait3A_1721 = arith.constant 0 : i32
      %dma_wait3A_1722 = tpu.memref_slice %arg5[%dma_wait3A_1720, %dma_wait3A_1721] : memref<64x1000000xf32, #tpu.memory_space<hbm>> -> memref<64x128xf32, #tpu.memory_space<hbm>>
      tpu.wait_dma2 semaphore(%arg25 : memref<!tpu.dma_semaphore, #tpu.memory_space<semaphore_mem>>) src(%dma_wait3A_1722 : memref<64x128xf32, #tpu.memory_space<hbm>>) dst(%dma_wait3A_1719 : memref<64x128xf32, #tpu.memory_space<vmem>>)
      %slice3A_1723 = vector.extract_strided_slice %get3A_222 {offsets = [13], sizes = [1], strides = [1]} : vector<16xi32> to vector<1xi32>
      %squeeze3A_1724 = vector.extract %slice3A_1723[0] : i32 from vector<1xi32>
      %and3A_1725 = arith.constant 7 : i32
      %and3A_1726 = arith.andi %squeeze3A_1724, %and3A_1725 : i32
      %slice3A_1727 = vector.extract_strided_slice %get3A_224 {offsets = [13], sizes = [1], strides = [1]} : vector<16xi32> to vector<1xi32>
      %squeeze3A_1728 = vector.extract %slice3A_1727[0] : i32 from vector<1xi32>
      %and3A_1729 = arith.constant 127 : i32
      %and3A_1730 = arith.andi %squeeze3A_1728, %and3A_1729 : i32
      %broadcast_in_dim3A_1731 = vector.broadcast %and3A_1730 : i32 to vector<16xi32>
      %get3A_1732 = arith.constant 5 : i32
      %get3A_1733 = arith.index_cast %get3A_1732 : i32 to index
      %get3A_1734 = arith.index_cast %and3A_1726 : i32 to index
      %get3A_1735 = arith.constant 0 : index
      %get3A_1736 = tpu.vector_load %arg9[%get3A_1733, %get3A_1734, %get3A_1735] {strides = array<i32>} : memref<8x8x64xf32, #tpu.memory_space<vmem>>, vector<16xf32>,
      %gather3A_1737 = arith.constant 5 : i32
      %gather3A_1738 = arith.constant 0 : i32
      %gather3A_1739 = arith.constant 0 : i32
      %gather3A_1740 = tpu.memref_slice %arg10[%gather3A_1737, %gather3A_1738, %gather3A_1739] : memref<8x64x128xf32, #tpu.memory_space<vmem>> -> memref<1x64x128xf32, #tpu.memory_space<vmem>>
      %gather3A_1741 = tpu.memref_squeeze %gather3A_1740 : memref<1x64x128xf32, #tpu.memory_space<vmem>> -> memref<64x128xf32, #tpu.memory_space<vmem>>
      %gather3A_1742 = tpu.vector_load_idx %gather3A_1741[%add3A_203, %broadcast_in_dim3A_1731] : memref<64x128xf32, #tpu.memory_space<vmem>>[vector<16xi32>, vector<16xi32>], vector<16xf32>,
      %mul3A_1743 = arith.mulf %get3A_1736, %gather3A_1742 : vector<16xf32>
      %get3A_1744 = arith.constant 5 : i32
      %get3A_1745 = arith.index_cast %get3A_1744 : i32 to index
      %get3A_1746 = arith.index_cast %and3A_1726 : i32 to index
      %get3A_1747 = arith.constant 16 : index
      %get3A_1748 = tpu.vector_load %arg9[%get3A_1745, %get3A_1746, %get3A_1747] {strides = array<i32>} : memref<8x8x64xf32, #tpu.memory_space<vmem>>, vector<16xf32>,
      %gather3A_1749 = arith.constant 5 : i32
      %gather3A_1750 = arith.constant 0 : i32
      %gather3A_1751 = arith.constant 0 : i32
      %gather3A_1752 = tpu.memref_slice %arg10[%gather3A_1749, %gather3A_1750, %gather3A_1751] : memref<8x64x128xf32, #tpu.memory_space<vmem>> -> memref<1x64x128xf32, #tpu.memory_space<vmem>>
      %gather3A_1753 = tpu.memref_squeeze %gather3A_1752 : memref<1x64x128xf32, #tpu.memory_space<vmem>> -> memref<64x128xf32, #tpu.memory_space<vmem>>
      %gather3A_1754 = tpu.vector_load_idx %gather3A_1753[%add3A_206, %broadcast_in_dim3A_1731] : memref<64x128xf32, #tpu.memory_space<vmem>>[vector<16xi32>, vector<16xi32>], vector<16xf32>,
      %mul3A_1755 = arith.mulf %get3A_1748, %gather3A_1754 : vector<16xf32>
      %add3A_1756 = arith.addf %mul3A_1743, %mul3A_1755 : vector<16xf32>
      %get3A_1757 = arith.constant 5 : i32
      %get3A_1758 = arith.index_cast %get3A_1757 : i32 to index
      %get3A_1759 = arith.index_cast %and3A_1726 : i32 to index
      %get3A_1760 = arith.constant 32 : index
      %get3A_1761 = tpu.vector_load %arg9[%get3A_1758, %get3A_1759, %get3A_1760] {strides = array<i32>} : memref<8x8x64xf32, #tpu.memory_space<vmem>>, vector<16xf32>,
      %gather3A_1762 = arith.constant 5 : i32
      %gather3A_1763 = arith.constant 0 : i32
      %gather3A_1764 = arith.constant 0 : i32
      %gather3A_1765 = tpu.memref_slice %arg10[%gather3A_1762, %gather3A_1763, %gather3A_1764] : memref<8x64x128xf32, #tpu.memory_space<vmem>> -> memref<1x64x128xf32, #tpu.memory_space<vmem>>
      %gather3A_1766 = tpu.memref_squeeze %gather3A_1765 : memref<1x64x128xf32, #tpu.memory_space<vmem>> -> memref<64x128xf32, #tpu.memory_space<vmem>>
      %gather3A_1767 = tpu.vector_load_idx %gather3A_1766[%add3A_209, %broadcast_in_dim3A_1731] : memref<64x128xf32, #tpu.memory_space<vmem>>[vector<16xi32>, vector<16xi32>], vector<16xf32>,
      %mul3A_1768 = arith.mulf %get3A_1761, %gather3A_1767 : vector<16xf32>
      %add3A_1769 = arith.addf %add3A_1756, %mul3A_1768 : vector<16xf32>
      %get3A_1770 = arith.constant 5 : i32
      %get3A_1771 = arith.index_cast %get3A_1770 : i32 to index
      %get3A_1772 = arith.index_cast %and3A_1726 : i32 to index
      %get3A_1773 = arith.constant 48 : index
      %get3A_1774 = tpu.vector_load %arg9[%get3A_1771, %get3A_1772, %get3A_1773] {strides = array<i32>} : memref<8x8x64xf32, #tpu.memory_space<vmem>>, vector<16xf32>,
      %gather3A_1775 = arith.constant 5 : i32
      %gather3A_1776 = arith.constant 0 : i32
      %gather3A_1777 = arith.constant 0 : i32
      %gather3A_1778 = tpu.memref_slice %arg10[%gather3A_1775, %gather3A_1776, %gather3A_1777] : memref<8x64x128xf32, #tpu.memory_space<vmem>> -> memref<1x64x128xf32, #tpu.memory_space<vmem>>
      %gather3A_1779 = tpu.memref_squeeze %gather3A_1778 : memref<1x64x128xf32, #tpu.memory_space<vmem>> -> memref<64x128xf32, #tpu.memory_space<vmem>>
      %gather3A_1780 = tpu.vector_load_idx %gather3A_1779[%add3A_212, %broadcast_in_dim3A_1731] : memref<64x128xf32, #tpu.memory_space<vmem>>[vector<16xi32>, vector<16xi32>], vector<16xf32>,
      %mul3A_1781 = arith.mulf %get3A_1774, %gather3A_1780 : vector<16xf32>
      %add3A_1782 = arith.addf %add3A_1769, %mul3A_1781 : vector<16xf32>
      %eq3A_1783 = arith.constant 13 : i32
      %eq3A_1784 = vector.broadcast %eq3A_1783 : i32 to vector<16xi32>
      %eq3A_1785 = arith.cmpi eq, %iota3A, %eq3A_1784 : vector<16xi32>
      %reduce_sum3A_1786 = arith.constant true
      %reduce_sum3A_1787 = vector.broadcast %reduce_sum3A_1786 : i1 to vector<16xi1>
      %reduce_sum3A_1788 = tpu.scan <sum>, %add3A_1782 masked %reduce_sum3A_1787 : vector<16xf32>, vector<16xi1> -> vector<16xf32>
      %reduce_sum3A_1789 = vector.extract %reduce_sum3A_1788[15] : f32 from vector<16xf32>
      %broadcast_in_dim3A_1790 = vector.broadcast %reduce_sum3A_1789 : f32 to vector<16xf32>
      %select_n3A_1791 = arith.select %eq3A_1785, %broadcast_in_dim3A_1790, %select_n3A_1679 : vector<16xi1>, vector<16xf32>
      %add3A_1792 = arith.constant 14 : i32
      %add3A_1793 = arith.addi %mul3A_220, %add3A_1792 : i32
      %slice3A_1794 = vector.extract_strided_slice %get3A_229 {offsets = [3], sizes = [1], strides = [1]} : vector<16xi32> to vector<1xi32>
      %squeeze3A_1795 = vector.extract %slice3A_1794[0] : i32 from vector<1xi32>
      %slice3A_1796 = vector.extract_strided_slice %get3A_231 {offsets = [3], sizes = [1], strides = [1]} : vector<16xi32> to vector<1xi32>
      %squeeze3A_1797 = vector.extract %slice3A_1796[0] : i32 from vector<1xi32>
      %add3A_1798 = arith.constant 5 : i32
      %add3A_1799 = arith.addi %add3A_1793, %add3A_1798 : i32
      %lt3A_1800 = arith.constant 512 : i32
      %lt3A_1801 = arith.cmpi slt, %add3A_1799, %lt3A_1800 : i32
      %convert_element_type3A_1802 = arith.extui %lt3A_1801 : i1 to i32
      %cond3A_1803 = arith.constant 0 : i32
      %cond3A_1804 = arith.cmpi ne, %convert_element_type3A_1802, %cond3A_1803 : i32
      scf.if %cond3A_1804 {
        %shift_right_arithmetic3A_2017 = arith.constant 3 : i32
        %shift_right_arithmetic3A_2018 = arith.shrsi %squeeze3A_1795, %shift_right_arithmetic3A_2017 : i32
        %mul3A_2019 = arith.constant 8 : i32
        %mul3A_2020 = arith.muli %shift_right_arithmetic3A_2018, %mul3A_2019 : i32
        %multiple_of3A_2021 = tpu.assume_multiple %mul3A_2020, 8 : i32
        %dma_start3A_2022 = arith.constant 3 : i32
        %dma_start3A_2023 = arith.constant 0 : i32
        %dma_start3A_2024 = arith.constant 0 : i32
        %dma_start3A_2025 = tpu.memref_slice %arg9[%dma_start3A_2022, %dma_start3A_2023, %dma_start3A_2024] : memref<8x8x64xf32, #tpu.memory_space<vmem>> -> memref<1x8x64xf32, #tpu.memory_space<vmem>>
        %dma_start3A_2026 = tpu.memref_squeeze %dma_start3A_2025 : memref<1x8x64xf32, #tpu.memory_space<vmem>> -> memref<8x64xf32, #tpu.memory_space<vmem>>
        %dma_start3A_2027 = arith.constant 0 : i32
        %dma_start3A_2028 = tpu.memref_slice %arg4[%multiple_of3A_2021, %dma_start3A_2027] : memref<100000x64xf32, #tpu.memory_space<hbm>> -> memref<8x64xf32, #tpu.memory_space<hbm>>
        %dma_start3A_2029 = arith.constant 0 : i32
        %dma_start3A_2030 = arith.constant 0 : i32
        %dma_start3A_2031 = tpu.memref_slice %arg9[%dma_start3A_2022, %dma_start3A_2029, %dma_start3A_2030] : memref<8x8x64xf32, #tpu.memory_space<vmem>> -> memref<1x8x64xf32, #tpu.memory_space<vmem>>
        %dma_start3A_2032 = tpu.memref_squeeze %dma_start3A_2031 : memref<1x8x64xf32, #tpu.memory_space<vmem>> -> memref<8x64xf32, #tpu.memory_space<vmem>>
        %dma_start3A_2033 = arith.constant 0 : i32
        %dma_start3A_2034 = tpu.memref_slice %arg4[%multiple_of3A_2021, %dma_start3A_2033] : memref<100000x64xf32, #tpu.memory_space<hbm>> -> memref<8x64xf32, #tpu.memory_space<hbm>>
        tpu.enqueue_dma source(%dma_start3A_2034 : memref<8x64xf32, #tpu.memory_space<hbm>>) target(%dma_start3A_2032 : memref<8x64xf32, #tpu.memory_space<vmem>>) target_semaphore(%arg15 : memref<!tpu.dma_semaphore, #tpu.memory_space<semaphore_mem>>)
        %shift_right_arithmetic3A_2035 = arith.constant 7 : i32
        %shift_right_arithmetic3A_2036 = arith.shrsi %squeeze3A_1797, %shift_right_arithmetic3A_2035 : i32
        %mul3A_2037 = arith.constant 128 : i32
        %mul3A_2038 = arith.muli %shift_right_arithmetic3A_2036, %mul3A_2037 : i32
        %multiple_of3A_2039 = tpu.assume_multiple %mul3A_2038, 128 : i32
        %dma_start3A_2040 = arith.constant 3 : i32
        %dma_start3A_2041 = arith.constant 0 : i32
        %dma_start3A_2042 = arith.constant 0 : i32
        %dma_start3A_2043 = tpu.memref_slice %arg10[%dma_start3A_2040, %dma_start3A_2041, %dma_start3A_2042] : memref<8x64x128xf32, #tpu.memory_space<vmem>> -> memref<1x64x128xf32, #tpu.memory_space<vmem>>
        %dma_start3A_2044 = tpu.memref_squeeze %dma_start3A_2043 : memref<1x64x128xf32, #tpu.memory_space<vmem>> -> memref<64x128xf32, #tpu.memory_space<vmem>>
        %dma_start3A_2045 = arith.constant 0 : i32
        %dma_start3A_2046 = tpu.memref_slice %arg5[%dma_start3A_2045, %multiple_of3A_2039] : memref<64x1000000xf32, #tpu.memory_space<hbm>> -> memref<64x128xf32, #tpu.memory_space<hbm>>
        %dma_start3A_2047 = arith.constant 0 : i32
        %dma_start3A_2048 = arith.constant 0 : i32
        %dma_start3A_2049 = tpu.memref_slice %arg10[%dma_start3A_2040, %dma_start3A_2047, %dma_start3A_2048] : memref<8x64x128xf32, #tpu.memory_space<vmem>> -> memref<1x64x128xf32, #tpu.memory_space<vmem>>
        %dma_start3A_2050 = tpu.memref_squeeze %dma_start3A_2049 : memref<1x64x128xf32, #tpu.memory_space<vmem>> -> memref<64x128xf32, #tpu.memory_space<vmem>>
        %dma_start3A_2051 = arith.constant 0 : i32
        %dma_start3A_2052 = tpu.memref_slice %arg5[%dma_start3A_2051, %multiple_of3A_2039] : memref<64x1000000xf32, #tpu.memory_space<hbm>> -> memref<64x128xf32, #tpu.memory_space<hbm>>
        tpu.enqueue_dma source(%dma_start3A_2052 : memref<64x128xf32, #tpu.memory_space<hbm>>) target(%dma_start3A_2050 : memref<64x128xf32, #tpu.memory_space<vmem>>) target_semaphore(%arg23 : memref<!tpu.dma_semaphore, #tpu.memory_space<semaphore_mem>>)
      } else {
      }
      %dma_wait3A_1805 = arith.constant 6 : i32
      %dma_wait3A_1806 = arith.constant 0 : i32
      %dma_wait3A_1807 = arith.constant 0 : i32
      %dma_wait3A_1808 = tpu.memref_slice %arg9[%dma_wait3A_1805, %dma_wait3A_1806, %dma_wait3A_1807] : memref<8x8x64xf32, #tpu.memory_space<vmem>> -> memref<1x8x64xf32, #tpu.memory_space<vmem>>
      %dma_wait3A_1809 = tpu.memref_squeeze %dma_wait3A_1808 : memref<1x8x64xf32, #tpu.memory_space<vmem>> -> memref<8x64xf32, #tpu.memory_space<vmem>>
      %dma_wait3A_1810 = arith.constant 0 : i32
      %dma_wait3A_1811 = arith.constant 0 : i32
      %dma_wait3A_1812 = tpu.memref_slice %arg4[%dma_wait3A_1810, %dma_wait3A_1811] : memref<100000x64xf32, #tpu.memory_space<hbm>> -> memref<8x64xf32, #tpu.memory_space<hbm>>
      %dma_wait3A_1813 = arith.constant 0 : i32
      %dma_wait3A_1814 = arith.constant 0 : i32
      %dma_wait3A_1815 = tpu.memref_slice %arg9[%dma_wait3A_1805, %dma_wait3A_1813, %dma_wait3A_1814] : memref<8x8x64xf32, #tpu.memory_space<vmem>> -> memref<1x8x64xf32, #tpu.memory_space<vmem>>
      %dma_wait3A_1816 = tpu.memref_squeeze %dma_wait3A_1815 : memref<1x8x64xf32, #tpu.memory_space<vmem>> -> memref<8x64xf32, #tpu.memory_space<vmem>>
      %dma_wait3A_1817 = arith.constant 0 : i32
      %dma_wait3A_1818 = arith.constant 0 : i32
      %dma_wait3A_1819 = tpu.memref_slice %arg4[%dma_wait3A_1817, %dma_wait3A_1818] : memref<100000x64xf32, #tpu.memory_space<hbm>> -> memref<8x64xf32, #tpu.memory_space<hbm>>
      tpu.wait_dma2 semaphore(%arg18 : memref<!tpu.dma_semaphore, #tpu.memory_space<semaphore_mem>>) src(%dma_wait3A_1819 : memref<8x64xf32, #tpu.memory_space<hbm>>) dst(%dma_wait3A_1816 : memref<8x64xf32, #tpu.memory_space<vmem>>)
      %dma_wait3A_1820 = arith.constant 6 : i32
      %dma_wait3A_1821 = arith.constant 0 : i32
      %dma_wait3A_1822 = arith.constant 0 : i32
      %dma_wait3A_1823 = tpu.memref_slice %arg10[%dma_wait3A_1820, %dma_wait3A_1821, %dma_wait3A_1822] : memref<8x64x128xf32, #tpu.memory_space<vmem>> -> memref<1x64x128xf32, #tpu.memory_space<vmem>>
      %dma_wait3A_1824 = tpu.memref_squeeze %dma_wait3A_1823 : memref<1x64x128xf32, #tpu.memory_space<vmem>> -> memref<64x128xf32, #tpu.memory_space<vmem>>
      %dma_wait3A_1825 = arith.constant 0 : i32
      %dma_wait3A_1826 = arith.constant 0 : i32
      %dma_wait3A_1827 = tpu.memref_slice %arg5[%dma_wait3A_1825, %dma_wait3A_1826] : memref<64x1000000xf32, #tpu.memory_space<hbm>> -> memref<64x128xf32, #tpu.memory_space<hbm>>
      %dma_wait3A_1828 = arith.constant 0 : i32
      %dma_wait3A_1829 = arith.constant 0 : i32
      %dma_wait3A_1830 = tpu.memref_slice %arg10[%dma_wait3A_1820, %dma_wait3A_1828, %dma_wait3A_1829] : memref<8x64x128xf32, #tpu.memory_space<vmem>> -> memref<1x64x128xf32, #tpu.memory_space<vmem>>
      %dma_wait3A_1831 = tpu.memref_squeeze %dma_wait3A_1830 : memref<1x64x128xf32, #tpu.memory_space<vmem>> -> memref<64x128xf32, #tpu.memory_space<vmem>>
      %dma_wait3A_1832 = arith.constant 0 : i32
      %dma_wait3A_1833 = arith.constant 0 : i32
      %dma_wait3A_1834 = tpu.memref_slice %arg5[%dma_wait3A_1832, %dma_wait3A_1833] : memref<64x1000000xf32, #tpu.memory_space<hbm>> -> memref<64x128xf32, #tpu.memory_space<hbm>>
      tpu.wait_dma2 semaphore(%arg26 : memref<!tpu.dma_semaphore, #tpu.memory_space<semaphore_mem>>) src(%dma_wait3A_1834 : memref<64x128xf32, #tpu.memory_space<hbm>>) dst(%dma_wait3A_1831 : memref<64x128xf32, #tpu.memory_space<vmem>>)
      %slice3A_1835 = vector.extract_strided_slice %get3A_222 {offsets = [14], sizes = [1], strides = [1]} : vector<16xi32> to vector<1xi32>
      %squeeze3A_1836 = vector.extract %slice3A_1835[0] : i32 from vector<1xi32>
      %and3A_1837 = arith.constant 7 : i32
      %and3A_1838 = arith.andi %squeeze3A_1836, %and3A_1837 : i32
      %slice3A_1839 = vector.extract_strided_slice %get3A_224 {offsets = [14], sizes = [1], strides = [1]} : vector<16xi32> to vector<1xi32>
      %squeeze3A_1840 = vector.extract %slice3A_1839[0] : i32 from vector<1xi32>
      %and3A_1841 = arith.constant 127 : i32
      %and3A_1842 = arith.andi %squeeze3A_1840, %and3A_1841 : i32
      %broadcast_in_dim3A_1843 = vector.broadcast %and3A_1842 : i32 to vector<16xi32>
      %get3A_1844 = arith.constant 6 : i32
      %get3A_1845 = arith.index_cast %get3A_1844 : i32 to index
      %get3A_1846 = arith.index_cast %and3A_1838 : i32 to index
      %get3A_1847 = arith.constant 0 : index
      %get3A_1848 = tpu.vector_load %arg9[%get3A_1845, %get3A_1846, %get3A_1847] {strides = array<i32>} : memref<8x8x64xf32, #tpu.memory_space<vmem>>, vector<16xf32>,
      %gather3A_1849 = arith.constant 6 : i32
      %gather3A_1850 = arith.constant 0 : i32
      %gather3A_1851 = arith.constant 0 : i32
      %gather3A_1852 = tpu.memref_slice %arg10[%gather3A_1849, %gather3A_1850, %gather3A_1851] : memref<8x64x128xf32, #tpu.memory_space<vmem>> -> memref<1x64x128xf32, #tpu.memory_space<vmem>>
      %gather3A_1853 = tpu.memref_squeeze %gather3A_1852 : memref<1x64x128xf32, #tpu.memory_space<vmem>> -> memref<64x128xf32, #tpu.memory_space<vmem>>
      %gather3A_1854 = tpu.vector_load_idx %gather3A_1853[%add3A_203, %broadcast_in_dim3A_1843] : memref<64x128xf32, #tpu.memory_space<vmem>>[vector<16xi32>, vector<16xi32>], vector<16xf32>,
      %mul3A_1855 = arith.mulf %get3A_1848, %gather3A_1854 : vector<16xf32>
      %get3A_1856 = arith.constant 6 : i32
      %get3A_1857 = arith.index_cast %get3A_1856 : i32 to index
      %get3A_1858 = arith.index_cast %and3A_1838 : i32 to index
      %get3A_1859 = arith.constant 16 : index
      %get3A_1860 = tpu.vector_load %arg9[%get3A_1857, %get3A_1858, %get3A_1859] {strides = array<i32>} : memref<8x8x64xf32, #tpu.memory_space<vmem>>, vector<16xf32>,
      %gather3A_1861 = arith.constant 6 : i32
      %gather3A_1862 = arith.constant 0 : i32
      %gather3A_1863 = arith.constant 0 : i32
      %gather3A_1864 = tpu.memref_slice %arg10[%gather3A_1861, %gather3A_1862, %gather3A_1863] : memref<8x64x128xf32, #tpu.memory_space<vmem>> -> memref<1x64x128xf32, #tpu.memory_space<vmem>>
      %gather3A_1865 = tpu.memref_squeeze %gather3A_1864 : memref<1x64x128xf32, #tpu.memory_space<vmem>> -> memref<64x128xf32, #tpu.memory_space<vmem>>
      %gather3A_1866 = tpu.vector_load_idx %gather3A_1865[%add3A_206, %broadcast_in_dim3A_1843] : memref<64x128xf32, #tpu.memory_space<vmem>>[vector<16xi32>, vector<16xi32>], vector<16xf32>,
      %mul3A_1867 = arith.mulf %get3A_1860, %gather3A_1866 : vector<16xf32>
      %add3A_1868 = arith.addf %mul3A_1855, %mul3A_1867 : vector<16xf32>
      %get3A_1869 = arith.constant 6 : i32
      %get3A_1870 = arith.index_cast %get3A_1869 : i32 to index
      %get3A_1871 = arith.index_cast %and3A_1838 : i32 to index
      %get3A_1872 = arith.constant 32 : index
      %get3A_1873 = tpu.vector_load %arg9[%get3A_1870, %get3A_1871, %get3A_1872] {strides = array<i32>} : memref<8x8x64xf32, #tpu.memory_space<vmem>>, vector<16xf32>,
      %gather3A_1874 = arith.constant 6 : i32
      %gather3A_1875 = arith.constant 0 : i32
      %gather3A_1876 = arith.constant 0 : i32
      %gather3A_1877 = tpu.memref_slice %arg10[%gather3A_1874, %gather3A_1875, %gather3A_1876] : memref<8x64x128xf32, #tpu.memory_space<vmem>> -> memref<1x64x128xf32, #tpu.memory_space<vmem>>
      %gather3A_1878 = tpu.memref_squeeze %gather3A_1877 : memref<1x64x128xf32, #tpu.memory_space<vmem>> -> memref<64x128xf32, #tpu.memory_space<vmem>>
      %gather3A_1879 = tpu.vector_load_idx %gather3A_1878[%add3A_209, %broadcast_in_dim3A_1843] : memref<64x128xf32, #tpu.memory_space<vmem>>[vector<16xi32>, vector<16xi32>], vector<16xf32>,
      %mul3A_1880 = arith.mulf %get3A_1873, %gather3A_1879 : vector<16xf32>
      %add3A_1881 = arith.addf %add3A_1868, %mul3A_1880 : vector<16xf32>
      %get3A_1882 = arith.constant 6 : i32
      %get3A_1883 = arith.index_cast %get3A_1882 : i32 to index
      %get3A_1884 = arith.index_cast %and3A_1838 : i32 to index
      %get3A_1885 = arith.constant 48 : index
      %get3A_1886 = tpu.vector_load %arg9[%get3A_1883, %get3A_1884, %get3A_1885] {strides = array<i32>} : memref<8x8x64xf32, #tpu.memory_space<vmem>>, vector<16xf32>,
      %gather3A_1887 = arith.constant 6 : i32
      %gather3A_1888 = arith.constant 0 : i32
      %gather3A_1889 = arith.constant 0 : i32
      %gather3A_1890 = tpu.memref_slice %arg10[%gather3A_1887, %gather3A_1888, %gather3A_1889] : memref<8x64x128xf32, #tpu.memory_space<vmem>> -> memref<1x64x128xf32, #tpu.memory_space<vmem>>
      %gather3A_1891 = tpu.memref_squeeze %gather3A_1890 : memref<1x64x128xf32, #tpu.memory_space<vmem>> -> memref<64x128xf32, #tpu.memory_space<vmem>>
      %gather3A_1892 = tpu.vector_load_idx %gather3A_1891[%add3A_212, %broadcast_in_dim3A_1843] : memref<64x128xf32, #tpu.memory_space<vmem>>[vector<16xi32>, vector<16xi32>], vector<16xf32>,
      %mul3A_1893 = arith.mulf %get3A_1886, %gather3A_1892 : vector<16xf32>
      %add3A_1894 = arith.addf %add3A_1881, %mul3A_1893 : vector<16xf32>
      %eq3A_1895 = arith.constant 14 : i32
      %eq3A_1896 = vector.broadcast %eq3A_1895 : i32 to vector<16xi32>
      %eq3A_1897 = arith.cmpi eq, %iota3A, %eq3A_1896 : vector<16xi32>
      %reduce_sum3A_1898 = arith.constant true
      %reduce_sum3A_1899 = vector.broadcast %reduce_sum3A_1898 : i1 to vector<16xi1>
      %reduce_sum3A_1900 = tpu.scan <sum>, %add3A_1894 masked %reduce_sum3A_1899 : vector<16xf32>, vector<16xi1> -> vector<16xf32>
      %reduce_sum3A_1901 = vector.extract %reduce_sum3A_1900[15] : f32 from vector<16xf32>
      %broadcast_in_dim3A_1902 = vector.broadcast %reduce_sum3A_1901 : f32 to vector<16xf32>
      %select_n3A_1903 = arith.select %eq3A_1897, %broadcast_in_dim3A_1902, %select_n3A_1791 : vector<16xi1>, vector<16xf32>
      %add3A_1904 = arith.constant 15 : i32
      %add3A_1905 = arith.addi %mul3A_220, %add3A_1904 : i32
      %slice3A_1906 = vector.extract_strided_slice %get3A_229 {offsets = [4], sizes = [1], strides = [1]} : vector<16xi32> to vector<1xi32>
      %squeeze3A_1907 = vector.extract %slice3A_1906[0] : i32 from vector<1xi32>
      %slice3A_1908 = vector.extract_strided_slice %get3A_231 {offsets = [4], sizes = [1], strides = [1]} : vector<16xi32> to vector<1xi32>
      %squeeze3A_1909 = vector.extract %slice3A_1908[0] : i32 from vector<1xi32>
      %add3A_1910 = arith.constant 5 : i32
      %add3A_1911 = arith.addi %add3A_1905, %add3A_1910 : i32
      %lt3A_1912 = arith.constant 512 : i32
      %lt3A_1913 = arith.cmpi slt, %add3A_1911, %lt3A_1912 : i32
      %convert_element_type3A_1914 = arith.extui %lt3A_1913 : i1 to i32
      %cond3A_1915 = arith.constant 0 : i32
      %cond3A_1916 = arith.cmpi ne, %convert_element_type3A_1914, %cond3A_1915 : i32
      scf.if %cond3A_1916 {
        %shift_right_arithmetic3A_2017 = arith.constant 3 : i32
        %shift_right_arithmetic3A_2018 = arith.shrsi %squeeze3A_1907, %shift_right_arithmetic3A_2017 : i32
        %mul3A_2019 = arith.constant 8 : i32
        %mul3A_2020 = arith.muli %shift_right_arithmetic3A_2018, %mul3A_2019 : i32
        %multiple_of3A_2021 = tpu.assume_multiple %mul3A_2020, 8 : i32
        %dma_start3A_2022 = arith.constant 4 : i32
        %dma_start3A_2023 = arith.constant 0 : i32
        %dma_start3A_2024 = arith.constant 0 : i32
        %dma_start3A_2025 = tpu.memref_slice %arg9[%dma_start3A_2022, %dma_start3A_2023, %dma_start3A_2024] : memref<8x8x64xf32, #tpu.memory_space<vmem>> -> memref<1x8x64xf32, #tpu.memory_space<vmem>>
        %dma_start3A_2026 = tpu.memref_squeeze %dma_start3A_2025 : memref<1x8x64xf32, #tpu.memory_space<vmem>> -> memref<8x64xf32, #tpu.memory_space<vmem>>
        %dma_start3A_2027 = arith.constant 0 : i32
        %dma_start3A_2028 = tpu.memref_slice %arg4[%multiple_of3A_2021, %dma_start3A_2027] : memref<100000x64xf32, #tpu.memory_space<hbm>> -> memref<8x64xf32, #tpu.memory_space<hbm>>
        %dma_start3A_2029 = arith.constant 0 : i32
        %dma_start3A_2030 = arith.constant 0 : i32
        %dma_start3A_2031 = tpu.memref_slice %arg9[%dma_start3A_2022, %dma_start3A_2029, %dma_start3A_2030] : memref<8x8x64xf32, #tpu.memory_space<vmem>> -> memref<1x8x64xf32, #tpu.memory_space<vmem>>
        %dma_start3A_2032 = tpu.memref_squeeze %dma_start3A_2031 : memref<1x8x64xf32, #tpu.memory_space<vmem>> -> memref<8x64xf32, #tpu.memory_space<vmem>>
        %dma_start3A_2033 = arith.constant 0 : i32
        %dma_start3A_2034 = tpu.memref_slice %arg4[%multiple_of3A_2021, %dma_start3A_2033] : memref<100000x64xf32, #tpu.memory_space<hbm>> -> memref<8x64xf32, #tpu.memory_space<hbm>>
        tpu.enqueue_dma source(%dma_start3A_2034 : memref<8x64xf32, #tpu.memory_space<hbm>>) target(%dma_start3A_2032 : memref<8x64xf32, #tpu.memory_space<vmem>>) target_semaphore(%arg16 : memref<!tpu.dma_semaphore, #tpu.memory_space<semaphore_mem>>)
        %shift_right_arithmetic3A_2035 = arith.constant 7 : i32
        %shift_right_arithmetic3A_2036 = arith.shrsi %squeeze3A_1909, %shift_right_arithmetic3A_2035 : i32
        %mul3A_2037 = arith.constant 128 : i32
        %mul3A_2038 = arith.muli %shift_right_arithmetic3A_2036, %mul3A_2037 : i32
        %multiple_of3A_2039 = tpu.assume_multiple %mul3A_2038, 128 : i32
        %dma_start3A_2040 = arith.constant 4 : i32
        %dma_start3A_2041 = arith.constant 0 : i32
        %dma_start3A_2042 = arith.constant 0 : i32
        %dma_start3A_2043 = tpu.memref_slice %arg10[%dma_start3A_2040, %dma_start3A_2041, %dma_start3A_2042] : memref<8x64x128xf32, #tpu.memory_space<vmem>> -> memref<1x64x128xf32, #tpu.memory_space<vmem>>
        %dma_start3A_2044 = tpu.memref_squeeze %dma_start3A_2043 : memref<1x64x128xf32, #tpu.memory_space<vmem>> -> memref<64x128xf32, #tpu.memory_space<vmem>>
        %dma_start3A_2045 = arith.constant 0 : i32
        %dma_start3A_2046 = tpu.memref_slice %arg5[%dma_start3A_2045, %multiple_of3A_2039] : memref<64x1000000xf32, #tpu.memory_space<hbm>> -> memref<64x128xf32, #tpu.memory_space<hbm>>
        %dma_start3A_2047 = arith.constant 0 : i32
        %dma_start3A_2048 = arith.constant 0 : i32
        %dma_start3A_2049 = tpu.memref_slice %arg10[%dma_start3A_2040, %dma_start3A_2047, %dma_start3A_2048] : memref<8x64x128xf32, #tpu.memory_space<vmem>> -> memref<1x64x128xf32, #tpu.memory_space<vmem>>
        %dma_start3A_2050 = tpu.memref_squeeze %dma_start3A_2049 : memref<1x64x128xf32, #tpu.memory_space<vmem>> -> memref<64x128xf32, #tpu.memory_space<vmem>>
        %dma_start3A_2051 = arith.constant 0 : i32
        %dma_start3A_2052 = tpu.memref_slice %arg5[%dma_start3A_2051, %multiple_of3A_2039] : memref<64x1000000xf32, #tpu.memory_space<hbm>> -> memref<64x128xf32, #tpu.memory_space<hbm>>
        tpu.enqueue_dma source(%dma_start3A_2052 : memref<64x128xf32, #tpu.memory_space<hbm>>) target(%dma_start3A_2050 : memref<64x128xf32, #tpu.memory_space<vmem>>) target_semaphore(%arg24 : memref<!tpu.dma_semaphore, #tpu.memory_space<semaphore_mem>>)
      } else {
      }
      %dma_wait3A_1917 = arith.constant 7 : i32
      %dma_wait3A_1918 = arith.constant 0 : i32
      %dma_wait3A_1919 = arith.constant 0 : i32
      %dma_wait3A_1920 = tpu.memref_slice %arg9[%dma_wait3A_1917, %dma_wait3A_1918, %dma_wait3A_1919] : memref<8x8x64xf32, #tpu.memory_space<vmem>> -> memref<1x8x64xf32, #tpu.memory_space<vmem>>
      %dma_wait3A_1921 = tpu.memref_squeeze %dma_wait3A_1920 : memref<1x8x64xf32, #tpu.memory_space<vmem>> -> memref<8x64xf32, #tpu.memory_space<vmem>>
      %dma_wait3A_1922 = arith.constant 0 : i32
      %dma_wait3A_1923 = arith.constant 0 : i32
      %dma_wait3A_1924 = tpu.memref_slice %arg4[%dma_wait3A_1922, %dma_wait3A_1923] : memref<100000x64xf32, #tpu.memory_space<hbm>> -> memref<8x64xf32, #tpu.memory_space<hbm>>
      %dma_wait3A_1925 = arith.constant 0 : i32
      %dma_wait3A_1926 = arith.constant 0 : i32
      %dma_wait3A_1927 = tpu.memref_slice %arg9[%dma_wait3A_1917, %dma_wait3A_1925, %dma_wait3A_1926] : memref<8x8x64xf32, #tpu.memory_space<vmem>> -> memref<1x8x64xf32, #tpu.memory_space<vmem>>
      %dma_wait3A_1928 = tpu.memref_squeeze %dma_wait3A_1927 : memref<1x8x64xf32, #tpu.memory_space<vmem>> -> memref<8x64xf32, #tpu.memory_space<vmem>>
      %dma_wait3A_1929 = arith.constant 0 : i32
      %dma_wait3A_1930 = arith.constant 0 : i32
      %dma_wait3A_1931 = tpu.memref_slice %arg4[%dma_wait3A_1929, %dma_wait3A_1930] : memref<100000x64xf32, #tpu.memory_space<hbm>> -> memref<8x64xf32, #tpu.memory_space<hbm>>
      tpu.wait_dma2 semaphore(%arg19 : memref<!tpu.dma_semaphore, #tpu.memory_space<semaphore_mem>>) src(%dma_wait3A_1931 : memref<8x64xf32, #tpu.memory_space<hbm>>) dst(%dma_wait3A_1928 : memref<8x64xf32, #tpu.memory_space<vmem>>)
      %dma_wait3A_1932 = arith.constant 7 : i32
      %dma_wait3A_1933 = arith.constant 0 : i32
      %dma_wait3A_1934 = arith.constant 0 : i32
      %dma_wait3A_1935 = tpu.memref_slice %arg10[%dma_wait3A_1932, %dma_wait3A_1933, %dma_wait3A_1934] : memref<8x64x128xf32, #tpu.memory_space<vmem>> -> memref<1x64x128xf32, #tpu.memory_space<vmem>>
      %dma_wait3A_1936 = tpu.memref_squeeze %dma_wait3A_1935 : memref<1x64x128xf32, #tpu.memory_space<vmem>> -> memref<64x128xf32, #tpu.memory_space<vmem>>
      %dma_wait3A_1937 = arith.constant 0 : i32
      %dma_wait3A_1938 = arith.constant 0 : i32
      %dma_wait3A_1939 = tpu.memref_slice %arg5[%dma_wait3A_1937, %dma_wait3A_1938] : memref<64x1000000xf32, #tpu.memory_space<hbm>> -> memref<64x128xf32, #tpu.memory_space<hbm>>
      %dma_wait3A_1940 = arith.constant 0 : i32
      %dma_wait3A_1941 = arith.constant 0 : i32
      %dma_wait3A_1942 = tpu.memref_slice %arg10[%dma_wait3A_1932, %dma_wait3A_1940, %dma_wait3A_1941] : memref<8x64x128xf32, #tpu.memory_space<vmem>> -> memref<1x64x128xf32, #tpu.memory_space<vmem>>
      %dma_wait3A_1943 = tpu.memref_squeeze %dma_wait3A_1942 : memref<1x64x128xf32, #tpu.memory_space<vmem>> -> memref<64x128xf32, #tpu.memory_space<vmem>>
      %dma_wait3A_1944 = arith.constant 0 : i32
      %dma_wait3A_1945 = arith.constant 0 : i32
      %dma_wait3A_1946 = tpu.memref_slice %arg5[%dma_wait3A_1944, %dma_wait3A_1945] : memref<64x1000000xf32, #tpu.memory_space<hbm>> -> memref<64x128xf32, #tpu.memory_space<hbm>>
      tpu.wait_dma2 semaphore(%arg27 : memref<!tpu.dma_semaphore, #tpu.memory_space<semaphore_mem>>) src(%dma_wait3A_1946 : memref<64x128xf32, #tpu.memory_space<hbm>>) dst(%dma_wait3A_1943 : memref<64x128xf32, #tpu.memory_space<vmem>>)
      %slice3A_1947 = vector.extract_strided_slice %get3A_222 {offsets = [15], sizes = [1], strides = [1]} : vector<16xi32> to vector<1xi32>
      %squeeze3A_1948 = vector.extract %slice3A_1947[0] : i32 from vector<1xi32>
      %and3A_1949 = arith.constant 7 : i32
      %and3A_1950 = arith.andi %squeeze3A_1948, %and3A_1949 : i32
      %slice3A_1951 = vector.extract_strided_slice %get3A_224 {offsets = [15], sizes = [1], strides = [1]} : vector<16xi32> to vector<1xi32>
      %squeeze3A_1952 = vector.extract %slice3A_1951[0] : i32 from vector<1xi32>
      %and3A_1953 = arith.constant 127 : i32
      %and3A_1954 = arith.andi %squeeze3A_1952, %and3A_1953 : i32
      %broadcast_in_dim3A_1955 = vector.broadcast %and3A_1954 : i32 to vector<16xi32>
      %get3A_1956 = arith.constant 7 : i32
      %get3A_1957 = arith.index_cast %get3A_1956 : i32 to index
      %get3A_1958 = arith.index_cast %and3A_1950 : i32 to index
      %get3A_1959 = arith.constant 0 : index
      %get3A_1960 = tpu.vector_load %arg9[%get3A_1957, %get3A_1958, %get3A_1959] {strides = array<i32>} : memref<8x8x64xf32, #tpu.memory_space<vmem>>, vector<16xf32>,
      %gather3A_1961 = arith.constant 7 : i32
      %gather3A_1962 = arith.constant 0 : i32
      %gather3A_1963 = arith.constant 0 : i32
      %gather3A_1964 = tpu.memref_slice %arg10[%gather3A_1961, %gather3A_1962, %gather3A_1963] : memref<8x64x128xf32, #tpu.memory_space<vmem>> -> memref<1x64x128xf32, #tpu.memory_space<vmem>>
      %gather3A_1965 = tpu.memref_squeeze %gather3A_1964 : memref<1x64x128xf32, #tpu.memory_space<vmem>> -> memref<64x128xf32, #tpu.memory_space<vmem>>
      %gather3A_1966 = tpu.vector_load_idx %gather3A_1965[%add3A_203, %broadcast_in_dim3A_1955] : memref<64x128xf32, #tpu.memory_space<vmem>>[vector<16xi32>, vector<16xi32>], vector<16xf32>,
      %mul3A_1967 = arith.mulf %get3A_1960, %gather3A_1966 : vector<16xf32>
      %get3A_1968 = arith.constant 7 : i32
      %get3A_1969 = arith.index_cast %get3A_1968 : i32 to index
      %get3A_1970 = arith.index_cast %and3A_1950 : i32 to index
      %get3A_1971 = arith.constant 16 : index
      %get3A_1972 = tpu.vector_load %arg9[%get3A_1969, %get3A_1970, %get3A_1971] {strides = array<i32>} : memref<8x8x64xf32, #tpu.memory_space<vmem>>, vector<16xf32>,
      %gather3A_1973 = arith.constant 7 : i32
      %gather3A_1974 = arith.constant 0 : i32
      %gather3A_1975 = arith.constant 0 : i32
      %gather3A_1976 = tpu.memref_slice %arg10[%gather3A_1973, %gather3A_1974, %gather3A_1975] : memref<8x64x128xf32, #tpu.memory_space<vmem>> -> memref<1x64x128xf32, #tpu.memory_space<vmem>>
      %gather3A_1977 = tpu.memref_squeeze %gather3A_1976 : memref<1x64x128xf32, #tpu.memory_space<vmem>> -> memref<64x128xf32, #tpu.memory_space<vmem>>
      %gather3A_1978 = tpu.vector_load_idx %gather3A_1977[%add3A_206, %broadcast_in_dim3A_1955] : memref<64x128xf32, #tpu.memory_space<vmem>>[vector<16xi32>, vector<16xi32>], vector<16xf32>,
      %mul3A_1979 = arith.mulf %get3A_1972, %gather3A_1978 : vector<16xf32>
      %add3A_1980 = arith.addf %mul3A_1967, %mul3A_1979 : vector<16xf32>
      %get3A_1981 = arith.constant 7 : i32
      %get3A_1982 = arith.index_cast %get3A_1981 : i32 to index
      %get3A_1983 = arith.index_cast %and3A_1950 : i32 to index
      %get3A_1984 = arith.constant 32 : index
      %get3A_1985 = tpu.vector_load %arg9[%get3A_1982, %get3A_1983, %get3A_1984] {strides = array<i32>} : memref<8x8x64xf32, #tpu.memory_space<vmem>>, vector<16xf32>,
      %gather3A_1986 = arith.constant 7 : i32
      %gather3A_1987 = arith.constant 0 : i32
      %gather3A_1988 = arith.constant 0 : i32
      %gather3A_1989 = tpu.memref_slice %arg10[%gather3A_1986, %gather3A_1987, %gather3A_1988] : memref<8x64x128xf32, #tpu.memory_space<vmem>> -> memref<1x64x128xf32, #tpu.memory_space<vmem>>
      %gather3A_1990 = tpu.memref_squeeze %gather3A_1989 : memref<1x64x128xf32, #tpu.memory_space<vmem>> -> memref<64x128xf32, #tpu.memory_space<vmem>>
      %gather3A_1991 = tpu.vector_load_idx %gather3A_1990[%add3A_209, %broadcast_in_dim3A_1955] : memref<64x128xf32, #tpu.memory_space<vmem>>[vector<16xi32>, vector<16xi32>], vector<16xf32>,
      %mul3A_1992 = arith.mulf %get3A_1985, %gather3A_1991 : vector<16xf32>
      %add3A_1993 = arith.addf %add3A_1980, %mul3A_1992 : vector<16xf32>
      %get3A_1994 = arith.constant 7 : i32
      %get3A_1995 = arith.index_cast %get3A_1994 : i32 to index
      %get3A_1996 = arith.index_cast %and3A_1950 : i32 to index
      %get3A_1997 = arith.constant 48 : index
      %get3A_1998 = tpu.vector_load %arg9[%get3A_1995, %get3A_1996, %get3A_1997] {strides = array<i32>} : memref<8x8x64xf32, #tpu.memory_space<vmem>>, vector<16xf32>,
      %gather3A_1999 = arith.constant 7 : i32
      %gather3A_2000 = arith.constant 0 : i32
      %gather3A_2001 = arith.constant 0 : i32
      %gather3A_2002 = tpu.memref_slice %arg10[%gather3A_1999, %gather3A_2000, %gather3A_2001] : memref<8x64x128xf32, #tpu.memory_space<vmem>> -> memref<1x64x128xf32, #tpu.memory_space<vmem>>
      %gather3A_2003 = tpu.memref_squeeze %gather3A_2002 : memref<1x64x128xf32, #tpu.memory_space<vmem>> -> memref<64x128xf32, #tpu.memory_space<vmem>>
      %gather3A_2004 = tpu.vector_load_idx %gather3A_2003[%add3A_212, %broadcast_in_dim3A_1955] : memref<64x128xf32, #tpu.memory_space<vmem>>[vector<16xi32>, vector<16xi32>], vector<16xf32>,
      %mul3A_2005 = arith.mulf %get3A_1998, %gather3A_2004 : vector<16xf32>
      %add3A_2006 = arith.addf %add3A_1993, %mul3A_2005 : vector<16xf32>
      %eq3A_2007 = arith.constant 15 : i32
      %eq3A_2008 = vector.broadcast %eq3A_2007 : i32 to vector<16xi32>
      %eq3A_2009 = arith.cmpi eq, %iota3A, %eq3A_2008 : vector<16xi32>
      %reduce_sum3A_2010 = arith.constant true
      %reduce_sum3A_2011 = vector.broadcast %reduce_sum3A_2010 : i1 to vector<16xi1>
      %reduce_sum3A_2012 = tpu.scan <sum>, %add3A_2006 masked %reduce_sum3A_2011 : vector<16xf32>, vector<16xi1> -> vector<16xf32>
      %reduce_sum3A_2013 = vector.extract %reduce_sum3A_2012[15] : f32 from vector<16xf32>
      %broadcast_in_dim3A_2014 = vector.broadcast %reduce_sum3A_2013 : f32 to vector<16xf32>
      %select_n3A_2015 = arith.select %eq3A_2009, %broadcast_in_dim3A_2014, %select_n3A_1903 : vector<16xi1>, vector<16xf32>
      %swap3A = arith.index_cast %mul3A_220 : i32 to index
      %swap3A_2016 = tpu.vector_load %arg11[%swap3A] {strides = array<i32>} : memref<512xf32, #tpu.memory_space<vmem>>, vector<16xf32>,
      tpu.vector_store %arg11[%swap3A], %select_n3A_2015 {strides = array<i32>} : memref<512xf32, #tpu.memory_space<vmem>>, vector<16xf32>,
    }
    %scan3A_217 = arith.constant 32 : i32
    "tpu.region"() ({
      %run_scoped3A = tpu.sem_alloc : memref<!tpu.dma_semaphore, #tpu.memory_space<semaphore_mem>>
      %dma_start3A_218 = tpu.memref_slice %arg6[%mul3A_2] : memref<16384xf32, #tpu.memory_space<hbm>> -> memref<512xf32, #tpu.memory_space<hbm>>
      %dma_start3A_219 = tpu.memref_slice %arg6[%mul3A_2] : memref<16384xf32, #tpu.memory_space<hbm>> -> memref<512xf32, #tpu.memory_space<hbm>>
      tpu.enqueue_dma source(%arg11 : memref<512xf32, #tpu.memory_space<vmem>>) target(%dma_start3A_219 : memref<512xf32, #tpu.memory_space<hbm>>) target_semaphore(%run_scoped3A : memref<!tpu.dma_semaphore, #tpu.memory_space<semaphore_mem>>)
      %dma_wait3A = tpu.memref_slice %arg6[%mul3A_2] : memref<16384xf32, #tpu.memory_space<hbm>> -> memref<512xf32, #tpu.memory_space<hbm>>
      %dma_wait3A_220 = tpu.memref_slice %arg6[%mul3A_2] : memref<16384xf32, #tpu.memory_space<hbm>> -> memref<512xf32, #tpu.memory_space<hbm>>
      tpu.wait_dma2 semaphore(%run_scoped3A : memref<!tpu.dma_semaphore, #tpu.memory_space<semaphore_mem>>) src(%arg11 : memref<512xf32, #tpu.memory_space<vmem>>) dst(%dma_wait3A_220 : memref<512xf32, #tpu.memory_space<hbm>>)
      tpu.yield
    }) : () -> ()
    return
  }
}

</mosaic_0001>

<sc_bundles>
// kernel: kernel.3.cloned.1.call-start
scs
__scs_entry_jumppad:
0x0: {  	(pc) =	sbr.rel $0x88, $3  }
0x1: {  	(tag) =	ssettag $0x0;
	lr =	simm.s32 $0x1  }
0x2: {  	[smem:$0x3F9D] =	sst lr;
	_ =	strace $0xD0000000  }
0x3: {  	_ = 	snop  }
0x4: {  	_ = 	snop  }
0x5: {  	_ = 	snop  }
0x6: {  	_ = 	snop  }
0x7: {  	_ = 	snop  }
__scs_overlays_trampoline_lowered:
0x8: {  	[smem:$0x3FAC] =	sst s0  }
0x9: {  	[smem:$0x3FAD] =	sst s1  }
0xa: {  	[smem:$0x3FAE] =	sst s2  }
0xb: {  	[smem:$0x3FAF] =	sst s3  }
0xc: {  	[smem:$0x3FB0] =	sst s4  }
0xd: {  	[smem:$0x3FB1] =	sst s5  }
0xe: {  	[smem:$0x3FB2] =	sst s6  }
0xf: {  	[smem:$0x3FB3] =	sst s7  }
0x10: {  	[smem:$0x3FB4] =	sst s8  }
0x11: {  	[smem:$0x3FB5] =	sst s9;
	s0 =	simm.s32 @!p0 $0x0  }
0x12: {  	s1 =	sld [smem:$0x3F9B];
	s0 =	simm.s32 @p0 $0x1  }
0x13: {  	[smem:$0x3FB6] =	sst s0;
	s0 =	simm.s32 @!p1 $0x0  }
0x14: {  	s2 =	sld [smem:$0x3F9A];
	s0 =	simm.s32 @p1 $0x1  }
0x15: {  	[smem:$0x3FB7] =	sst s0;
	s0 =	simm.s32 @!p2 $0x0  }
0x16: {  	s3 =	sld [smem:$0x3FDB];
	s0 =	simm.s32 @p2 $0x1  }
0x17: {  	s4 =	simm.s32 $0x1BF5;
	[smem:$0x3FB9] =	sst s0  }
0x18: {  	s0 =	sld [smem:$0x3F9C];
	_ =	swait.ge [sflag:s4], $0x0  }
0x19: {  	s7 =	sld [smem:$0x3F9D]  }
0x1a: {  	s8 =	sadd.s32 $0xFFFFE003, lr  }
0x1b: {  	s9 =	sadd.s32 $0xFFFFFEF7, lr;
	s5 =	simm.s32 $0xFFFFFFFF;
	p2 =	slt.u32 s8, $0xFFFFF086  }
0x1c: {  	p1 =	slt.u32 s9, $0xF7A;
	s5 =	simm.s32 @!p2 $0x0  }
0x1d: {  	s5 =	simm.s32 @p1 $0x1;
	p0 =	seq.s32 s7, s2  }
0x1e: {  	s7 =	smul.u32 @!p0 $0xF7A, s2;
	p2 =	seq.s32 @!p0 s5, $0x0  }
0x1f: {  	s9 =	smul.u32 $0xF7A, s1;
	s8 =	simm.s32 @!p0 $0x1BF5;
	p2 =	por !p2, p0  }
0x20: {  	[sflag:s8] =	ssyncset.s32 @!p0 $0xFFFFF086;
	s6 =	sadd.s32 @!p0 s3, s7;
	s7 =	simm.s32 @!p0 $0x108  }
0x21: {  	s3 =	sadd.s32 s3, s9;
	s6 =	sadd.s32 @!p0 $0x88, s6;
	s7 =	simm.s32 @p2 $0x1082  }
0x22: {  	[simem:s7], [sflag:s8] =	dma.local @!p0 [hbm:s6], $0xF7A  }
0x23: {  	s9 =	sor.u32 $0xD0000000, s2;
	s6 =	simm.s32 $0x108;
	_ =	swait.ge @!p0 [sflag:s8], $0x0  }
0x24: {  	s3 =	sadd.s32 $0x88, s3;
	s6 =	simm.s32 @!p1 $0x1082;
	[sflag:s4] =	ssyncset.s32 $0xFFFFF086  }
0x25: {  	[simem:s6], [sflag:s4] =	dma.local [hbm:s3], $0xF7A  }
0x26: {  	[smem:$0x3F9D] =	sst s1;
	(tag) =	ssettag s2;
	_ =	strace s9  }
0x27: {  	s1 =	sld [smem:$0x3FAD]  }
0x28: {  	s2 =	sld [smem:$0x3FAE]  }
0x29: {  	s4 =	sld [smem:$0x3FB0]  }
0x2a: {  	p0 =	seq.s32 s5, $0x0;
	s5 =	sld [smem:$0x3FB1]  }
0x2b: {  	s6 =	sld [smem:$0x3FB2]  }
0x2c: {  	s7 =	sld [smem:$0x3FB3]  }
0x2d: {  	s3 =	simm.s32 $0x108;
	s8 =	sld [smem:$0x3FB4]  }
0x2e: {  	s3 =	simm.s32 @!p0 $0x1082;
	s9 =	sld [smem:$0x3FB5]  }
0x2f: {  	lr =	sadd.s32 s0, s3;
	s0 =	sld [smem:$0x3FAC]  }
0x30: {  	s3 =	sld [smem:$0x3FAF]  }
0x31: {  	[smem:$0x3FB8] =	sst s10  }
0x32: {  	s10 =	sld [smem:$0x3FB6];
	_ =	sdelay $0x3  }
0x33: {  	p0 =	seq.s32 s10, $0x1;
	s10 =	sld [smem:$0x3FB8];
	_ =	sdelay $0x3  }
0x34: {  	[smem:$0x3FB8] =	sst s10  }
0x35: {  	s10 =	sld [smem:$0x3FB7];
	_ =	sdelay $0x3  }
0x36: {  	p1 =	seq.s32 s10, $0x1;
	s10 =	sld [smem:$0x3FB8];
	_ =	sdelay $0x3  }
0x37: {  	[smem:$0x3FB8] =	sst s10  }
0x38: {  	s10 =	sld [smem:$0x3FB9]  }
0x39: {  	_ = 	snop;
	(pc) =	sbr.ind lr, $3  }
0x3a: {  	_ = 	snop  }
0x3b: {  	_ = 	snop  }
0x3c: {  	p2 =	seq.s32 s10, $0x1;
	s10 =	sld [smem:$0x3FB8]  }
0x3d: {  	_ =	shalt  }
0x3e: {  	_ =	shalt  }
0x3f: {  	_ =	shalt  }
0x40: {  	_ =	shalt  }
0x41: {  	_ =	shalt  }
0x42: {  	_ =	shalt  }
0x43: {  	_ =	shalt  }
0x44: {  	_ =	shalt  }
0x45: {  	_ =	shalt  }
0x46: {  	_ =	shalt  }
0x47: {  	_ =	shalt  }
0x48: {  	_ =	shalt  }
0x49: {  	_ =	shalt  }
0x4a: {  	_ =	shalt  }
0x4b: {  	_ =	shalt  }
0x4c: {  	_ =	shalt  }
0x4d: {  	_ =	shalt  }
0x4e: {  	_ =	shalt  }
0x4f: {  	_ =	shalt  }
0x50: {  	_ =	shalt  }
0x51: {  	_ =	shalt  }
0x52: {  	_ =	shalt  }
0x53: {  	_ =	shalt  }
0x54: {  	_ =	shalt  }
0x55: {  	_ =	shalt  }
0x56: {  	_ =	shalt  }
0x57: {  	_ =	shalt  }
0x58: {  	_ =	shalt  }
0x59: {  	_ =	shalt  }
0x5a: {  	_ =	shalt  }
0x5b: {  	_ =	shalt  }
0x5c: {  	_ =	shalt  }
0x5d: {  	_ =	shalt  }
0x5e: {  	_ =	shalt  }
0x5f: {  	_ =	shalt  }
0x60: {  	_ =	shalt  }
0x61: {  	_ =	shalt  }
0x62: {  	_ =	shalt  }
0x63: {  	_ =	shalt  }
0x64: {  	_ =	shalt  }
0x65: {  	_ =	shalt  }
0x66: {  	_ =	shalt  }
0x67: {  	_ =	shalt  }
0x68: {  	_ =	shalt  }
0x69: {  	_ =	shalt  }
0x6a: {  	_ =	shalt  }
0x6b: {  	_ =	shalt  }
0x6c: {  	_ =	shalt  }
0x6d: {  	_ =	shalt  }
0x6e: {  	_ =	shalt  }
0x6f: {  	_ =	shalt  }
0x70: {  	_ =	shalt  }
0x71: {  	_ =	shalt  }
0x72: {  	_ =	shalt  }
0x73: {  	_ =	shalt  }
0x74: {  	_ =	shalt  }
0x75: {  	_ =	shalt  }
0x76: {  	_ =	shalt  }
0x77: {  	_ =	shalt  }
0x78: {  	_ =	shalt  }
0x79: {  	_ =	shalt  }
0x7a: {  	_ =	shalt  }
0x7b: {  	_ =	shalt  }
0x7c: {  	_ =	shalt  }
0x7d: {  	_ =	shalt  }
0x7e: {  	_ =	shalt  }
0x7f: {  	_ =	shalt  }
0x80: {  	_ =	shalt  }
0x81: {  	_ =	shalt  }
0x82: {  	_ =	shalt  }
0x83: {  	_ =	shalt  }
0x84: {  	_ =	shalt  }
0x85: {  	_ =	shalt  }
0x86: {  	_ =	shalt  }
0x87: {  	_ =	shalt  }
.Lfunc_end0:
.L_simem_size_0:
called_computation_lowered:
.L_overlay_start_0:
0x88: {  	s2 =	sld [smem:$0x3FD9]  }
0x89: {  	s3 =	sld [smem:$0x3FFE];
	_ =	sdelay $0x1  }
0x8a: {  	s1 =	srdreg.scid  }
0x8b: {  	s0 =	sand.u32 $0x1, s1  }
0x8c: {  	s17 =	sshll.u32 s0, $0xA;
	s2 =	sadd.s32 s3, s2  }
0x8d: {  	s2 =	sadd.s32 s2, s17  }
0x8e: {  	[smem:$0x3FC4] =	sst s2  }
0x8f: {  	_ = 	snop  }
0x90: {  	s2 =	sld [smem:$0x3FC9]  }
0x91: {  	s18 =	sld [smem:$0x3FC8]  }
0x92: {  	s4 =	sld [smem:$0x3FC6]  }
0x93: {  	s5 =	sld [smem:$0x3FD0];
	(tm) =	ssettm $0x1  }
0x94: {  	s6 =	sld [smem:$0x3FFB];
	_ =	sdelay $0x3  }
0x95: {  	_ =	strace s6  }
0x96: {  	s6 =	sld [smem:$0x3FFC];
	_ =	sdelay $0x3  }
0x97: {  	_ =	strace s6  }
0x98: {  	s6 =	sld [smem:$0x3FFD];
	_ =	sdelay $0x3  }
0x99: {  	_ =	strace s6  }
0x9a: {  	_ =	strace $0x8FFFFFFF  }
0x9b: {  	s19 =	sld [smem:$0x3FDB];
	_ =	sdelay $0x1  }
0x9c: {  	s7 =	simm.s32 $_scs_section_size  }
0x9d: {  	s8 =	simm.s32 $_size__tile_overlayer_lowered;
	s9 =	simm.s32 $_tile_overlayer_lowered  }
0x9e: {  	s22 =	simm.s32 $0x1BFF;
	s21 =	sshll.u32 s9, $0x1;
	s6 =	sadd.s32 s7, s19  }
0x9f: {  	s10 =	simm.s32 $0x0;
	s20 =	sshll.u32 s8, $0x1;
	s8 =	sadd.s32 s21, s6  }
0xa0: {  	[timem:s10], [sflag:s22] =	dma.local [hbm:s8], s20  }
0xa1: {  	_ =	swait.ge [sflag:s22], s20  }
0xa2: {  	s7 =	ssub.s32 $0x0, s20;
	[sflag:s22] =	ssyncset.done $0x0  }
0xa3: {  	[sflag:s22] =	ssyncadd.s32 s7;
	_ =	sdelay $0x1  }
0xa4: {  	s23 =	simm.s32 $0x1B8B  }
0xa5: {  	_ =	swait.ge [sflag:s23], $0x1  }
0xa6: {  	[sflag:s23] =	ssyncset.done $0x0  }
0xa7: {  	s25 =	simm.s32 $0x1B8E;
	s24 =	sld [smem:$0x3FFE];
	[sflag:s23] =	ssyncadd.s32 $0xFFFFFFFF  }
0xa8: {  	s26 =	simm.s32 $execute0_lowered;
	[smem:$0x3FD2] =	sst s25  }
0xa9: {  	s8 =	sshll.u32 s26, $0x1;
	_ =	strace $0x80000046;
	[dreg:$0x1] =	wrdreg $0xFFFFFFFF  }
0xaa: {  	s28 =	simm.s32 $_size_execute0_lowered;
	s6 =	sadd.s32 s6, s8;
	[dreg:$0x0] =	wrdreg $0x0  }
0xab: {  	s8 =	sshll.u32 s28, $0x1;
	[dreg:$0x2] =	wrdreg s6  }
0xac: {  	[dreg:$0x3] =	wrdreg s8  }
0xad: {  	[dreg:$0x4] =	wrdreg $0xC0  }
0xae: {  	_ =	task [dreg:s10], $0x5FFFF  }
0xaf: {  	[dreg:$0x1] =	wrdreg $0xFFFFFFFF  }
0xb0: {  	[dreg:$0x0] =	wrdreg $0x60  }
0xb1: {  	[dreg:$0x2] =	wrdreg s2  }
0xb2: {  	[dreg:$0x3] =	wrdreg s18  }
0xb3: {  	[dreg:$0x4] =	wrdreg s24  }
0xb4: {  	[dreg:$0x5] =	wrdreg s4  }
0xb5: {  	[dreg:$0x6] =	wrdreg s5  }
0xb6: {  	[dreg:$0x7] =	wrdreg $0x9  }
0xb7: {  	_ =	task.clear_ibuf [dreg:s10], $0x8FFFF;
	_ =	strace $0x90000046  }
0xb8: {  	s29 =	simm.s32 $0x9;
	_ =	strace $0x80000048  }
0xb9: {  	_ =	swait.ge [sflag:s29], $0x1  }
0xba: {  	[sflag:s29] =	ssyncadd.s32 $0xFFFFFFFF  }
0xbb: {  	_ =	strace $0x90000048  }
0xbc: {  	_ =	sfence  }
0xbd: {  	s30 =	sld [smem:$0x0];
	_ =	sdelay $0x2  }
0xbe: {  	s31 =	sshll.u32 s1, $0xD;
	s1 =	sshrl.u32 s1, $0x2  }
0xbf: {  	s3 =	sand.u32 $0x4000, s31;
	s1 =	sadd.s32 s1, s30  }
0xc0: {  	s0 =	sor.u32 s3, s0;
	s1 =	sshll.u32 s1, $0x11  }
0xc1: {  	s0 =	sor.u32 s1, s0  }
0xc2: {  	s0 =	sadd.s32 $0x8F2B, s0  }
0xc3: {  	[sflag:s0] =	ssyncadd.remote.s32 $0x1  }
0xc4: {  	_ =	sfence.sel $0xFFFF  }
0xc5: {  	[dreg:$0x0] =	wrdreg $0xFFFFFFFF;
	(pc) =	sbr.abs _section_cstart, $3  }
0xc6: {  	[dreg:$0x1] =	wrdreg $0xFFFFFFFF  }
0xc7: {  	_ =	task.clear_ibuf [dreg:s10], $0x2FFFF;
	_ =	strace $0x9FFFFFFF  }
0xc8: {  	(tm) =	ssettm $0x7FFFFFFF  }
0xc9: {  	_ =	shalt  }
tec
execute0_lowered:
.L_overlay_start_1:
0x0: {  	(tag) =	ssettag $0x1  }
0x1: {  	s0 =	rddreg [dreg:$0x0]  }
0x2: {  	s2 =	rddreg [dreg:$0x1]  }
0x3: {  	s4 =	rddreg [dreg:$0x2]  }
0x4: {  	s1 =	rddreg [dreg:$0x3]  }
0x5: {  	s5 =	rddreg [dreg:$0x4]  }
0x6: {  	s3 =	simm.s32 $0x0;
	s6 =	srdreg.scid;
	s8 =	stileid.u32  }
0x7: {  	s11 =	simm.s32 $0x400;
	s10 =	simm.s32 $0x7A1400;
	s12 =	simm.s32 $0x2400  }
0x8: {  	s13 =	simm.s32 $0x800;
	s14 =	simm.s32 $0x4400;
	s15 =	simm.s32 $0xC00  }
0x9: {  	s16 =	simm.s32 $0x6400;
	s17 =	simm.s32 $0x8400;
	s18 =	simm.s32 $0xA400  }
0xa: {  	s21 =	simm.s32 $0xC400;
	s31 =	simm.s32 $0x2;
	s19 =	simm.s32 $0xA  }
0xb: {  	s30 =	simm.s32 $0x400;
	s25 =	simm.s32 $0x6400;
	s22 =	simm.s32 $0x8400  }
0xc: {  	s23 =	simm.s32 $0x5;
	[smem:$0x7FF] =	sst s3;
	s6 =	sand.u32 $0x1, s6  }
0xd: {  	s8 =	sshll.u32 s8, $0x7;
	s4 =	sadd.s32 $0x400, s4;
	s3 =	simm.s32 $0x0  }
0xe: {  	v0 =	vlaneseq.u32;
	vm0 =	vmmov $0x1;
	s7 =	ssub.s32 $0x2, s6;
	s6 =	sshll.u32 s6, $0x6;
	_ =	strace $0x80000047  }
0xf: {  	vm1 =	vmmov $0x3;
	vm2 =	vmmov $0x7;
	vm3 =	vmmov $0xf;
	s9 =	sshrl.u32 s7, $0x1;
	s6 =	sor.u32 s6, s8;
	s8 =	simm.s32 $0x1  }
0x10: {  	vm4 =	vmmov $0x1f;
	vm5 =	vmmov $0x3f;
	vm6 =	vmmov $0x7f;
	s7 =	ssub.s32 s7, s9;
	s0 =	sadd.s32 s0, s6;
	s26 =	sadd.s32 s2, s6  }
0x11: {  	vm7 =	vmmov $0xff;
	vm8 =	vmmov $0x1ff;
	vm9 =	vmmov $0x3ff;
	s28 =	sadd.s32 s5, s6;
	s2 =	simm.s32 $0x11;
	[dreg:$0x6] =	wrdreg s0  }
0x12: {  	vm10 =	vcmask $0x2F2C;
	vm11 =	vcmask $0x3330;
	v0 =	vmul.u32 $0x80, v0;
	s5 =	simm.s32 $0x1000;
	s6 =	simm.s32 $0x1400;
	[dreg:$0x7] =	wrdreg s26  }
0x13: {  	vm12 =	vcmask $0x3734;
	vm13 =	vcmask $0x3B38;
	vm14 =	vmmov $0x7fff;
	s9 =	simm.s32 $0x9;
	[dreg:$0x8] =	wrdreg s28;
	s29 =	smax.u32 s7, $0x1  }
0x14: {  	v1 =	vor.u32 $0x800, v0;
	v2 =	vor.u32 $0x1000, v0;
	v3 =	vor.u32 $0x1800, v0;
	s7 =	simm.s32 $0x1800;
	s26 =	simm.s32 $0x2000;
	[dreg:$0x9] =	wrdreg s29  }
.LBB2_1:
0x15: {  	[dreg:$0xa] =	wrdreg s3  }
0x16: {  	s0 =	rddreg [dreg:$0x6];
	s3 =	simm.s32 $0x0  }
0x17: {  	[tilespmem:s3], [sflag:$0x11] =	stream.linear.gather [hbm4b:s0+s3], $0x200, $0x38;
	[tilespmem:$0x12600] =	vst v63  }
0x18: {  	_ =	swait.ge [sflag:s2], $0x200  }
0x19: {  	[sflag:s2] =	ssyncset.done $0x0  }
0x1a: {  	s20 =	simm.s32 $0x200;
	s24 =	rddreg [dreg:$0x7];
	[sflag:s2] =	ssyncadd.s32 $0xFFFFFE00  }
0x1b: {  	[tilespmem:s20], [sflag:$0x11] =	stream.linear.gather [hbm4b:s24+s3], $0x200, $0x38;
	[tilespmem:$0x12600] =	vst v63  }
0x1c: {  	_ =	swait.ge [sflag:s2], $0x200  }
0x1d: {  	[sflag:s2] =	ssyncset.done $0x0  }
0x1e: {  	[sflag:s2] =	ssyncadd.s32 $0xFFFFFE00  }
0x1f: {  	v4 =	vld [tilespmem:$0x0];
	_ =	sdelay $0x4  }
0x20: {  	v4 =	vshll.u32 v4, $0x4  }
0x21: {  	v5 =	vld [tilespmem:$0x200];
	(v2sf) =	vpush v4, $0x0;
	_ =	sdelay $0x4  }
0x22: {  	(v2sf) =	vpush v5, $0x0;
	_ =	sdelay $0x1  }
0x23: {  	(v2sf) =	vpush v4, $0x1;
	_ =	sdelay $0x1  }
0x24: {  	(v2sf) =	vpush v5, $0x1;
	_ =	sdelay $0x5  }
0x25: {  	s28 =	spop (v2sf);
	(v2sf) =	vpush v4, $0x2;
	_ =	sdelay $0x3  }
0x26: {  	(v2sf) =	vpush v5, $0x2  }
0x27: {  	s29 =	spop (v2sf);
	(v2sf) =	vpush v4, $0x3  }
0x28: {  	s0 =	sand.u32 $0xFFFFF80, s28  }
0x29: {  	s0 =	sadd.s32 s4, s0;
	s2 =	spop (v2sf);
	(v2sf) =	vpush v5, $0x3  }
0x2a: {  	[tilespmem:s11], [sflag:$0x1] =	stream.linear.gather [hbm4b:s0+s3], $0x400, $0x38;
	[tilespmem:$0x12600] =	vst v63  }
0x2b: {  	s0 =	sand.u32 $0xFFFFF80, s29;
	s24 =	spop (v2sf);
	(v2sf) =	vpush v4, $0x4  }
0x2c: {  	s0 =	sadd.s32 s1, s0  }
0x2d: {  	[tilespmem:s12], [sflag:$0x9] =	stream.strided.gather [hbm4b:s0+s11], $0x2000, s10, s11, $0x38;
	[tilespmem:$0x12600] =	vst v63  }
0x2e: {  	s0 =	sand.u32 $0xFFFFF80, s2  }
0x2f: {  	s0 =	sadd.s32 s4, s0  }
0x30: {  	[tilespmem:s13], [sflag:$0x2] =	stream.linear.gather [hbm4b:s0+s3], $0x400, $0x38;
	[tilespmem:$0x12600] =	vst v63  }
0x31: {  	s28 =	spop (v2sf);
	(v2sf) =	vpush v5, $0x4  }
0x32: {  	s0 =	sand.u32 $0xFFFFF80, s24  }
0x33: {  	s0 =	sadd.s32 s1, s0  }
0x34: {  	[tilespmem:s14], [sflag:$0xA] =	stream.strided.gather [hbm4b:s0+s11], $0x2000, s10, s11, $0x38;
	[tilespmem:$0x12600] =	vst v63  }
0x35: {  	s0 =	sand.u32 $0xFFFFF80, s28;
	s29 =	spop (v2sf)  }
0x36: {  	s0 =	sadd.s32 s4, s0;
	s2 =	sand.u32 $0xFFFFF80, s29;
	s24 =	spop (v2sf)  }
0x37: {  	[tilespmem:s15], [sflag:$0x3] =	stream.linear.gather [hbm4b:s0+s3], $0x400, $0x38;
	[tilespmem:$0x12600] =	vst v63  }
0x38: {  	s0 =	sadd.s32 s1, s2;
	s28 =	sand.u32 $0xFFFFF80, s24;
	s29 =	spop (v2sf)  }
0x39: {  	[tilespmem:s16], [sflag:$0xB] =	stream.strided.gather [hbm4b:s0+s11], $0x2000, s10, s11, $0x38;
	[tilespmem:$0x12600] =	vst v63  }
0x3a: {  	s24 =	spop (v2sf);
	s0 =	sadd.s32 s4, s28;
	s16 =	sand.u32 $0xFFFFF80, s29  }
0x3b: {  	[tilespmem:s5], [sflag:$0x4] =	stream.linear.gather [hbm4b:s0+s3], $0x400, $0x38;
	[tilespmem:$0x12600] =	vst v63  }
0x3c: {  	s28 =	sand.u32 $0xFFFFF80, s24;
	s0 =	sadd.s32 s1, s16  }
0x3d: {  	[tilespmem:s17], [sflag:$0xC] =	stream.strided.gather [hbm4b:s0+s11], $0x2000, s10, s11, $0x38;
	[tilespmem:$0x12600] =	vst v63  }
0x3e: {  	s0 =	sadd.s32 s4, s28  }
0x3f: {  	[tilespmem:s6], [sflag:$0x5] =	stream.linear.gather [hbm4b:s0+s3], $0x400, $0x38;
	[tilespmem:$0x12600] =	vst v63  }
0x40: {  	s29 =	spop (v2sf)  }
0x41: {  	s2 =	simm.s32 $0x0;
	s0 =	sand.u32 $0xFFFFF80, s29  }
0x42: {  	s24 =	simm.s32 $0x0;
	s16 =	simm.s32 $0xE400;
	s0 =	sadd.s32 s1, s0  }
0x43: {  	[tilespmem:s18], [sflag:$0xD] =	stream.strided.gather [hbm4b:s0+s11], $0x2000, s10, s11, $0x38;
	[tilespmem:$0x12600] =	vst v63  }
0x44: {  	s6 =	simm.s32 $0x10400;
	s0 =	simm.s32 $0x12400;
	s18 =	simm.s32 $0x3  }
.LBB2_2:
0x45: {  	v14 =	vld [tilespmem:s2+$0x0];
	_ =	sdelay $0x1  }
0x46: {  	v12 =	vld [tilespmem:s20+$0x0];
	_ =	sdelay $0x2  }
0x47: {  	(v2sf) =	vpush v14, $0x5;
	_ =	sdelay $0x1  }
0x48: {  	(v2sf) =	vpush v12, $0x5;
	_ =	sdelay $0xc  }
0x49: {  	[dreg:$0xd] =	wrdreg s2;
	s28 =	spop (v2sf)  }
0x4a: {  	[dreg:$0xb] =	wrdreg s20;
	s11 =	sshll.u32 s28, $0x4  }
0x4b: {  	s10 =	smin.u32 s24, $0x1E0;
	s2 =	spop (v2sf);
	s5 =	sand.u32 $0xFFFFF80, s11  }
0x4c: {  	v4 =	vld [tilespmem:s10+$0x10];
	s11 =	simm.s32 $0x0;
	s20 =	sand.u32 $0xFFFFF80, s2;
	s17 =	sadd.s32 s4, s5  }
0x4d: {  	v6 =	vld [tilespmem:s10+$0x210];
	[tilespmem:s7], [sflag:$0x6] =	stream.linear.gather [hbm4b:s17+s11], $0x400, $0x38  }
0x4e: {  	[dreg:$0xc] =	wrdreg s0;
	s3 =	simm.s32 $0x7A1400;
	s0 =	sadd.s32 s1, s20  }
0x4f: {  	[tilespmem:s21], [sflag:$0xE] =	stream.strided.gather [hbm4b:s0+s30], $0x2000, s3, s30, $0x38;
	[tilespmem:$0x12600] =	vst v63  }
0x50: {  	_ =	swait.ge [sflag:s8], $0x400  }
0x51: {  	[sflag:s8] =	ssyncset.done $0x0  }
0x52: {  	[sflag:s8] =	ssyncadd.s32 $0xFFFFFC00  }
0x53: {  	_ =	swait.ge [sflag:s9], $0x2000  }
0x54: {  	(v2sf) =	vpush v12, $0x0;
	_ =	sdelay $0x1  }
0x55: {  	v11 =	vshll.u32 v14, $0x7  }
0x56: {  	(v2sf) =	vpush v11, $0x0;
	_ =	sdelay $0xb  }
0x57: {  	s21 =	spop (v2sf)  }
0x58: {  	s0 =	sand.u32 $0x7F, s21  }
0x59: {  	v5 =	vor.u32 s0, v0  }
0x5a: {  	[sflag:s9] =	ssyncset.done $0x0;
	s29 =	spop (v2sf);
	v7 =	vor.u32 s0, v1  }
0x5b: {  	[sflag:s9] =	ssyncadd.s32 $0xFFFFE000;
	s5 =	sand.u32 $0x380, s29  }
0x5c: {  	v9 =	vor.u32 s0, v2;
	v8 =	vld [tilespmem:s5+$0x400]  }
0x5d: {  	v10 =	vld [tilespmem:s5+$0x410]  }
0x5e: {  	v13 =	vor.u32 s0, v3;
	v5 =	vld.idx.msk [tilespmem:v5+s12+$0x0], $0xffff  }
0x5f: {  	v7 =	vld.idx.msk [tilespmem:v7+s12+$0x0], $0xffff  }
0x60: {  	v15 =	vld [tilespmem:s5+$0x420]  }
0x61: {  	(v2sf) =	vpush v14, $0x6;
	v9 =	vld.idx.msk [tilespmem:v9+s12+$0x0], $0xffff  }
0x62: {  	v16 =	vld [tilespmem:s5+$0x430]  }
0x63: {  	(v2sf) =	vpush v12, $0x6;
	v13 =	vld.idx.msk [tilespmem:v13+s12+$0x0], $0xffff  }
0x64: {  	v5 =	vmul.f32 v5, v8;
	v7 =	vmul.f32 v7, v10;
	_ =	sdelay $0x1  }
0x65: {  	v23 =	vmul.f32 v9, v15;
	v5 =	vadd.f32 v7, v5;
	_ =	sdelay $0x1  }
0x66: {  	v24 =	vmul.f32 v13, v16;
	v5 =	vadd.f32 v23, v5;
	_ =	sdelay $0x1  }
0x67: {  	v5 =	vadd.f32 v24, v5;
	_ =	sdelay $0x1  }
0x68: {  	(xrf2) =	vadd.scan.msk.f32 $0xffff, v5;
	_ =	sdelay $0x3  }
0x69: {  	s29 =	spop (v2sf)  }
0x6a: {  	s7 =	sshll.u32 s29, $0x4  }
0x6b: {  	s0 =	sand.u32 $0xFFFFF80, s7;
	s7 =	spop (v2sf)  }
0x6c: {  	s8 =	simm.s32 $0x1C00;
	s0 =	sadd.s32 s4, s0;
	s9 =	sand.u32 $0xFFFFF80, s7  }
0x6d: {  	[tilespmem:s8], [sflag:$0x7] =	stream.linear.gather [hbm4b:s0+s11], $0x400, $0x38;
	[tilespmem:$0x12600] =	vst v63  }
0x6e: {  	s0 =	sadd.s32 s1, s9  }
0x6f: {  	[tilespmem:s16], [sflag:$0xF] =	stream.strided.gather [hbm4b:s0+s30], $0x2000, s3, s30, $0x38;
	v5, _, _ =	vpop (xrf2);
	[tilespmem:$0x12600] =	vst v63  }
0x70: {  	_ =	swait.ge [sflag:s31], $0x400  }
0x71: {  	[sflag:s31] =	ssyncset.done $0x0  }
0x72: {  	[sflag:s31] =	ssyncadd.s32 $0xFFFFFC00  }
0x73: {  	_ =	swait.ge [sflag:s19], $0x2000  }
0x74: {  	(v2sf) =	vpush v12, $0x1;
	_ =	sdelay $0x2  }
0x75: {  	(v2sf) =	vpush v11, $0x1;
	_ =	sdelay $0xb  }
0x76: {  	s10 =	spop (v2sf)  }
0x77: {  	s0 =	sand.u32 $0x7F, s10  }
0x78: {  	v25 =	vor.u32 s0, v0  }
0x79: {  	[sflag:s19] =	ssyncset.done $0x0;
	s16 =	spop (v2sf);
	v26 =	vor.u32 s0, v1  }
0x7a: {  	[sflag:s19] =	ssyncadd.s32 $0xFFFFE000;
	s5 =	sand.u32 $0x380, s16  }
0x7b: {  	v28 =	vor.u32 s0, v2;
	v27 =	vld [tilespmem:s5+$0x800]  }
0x7c: {  	v29 =	vld [tilespmem:s5+$0x810]  }
0x7d: {  	v30 =	vor.u32 s0, v3;
	v7 =	vld.idx.msk [tilespmem:v25+s14+$0x0], $0xffff  }
0x7e: {  	v8 =	vld.idx.msk [tilespmem:v26+s14+$0x0], $0xffff  }
0x7f: {  	v31 =	vld [tilespmem:s5+$0x820]  }
0x80: {  	(v2sf) =	vpush v14, $0x7;
	v10 =	vld.idx.msk [tilespmem:v28+s14+$0x0], $0xffff  }
0x81: {  	v17 =	vld [tilespmem:s5+$0x830]  }
0x82: {  	(v2sf) =	vpush v12, $0x7;
	v15 =	vld.idx.msk [tilespmem:v30+s14+$0x0], $0xffff  }
0x83: {  	v7 =	vmul.f32 v7, v27;
	v8 =	vmul.f32 v8, v29;
	_ =	sdelay $0x1  }
0x84: {  	v32 =	vmul.f32 v10, v31;
	v7 =	vadd.f32 v8, v7;
	_ =	sdelay $0x1  }
0x85: {  	v33 =	vmul.f32 v15, v17;
	v7 =	vadd.f32 v32, v7;
	_ =	sdelay $0x1  }
0x86: {  	v7 =	vadd.f32 v33, v7;
	_ =	sdelay $0x1  }
0x87: {  	(xrf2) =	vadd.scan.msk.f32 $0xffff, v7;
	_ =	sdelay $0x3  }
0x88: {  	s0 =	spop (v2sf)  }
0x89: {  	s17 =	sshll.u32 s0, $0x4  }
0x8a: {  	s9 =	spop (v2sf);
	s5 =	sand.u32 $0xFFFFF80, s17  }
0x8b: {  	s19 =	sand.u32 $0xFFFFF80, s9;
	s5 =	sadd.s32 s4, s5  }
0x8c: {  	[tilespmem:s26], [sflag:$0x8] =	stream.linear.gather [hbm4b:s5+s11], $0x400, $0x38;
	[tilespmem:$0x12600] =	vst v63  }
0x8d: {  	s5 =	sadd.s32 s1, s19  }
0x8e: {  	[tilespmem:s6], [sflag:$0x10] =	stream.strided.gather [hbm4b:s5+s30], $0x2000, s3, s30, $0x38;
	v7, _, _ =	vpop (xrf2);
	[tilespmem:$0x12600] =	vst v63  }
0x8f: {  	_ =	swait.ge [sflag:s18], $0x400  }
0x90: {  	[sflag:s18] =	ssyncset.done $0x0  }
0x91: {  	s20 =	simm.s32 $0xB;
	[sflag:s18] =	ssyncadd.s32 $0xFFFFFC00  }
0x92: {  	_ =	swait.ge [sflag:s20], $0x2000  }
0x93: {  	(v2sf) =	vpush v12, $0x2;
	_ =	sdelay $0x2  }
0x94: {  	(v2sf) =	vpush v11, $0x2;
	_ =	sdelay $0xb  }
0x95: {  	s21 =	spop (v2sf)  }
0x96: {  	s5 =	sand.u32 $0x7F, s21  }
0x97: {  	v34 =	vor.u32 s5, v0  }
0x98: {  	[sflag:s20] =	ssyncset.done $0x0;
	s26 =	spop (v2sf);
	v35 =	vor.u32 s5, v1  }
0x99: {  	[sflag:s20] =	ssyncadd.s32 $0xFFFFE000;
	s6 =	sand.u32 $0x380, s26  }
0x9a: {  	v37 =	vor.u32 s5, v2;
	v36 =	vld [tilespmem:s6+$0xC00]  }
0x9b: {  	v38 =	vld [tilespmem:s6+$0xC10]  }
0x9c: {  	v39 =	vor.u32 s5, v3;
	v8 =	vld.idx.msk [tilespmem:v34+s25+$0x0], $0xffff  }
0x9d: {  	v9 =	vld.idx.msk [tilespmem:v35+s25+$0x0], $0xffff  }
0x9e: {  	v40 =	vld [tilespmem:s6+$0xC20]  }
0x9f: {  	(v2sf) =	vpush v14, $0x8;
	v13 =	vld.idx.msk [tilespmem:v37+s25+$0x0], $0xffff  }
0xa0: {  	v18 =	vld [tilespmem:s6+$0xC30]  }
0xa1: {  	(v2sf) =	vpush v12, $0x8;
	v16 =	vld.idx.msk [tilespmem:v39+s25+$0x0], $0xffff  }
0xa2: {  	v8 =	vmul.f32 v8, v36;
	v9 =	vmul.f32 v9, v38;
	_ =	sdelay $0x1  }
0xa3: {  	v41 =	vmul.f32 v13, v40;
	v8 =	vadd.f32 v9, v8;
	_ =	sdelay $0x1  }
0xa4: {  	v42 =	vmul.f32 v16, v18;
	v8 =	vadd.f32 v41, v8;
	_ =	sdelay $0x1  }
0xa5: {  	v8 =	vadd.f32 v42, v8;
	_ =	sdelay $0x1  }
0xa6: {  	(xrf2) =	vadd.scan.msk.f32 $0xffff, v8;
	_ =	sdelay $0x3  }
0xa7: {  	s6 =	spop (v2sf)  }
0xa8: {  	s8 =	sshll.u32 s6, $0x4  }
0xa9: {  	s17 =	spop (v2sf);
	s5 =	sand.u32 $0xFFFFF80, s8  }
0xaa: {  	s10 =	sand.u32 $0xFFFFF80, s17;
	s5 =	sadd.s32 s4, s5  }
0xab: {  	[tilespmem:s30], [sflag:$0x1] =	stream.linear.gather [hbm4b:s5+s11], $0x400, $0x38;
	[tilespmem:$0x12600] =	vst v63  }
0xac: {  	s14 =	simm.s32 $0x4;
	s5 =	sadd.s32 s1, s10  }
0xad: {  	[tilespmem:s12], [sflag:$0x9] =	stream.strided.gather [hbm4b:s5+s30], $0x2000, s3, s30, $0x38;
	v8, _, _ =	vpop (xrf2);
	[tilespmem:$0x12600] =	vst v63  }
0xae: {  	_ =	swait.ge [sflag:s14], $0x400  }
0xaf: {  	[sflag:s14] =	ssyncset.done $0x0  }
0xb0: {  	s10 =	simm.s32 $0xC;
	[sflag:s14] =	ssyncadd.s32 $0xFFFFFC00  }
0xb1: {  	_ =	swait.ge [sflag:s10], $0x2000  }
0xb2: {  	(v2sf) =	vpush v12, $0x3;
	_ =	sdelay $0x2  }
0xb3: {  	(v2sf) =	vpush v11, $0x3;
	_ =	sdelay $0xb  }
0xb4: {  	s19 =	spop (v2sf)  }
0xb5: {  	s5 =	sand.u32 $0x7F, s19  }
0xb6: {  	v43 =	vor.u32 s5, v0  }
0xb7: {  	[sflag:s10] =	ssyncset.done $0x0;
	s20 =	spop (v2sf);
	v44 =	vor.u32 s5, v1  }
0xb8: {  	[sflag:s10] =	ssyncadd.s32 $0xFFFFE000;
	s8 =	sand.u32 $0x380, s20  }
0xb9: {  	v46 =	vor.u32 s5, v2;
	v45 =	vld [tilespmem:s8+$0x1000]  }
0xba: {  	v47 =	vld [tilespmem:s8+$0x1010]  }
0xbb: {  	v48 =	vor.u32 s5, v3;
	v9 =	vld.idx.msk [tilespmem:v43+s22+$0x0], $0xffff  }
0xbc: {  	v10 =	vld.idx.msk [tilespmem:v44+s22+$0x0], $0xffff  }
0xbd: {  	v49 =	vld [tilespmem:s8+$0x1020]  }
0xbe: {  	(v2sf) =	vpush v14, $0x9;
	v15 =	vld.idx.msk [tilespmem:v46+s22+$0x0], $0xffff  }
0xbf: {  	v19 =	vld [tilespmem:s8+$0x1030]  }
0xc0: {  	(v2sf) =	vpush v12, $0x9;
	v17 =	vld.idx.msk [tilespmem:v48+s22+$0x0], $0xffff  }
0xc1: {  	v9 =	vmul.f32 v9, v45;
	v10 =	vmul.f32 v10, v47;
	_ =	sdelay $0x1  }
0xc2: {  	v50 =	vmul.f32 v15, v49;
	v9 =	vadd.f32 v10, v9;
	_ =	sdelay $0x1  }
0xc3: {  	v51 =	vmul.f32 v17, v19;
	v9 =	vadd.f32 v50, v9;
	_ =	sdelay $0x1  }
0xc4: {  	v9 =	vadd.f32 v51, v9;
	_ =	sdelay $0x1  }
0xc5: {  	(xrf2) =	vadd.scan.msk.f32 $0xffff, v9;
	_ =	sdelay $0x3  }
0xc6: {  	s8 =	spop (v2sf)  }
0xc7: {  	s19 =	sshll.u32 s8, $0x4  }
0xc8: {  	s5 =	sand.u32 $0xFFFFF80, s19;
	s19 =	spop (v2sf)  }
0xc9: {  	s5 =	sadd.s32 s4, s5;
	s20 =	sand.u32 $0xFFFFF80, s19  }
0xca: {  	[tilespmem:s13], [sflag:$0x2] =	stream.linear.gather [hbm4b:s5+s11], $0x400, $0x38;
	[tilespmem:$0x12600] =	vst v63  }
0xcb: {  	s21 =	simm.s32 $0x4400;
	s5 =	sadd.s32 s1, s20  }
0xcc: {  	[tilespmem:s21], [sflag:$0xA] =	stream.strided.gather [hbm4b:s5+s30], $0x2000, s3, s30, $0x38;
	v9, _, _ =	vpop (xrf2);
	[tilespmem:$0x12600] =	vst v63  }
0xcd: {  	_ =	swait.ge [sflag:s23], $0x400  }
0xce: {  	[sflag:s23] =	ssyncset.done $0x0  }
0xcf: {  	s21 =	simm.s32 $0xD;
	[sflag:s23] =	ssyncadd.s32 $0xFFFFFC00  }
0xd0: {  	_ =	swait.ge [sflag:s21], $0x2000  }
0xd1: {  	(v2sf) =	vpush v12, $0x4;
	_ =	sdelay $0x2  }
0xd2: {  	(v2sf) =	vpush v11, $0x4;
	_ =	sdelay $0xb  }
0xd3: {  	s13 =	spop (v2sf)  }
0xd4: {  	s5 =	sand.u32 $0x7F, s13  }
0xd5: {  	v52 =	vor.u32 s5, v0  }
0xd6: {  	[sflag:s21] =	ssyncset.done $0x0;
	s20 =	spop (v2sf);
	v53 =	vor.u32 s5, v1  }
0xd7: {  	[sflag:s21] =	ssyncadd.s32 $0xFFFFE000;
	s13 =	sand.u32 $0x380, s20  }
0xd8: {  	v55 =	vor.u32 s5, v2;
	v54 =	vld [tilespmem:s13+$0x1400]  }
0xd9: {  	s10 =	simm.s32 $0xA400;
	v56 =	vld [tilespmem:s13+$0x1410]  }
0xda: {  	v57 =	vor.u32 s5, v3;
	v10 =	vld.idx.msk [tilespmem:v52+s10+$0x0], $0xffff  }
0xdb: {  	v13 =	vld.idx.msk [tilespmem:v53+s10+$0x0], $0xffff  }
0xdc: {  	v58 =	vld [tilespmem:s13+$0x1420]  }
0xdd: {  	(v2sf) =	vpush v14, $0xA;
	v16 =	vld.idx.msk [tilespmem:v55+s10+$0x0], $0xffff  }
0xde: {  	v20 =	vld [tilespmem:s13+$0x1430]  }
0xdf: {  	(v2sf) =	vpush v12, $0xA;
	v18 =	vld.idx.msk [tilespmem:v57+s10+$0x0], $0xffff  }
0xe0: {  	v10 =	vmul.f32 v10, v54;
	v13 =	vmul.f32 v13, v56;
	_ =	sdelay $0x1  }
0xe1: {  	v59 =	vmul.f32 v16, v58;
	v10 =	vadd.f32 v13, v10;
	_ =	sdelay $0x1  }
0xe2: {  	v60 =	vmul.f32 v18, v20;
	v10 =	vadd.f32 v59, v10;
	_ =	sdelay $0x1  }
0xe3: {  	v10 =	vadd.f32 v60, v10;
	_ =	sdelay $0x1  }
0xe4: {  	(xrf2) =	vadd.scan.msk.f32 $0xffff, v10;
	_ =	sdelay $0x3  }
0xe5: {  	s21 =	spop (v2sf)  }
0xe6: {  	s5 =	sshll.u32 s21, $0x4  }
0xe7: {  	s21 =	spop (v2sf);
	s5 =	sand.u32 $0xFFFFF80, s5  }
0xe8: {  	s13 =	sand.u32 $0xFFFFF80, s21;
	s5 =	sadd.s32 s4, s5  }
0xe9: {  	[tilespmem:s15], [sflag:$0x3] =	stream.linear.gather [hbm4b:s5+s11], $0x400, $0x38;
	[tilespmem:$0x12600] =	vst v63  }
0xea: {  	s20 =	simm.s32 $0x6;
	s5 =	sadd.s32 s1, s13  }
0xeb: {  	[tilespmem:s25], [sflag:$0xB] =	stream.strided.gather [hbm4b:s5+s30], $0x2000, s3, s30, $0x38;
	v10, _, _ =	vpop (xrf2);
	[tilespmem:$0x12600] =	vst v63  }
0xec: {  	_ =	swait.ge [sflag:s20], $0x400  }
0xed: {  	s2 =	sand.u32 $0x7F, s2;
	[sflag:s20] =	ssyncset.done $0x0  }
0xee: {  	v61 =	vor.u32 s2, v0;
	s15 =	simm.s32 $0xE;
	[sflag:s20] =	ssyncadd.s32 $0xFFFFFC00  }
0xef: {  	_ =	swait.ge [sflag:s15], $0x2000  }
0xf0: {  	s28 =	sshll.u32 s28, $0x7;
	v62 =	vor.u32 s2, v1;
	[sflag:s15] =	ssyncset.done $0x0  }
0xf1: {  	s5 =	sand.u32 $0x380, s28;
	[sflag:s15] =	ssyncadd.s32 $0xFFFFE000  }
0xf2: {  	v24 =	vor.u32 s2, v2;
	s26 =	simm.s32 $0xC400;
	v63 =	vld [tilespmem:s5+$0x1800]  }
0xf3: {  	v13 =	vld.idx.msk [tilespmem:v61+s26+$0x0], $0xffff  }
0xf4: {  	v26 =	vor.u32 s2, v3;
	v25 =	vld [tilespmem:s5+$0x1810]  }
0xf5: {  	v15 =	vld.idx.msk [tilespmem:v62+s26+$0x0], $0xffff  }
0xf6: {  	v27 =	vld [tilespmem:s5+$0x1820]  }
0xf7: {  	(v2sf) =	vpush v14, $0xB;
	v17 =	vld.idx.msk [tilespmem:v24+s26+$0x0], $0xffff  }
0xf8: {  	v21 =	vld [tilespmem:s5+$0x1830]  }
0xf9: {  	(v2sf) =	vpush v12, $0xB;
	v19 =	vld.idx.msk [tilespmem:v26+s26+$0x0], $0xffff  }
0xfa: {  	v13 =	vmul.f32 v13, v63;
	v15 =	vmul.f32 v15, v25;
	_ =	sdelay $0x1  }
0xfb: {  	v28 =	vmul.f32 v17, v27;
	v13 =	vadd.f32 v15, v13;
	_ =	sdelay $0x1  }
0xfc: {  	v29 =	vmul.f32 v19, v21;
	v13 =	vadd.f32 v28, v13;
	_ =	sdelay $0x1  }
0xfd: {  	v13 =	vadd.f32 v29, v13;
	_ =	sdelay $0x1  }
0xfe: {  	(xrf2) =	vadd.scan.msk.f32 $0xffff, v13;
	_ =	sdelay $0x3  }
0xff: {  	s5 =	spop (v2sf)  }
0x100: {  	s15 =	sshll.u32 s5, $0x4  }
0x101: {  	s2 =	sand.u32 $0xFFFFF80, s15;
	s15 =	spop (v2sf)  }
0x102: {  	s28 =	simm.s32 $0x1000;
	s2 =	sadd.s32 s4, s2;
	s13 =	sand.u32 $0xFFFFF80, s15  }
0x103: {  	[tilespmem:s28], [sflag:$0x4] =	stream.linear.gather [hbm4b:s2+s11], $0x400, $0x38;
	[tilespmem:$0x12600] =	vst v63  }
0x104: {  	s2 =	sadd.s32 s1, s13;
	s28 =	simm.s32 $0x7  }
0x105: {  	[tilespmem:s22], [sflag:$0xC] =	stream.strided.gather [hbm4b:s2+s30], $0x2000, s3, s30, $0x38;
	v13, _, _ =	vpop (xrf2);
	[tilespmem:$0x12600] =	vst v63  }
0x106: {  	_ =	swait.ge [sflag:s28], $0x400  }
0x107: {  	s2 =	sand.u32 $0x7F, s7;
	[sflag:s28] =	ssyncset.done $0x0  }
0x108: {  	v30 =	vor.u32 s2, v0;
	[sflag:s28] =	ssyncadd.s32 $0xFFFFFC00;
	s28 =	simm.s32 $0xF  }
0x109: {  	s13 =	simm.s32 $0xF;
	_ =	swait.ge [sflag:s28], $0x2000  }
0x10a: {  	v31 =	vor.u32 s2, v1;
	s28 =	sshll.u32 s29, $0x7;
	s29 =	simm.s32 $0xF;
	[sflag:s13] =	ssyncset.done $0x0  }
0x10b: {  	s7 =	sand.u32 $0x380, s28;
	[sflag:s29] =	ssyncadd.s32 $0xFFFFE000  }
0x10c: {  	s31 =	simm.s32 $0xE400;
	v33 =	vor.u32 s2, v2;
	v32 =	vld [tilespmem:s7+$0x1C00]  }
0x10d: {  	v15 =	vld.idx.msk [tilespmem:v30+s31+$0x0], $0xffff  }
0x10e: {  	v35 =	vor.u32 s2, v3;
	v34 =	vld [tilespmem:s7+$0x1C10]  }
0x10f: {  	v16 =	vld.idx.msk [tilespmem:v31+s31+$0x0], $0xffff  }
0x110: {  	(v2sf) =	vpush v14, $0xC;
	v36 =	vld [tilespmem:s7+$0x1C20]  }
0x111: {  	v18 =	vld.idx.msk [tilespmem:v33+s31+$0x0], $0xffff  }
0x112: {  	v22 =	vld [tilespmem:s7+$0x1C30]  }
0x113: {  	(v2sf) =	vpush v12, $0xC;
	v20 =	vld.idx.msk [tilespmem:v35+s31+$0x0], $0xffff  }
0x114: {  	v15 =	vmul.f32 v15, v32;
	v16 =	vmul.f32 v16, v34;
	_ =	sdelay $0x1  }
0x115: {  	v37 =	vmul.f32 v18, v36;
	v15 =	vadd.f32 v16, v15;
	_ =	sdelay $0x1  }
0x116: {  	v38 =	vmul.f32 v20, v22;
	v15 =	vadd.f32 v37, v15;
	_ =	sdelay $0x1  }
0x117: {  	v15 =	vadd.f32 v38, v15;
	_ =	sdelay $0x1  }
0x118: {  	(xrf2) =	vadd.scan.msk.f32 $0xffff, v15;
	_ =	sdelay $0x2  }
0x119: {  	s2 =	spop (v2sf)  }
0x11a: {  	s28 =	sshll.u32 s2, $0x4  }
0x11b: {  	s7 =	sand.u32 $0xFFFFF80, s28  }
0x11c: {  	s29 =	simm.s32 $0x1400;
	s13 =	spop (v2sf);
	s7 =	sadd.s32 s4, s7  }
0x11d: {  	[tilespmem:s29], [sflag:$0x5] =	stream.linear.gather [hbm4b:s7+s11], $0x400, $0x38;
	[tilespmem:$0x12600] =	vst v63  }
0x11e: {  	s29 =	sand.u32 $0xFFFFF80, s13  }
0x11f: {  	s28 =	simm.s32 $0x8;
	s7 =	sadd.s32 s1, s29  }
0x120: {  	[tilespmem:s10], [sflag:$0xD] =	stream.strided.gather [hbm4b:s7+s30], $0x2000, s3, s30, $0x38;
	v15, _, _ =	vpop (xrf2);
	[tilespmem:$0x12600] =	vst v63  }
0x121: {  	s29 =	simm.s32 $0x8;
	_ =	swait.ge [sflag:s28], $0x400  }
0x122: {  	s7 =	sand.u32 $0x7F, s9;
	s28 =	simm.s32 $0x8;
	[sflag:s29] =	ssyncset.done $0x0  }
0x123: {  	v39 =	vor.u32 s7, v0;
	s29 =	simm.s32 $0x10;
	[sflag:s28] =	ssyncadd.s32 $0xFFFFFC00  }
0x124: {  	s28 =	simm.s32 $0x10;
	_ =	swait.ge [sflag:s29], $0x2000  }
0x125: {  	s0 =	sshll.u32 s0, $0x7;
	v40 =	vor.u32 s7, v1;
	s29 =	simm.s32 $0x10;
	[sflag:s28] =	ssyncset.done $0x0  }
0x126: {  	s0 =	sand.u32 $0x380, s0;
	[sflag:s29] =	ssyncadd.s32 $0xFFFFE000  }
0x127: {  	s18 =	simm.s32 $0x10400;
	v42 =	vor.u32 s7, v2;
	v41 =	vld [tilespmem:s0+$0x2000]  }
0x128: {  	v16 =	vld.idx.msk [tilespmem:v39+s18+$0x0], $0xffff  }
0x129: {  	v44 =	vor.u32 s7, v3;
	v43 =	vld [tilespmem:s0+$0x2010]  }
0x12a: {  	v17 =	vld.idx.msk [tilespmem:v40+s18+$0x0], $0xffff  }
0x12b: {  	(v2sf) =	vpush v14, $0xD;
	v45 =	vld [tilespmem:s0+$0x2020]  }
0x12c: {  	v19 =	vld.idx.msk [tilespmem:v42+s18+$0x0], $0xffff  }
0x12d: {  	v23 =	vld [tilespmem:s0+$0x2030]  }
0x12e: {  	(v2sf) =	vpush v12, $0xD;
	v21 =	vld.idx.msk [tilespmem:v44+s18+$0x0], $0xffff  }
0x12f: {  	v16 =	vmul.f32 v16, v41;
	v17 =	vmul.f32 v17, v43;
	_ =	sdelay $0x1  }
0x130: {  	v46 =	vmul.f32 v19, v45;
	v16 =	vadd.f32 v17, v16;
	_ =	sdelay $0x1  }
0x131: {  	v47 =	vmul.f32 v21, v23;
	v16 =	vadd.f32 v46, v16;
	_ =	sdelay $0x1  }
0x132: {  	v16 =	vadd.f32 v47, v16;
	_ =	sdelay $0x1  }
0x133: {  	(xrf2) =	vadd.scan.msk.f32 $0xffff, v16;
	_ =	sdelay $0x2  }
0x134: {  	s0 =	spop (v2sf)  }
0x135: {  	s28 =	sshll.u32 s0, $0x4  }
0x136: {  	s7 =	sand.u32 $0xFFFFF80, s28  }
0x137: {  	s29 =	simm.s32 $0x1800;
	s9 =	spop (v2sf);
	s7 =	sadd.s32 s4, s7  }
0x138: {  	[tilespmem:s29], [sflag:$0x6] =	stream.linear.gather [hbm4b:s7+s11], $0x400, $0x38;
	[tilespmem:$0x12600] =	vst v63  }
0x139: {  	s29 =	sand.u32 $0xFFFFF80, s9  }
0x13a: {  	s14 =	simm.s32 $0x1;
	s7 =	sadd.s32 s1, s29  }
0x13b: {  	[tilespmem:s26], [sflag:$0xE] =	stream.strided.gather [hbm4b:s7+s30], $0x2000, s3, s30, $0x38;
	v16, _, _ =	vpop (xrf2);
	[tilespmem:$0x12600] =	vst v63  }
0x13c: {  	_ =	swait.ge [sflag:s14], $0x400  }
0x13d: {  	s29 =	sand.u32 $0x7F, s17;
	[sflag:s14] =	ssyncset.done $0x0  }
0x13e: {  	s16 =	simm.s32 $0x9;
	v48 =	vor.u32 s29, v0;
	[sflag:s14] =	ssyncadd.s32 $0xFFFFFC00  }
0x13f: {  	_ =	swait.ge [sflag:s16], $0x2000  }
0x140: {  	s6 =	sshll.u32 s6, $0x7;
	v49 =	vor.u32 s29, v1;
	[sflag:s16] =	ssyncset.done $0x0  }
0x141: {  	s6 =	sand.u32 $0x380, s6;
	[sflag:s16] =	ssyncadd.s32 $0xFFFFE000  }
0x142: {  	v51 =	vor.u32 s29, v2;
	v50 =	vld [tilespmem:s6+$0x400]  }
0x143: {  	v17 =	vld.idx.msk [tilespmem:v48+s12+$0x0], $0xffff  }
0x144: {  	v53 =	vor.u32 s29, v3;
	v52 =	vld [tilespmem:s6+$0x410]  }
0x145: {  	v18 =	vld.idx.msk [tilespmem:v49+s12+$0x0], $0xffff  }
0x146: {  	v54 =	vld [tilespmem:s6+$0x420]  }
0x147: {  	(v2sf) =	vpush v14, $0xE;
	v20 =	vld.idx.msk [tilespmem:v51+s12+$0x0], $0xffff  }
0x148: {  	v24 =	vld [tilespmem:s6+$0x430]  }
0x149: {  	(v2sf) =	vpush v12, $0xE;
	v22 =	vld.idx.msk [tilespmem:v53+s12+$0x0], $0xffff  }
0x14a: {  	v17 =	vmul.f32 v17, v50;
	v18 =	vmul.f32 v18, v52;
	_ =	sdelay $0x1  }
0x14b: {  	v55 =	vmul.f32 v20, v54;
	v17 =	vadd.f32 v18, v17;
	_ =	sdelay $0x1  }
0x14c: {  	v56 =	vmul.f32 v22, v24;
	v17 =	vadd.f32 v55, v17;
	_ =	sdelay $0x1  }
0x14d: {  	v17 =	vadd.f32 v56, v17;
	_ =	sdelay $0x1  }
0x14e: {  	(xrf2) =	vadd.scan.msk.f32 $0xffff, v17;
	_ =	sdelay $0x3  }
0x14f: {  	s29 =	spop (v2sf)  }
0x150: {  	s7 =	sshll.u32 s29, $0x4  }
0x151: {  	s6 =	sand.u32 $0xFFFFF80, s7;
	s7 =	spop (v2sf)  }
0x152: {  	s28 =	simm.s32 $0x1C00;
	s6 =	sadd.s32 s4, s6;
	s12 =	sand.u32 $0xFFFFF80, s7  }
0x153: {  	[tilespmem:s28], [sflag:$0x7] =	stream.linear.gather [hbm4b:s6+s11], $0x400, $0x38;
	[tilespmem:$0x12600] =	vst v63  }
0x154: {  	s31 =	simm.s32 $0x2;
	s16 =	simm.s32 $0xE400;
	s6 =	sadd.s32 s1, s12  }
0x155: {  	[tilespmem:s16], [sflag:$0xF] =	stream.strided.gather [hbm4b:s6+s30], $0x2000, s3, s30, $0x38;
	v17, _, _ =	vpop (xrf2);
	[tilespmem:$0x12600] =	vst v63  }
0x156: {  	_ =	swait.ge [sflag:s31], $0x400  }
0x157: {  	s17 =	sand.u32 $0x7F, s19;
	[sflag:s31] =	ssyncset.done $0x0  }
0x158: {  	s19 =	simm.s32 $0xA;
	v57 =	vor.u32 s17, v0;
	[sflag:s31] =	ssyncadd.s32 $0xFFFFFC00  }
0x159: {  	s26 =	simm.s32 $0xA;
	_ =	swait.ge [sflag:s19], $0x2000  }
0x15a: {  	s8 =	sshll.u32 s8, $0x7;
	v58 =	vor.u32 s17, v1;
	s28 =	simm.s32 $0xA;
	[sflag:s26] =	ssyncset.done $0x0  }
0x15b: {  	s8 =	sand.u32 $0x380, s8;
	[sflag:s28] =	ssyncadd.s32 $0xFFFFE000  }
0x15c: {  	v60 =	vor.u32 s17, v2;
	s14 =	simm.s32 $0x4400;
	v59 =	vld [tilespmem:s8+$0x800]  }
0x15d: {  	v18 =	vld.idx.msk [tilespmem:v57+s14+$0x0], $0xffff  }
0x15e: {  	v62 =	vor.u32 s17, v3;
	v61 =	vld [tilespmem:s8+$0x810]  }
0x15f: {  	v19 =	vld.idx.msk [tilespmem:v58+s14+$0x0], $0xffff  }
0x160: {  	(v2sf) =	vpush v14, $0xF;
	v63 =	vld [tilespmem:s8+$0x820]  }
0x161: {  	v27 =	vld.idx.msk [tilespmem:v60+s14+$0x0], $0xffff  }
0x162: {  	(v2sf) =	vpush v12, $0xF;
	v28 =	vld [tilespmem:s8+$0x830]  }
0x163: {  	v23 =	vld.idx.msk [tilespmem:v62+s14+$0x0], $0xffff  }
0x164: {  	v29 =	vmul.f32 v18, v59;
	v30 =	vmul.f32 v19, v61;
	_ =	sdelay $0x1  }
0x165: {  	v14 =	vmul.f32 v27, v63;
	v12 =	vadd.f32 v30, v29;
	_ =	sdelay $0x1  }
0x166: {  	v31 =	vmul.f32 v23, v28;
	v12 =	vadd.f32 v14, v12;
	_ =	sdelay $0x1  }
0x167: {  	v12 =	vadd.f32 v31, v12;
	_ =	sdelay $0x1  }
0x168: {  	(xrf2) =	vadd.scan.msk.f32 $0xffff, v12;
	_ =	sdelay $0x2  }
0x169: {  	s28 =	spop (v2sf)  }
0x16a: {  	s17 =	sshll.u32 s28, $0x4  }
0x16b: {  	s6 =	spop (v2sf);
	s19 =	sand.u32 $0xFFFFF80, s17  }
0x16c: {  	s26 =	simm.s32 $0x2000;
	s12 =	sand.u32 $0xFFFFF80, s6;
	s8 =	sadd.s32 s4, s19  }
0x16d: {  	[tilespmem:s26], [sflag:$0x8] =	stream.linear.gather [hbm4b:s8+s11], $0x400, $0x38;
	[tilespmem:$0x12600] =	vst v63  }
0x16e: {  	s8 =	sadd.s32 s1, s12  }
0x16f: {  	[tilespmem:s18], [sflag:$0x10] =	stream.strided.gather [hbm4b:s8+s30], $0x2000, s3, s30, $0x38;
	[tilespmem:$0x12600] =	vst v63  }
0x170: {  	s18 =	simm.s32 $0x3;
	v12, _, _ =	vpop (xrf2)  }
0x171: {  	_ =	swait.ge [sflag:s18], $0x400  }
0x172: {  	[sflag:s18] =	ssyncset.done $0x0  }
0x173: {  	s17 =	simm.s32 $0xB;
	[sflag:s18] =	ssyncadd.s32 $0xFFFFFC00  }
0x174: {  	_ =	swait.ge [sflag:s17], $0x2000  }
0x175: {  	(v2sf) =	vpush v11, $0xA;
	_ =	sdelay $0x8  }
0x176: {  	s19 =	sand.u32 $0x7F, s21  }
0x177: {  	v32 =	vor.u32 s19, v0  }
0x178: {  	v33 =	vor.u32 s19, v1;
	_ =	sdelay $0x1  }
0x179: {  	s21 =	simm.s32 $0xB;
	[sflag:s17] =	ssyncset.done $0x0  }
0x17a: {  	v35 =	vor.u32 s19, v2;
	[sflag:s21] =	ssyncadd.s32 $0xFFFFE000  }
0x17b: {  	v11 =	vld.idx.msk [tilespmem:v32+s25+$0x0], $0xffff;
	s11 =	spop (v2sf)  }
0x17c: {  	v37 =	vor.u32 s19, v3;
	v14 =	vld.idx.msk [tilespmem:v33+s25+$0x0], $0xffff;
	s17 =	sand.u32 $0x380, s11  }
0x17d: {  	p0 =	seq.s32 s24, $0x1F0;
	v34 =	vld [tilespmem:s17+$0xC00]  }
0x17e: {  	(v2sf) =	vpush @!p0 v6, $0x0;
	v36 =	vld [tilespmem:s17+$0xC10]  }
0x17f: {  	v19 =	vld.idx.msk [tilespmem:v35+s25+$0x0], $0xffff;
	(v2sf) =	vpush @!p0 v4, $0x0  }
0x180: {  	v38 =	vld [tilespmem:s17+$0xC20]  }
0x181: {  	v21 =	vld.idx.msk [tilespmem:v37+s25+$0x0], $0xffff  }
0x182: {  	v39 =	vld [tilespmem:s17+$0xC30]  }
0x183: {  	v11 =	vmul.f32 v11, v34;
	v14 =	vmul.f32 v14, v36;
	_ =	sdelay $0x1  }
0x184: {  	v40 =	vmul.f32 v19, v38;
	v11 =	vadd.f32 v14, v11;
	_ =	sdelay $0x1  }
0x185: {  	v41 =	vmul.f32 v21, v39;
	v11 =	vadd.f32 v40, v11;
	_ =	sdelay $0x1  }
0x186: {  	v11 =	vadd.f32 v41, v11;
	_ =	sdelay $0x1  }
0x187: {  	(xrf2) =	vadd.scan.msk.f32 $0xffff, v11;
	_ =	sdelay $0x1  }
0x188: {  	s19 =	spop @!p0 (v2sf)  }
0x189: {  	s8 =	spop @!p0 (v2sf)  }
0x18a: {  	s8 =	sshll.u32 @!p0 s8, $0x4  }
0x18b: {  	s17 =	simm.s32 @!p0 $0x0;
	s8 =	sand.u32 @!p0 $0xFFFFF80, s8  }
0x18c: {  	s19 =	sand.u32 @!p0 $0xFFFFF80, s19;
	s21 =	sadd.s32 @!p0 s4, s8;
	s8 =	simm.s32 @!p0 $0x400  }
0x18d: {  	[tilespmem:s8], [sflag:$0x1] =	stream.linear.gather @!p0 [hbm4b:s21+s17], $0x400, $0x38;
	[tilespmem:$0x12600] =	vst v63  }
0x18e: {  	s12 =	simm.s32 @!p0 $0x2400;
	s21 =	sadd.s32 @!p0 s1, s19;
	s19 =	simm.s32 @!p0 $0x7A1400  }
0x18f: {  	[tilespmem:s12], [sflag:$0x9] =	stream.strided.gather @!p0 [hbm4b:s21+s8], $0x2000, s19, s8, $0x38;
	[tilespmem:$0x12600] =	vst v63  }
0x190: {  	s12 =	simm.s32 $0x4;
	v11, _, _ =	vpop (xrf2)  }
0x191: {  	_ =	swait.ge [sflag:s12], $0x400  }
0x192: {  	s11 =	simm.s32 $0x4;
	[sflag:s12] =	ssyncset.done $0x0  }
0x193: {  	s12 =	sand.u32 $0x7F, s15;
	[sflag:s11] =	ssyncadd.s32 $0xFFFFFC00;
	s11 =	simm.s32 $0xC  }
0x194: {  	v42 =	vor.u32 s12, v0;
	_ =	swait.ge [sflag:s11], $0x2000  }
0x195: {  	s5 =	sshll.u32 s5, $0x7;
	s15 =	simm.s32 $0xC;
	v43 =	vor.u32 s12, v1;
	[sflag:s11] =	ssyncset.done $0x0  }
0x196: {  	s5 =	sand.u32 $0x380, s5;
	[sflag:s15] =	ssyncadd.s32 $0xFFFFE000  }
0x197: {  	v45 =	vor.u32 s12, v2;
	v44 =	vld [tilespmem:s5+$0x1000]  }
0x198: {  	v46 =	vld [tilespmem:s5+$0x1010]  }
0x199: {  	v47 =	vor.u32 s12, v3;
	v14 =	vld.idx.msk [tilespmem:v42+s22+$0x0], $0xffff  }
0x19a: {  	v18 =	vld.idx.msk [tilespmem:v43+s22+$0x0], $0xffff  }
0x19b: {  	(v2sf) =	vpush @!p0 v6, $0x1;
	v48 =	vld [tilespmem:s5+$0x1020]  }
0x19c: {  	(v2sf) =	vpush @!p0 v4, $0x1;
	v20 =	vld.idx.msk [tilespmem:v45+s22+$0x0], $0xffff  }
0x19d: {  	v49 =	vld [tilespmem:s5+$0x1030]  }
0x19e: {  	v22 =	vld.idx.msk [tilespmem:v47+s22+$0x0], $0xffff  }
0x19f: {  	v14 =	vmul.f32 v14, v44;
	v18 =	vmul.f32 v18, v46;
	_ =	sdelay $0x1  }
0x1a0: {  	v50 =	vmul.f32 v20, v48;
	v14 =	vadd.f32 v18, v14;
	_ =	sdelay $0x1  }
0x1a1: {  	v51 =	vmul.f32 v22, v49;
	v14 =	vadd.f32 v50, v14;
	_ =	sdelay $0x1  }
0x1a2: {  	v14 =	vadd.f32 v51, v14;
	_ =	sdelay $0x1  }
0x1a3: {  	(xrf2) =	vadd.scan.msk.f32 $0xffff, v14;
	_ =	sdelay $0x2  }
0x1a4: {  	s5 =	spop @!p0 (v2sf)  }
0x1a5: {  	s12 =	spop @!p0 (v2sf)  }
0x1a6: {  	s12 =	sshll.u32 @!p0 s12, $0x4  }
0x1a7: {  	s12 =	sand.u32 @!p0 $0xFFFFF80, s12  }
0x1a8: {  	s15 =	simm.s32 @!p0 $0x800;
	s5 =	sand.u32 @!p0 $0xFFFFF80, s5;
	s12 =	sadd.s32 @!p0 s4, s12  }
0x1a9: {  	[tilespmem:s15], [sflag:$0x2] =	stream.linear.gather @!p0 [hbm4b:s12+s17], $0x400, $0x38;
	[tilespmem:$0x12600] =	vst v63  }
0x1aa: {  	s5 =	sadd.s32 @!p0 s1, s5;
	s12 =	simm.s32 @!p0 $0x4400  }
0x1ab: {  	[tilespmem:s12], [sflag:$0xA] =	stream.strided.gather @!p0 [hbm4b:s5+s8], $0x2000, s19, s8, $0x38;
	v14, _, _ =	vpop (xrf2);
	[tilespmem:$0x12600] =	vst v63  }
0x1ac: {  	_ =	swait.ge [sflag:s23], $0x400  }
0x1ad: {  	s5 =	sand.u32 $0x7F, s13;
	[sflag:s23] =	ssyncset.done $0x0  }
0x1ae: {  	s11 =	simm.s32 $0xD;
	v52 =	vor.u32 s5, v0;
	[sflag:s23] =	ssyncadd.s32 $0xFFFFFC00  }
0x1af: {  	_ =	swait.ge [sflag:s11], $0x2000  }
0x1b0: {  	s2 =	sshll.u32 s2, $0x7;
	s12 =	simm.s32 $0xD;
	v53 =	vor.u32 s5, v1;
	[sflag:s11] =	ssyncset.done $0x0  }
0x1b1: {  	s2 =	sand.u32 $0x380, s2;
	[sflag:s12] =	ssyncadd.s32 $0xFFFFE000  }
0x1b2: {  	v55 =	vor.u32 s5, v2;
	v54 =	vld [tilespmem:s2+$0x1400]  }
0x1b3: {  	v18 =	vld.idx.msk [tilespmem:v52+s10+$0x0], $0xffff  }
0x1b4: {  	v57 =	vor.u32 s5, v3;
	v56 =	vld [tilespmem:s2+$0x1410]  }
0x1b5: {  	v19 =	vld.idx.msk [tilespmem:v53+s10+$0x0], $0xffff  }
0x1b6: {  	(v2sf) =	vpush @!p0 v6, $0x2;
	v58 =	vld [tilespmem:s2+$0x1420]  }
0x1b7: {  	(v2sf) =	vpush @!p0 v4, $0x2;
	v21 =	vld.idx.msk [tilespmem:v55+s10+$0x0], $0xffff  }
0x1b8: {  	v25 =	vld [tilespmem:s2+$0x1430]  }
0x1b9: {  	v23 =	vld.idx.msk [tilespmem:v57+s10+$0x0], $0xffff  }
0x1ba: {  	v18 =	vmul.f32 v18, v54;
	v19 =	vmul.f32 v19, v56;
	_ =	sdelay $0x1  }
0x1bb: {  	v59 =	vmul.f32 v21, v58;
	v18 =	vadd.f32 v19, v18;
	_ =	sdelay $0x1  }
0x1bc: {  	v60 =	vmul.f32 v23, v25;
	v18 =	vadd.f32 v59, v18;
	_ =	sdelay $0x1  }
0x1bd: {  	v18 =	vadd.f32 v60, v18;
	_ =	sdelay $0x1  }
0x1be: {  	(xrf2) =	vadd.scan.msk.f32 $0xffff, v18;
	_ =	sdelay $0x2  }
0x1bf: {  	s2 =	spop @!p0 (v2sf)  }
0x1c0: {  	s5 =	spop @!p0 (v2sf)  }
0x1c1: {  	s5 =	sshll.u32 @!p0 s5, $0x4  }
0x1c2: {  	s5 =	sand.u32 @!p0 $0xFFFFF80, s5  }
0x1c3: {  	s12 =	simm.s32 @!p0 $0xC00;
	s2 =	sand.u32 @!p0 $0xFFFFF80, s2;
	s5 =	sadd.s32 @!p0 s4, s5  }
0x1c4: {  	[tilespmem:s12], [sflag:$0x3] =	stream.linear.gather @!p0 [hbm4b:s5+s17], $0x400, $0x38;
	[tilespmem:$0x12600] =	vst v63  }
0x1c5: {  	s2 =	sadd.s32 @!p0 s1, s2;
	s5 =	simm.s32 @!p0 $0x6400  }
0x1c6: {  	[tilespmem:s5], [sflag:$0xB] =	stream.strided.gather @!p0 [hbm4b:s2+s8], $0x2000, s19, s8, $0x38;
	v18, _, _ =	vpop (xrf2);
	[tilespmem:$0x12600] =	vst v63  }
0x1c7: {  	_ =	swait.ge [sflag:s20], $0x400  }
0x1c8: {  	s10 =	sand.u32 $0x7F, s9;
	[sflag:s20] =	ssyncset.done $0x0  }
0x1c9: {  	s11 =	simm.s32 $0xE;
	v61 =	vor.u32 s10, v0;
	[sflag:s20] =	ssyncadd.s32 $0xFFFFFC00  }
0x1ca: {  	_ =	swait.ge [sflag:s11], $0x2000  }
0x1cb: {  	s0 =	sshll.u32 s0, $0x7;
	v62 =	vor.u32 s10, v1;
	s20 =	simm.s32 $0xE;
	[sflag:s11] =	ssyncset.done $0x0  }
0x1cc: {  	s0 =	sand.u32 $0x380, s0;
	[sflag:s20] =	ssyncadd.s32 $0xFFFFE000  }
0x1cd: {  	s21 =	simm.s32 $0xC400;
	v28 =	vor.u32 s10, v2;
	v63 =	vld [tilespmem:s0+$0x1800]  }
0x1ce: {  	v19 =	vld.idx.msk [tilespmem:v61+s21+$0x0], $0xffff  }
0x1cf: {  	v30 =	vor.u32 s10, v3;
	v29 =	vld [tilespmem:s0+$0x1810]  }
0x1d0: {  	v20 =	vld.idx.msk [tilespmem:v62+s21+$0x0], $0xffff  }
0x1d1: {  	(v2sf) =	vpush @!p0 v6, $0x3;
	v31 =	vld [tilespmem:s0+$0x1820]  }
0x1d2: {  	(v2sf) =	vpush @!p0 v4, $0x3;
	v22 =	vld.idx.msk [tilespmem:v28+s21+$0x0], $0xffff  }
0x1d3: {  	v26 =	vld [tilespmem:s0+$0x1830]  }
0x1d4: {  	v24 =	vld.idx.msk [tilespmem:v30+s21+$0x0], $0xffff  }
0x1d5: {  	v19 =	vmul.f32 v19, v63;
	v20 =	vmul.f32 v20, v29;
	_ =	sdelay $0x1  }
0x1d6: {  	v32 =	vmul.f32 v22, v31;
	v19 =	vadd.f32 v20, v19;
	_ =	sdelay $0x1  }
0x1d7: {  	v33 =	vmul.f32 v24, v26;
	v19 =	vadd.f32 v32, v19;
	_ =	sdelay $0x1  }
0x1d8: {  	v19 =	vadd.f32 v33, v19;
	_ =	sdelay $0x1  }
0x1d9: {  	(xrf2) =	vadd.scan.msk.f32 $0xffff, v19;
	_ =	sdelay $0x2  }
0x1da: {  	s0 =	spop @!p0 (v2sf)  }
0x1db: {  	s2 =	spop @!p0 (v2sf)  }
0x1dc: {  	s2 =	sshll.u32 @!p0 s2, $0x4  }
0x1dd: {  	s2 =	sand.u32 @!p0 $0xFFFFF80, s2  }
0x1de: {  	s5 =	simm.s32 @!p0 $0x1000;
	s0 =	sand.u32 @!p0 $0xFFFFF80, s0;
	s2 =	sadd.s32 @!p0 s4, s2  }
0x1df: {  	[tilespmem:s5], [sflag:$0x4] =	stream.linear.gather @!p0 [hbm4b:s2+s17], $0x400, $0x38;
	[tilespmem:$0x12600] =	vst v63  }
0x1e0: {  	s3 =	simm.s32 $0x7;
	s0 =	sadd.s32 @!p0 s1, s0;
	s2 =	simm.s32 @!p0 $0x8400  }
0x1e1: {  	[tilespmem:s2], [sflag:$0xC] =	stream.strided.gather @!p0 [hbm4b:s0+s8], $0x2000, s19, s8, $0x38;
	v19, _, _ =	vpop (xrf2);
	[tilespmem:$0x12600] =	vst v63  }
0x1e2: {  	_ =	swait.ge [sflag:s3], $0x400  }
0x1e3: {  	s5 =	simm.s32 $0x7;
	s0 =	sand.u32 $0x7F, s7;
	[sflag:s3] =	ssyncset.done $0x0  }
0x1e4: {  	s10 =	simm.s32 $0xF;
	v34 =	vor.u32 s0, v0;
	[sflag:s5] =	ssyncadd.s32 $0xFFFFFC00  }
0x1e5: {  	s11 =	simm.s32 $0xF;
	_ =	swait.ge [sflag:s10], $0x2000  }
0x1e6: {  	s20 =	sshll.u32 s29, $0x7;
	v35 =	vor.u32 s0, v1;
	s3 =	simm.s32 $0xF;
	[sflag:s11] =	ssyncset.done $0x0  }
0x1e7: {  	s2 =	sand.u32 $0x380, s20;
	[sflag:s3] =	ssyncadd.s32 $0xFFFFE000  }
0x1e8: {  	v37 =	vor.u32 s0, v2;
	v36 =	vld [tilespmem:s2+$0x1C00]  }
0x1e9: {  	v20 =	vld.idx.msk [tilespmem:v34+s16+$0x0], $0xffff  }
0x1ea: {  	v39 =	vor.u32 s0, v3;
	v38 =	vld [tilespmem:s2+$0x1C10]  }
0x1eb: {  	v21 =	vld.idx.msk [tilespmem:v35+s16+$0x0], $0xffff  }
0x1ec: {  	(v2sf) =	vpush @!p0 v6, $0x4;
	v40 =	vld [tilespmem:s2+$0x1C20]  }
0x1ed: {  	(v2sf) =	vpush @!p0 v4, $0x4;
	v4 =	vld.idx.msk [tilespmem:v37+s16+$0x0], $0xffff  }
0x1ee: {  	v41 =	vld [tilespmem:s2+$0x1C30]  }
0x1ef: {  	v25 =	vld.idx.msk [tilespmem:v39+s16+$0x0], $0xffff  }
0x1f0: {  	v20 =	vmul.f32 v20, v36;
	v21 =	vmul.f32 v21, v38;
	_ =	sdelay $0x1  }
0x1f1: {  	v4 =	vmul.f32 v4, v40;
	v20 =	vadd.f32 v21, v20;
	_ =	sdelay $0x1  }
0x1f2: {  	v42 =	vmul.f32 v25, v41;
	v4 =	vadd.f32 v4, v20;
	_ =	sdelay $0x1  }
0x1f3: {  	v4 =	vadd.f32 v42, v4;
	_ =	sdelay $0x1  }
0x1f4: {  	(xrf2) =	vadd.scan.msk.f32 $0xffff, v4;
	_ =	sdelay $0x2  }
0x1f5: {  	s0 =	spop @!p0 (v2sf)  }
0x1f6: {  	s2 =	spop @!p0 (v2sf)  }
0x1f7: {  	s2 =	sshll.u32 @!p0 s2, $0x4  }
0x1f8: {  	s2 =	sand.u32 @!p0 $0xFFFFF80, s2  }
0x1f9: {  	s5 =	simm.s32 @!p0 $0x1400;
	s0 =	sand.u32 @!p0 $0xFFFFF80, s0;
	s2 =	sadd.s32 @!p0 s4, s2  }
0x1fa: {  	[tilespmem:s5], [sflag:$0x5] =	stream.linear.gather @!p0 [hbm4b:s2+s17], $0x400, $0x38;
	[tilespmem:$0x12600] =	vst v63  }
0x1fb: {  	s29 =	simm.s32 $0x8;
	s0 =	sadd.s32 @!p0 s1, s0;
	s2 =	simm.s32 @!p0 $0xA400  }
0x1fc: {  	[tilespmem:s2], [sflag:$0xD] =	stream.strided.gather @!p0 [hbm4b:s0+s8], $0x2000, s19, s8, $0x38;
	v4, _, _ =	vpop (xrf2);
	[tilespmem:$0x12600] =	vst v63  }
0x1fd: {  	_ =	swait.ge [sflag:s29], $0x400  }
0x1fe: {  	s5 =	sand.u32 $0x7F, s6;
	[sflag:s29] =	ssyncset.done $0x0  }
0x1ff: {  	s11 =	simm.s32 $0x10;
	v43 =	vor.u32 s5, v0;
	[sflag:s29] =	ssyncadd.s32 $0xFFFFFC00  }
0x200: {  	s10 =	rddreg [dreg:$0xb];
	_ =	swait.ge [sflag:s11], $0x2000  }
0x201: {  	s17 =	sshll.u32 s28, $0x7;
	v44 =	vor.u32 s5, v1;
	[sflag:s11] =	ssyncset.done $0x0  }
0x202: {  	s2 =	sand.u32 $0x380, s17;
	[sflag:s11] =	ssyncadd.s32 $0xFFFFE000  }
0x203: {  	s6 =	simm.s32 $0x10400;
	v46 =	vor.u32 s5, v2;
	v45 =	vld [tilespmem:s2+$0x2000]  }
0x204: {  	v6 =	vld.idx.msk [tilespmem:v43+s6+$0x0], $0xffff  }
0x205: {  	v47 =	vor.u32 s5, v3;
	v48 =	vld [tilespmem:s2+$0x2010]  }
0x206: {  	v20 =	vld.idx.msk [tilespmem:v44+s6+$0x0], $0xffff  }
0x207: {  	v49 =	vld [tilespmem:s2+$0x2020]  }
0x208: {  	v22 =	vld.idx.msk [tilespmem:v46+s6+$0x0], $0xffff  }
0x209: {  	v50 =	vld [tilespmem:s2+$0x2030]  }
0x20a: {  	v5 =	vbroadcast v5, $0xF;
	v7 =	vbroadcast v7, $0xF;
	v23 =	vld.idx.msk [tilespmem:v47+s6+$0x0], $0xffff  }
0x20b: {  	v6 =	vmul.f32 v6, v45;
	v20 =	vmul.f32 v20, v48  }
0x20c: {  	v8 =	vbroadcast v8, $0xF  }
0x20d: {  	v5 =	vsel vm0, v5, v7;
	v51 =	vmul.f32 v22, v49;
	v6 =	vadd.f32 v20, v6  }
0x20e: {  	v5 =	vsel vm1, v5, v8;
	v53 =	vbroadcast v9, $0xF  }
0x20f: {  	v54 =	vbroadcast v10, $0xF;
	v52 =	vmul.f32 v23, v50;
	v6 =	vadd.f32 v51, v6  }
0x210: {  	v55 =	vbroadcast v13, $0xF;
	v5 =	vsel vm2, v5, v53  }
0x211: {  	v56 =	vbroadcast v15, $0xF;
	v5 =	vsel vm3, v5, v54;
	v6 =	vadd.f32 v52, v6  }
0x212: {  	v57 =	vbroadcast v16, $0xF;
	v5 =	vsel vm4, v5, v55  }
0x213: {  	v58 =	vbroadcast v17, $0xF;
	v5 =	vsel vm5, v5, v56;
	(xrf2) =	vadd.scan.msk.f32 $0xffff, v6  }
0x214: {  	v59 =	vbroadcast v12, $0xF;
	v5 =	vsel vm6, v5, v57  }
0x215: {  	v5 =	vsel vm7, v5, v58;
	v60 =	vbroadcast v11, $0xF  }
0x216: {  	v5 =	vsel vm8, v5, v59;
	v61 =	vbroadcast v14, $0xF  }
0x217: {  	v5 =	vsel vm9, v5, v60;
	v62 =	vbroadcast v18, $0xF  }
0x218: {  	v5 =	vsel vm10, v61, v5;
	v63 =	vbroadcast v19, $0xF  }
0x219: {  	s24 =	sadd.s32 $0x10, s24;
	v5 =	vsel vm11, v62, v5  }
0x21a: {  	v5 =	vsel vm12, v63, v5;
	p0 =	sne.s32 s24, $0x200  }
.Ltmp0:
0x21b: {  	v4 =	vbroadcast v4, $0xF;
	(pc) =	sbr.rel @p0 .LBB2_2-.Ltmp0, $4  }
0x21c: {  	s15 =	simm.s32 $0xC00;
	s13 =	simm.s32 $0x800;
	s9 =	simm.s32 $0x9  }
0x21d: {  	s12 =	simm.s32 $0x2400;
	s7 =	simm.s32 $0x1800;
	v4 =	vsel vm13, v4, v5;
	s28 =	rddreg [dreg:$0xc];
	v5, _, _ =	vpop (xrf2)  }
0x21e: {  	s19 =	simm.s32 $0xA;
	s8 =	simm.s32 $0x1;
	s29 =	rddreg [dreg:$0xd];
	v4 =	vsel vm14, v4, v5  }
0x21f: {  	s20 =	sadd.s32 $0x10, s10;
	s0 =	sadd.s32 $0x10, s28;
	s2 =	sadd.s32 $0x10, s29;
	[tilespmem:s28+$0x0] =	vst v4  }
0x220: {  	s0 =	rddreg [dreg:$0x8];
	s2 =	simm.s32 $0x0;
	s3 =	simm.s32 $0x12400  }
0x221: {  	[hbm4b:s0+s2] =	stream.linear.scatter [tilespmem:s3], [sflag:$0x11], $0x200, $0x38;
	[tilespmem:$0x12600] =	vst v63  }
0x222: {  	s2 =	simm.s32 $0x11  }
0x223: {  	_ =	swait.ge [sflag:s2], $0x200  }
0x224: {  	s28 =	rddreg [dreg:$0xa]  }
0x225: {  	s29 =	rddreg [dreg:$0x9];
	s3 =	sadd.s32 $0x1, s28  }
0x226: {  	p0 =	sne.s32 s3, s29  }
.Ltmp1:
0x227: {  	_ = 	snop;
	(pc) =	sbr.rel @p0 .LBB2_1-.Ltmp1, $4  }
0x228: {  	_ = 	snop  }
0x229: {  	s5 =	simm.s32 $0x1000;
	s6 =	simm.s32 $0x1400;
	s16 =	simm.s32 $0x6400  }
0x22a: {  	s17 =	simm.s32 $0x8400;
	s18 =	simm.s32 $0xA400;
	[sflag:s2] =	ssyncset.done $0x0  }
0x22b: {  	s10 =	simm.s32 $0x7A1400;
	s11 =	simm.s32 $0x400;
	[sflag:s2] =	ssyncadd.s32 $0xFFFFFE00  }
0x22c: {  	_ =	sfence.sel $0x180000  }
0x22d: {  	[bflag:$0x0] =	sbarrier.arrive $0xFFFF  }
0x22e: {  	_ =	strace $0x90000047  }
0x22f: {  	s0 =	stileid.u32;
	[bflag:$0x2] =	sbarrier.arrive $0xFFFF  }
0x230: {  	p0 =	sne.s32 s0, $0x0;
	s0 =	rddreg [dreg:$0x5]  }
0x231: {  	s0 =	sadd.s32 @!p0 $0x100000, s0  }
0x232: {  	[sflag:s0] =	ssyncadd.tile.s32 @!p0 $0x1;
	_ =	shalt  }
.Lfunc_end2:
_tile_overlayer_lowered:
.L_overlay_start_2:
0x233: {  	(tag) =	ssettag $0x2  }
0x234: {  	s0 =	rddreg [dreg:$0x0];
	s2 =	stileid.u32  }
0x235: {  	s1 =	rddreg [dreg:$0x1];
	p0 =	sne.s32 s2, $0x0  }
0x236: {  	s3 =	rddreg [dreg:$0x2];
	[bflag:$0x3] =	sbarrier.arrive $0xFFFF;
	s2 =	simm.s32 @!p0 $0x1C11  }
0x237: {  	[timem:s3], [sflag:s2] =	dma.local @!p0 [hbm:s0], s1  }
0x238: {  	s0 =	simm.s32 @!p0 $0x11  }
0x239: {  	_ =	swait.ge @!p0 [sflag:s0], s1  }
0x23a: {  	s1 =	ssub.s32 @!p0 $0x0, s1;
	[sflag:s0] =	ssyncset.done @!p0 $0x0  }
0x23b: {  	[sflag:s0] =	ssyncadd.s32 @!p0 s1  }
0x23c: {  	[bflag:$0x3] =	sbarrier.arrive $0xFFFF  }
0x23d: {  	_ =	shalt  }

</sc_bundles>
